<compile_context>
chip_gen: v7x
topology: tpu7x:2x2x1
jax: 0.10.2.dev20260603
libtpu: 0.0.44.dev20260713+nightly
codegen_flags: <defaults>
</compile_context>

<pallas_src>
import numpy as np
import jax
import jax.numpy as jnp
from jax import lax
from jax.experimental import pallas as pl
from jax.experimental.pallas import tpu as pltpu
from jax.experimental.pallas import tpu_sc as plsc

N = 10000
E = 160000
G = 100
C = 32
SH = 9
NB = 8
HID = 64
RMAX = 5.0

NC = 2
NS = 16
NW = NC * NS
E2 = 163840
BE = 2048
BN = 1000

_S3 = float(np.sqrt(3.0))
_S5 = float(np.sqrt(5.0))
_S15 = float(np.sqrt(15.0))
_A = float(np.sqrt(2.0 / RMAX))

f32 = jnp.float32



def _sc_gather(table, idx2d, M, D):
    rows = M // 128 // NW
    cap = max(1, (100 * 1024) // (128 * D))
    SB = max(d for d in range(1, rows + 1) if rows % d == 0 and d <= cap)
    nb = rows // SB
    mesh = plsc.VectorSubcoreMesh(core_axis_name="c", subcore_axis_name="s")

    def body(table_hbm, idx_hbm, out_hbm, idx_v, rows_v, sem):
        wid = lax.axis_index("s") * NC + lax.axis_index("c")
        pltpu.sync_copy(idx_hbm.at[pl.ds(wid * rows * 128, rows * 128)], idx_v)

        def step(b, carry):
            pltpu.async_copy(table_hbm.at[idx_v.at[pl.ds(b * SB * 128, SB * 128)]],
                             rows_v, sem).wait()
            pltpu.sync_copy(rows_v,
                            out_hbm.at[pl.ds((wid * rows + b * SB) * 128,
                                             SB * 128)])
            return carry

        lax.fori_loop(0, nb, step, 0)

    fn = pl.kernel(
        body,
        out_type=jax.ShapeDtypeStruct((M, D), f32),
        mesh=mesh,
        compiler_params=pltpu.CompilerParams(use_tc_tiling_on_sc=False),
        scratch_types=[
            pltpu.VMEM((rows * 128,), jnp.int32),
            pltpu.VMEM((SB * 128, D), f32),
            pltpu.SemaphoreType.DMA,
        ],
    )
    return fn(table, idx2d.reshape(M))


def _sc_scatter_add(vals, idx2d, D):
    M = vals.shape[0]
    rows = M // 128 // NW
    slab = N // NS
    mesh = plsc.VectorSubcoreMesh(core_axis_name="c", subcore_axis_name="s")

    cap = max(1, (100 * 1024) // (128 * D))
    SB = max(d for d in range(1, rows + 1) if rows % d == 0 and d <= cap)
    nb = rows // SB

    def body(vals_hbm, idx_hbm, zeros_hbm, out_hbm, idx_v, rows_v, acc):
        cid = lax.axis_index("c")
        sid = lax.axis_index("s")
        wid = sid * NC + cid
        pltpu.sync_copy(zeros_hbm.at[pl.ds(sid * slab, slab)],
                        acc.at[pl.ds(sid * slab, slab)])
        pltpu.sync_copy(idx_hbm.at[pl.ds(wid * rows * 128, rows * 128)], idx_v)
        plsc.subcore_barrier()

        def step(b, carry):
            pltpu.sync_copy(vals_hbm.at[pl.ds((wid * rows + b * SB) * 128,
                                              SB * 128)], rows_v)
            pltpu.sync_copy(rows_v, acc.at[idx_v.at[pl.ds(b * SB * 128,
                                                          SB * 128)]],
                            add=True)
            return carry

        lax.fori_loop(0, nb, step, 0)
        plsc.subcore_barrier()
        pltpu.sync_copy(acc.at[pl.ds(sid * slab, slab)],
                        out_hbm.at[cid, pl.ds(sid * slab, slab)])

    fn = pl.kernel(
        body,
        out_type=jax.ShapeDtypeStruct((2, N, D), f32),
        mesh=mesh,
        compiler_params=pltpu.CompilerParams(use_tc_tiling_on_sc=False),
        scratch_types=[
            pltpu.VMEM((rows * 128,), jnp.int32),
            pltpu.VMEM((SB * 128, D), f32),
            pltpu.VMEM_SHARED((N, D), f32),
        ],
    )
    return fn(vals, idx2d.reshape(M), jnp.zeros((N, D), f32))



def _sigmoid(x):
    return 1.0 / (1.0 + jnp.exp(-x))


def _dsilu(x):
    s = _sigmoid(x)
    return s + x * s * (1.0 - s)


def _sh_rows(ux, uy, uz):
    one = jnp.ones_like(ux)
    return [one, _S3 * ux, _S3 * uy, _S3 * uz,
            _S15 * ux * uy, _S15 * uy * uz,
            0.5 * _S5 * (3.0 * uz * uz - 1.0), _S15 * ux * uz,
            0.5 * _S15 * (ux * ux - uy * uy)]


def _radial_rows(ln, want_grad):
    u = ln * (1.0 / RMAX)
    u2 = u * u
    u4 = u2 * u2
    u5 = u4 * u
    u6 = u4 * u2
    u7 = u6 * u
    u8 = u4 * u4
    mask = (u < 1.0).astype(f32)
    env = (1.0 - 28.0 * u6 + 48.0 * u7 - 21.0 * u8) * mask
    rb = ln + 1e-9
    inv_rb = 1.0 / rb
    rrows = []
    drows = []
    if want_grad:
        denv = (-168.0 * u5 + 336.0 * u6 - 168.0 * u7) * (mask * (1.0 / RMAX))
    for n in range(1, NB + 1):
        k = float(n * np.pi / RMAX)
        sn = jnp.sin(k * ln)
        sn_rb = sn * inv_rb
        rrows.append(_A * sn_rb * env)
        if want_grad:
            cs = jnp.cos(k * ln)
            drows.append(_A * (env * (k * cs - sn_rb) * inv_rb + sn_rb * denv))
    Rm = jnp.concatenate(rrows, axis=0)
    if not want_grad:
        return Rm, None
    return Rm, jnp.concatenate(drows, axis=0)


def _edge_common(geo_ref, r_ref, wr1t_ref, br1_ref, wr2t_ref):
    g = geo_ref[...]
    ux, uy, uz, ln = g[0:1], g[1:2], g[2:3], g[3:4]
    ys = _sh_rows(ux, uy, uz)
    Rm = r_ref[...]
    a = jnp.dot(wr1t_ref[...], Rm, preferred_element_type=f32) + br1_ref[...]
    h = a * _sigmoid(a)
    rw = jnp.dot(wr2t_ref[...], h, preferred_element_type=f32)
    return (ux, uy, uz, ln), ys, a, rw



def _prep_call(node_attrs, W_embed, ae_col):
    def body(attrs_ref, we_ref, ae_ref, nf0_ref, e0_ref):
        attrs = attrs_ref[...]
        nf0_ref[...] = jnp.dot(attrs, we_ref[...], preferred_element_type=f32)
        e0_ref[...] = jnp.dot(attrs, ae_ref[...], preferred_element_type=f32)

    return pl.pallas_call(
        body,
        grid=(N // BN,),
        in_specs=[
            pl.BlockSpec((BN, 10), lambda i: (i, 0)),
            pl.BlockSpec((10, C), lambda i: (0, 0)),
            pl.BlockSpec((10, 1), lambda i: (0, 0)),
        ],
        out_specs=[
            pl.BlockSpec((BN, C), lambda i: (i, 0)),
            pl.BlockSpec((BN, 1), lambda i: (i, 0)),
        ],
        out_shape=[
            jax.ShapeDtypeStruct((N, C), f32),
            jax.ShapeDtypeStruct((N, 1), f32),
        ],
    )(node_attrs, W_embed, ae_col)


def _geo_call(posrows, shiftsT):
    def body(p_ref, s_ref, geo_ref, r_ref, dr_ref):
        d8 = (p_ref[1] - p_ref[0]).T
        v = d8[0:3] + s_ref[0:3]
        ln = jnp.sqrt(jnp.sum(v * v, axis=0, keepdims=True) + 1e-12)
        u = v / ln
        geo_ref[...] = jnp.concatenate([u, ln], axis=0)
        Rm, dRm = _radial_rows(ln, True)
        r_ref[...] = Rm
        dr_ref[...] = dRm

    return pl.pallas_call(
        body,
        grid=(E2 // BE,),
        in_specs=[
            pl.BlockSpec((2, BE, 8), lambda i: (0, i, 0)),
            pl.BlockSpec((4, BE), lambda i: (0, i)),
        ],
        out_specs=[
            pl.BlockSpec((4, BE), lambda i: (0, i)),
            pl.BlockSpec((NB, BE), lambda i: (0, i)),
            pl.BlockSpec((NB, BE), lambda i: (0, i)),
        ],
        out_shape=[
            jax.ShapeDtypeStruct((4, E2), f32),
            jax.ShapeDtypeStruct((NB, E2), f32),
            jax.ShapeDtypeStruct((NB, E2), f32),
        ],
    )(posrows, shiftsT)


def _edge_fwd_call(geo, Rarr, nfsrc, wr1t, br1c, wr2t, w288T):
    def body(geo_ref, r_ref, nf_ref, wr1t_ref, br1_ref, wr2t_ref, wm_ref,
             t_ref):
        _, ys, _, rw = _edge_common(geo_ref, r_ref, wr1t_ref, br1_ref,
                                    wr2t_ref)
        msgT = nf_ref[...].T * rw
        mY = jnp.concatenate([msgT * ys[s] for s in range(SH)], axis=0)
        t_ref[...] = jnp.dot(wm_ref[...], mY,
                             preferred_element_type=f32).T

    return pl.pallas_call(
        body,
        grid=(E2 // BE,),
        in_specs=[
            pl.BlockSpec((4, BE), lambda i: (0, i)),
            pl.BlockSpec((NB, BE), lambda i: (0, i)),
            pl.BlockSpec((BE, C), lambda i: (i, 0)),
            pl.BlockSpec((HID, NB), lambda i: (0, 0)),
            pl.BlockSpec((HID, 1), lambda i: (0, 0)),
            pl.BlockSpec((C, HID), lambda i: (0, 0)),
            pl.BlockSpec((C, SH * C), lambda i: (0, 0)),
        ],
        out_specs=pl.BlockSpec((BE, C), lambda i: (i, 0)),
        out_shape=jax.ShapeDtypeStruct((E2, C), f32),
    )(geo, Rarr, nfsrc, wr1t, br1c, wr2t, w288T)


def _node_fwd_call(z2, nf, node_attrs, wself, wattr, wread):
    def body(z_ref, nf_ref, at_ref, ws_ref, wa_ref, wr_ref,
             nfo_ref, pre_ref, en_ref):
        pre = (z_ref[0] + z_ref[1]
               + jnp.dot(nf_ref[...], ws_ref[...], preferred_element_type=f32)
               + jnp.dot(at_ref[...], wa_ref[...], preferred_element_type=f32))
        nf2 = pre * _sigmoid(pre)
        nfo_ref[...] = nf2
        pre_ref[...] = pre
        en_ref[...] = jnp.dot(nf2, wr_ref[...], preferred_element_type=f32)

    return pl.pallas_call(
        body,
        grid=(N // BN,),
        in_specs=[
            pl.BlockSpec((2, BN, C), lambda i: (0, i, 0)),
            pl.BlockSpec((BN, C), lambda i: (i, 0)),
            pl.BlockSpec((BN, 10), lambda i: (i, 0)),
            pl.BlockSpec((C, C), lambda i: (0, 0)),
            pl.BlockSpec((10, C), lambda i: (0, 0)),
            pl.BlockSpec((C, 1), lambda i: (0, 0)),
        ],
        out_specs=[
            pl.BlockSpec((BN, C), lambda i: (i, 0)),
            pl.BlockSpec((BN, C), lambda i: (i, 0)),
            pl.BlockSpec((BN, 1), lambda i: (i, 0)),
        ],
        out_shape=[
            jax.ShapeDtypeStruct((N, C), f32),
            jax.ShapeDtypeStruct((N, C), f32),
            jax.ShapeDtypeStruct((N, 1), f32),
        ],
    )(z2, nf, node_attrs, wself, wattr, wread)


def _node_b_call(z2, nf1, node_attrs, enA, wself, wattr, wread,
                 wread0_row, wself1T):
    def body(z_ref, nf_ref, at_ref, ea_ref, ws_ref, wa_ref, wr_ref,
             w0r_ref, ws1t_ref, ni_ref, gpb_ref, gp_ref):
        pre = (z_ref[0] + z_ref[1]
               + jnp.dot(nf_ref[...], ws_ref[...], preferred_element_type=f32)
               + jnp.dot(at_ref[...], wa_ref[...], preferred_element_type=f32))
        nf2 = pre * _sigmoid(pre)
        ni_ref[...] = ea_ref[...] + jnp.dot(nf2, wr_ref[...],
                                            preferred_element_type=f32)
        g_pre = wr_ref[...].T * _dsilu(pre)
        gpb_ref[...] = g_pre
        gp_ref[...] = w0r_ref[...] + jnp.dot(g_pre, ws1t_ref[...],
                                             preferred_element_type=f32)

    return pl.pallas_call(
        body,
        grid=(N // BN,),
        in_specs=[
            pl.BlockSpec((2, BN, C), lambda i: (0, i, 0)),
            pl.BlockSpec((BN, C), lambda i: (i, 0)),
            pl.BlockSpec((BN, 10), lambda i: (i, 0)),
            pl.BlockSpec((BN, 1), lambda i: (i, 0)),
            pl.BlockSpec((C, C), lambda i: (0, 0)),
            pl.BlockSpec((10, C), lambda i: (0, 0)),
            pl.BlockSpec((C, 1), lambda i: (0, 0)),
            pl.BlockSpec((1, C), lambda i: (0, 0)),
            pl.BlockSpec((C, C), lambda i: (0, 0)),
        ],
        out_specs=[
            pl.BlockSpec((BN, 1), lambda i: (i, 0)),
            pl.BlockSpec((BN, C), lambda i: (i, 0)),
            pl.BlockSpec((BN, C), lambda i: (i, 0)),
        ],
        out_shape=[
            jax.ShapeDtypeStruct((N, 1), f32),
            jax.ShapeDtypeStruct((N, C), f32),
            jax.ShapeDtypeStruct((N, C), f32),
        ],
    )(z2, nf1, node_attrs, enA, wself, wattr, wread, wread0_row, wself1T)


def _node_bwda_call(gs2, gnf1p, preA):
    def body(g_ref, gp_ref, pre_ref, out_ref):
        g_nf1 = g_ref[0] + g_ref[1] + gp_ref[...]
        out_ref[...] = g_nf1 * _dsilu(pre_ref[...])

    return pl.pallas_call(
        body,
        grid=(N // BN,),
        in_specs=[
            pl.BlockSpec((2, BN, C), lambda i: (0, i, 0)),
            pl.BlockSpec((BN, C), lambda i: (i, 0)),
            pl.BlockSpec((BN, C), lambda i: (i, 0)),
        ],
        out_specs=pl.BlockSpec((BN, C), lambda i: (i, 0)),
        out_shape=jax.ShapeDtypeStruct((N, C), f32),
    )(gs2, gnf1p, preA)


def _edge_bwd_geom(ys, uxyz, ln, gY, g_len):
    ux, uy, uz = uxyz[0], uxyz[1], uxyz[2]
    gx = _S3 * gY[1] + _S15 * (uy * gY[4] + uz * gY[7] + ux * gY[8])
    gy = _S3 * gY[2] + _S15 * (ux * gY[4] + uz * gY[5] - uy * gY[8])
    gz = _S3 * gY[3] + _S15 * (uy * gY[5] + ux * gY[7]) + 3.0 * _S5 * uz * gY[6]
    udotg = ux * gx + uy * gy + uz * gz
    inv_ln = 1.0 / ln
    gvx = (gx - ux * udotg) * inv_ln + g_len * ux
    gvy = (gy - uy * udotg) * inv_ln + g_len * uy
    gvz = (gz - uz * udotg) * inv_ln + g_len * uz
    return gvx, gvy, gvz


def _edge_bwd_b_call(geo, Rarr, dRarr, nfsrc, gt, wr1t, br1c, wr2t, w288,
                     wr1, wr2):
    def body(geo_ref, r_ref, dr_ref, nf_ref, gt_ref, wr1t_ref, br1_ref,
             wr2t_ref, wm_ref, wr1_ref, wr2_ref, gs_ref, gvec_ref):
        uxyz, ys, a, rw = _edge_common(geo_ref, r_ref, wr1t_ref, br1_ref,
                                       wr2t_ref)
        ln = geo_ref[3:4]
        nfT = nf_ref[...].T
        msgT = nfT * rw
        gT = gt_ref[...].T
        P_all = jnp.dot(wm_ref[...], gT, preferred_element_type=f32)
        g_msgT = jnp.zeros_like(gT)
        gY = []
        for s in range(SH):
            P = P_all[s * C:(s + 1) * C]
            g_msgT = g_msgT + P * ys[s]
            gY.append(jnp.sum(P * msgT, axis=0, keepdims=True))
        gs_ref[...] = (g_msgT * rw).T
        g_rwT = g_msgT * nfT
        g_aT = jnp.dot(wr2_ref[...], g_rwT, preferred_element_type=f32) * _dsilu(a)
        g_RT = jnp.dot(wr1_ref[...], g_aT, preferred_element_type=f32)
        g_len = jnp.sum(g_RT * dr_ref[...], axis=0, keepdims=True)
        gvx, gvy, gvz = _edge_bwd_geom(ys, uxyz, ln, gY, g_len)
        gvec_ref[...] = jnp.concatenate(
            [gvx, gvy, gvz, jnp.zeros_like(gvx)], axis=0)

    return pl.pallas_call(
        body,
        grid=(E2 // BE,),
        in_specs=[
            pl.BlockSpec((4, BE), lambda i: (0, i)),
            pl.BlockSpec((NB, BE), lambda i: (0, i)),
            pl.BlockSpec((NB, BE), lambda i: (0, i)),
            pl.BlockSpec((BE, C), lambda i: (i, 0)),
            pl.BlockSpec((BE, C), lambda i: (i, 0)),
            pl.BlockSpec((HID, NB), lambda i: (0, 0)),
            pl.BlockSpec((HID, 1), lambda i: (0, 0)),
            pl.BlockSpec((C, HID), lambda i: (0, 0)),
            pl.BlockSpec((SH * C, C), lambda i: (0, 0)),
            pl.BlockSpec((NB, HID), lambda i: (0, 0)),
            pl.BlockSpec((HID, C), lambda i: (0, 0)),
        ],
        out_specs=[
            pl.BlockSpec((BE, C), lambda i: (i, 0)),
            pl.BlockSpec((4, BE), lambda i: (0, i)),
        ],
        out_shape=[
            jax.ShapeDtypeStruct((E2, C), f32),
            jax.ShapeDtypeStruct((4, E2), f32),
        ],
    )(geo, Rarr, dRarr, nfsrc, gt, wr1t, br1c, wr2t, w288, wr1, wr2)


def _edge_bwd_a_call(geo, Rarr, dRarr, nfsrc, gt, gvecB, wr1t, br1c, wr2t,
                     w288, wr1, wr2):
    def body(geo_ref, r_ref, dr_ref, nf_ref, gt_ref, gvb_ref, wr1t_ref,
             br1_ref, wr2t_ref, wm_ref, wr1_ref, wr2_ref, gv_ref):
        uxyz, ys, a, rw = _edge_common(geo_ref, r_ref, wr1t_ref, br1_ref,
                                       wr2t_ref)
        ln = geo_ref[3:4]
        nfT = nf_ref[...].T
        msgT = nfT * rw
        gT = gt_ref[...].T
        P_all = jnp.dot(wm_ref[...], gT, preferred_element_type=f32)
        g_msgT = jnp.zeros_like(gT)
        gY = []
        for s in range(SH):
            P = P_all[s * C:(s + 1) * C]
            g_msgT = g_msgT + P * ys[s]
            gY.append(jnp.sum(P * msgT, axis=0, keepdims=True))
        g_rwT = g_msgT * nfT
        g_aT = jnp.dot(wr2_ref[...], g_rwT, preferred_element_type=f32) * _dsilu(a)
        g_RT = jnp.dot(wr1_ref[...], g_aT, preferred_element_type=f32)
        g_len = jnp.sum(g_RT * dr_ref[...], axis=0, keepdims=True)
        gvx, gvy, gvz = _edge_bwd_geom(ys, uxyz, ln, gY, g_len)
        gvb = gvb_ref[...]
        gvx = gvx + gvb[0:1]
        gvy = gvy + gvb[1:2]
        gvz = gvz + gvb[2:3]
        zero = jnp.zeros((16 - 3, BE), f32)
        gvT = jnp.concatenate([gvx, gvy, gvz, zero], axis=0).T
        gv_ref[0] = gvT
        gv_ref[1] = -gvT

    return pl.pallas_call(
        body,
        grid=(E2 // BE,),
        in_specs=[
            pl.BlockSpec((4, BE), lambda i: (0, i)),
            pl.BlockSpec((NB, BE), lambda i: (0, i)),
            pl.BlockSpec((NB, BE), lambda i: (0, i)),
            pl.BlockSpec((BE, C), lambda i: (i, 0)),
            pl.BlockSpec((BE, C), lambda i: (i, 0)),
            pl.BlockSpec((4, BE), lambda i: (0, i)),
            pl.BlockSpec((HID, NB), lambda i: (0, 0)),
            pl.BlockSpec((HID, 1), lambda i: (0, 0)),
            pl.BlockSpec((C, HID), lambda i: (0, 0)),
            pl.BlockSpec((SH * C, C), lambda i: (0, 0)),
            pl.BlockSpec((NB, HID), lambda i: (0, 0)),
            pl.BlockSpec((HID, C), lambda i: (0, 0)),
        ],
        out_specs=pl.BlockSpec((2, BE, 16), lambda i: (0, i, 0)),
        out_shape=jax.ShapeDtypeStruct((2, E2, 16), f32),
    )(geo, Rarr, dRarr, nfsrc, gt, gvecB, wr1t, br1c, wr2t, w288, wr1, wr2)


def _seg_call(e0col, intercol, batchcol):
    nsteps = N // BN

    def body(e0_ref, in_ref, b_ref, tot_ref, int_ref):
        i = pl.program_id(0)

        @pl.when(i == 0)
        def _():
            tot_ref[...] = jnp.zeros_like(tot_ref)
            int_ref[...] = jnp.zeros_like(int_ref)

        oh = (b_ref[...] == lax.broadcasted_iota(jnp.int32, (BN, G), 1)
              ).astype(f32)
        int_ref[...] += jnp.sum(in_ref[...] * oh, axis=0, keepdims=True)
        tot_ref[...] += jnp.sum(e0_ref[...] * oh, axis=0, keepdims=True)

        @pl.when(i == nsteps - 1)
        def _():
            tot_ref[...] += int_ref[...]

    return pl.pallas_call(
        body,
        grid=(nsteps,),
        in_specs=[
            pl.BlockSpec((BN, 1), lambda i: (i, 0)),
            pl.BlockSpec((BN, 1), lambda i: (i, 0)),
            pl.BlockSpec((BN, 1), lambda i: (i, 0)),
        ],
        out_specs=[
            pl.BlockSpec((1, G), lambda i: (0, 0)),
            pl.BlockSpec((1, G), lambda i: (0, 0)),
        ],
        out_shape=[
            jax.ShapeDtypeStruct((1, G), f32),
            jax.ShapeDtypeStruct((1, G), f32),
        ],
    )(e0col, intercol, batchcol)


def _forces_call(F2):
    def body(f_ref, out_ref):
        s = f_ref[0] + f_ref[1]
        out_ref[...] = s[:, 0:3]

    return pl.pallas_call(
        body,
        grid=(N // BN,),
        in_specs=[pl.BlockSpec((2, BN, 16), lambda i: (0, i, 0))],
        out_specs=pl.BlockSpec((BN, 3), lambda i: (i, 0)),
        out_shape=jax.ShapeDtypeStruct((N, 3), f32),
    )(F2)



def kernel(positions, edge_index, shifts, node_attrs, batch, atomic_energies,
           W_embed, Wr1_0, br1_0, Wr2_0, Wmix_0, Wself_0, Wattr_0, Wread_0,
           Wr1_1, br1_1, Wr2_1, Wmix_1, Wself_1, Wattr_1, Wread_1):
    pad = E2 - E
    src_p = jnp.concatenate([edge_index[0], jnp.zeros((pad,), edge_index.dtype)])
    dst_p = jnp.concatenate([edge_index[1], jnp.zeros((pad,), edge_index.dtype)])
    idx_src = src_p.reshape(E2 // 128, 128)
    idx_dst = dst_p.reshape(E2 // 128, 128)
    idx_both = jnp.concatenate([src_p, dst_p]).reshape(2 * E2 // 128, 128)

    shifts_pad = jnp.broadcast_to(jnp.array([[100.0, 0.0, 0.0]], f32), (pad, 3))
    shifts_p = jnp.concatenate([shifts.astype(f32), shifts_pad], axis=0)
    shiftsT = jnp.concatenate([shifts_p.T, jnp.zeros((1, E2), f32)], axis=0)

    pos8 = jnp.concatenate([positions.astype(f32), jnp.zeros((N, 5), f32)], 1)

    def _layer_w(Wr1, br1, Wr2, Wmix):
        w288 = Wmix.reshape(C, SH, C).transpose(1, 0, 2).reshape(SH * C, C)
        return (Wr1.T, br1.reshape(HID, 1), Wr2.T,
                w288.T,
                w288,
                Wr1, Wr2)

    wA = _layer_w(Wr1_0, br1_0, Wr2_0, Wmix_0)
    wB = _layer_w(Wr1_1, br1_1, Wr2_1, Wmix_1)

    posrows = _sc_gather(pos8, idx_both, 2 * E2, 8).reshape(2, E2, 8)
    geo, Rarr, dRarr = _geo_call(posrows, shiftsT)

    nf0, e0col = _prep_call(node_attrs.astype(f32), W_embed,
                            atomic_energies.reshape(10, 1))

    nf0src = _sc_gather(nf0, idx_src, E2, C)
    tA = _edge_fwd_call(geo, Rarr, nf0src, wA[0], wA[1], wA[2], wA[3])
    zA2 = _sc_scatter_add(tA, idx_dst, C)
    nf1, preA, enA = _node_fwd_call(zA2, nf0, node_attrs, Wself_0, Wattr_0,
                                    Wread_0)

    nf1src = _sc_gather(nf1, idx_src, E2, C)
    tB = _edge_fwd_call(geo, Rarr, nf1src, wB[0], wB[1], wB[2], wB[3])
    zB2 = _sc_scatter_add(tB, idx_dst, C)
    intercol, g_preB, gnf1p = _node_b_call(
        zB2, nf1, node_attrs, enA, Wself_1, Wattr_1, Wread_1,
        Wread_0.reshape(1, C), Wself_1.T)

    gtB = _sc_gather(g_preB, idx_dst, E2, C)
    g_s, gvecB = _edge_bwd_b_call(geo, Rarr, dRarr, nf1src, gtB, wB[0],
                                  wB[1], wB[2], wB[4], wB[5], wB[6])
    gs2 = _sc_scatter_add(g_s, idx_src, C)
    g_preA = _node_bwda_call(gs2, gnf1p, preA)

    gtA = _sc_gather(g_preA, idx_dst, E2, C)
    gv = _edge_bwd_a_call(geo, Rarr, dRarr, nf0src, gtA, gvecB, wA[0],
                          wA[1], wA[2], wA[4], wA[5], wA[6])
    F2 = _sc_scatter_add(gv.reshape(2 * E2, 16), idx_both, 16)
    forces = _forces_call(F2)

    total, inter = _seg_call(e0col, intercol, batch.reshape(N, 1))
    return total.reshape(G), inter.reshape(G), forces

# --- scband reference (transcript-rebuilt; emitter-appended) ---
"""Pipeline reference for scband-simple-body-ordered-model-15247133901316 (READ-ONLY COPY).

The authoritative reference and input builder live on the scoring server;
editing this copy changes nothing except your own understanding.
"""

import jax, jax.numpy as jnp
import numpy as np

N = 10000
E = 160000
G = 100
NUM_ELEMENTS = 10
C = 32
SH = 9
NB = 8
RMAX = 5.0
PCUT = 6
HID = 64
SCALE = 1.0
SHIFT = 0.0


def _spherical_harmonics(v):
    x, y, z = v[:, 0], v[:, 1], v[:, 2]
    s3 = jnp.sqrt(3.0)
    s5 = jnp.sqrt(5.0)
    s15 = jnp.sqrt(15.0)
    return jnp.stack([
        jnp.ones_like(x),
        s3 * x, s3 * y, s3 * z,
        s15 * x * y, s15 * y * z, 0.5 * s5 * (3.0 * z * z - 1.0), s15 * x * z, 0.5 * s15 * (x * x - y * y),
    ], axis=-1)


def _radial_embedding(r):
    n = jnp.arange(1, NB + 1, dtype=jnp.float32)
    bessel = jnp.sqrt(2.0 / RMAX) * jnp.sin(n * jnp.pi * r[:, None] / RMAX) / (r[:, None] + 1e-9)
    p = float(PCUT)
    u = r / RMAX
    env = 1.0 - ((p + 1.0) * (p + 2.0) / 2.0) * u ** p + p * (p + 2.0) * u ** (p + 1.0) - (p * (p + 1.0) / 2.0) * u ** (p + 2.0)
    env = env * (u < 1.0).astype(r.dtype)
    return bessel * env[:, None]


def setup_inputs(seed: int = 0):
    key = jax.random.key(seed)
    ks = jax.random.split(key, 24)
    positions = jax.random.uniform(ks[0], (N, 3), dtype=jnp.float32) * 20.0
    edge_index = jax.random.randint(ks[1], (2, E), 0, N)
    shifts = jnp.zeros((E, 3), dtype=jnp.float32)
    elements = jax.random.randint(ks[2], (N,), 0, NUM_ELEMENTS)
    node_attrs = jax.nn.one_hot(elements, NUM_ELEMENTS, dtype=jnp.float32)
    batch = jnp.sort(jax.random.randint(ks[3], (N,), 0, G))
    atomic_energies = jax.random.normal(ks[4], (NUM_ELEMENTS,), dtype=jnp.float32)
    W_embed = jax.random.normal(ks[5], (NUM_ELEMENTS, C), dtype=jnp.float32) * 0.3
    out = {'positions': positions, 'edge_index': edge_index, 'shifts': shifts, 'node_attrs': node_attrs, 'batch': batch, 'atomic_energies': atomic_energies, 'W_embed': W_embed}
    for i in range(2):
        b = 6 + i * 7
        out['Wr1_%d' % i] = jax.random.normal(ks[b], (NB, HID), dtype=jnp.float32) * (1.0 / np.sqrt(NB))
        out['br1_%d' % i] = jnp.zeros((HID,), dtype=jnp.float32)
        out['Wr2_%d' % i] = jax.random.normal(ks[b + 1], (HID, C), dtype=jnp.float32) * (1.0 / np.sqrt(HID))
        out['Wmix_%d' % i] = jax.random.normal(ks[b + 2], (C * SH, C), dtype=jnp.float32) * (1.0 / np.sqrt(C * SH))
        out['Wself_%d' % i] = jax.random.normal(ks[b + 3], (C, C), dtype=jnp.float32) * (1.0 / np.sqrt(C))
        out['Wattr_%d' % i] = jax.random.normal(ks[b + 4], (NUM_ELEMENTS, C), dtype=jnp.float32) * 0.3
        out['Wread_%d' % i] = jax.random.normal(ks[b + 5], (C, 1), dtype=jnp.float32) * (1.0 / np.sqrt(C))
    return out


def _model_energy(positions, shifts, node_attrs, batch, edge_index, atomic_energies, W_embed, layer_params):
    src = edge_index[0]
    dst = edge_index[1]
    vectors = positions[dst] - positions[src] + shifts
    lengths = jnp.sqrt(jnp.sum(vectors * vectors, axis=-1) + 1e-12)
    unit = vectors / lengths[:, None]
    edge_attrs = _spherical_harmonics(unit)
    edge_feats = _radial_embedding(lengths)
    node_feats = node_attrs @ W_embed
    node_e0 = node_attrs @ atomic_energies
    e0 = jax.ops.segment_sum(node_e0, batch, num_segments=G)
    node_energies = []
    for (Wr1, br1, Wr2, Wmix, Wself, Wattr, Wread) in layer_params:
        rw = jax.nn.silu(edge_feats @ Wr1 + br1) @ Wr2
        msg = node_feats[src] * rw
        m = (msg[:, :, None] * edge_attrs[:, None, :]).reshape(msg.shape[0], C * SH)
        agg = jax.ops.segment_sum(m, dst, num_segments=positions.shape[0])
        node_feats = jax.nn.silu(agg @ Wmix + node_feats @ Wself + node_attrs @ Wattr)
        node_energies.append((node_feats @ Wread)[:, 0])
    node_inter = jnp.sum(jnp.stack(node_energies, axis=0), axis=0)
    node_inter = SCALE * node_inter + SHIFT
    inter_energy = jax.ops.segment_sum(node_inter, batch, num_segments=G)
    total_energy = e0 + inter_energy
    return total_energy, inter_energy


def reference(positions, edge_index, shifts, node_attrs, batch, atomic_energies, W_embed, Wr1_0, br1_0, Wr2_0, Wmix_0, Wself_0, Wattr_0, Wread_0, Wr1_1, br1_1, Wr2_1, Wmix_1, Wself_1, Wattr_1, Wread_1):
    layer_params = [
        (Wr1_0, br1_0, Wr2_0, Wmix_0, Wself_0, Wattr_0, Wread_0),
        (Wr1_1, br1_1, Wr2_1, Wmix_1, Wself_1, Wattr_1, Wread_1),
    ]
    total_energy, inter_energy = _model_energy(positions, shifts, node_attrs, batch, edge_index, atomic_energies, W_embed, layer_params)
    forces = -jax.grad(lambda p: jnp.sum(_model_energy(p, shifts, node_attrs, batch, edge_index, atomic_energies, W_embed, layer_params)[0]))(positions)
    return total_energy, inter_energy, forces

if __name__ == "__main__":
    import jax
    _d = setup_inputs()
    print(jax.jit(kernel)(*tuple(_d.values())))

</pallas_src>

<mosaic_0001>
#map = affine_map<(d0, d1) -> (0, 0)>
#map1 = affine_map<(d0, d1) -> (0)>
module attributes {stable_mosaic.version = 14 : i64} {
  func.func @body(%arg0: i32, %arg1: i32, %arg2: memref<10000x8xf32, #tpu.memory_space<hbm>>, %arg3: memref<327680xi32, #tpu.memory_space<hbm>>, %arg4: memref<327680x8xf32, #tpu.memory_space<hbm>>, %arg5: memref<10240xi32, #tpu.memory_space<vmem>>, %arg6: memref<10240x8xf32, #tpu.memory_space<vmem>>, %arg7: memref<!tpu.dma_semaphore, #tpu.memory_space<semaphore_mem>>) attributes {dimension_semantics = [#tpu.dimension_semantics<core_parallel>, #tpu.dimension_semantics<subcore_parallel>], iteration_bounds = array<i64: 2, 16>, scalar_prefetch = 0 : i64, scratch_operands = 3 : i64, tpu.core_type = #tpu.core_type<sc_vector_subcore>, window_params = [{transform_indices = #map}, {transform_indices = #map1}, {transform_indices = #map}]} {
    %mul3A = arith.constant 2 : i32
    %mul3A_0 = arith.muli %arg1, %mul3A : i32
    %add3A = arith.addi %mul3A_0, %arg0 : i32
    %mul3A_1 = arith.constant 80 : i32
    %mul3A_2 = arith.muli %add3A, %mul3A_1 : i32
    %mul3A_3 = arith.constant 128 : i32
    %mul3A_4 = arith.muli %mul3A_2, %mul3A_3 : i32
    "tpu.region"() ({
      %run_scoped3A = tpu.sem_alloc : memref<!tpu.dma_semaphore, #tpu.memory_space<semaphore_mem>>
      %dma_start3A_24 = tpu.memref_slice %arg3[%mul3A_4] : memref<327680xi32, #tpu.memory_space<hbm>> -> memref<10240xi32, #tpu.memory_space<hbm>>
      %dma_start3A_25 = tpu.memref_slice %arg3[%mul3A_4] : memref<327680xi32, #tpu.memory_space<hbm>> -> memref<10240xi32, #tpu.memory_space<hbm>>
      tpu.enqueue_dma source(%dma_start3A_25 : memref<10240xi32, #tpu.memory_space<hbm>>) target(%arg5 : memref<10240xi32, #tpu.memory_space<vmem>>) target_semaphore(%run_scoped3A : memref<!tpu.dma_semaphore, #tpu.memory_space<semaphore_mem>>)
      %dma_wait3A_26 = tpu.memref_slice %arg3[%mul3A_4] : memref<327680xi32, #tpu.memory_space<hbm>> -> memref<10240xi32, #tpu.memory_space<hbm>>
      %dma_wait3A_27 = tpu.memref_slice %arg3[%mul3A_4] : memref<327680xi32, #tpu.memory_space<hbm>> -> memref<10240xi32, #tpu.memory_space<hbm>>
      tpu.wait_dma2 semaphore(%run_scoped3A : memref<!tpu.dma_semaphore, #tpu.memory_space<semaphore_mem>>) src(%dma_wait3A_27 : memref<10240xi32, #tpu.memory_space<hbm>>) dst(%arg5 : memref<10240xi32, #tpu.memory_space<vmem>>)
      tpu.yield
    }) : () -> ()
    %scan3A = arith.constant 0 : i32
    %scan3A_5 = arith.constant 0 : i32
    %mul3A_6 = arith.constant 80 : i32
    %mul3A_7 = arith.muli %scan3A_5, %mul3A_6 : i32
    %mul3A_8 = arith.constant 128 : i32
    %mul3A_9 = arith.muli %mul3A_7, %mul3A_8 : i32
    %dma_start3A = tpu.memref_slice %arg5[%mul3A_9] : memref<10240xi32, #tpu.memory_space<vmem>> -> memref<10240xi32, #tpu.memory_space<vmem>>
    %dma_start3A_10 = arith.constant 0 : i32
    %dma_start3A_11 = arith.constant 0 : i32
    %dma_start3A_12 = tpu.memref_slice %arg2[%dma_start3A_10, %dma_start3A_11] : memref<10000x8xf32, #tpu.memory_space<hbm>> -> memref<10000x8xf32, #tpu.memory_space<hbm>>
    tpu.enqueue_indirect_dma source(%dma_start3A_12 : memref<10000x8xf32, #tpu.memory_space<hbm>>) target(%arg6 : memref<10240x8xf32, #tpu.memory_space<vmem>>) offsets(%dma_start3A : memref<10240xi32, #tpu.memory_space<vmem>>) semaphore(%arg7 : memref<!tpu.dma_semaphore, #tpu.memory_space<semaphore_mem>>)
    %dma_wait3A = tpu.memref_slice %arg5[%mul3A_9] : memref<10240xi32, #tpu.memory_space<vmem>> -> memref<10240xi32, #tpu.memory_space<vmem>>
    %dma_wait3A_13 = arith.constant 0 : i32
    %dma_wait3A_14 = arith.constant 0 : i32
    %dma_wait3A_15 = tpu.memref_slice %arg2[%dma_wait3A_13, %dma_wait3A_14] : memref<10000x8xf32, #tpu.memory_space<hbm>> -> memref<10000x8xf32, #tpu.memory_space<hbm>>
    tpu.wait_indirect_dma semaphore(%arg7 : memref<!tpu.dma_semaphore, #tpu.memory_space<semaphore_mem>>) src(%dma_wait3A_15 : memref<10000x8xf32, #tpu.memory_space<hbm>>) dst(%arg6 : memref<10240x8xf32, #tpu.memory_space<vmem>>)
    %mul3A_16 = arith.constant 80 : i32
    %mul3A_17 = arith.muli %add3A, %mul3A_16 : i32
    %mul3A_18 = arith.constant 80 : i32
    %mul3A_19 = arith.muli %scan3A_5, %mul3A_18 : i32
    %add3A_20 = arith.addi %mul3A_17, %mul3A_19 : i32
    %mul3A_21 = arith.constant 128 : i32
    %mul3A_22 = arith.muli %add3A_20, %mul3A_21 : i32
    "tpu.region"() ({
      %run_scoped3A = tpu.sem_alloc : memref<!tpu.dma_semaphore, #tpu.memory_space<semaphore_mem>>
      %dma_start3A_24 = arith.constant 0 : i32
      %dma_start3A_25 = tpu.memref_slice %arg4[%mul3A_22, %dma_start3A_24] : memref<327680x8xf32, #tpu.memory_space<hbm>> -> memref<10240x8xf32, #tpu.memory_space<hbm>>
      %dma_start3A_26 = arith.constant 0 : i32
      %dma_start3A_27 = tpu.memref_slice %arg4[%mul3A_22, %dma_start3A_26] : memref<327680x8xf32, #tpu.memory_space<hbm>> -> memref<10240x8xf32, #tpu.memory_space<hbm>>
      tpu.enqueue_dma source(%arg6 : memref<10240x8xf32, #tpu.memory_space<vmem>>) target(%dma_start3A_27 : memref<10240x8xf32, #tpu.memory_space<hbm>>) target_semaphore(%run_scoped3A : memref<!tpu.dma_semaphore, #tpu.memory_space<semaphore_mem>>)
      %dma_wait3A_28 = arith.constant 0 : i32
      %dma_wait3A_29 = tpu.memref_slice %arg4[%mul3A_22, %dma_wait3A_28] : memref<327680x8xf32, #tpu.memory_space<hbm>> -> memref<10240x8xf32, #tpu.memory_space<hbm>>
      %dma_wait3A_30 = arith.constant 0 : i32
      %dma_wait3A_31 = tpu.memref_slice %arg4[%mul3A_22, %dma_wait3A_30] : memref<327680x8xf32, #tpu.memory_space<hbm>> -> memref<10240x8xf32, #tpu.memory_space<hbm>>
      tpu.wait_dma2 semaphore(%run_scoped3A : memref<!tpu.dma_semaphore, #tpu.memory_space<semaphore_mem>>) src(%arg6 : memref<10240x8xf32, #tpu.memory_space<vmem>>) dst(%dma_wait3A_31 : memref<10240x8xf32, #tpu.memory_space<hbm>>)
      tpu.yield
    }) : () -> ()
    %scan3A_23 = arith.constant 1 : i32
    return
  }
}

#map = affine_map<(d0, d1) -> (0, 0)>
#map1 = affine_map<(d0, d1) -> (0)>
module attributes {stable_mosaic.version = 14 : i64} {
  func.func @body(%arg0: i32, %arg1: i32, %arg2: memref<10000x32xf32, #tpu.memory_space<hbm>>, %arg3: memref<163840xi32, #tpu.memory_space<hbm>>, %arg4: memref<163840x32xf32, #tpu.memory_space<hbm>>, %arg5: memref<5120xi32, #tpu.memory_space<vmem>>, %arg6: memref<2560x32xf32, #tpu.memory_space<vmem>>, %arg7: memref<!tpu.dma_semaphore, #tpu.memory_space<semaphore_mem>>) attributes {dimension_semantics = [#tpu.dimension_semantics<core_parallel>, #tpu.dimension_semantics<subcore_parallel>], iteration_bounds = array<i64: 2, 16>, scalar_prefetch = 0 : i64, scratch_operands = 3 : i64, tpu.core_type = #tpu.core_type<sc_vector_subcore>, window_params = [{transform_indices = #map}, {transform_indices = #map1}, {transform_indices = #map}]} {
    %mul3A = arith.constant 2 : i32
    %mul3A_0 = arith.muli %arg1, %mul3A : i32
    %add3A = arith.addi %mul3A_0, %arg0 : i32
    %mul3A_1 = arith.constant 40 : i32
    %mul3A_2 = arith.muli %add3A, %mul3A_1 : i32
    %mul3A_3 = arith.constant 128 : i32
    %mul3A_4 = arith.muli %mul3A_2, %mul3A_3 : i32
    "tpu.region"() ({
      %run_scoped3A = tpu.sem_alloc : memref<!tpu.dma_semaphore, #tpu.memory_space<semaphore_mem>>
      %dma_start3A = tpu.memref_slice %arg3[%mul3A_4] : memref<163840xi32, #tpu.memory_space<hbm>> -> memref<5120xi32, #tpu.memory_space<hbm>>
      %dma_start3A_10 = tpu.memref_slice %arg3[%mul3A_4] : memref<163840xi32, #tpu.memory_space<hbm>> -> memref<5120xi32, #tpu.memory_space<hbm>>
      tpu.enqueue_dma source(%dma_start3A_10 : memref<5120xi32, #tpu.memory_space<hbm>>) target(%arg5 : memref<5120xi32, #tpu.memory_space<vmem>>) target_semaphore(%run_scoped3A : memref<!tpu.dma_semaphore, #tpu.memory_space<semaphore_mem>>)
      %dma_wait3A = tpu.memref_slice %arg3[%mul3A_4] : memref<163840xi32, #tpu.memory_space<hbm>> -> memref<5120xi32, #tpu.memory_space<hbm>>
      %dma_wait3A_11 = tpu.memref_slice %arg3[%mul3A_4] : memref<163840xi32, #tpu.memory_space<hbm>> -> memref<5120xi32, #tpu.memory_space<hbm>>
      tpu.wait_dma2 semaphore(%run_scoped3A : memref<!tpu.dma_semaphore, #tpu.memory_space<semaphore_mem>>) src(%dma_wait3A_11 : memref<5120xi32, #tpu.memory_space<hbm>>) dst(%arg5 : memref<5120xi32, #tpu.memory_space<vmem>>)
      tpu.yield
    }) : () -> ()
    %scan3A = arith.constant 0 : i32
    %scan3A_5 = arith.constant 0 : i32
    %scan3A_6 = arith.constant 2 : i32
    %scan3A_7 = arith.addi %scan3A_5, %scan3A_6 : i32
    %scan3A_8 = arith.constant 1 : i32
    scf.for %scan3A_10 = %scan3A_5 to %scan3A_7 step %scan3A_8  : i32 {
      %mul3A_11 = arith.constant 20 : i32
      %mul3A_12 = arith.muli %scan3A_10, %mul3A_11 : i32
      %mul3A_13 = arith.constant 128 : i32
      %mul3A_14 = arith.muli %mul3A_12, %mul3A_13 : i32
      %dma_start3A = tpu.memref_slice %arg5[%mul3A_14] : memref<5120xi32, #tpu.memory_space<vmem>> -> memref<2560xi32, #tpu.memory_space<vmem>>
      %dma_start3A_15 = arith.constant 0 : i32
      %dma_start3A_16 = arith.constant 0 : i32
      %dma_start3A_17 = tpu.memref_slice %arg2[%dma_start3A_15, %dma_start3A_16] : memref<10000x32xf32, #tpu.memory_space<hbm>> -> memref<10000x32xf32, #tpu.memory_space<hbm>>
      tpu.enqueue_indirect_dma source(%dma_start3A_17 : memref<10000x32xf32, #tpu.memory_space<hbm>>) target(%arg6 : memref<2560x32xf32, #tpu.memory_space<vmem>>) offsets(%dma_start3A : memref<2560xi32, #tpu.memory_space<vmem>>) semaphore(%arg7 : memref<!tpu.dma_semaphore, #tpu.memory_space<semaphore_mem>>)
      %dma_wait3A = tpu.memref_slice %arg5[%mul3A_14] : memref<5120xi32, #tpu.memory_space<vmem>> -> memref<2560xi32, #tpu.memory_space<vmem>>
      %dma_wait3A_18 = arith.constant 0 : i32
      %dma_wait3A_19 = arith.constant 0 : i32
      %dma_wait3A_20 = tpu.memref_slice %arg2[%dma_wait3A_18, %dma_wait3A_19] : memref<10000x32xf32, #tpu.memory_space<hbm>> -> memref<10000x32xf32, #tpu.memory_space<hbm>>
      tpu.wait_indirect_dma semaphore(%arg7 : memref<!tpu.dma_semaphore, #tpu.memory_space<semaphore_mem>>) src(%dma_wait3A_20 : memref<10000x32xf32, #tpu.memory_space<hbm>>) dst(%arg6 : memref<2560x32xf32, #tpu.memory_space<vmem>>)
      %mul3A_21 = arith.constant 40 : i32
      %mul3A_22 = arith.muli %add3A, %mul3A_21 : i32
      %mul3A_23 = arith.constant 20 : i32
      %mul3A_24 = arith.muli %scan3A_10, %mul3A_23 : i32
      %add3A_25 = arith.addi %mul3A_22, %mul3A_24 : i32
      %mul3A_26 = arith.constant 128 : i32
      %mul3A_27 = arith.muli %add3A_25, %mul3A_26 : i32
      "tpu.region"() ({
        %run_scoped3A = tpu.sem_alloc : memref<!tpu.dma_semaphore, #tpu.memory_space<semaphore_mem>>
        %dma_start3A_28 = arith.constant 0 : i32
        %dma_start3A_29 = tpu.memref_slice %arg4[%mul3A_27, %dma_start3A_28] : memref<163840x32xf32, #tpu.memory_space<hbm>> -> memref<2560x32xf32, #tpu.memory_space<hbm>>
        %dma_start3A_30 = arith.constant 0 : i32
        %dma_start3A_31 = tpu.memref_slice %arg4[%mul3A_27, %dma_start3A_30] : memref<163840x32xf32, #tpu.memory_space<hbm>> -> memref<2560x32xf32, #tpu.memory_space<hbm>>
        tpu.enqueue_dma source(%arg6 : memref<2560x32xf32, #tpu.memory_space<vmem>>) target(%dma_start3A_31 : memref<2560x32xf32, #tpu.memory_space<hbm>>) target_semaphore(%run_scoped3A : memref<!tpu.dma_semaphore, #tpu.memory_space<semaphore_mem>>)
        %dma_wait3A_32 = arith.constant 0 : i32
        %dma_wait3A_33 = tpu.memref_slice %arg4[%mul3A_27, %dma_wait3A_32] : memref<163840x32xf32, #tpu.memory_space<hbm>> -> memref<2560x32xf32, #tpu.memory_space<hbm>>
        %dma_wait3A_34 = arith.constant 0 : i32
        %dma_wait3A_35 = tpu.memref_slice %arg4[%mul3A_27, %dma_wait3A_34] : memref<163840x32xf32, #tpu.memory_space<hbm>> -> memref<2560x32xf32, #tpu.memory_space<hbm>>
        tpu.wait_dma2 semaphore(%run_scoped3A : memref<!tpu.dma_semaphore, #tpu.memory_space<semaphore_mem>>) src(%arg6 : memref<2560x32xf32, #tpu.memory_space<vmem>>) dst(%dma_wait3A_35 : memref<2560x32xf32, #tpu.memory_space<hbm>>)
        tpu.yield
      }) : () -> ()
    }
    %scan3A_9 = arith.constant 2 : i32
    return
  }
}

#map = affine_map<(d0, d1) -> (0, 0)>
#map1 = affine_map<(d0, d1) -> (0)>
#map2 = affine_map<(d0, d1) -> (0, 0, 0)>
module attributes {stable_mosaic.version = 14 : i64} {
  func.func @body(%arg0: i32, %arg1: i32, %arg2: memref<163840x32xf32, #tpu.memory_space<hbm>>, %arg3: memref<163840xi32, #tpu.memory_space<hbm>>, %arg4: memref<10000x32xf32, #tpu.memory_space<hbm>>, %arg5: memref<2x10000x32xf32, #tpu.memory_space<hbm>>, %arg6: memref<5120xi32, #tpu.memory_space<vmem>>, %arg7: memref<2560x32xf32, #tpu.memory_space<vmem>>, %arg8: memref<10000x32xf32, #tpu.memory_space<vmem_shared>>) attributes {dimension_semantics = [#tpu.dimension_semantics<core_parallel>, #tpu.dimension_semantics<subcore_parallel>], iteration_bounds = array<i64: 2, 16>, scalar_prefetch = 0 : i64, scratch_operands = 3 : i64, tpu.core_type = #tpu.core_type<sc_vector_subcore>, window_params = [{transform_indices = #map}, {transform_indices = #map1}, {transform_indices = #map}, {transform_indices = #map2}]} {
    %mul3A = arith.constant 2 : i32
    %mul3A_0 = arith.muli %arg1, %mul3A : i32
    %add3A = arith.addi %mul3A_0, %arg0 : i32
    %mul3A_1 = arith.constant 625 : i32
    %mul3A_2 = arith.muli %arg1, %mul3A_1 : i32
    %mul3A_3 = arith.constant 625 : i32
    %mul3A_4 = arith.muli %arg1, %mul3A_3 : i32
    "tpu.region"() ({
      %run_scoped3A = tpu.sem_alloc : memref<!tpu.dma_semaphore, #tpu.memory_space<semaphore_mem>>
      %dma_start3A = arith.constant 0 : i32
      %dma_start3A_19 = tpu.memref_slice %arg8[%mul3A_4, %dma_start3A] : memref<10000x32xf32, #tpu.memory_space<vmem_shared>> -> memref<625x32xf32, #tpu.memory_space<vmem_shared>>
      %dma_start3A_20 = arith.constant 0 : i32
      %dma_start3A_21 = tpu.memref_slice %arg4[%mul3A_2, %dma_start3A_20] : memref<10000x32xf32, #tpu.memory_space<hbm>> -> memref<625x32xf32, #tpu.memory_space<hbm>>
      tpu.enqueue_dma source(%dma_start3A_21 : memref<625x32xf32, #tpu.memory_space<hbm>>) target(%dma_start3A_19 : memref<625x32xf32, #tpu.memory_space<vmem_shared>>) target_semaphore(%run_scoped3A : memref<!tpu.dma_semaphore, #tpu.memory_space<semaphore_mem>>)
      %dma_wait3A = arith.constant 0 : i32
      %dma_wait3A_22 = tpu.memref_slice %arg8[%mul3A_4, %dma_wait3A] : memref<10000x32xf32, #tpu.memory_space<vmem_shared>> -> memref<625x32xf32, #tpu.memory_space<vmem_shared>>
      %dma_wait3A_23 = arith.constant 0 : i32
      %dma_wait3A_24 = tpu.memref_slice %arg4[%mul3A_2, %dma_wait3A_23] : memref<10000x32xf32, #tpu.memory_space<hbm>> -> memref<625x32xf32, #tpu.memory_space<hbm>>
      tpu.wait_dma2 semaphore(%run_scoped3A : memref<!tpu.dma_semaphore, #tpu.memory_space<semaphore_mem>>) src(%dma_wait3A_24 : memref<625x32xf32, #tpu.memory_space<hbm>>) dst(%dma_wait3A_22 : memref<625x32xf32, #tpu.memory_space<vmem_shared>>)
      tpu.yield
    }) : () -> ()
    %mul3A_5 = arith.constant 40 : i32
    %mul3A_6 = arith.muli %add3A, %mul3A_5 : i32
    %mul3A_7 = arith.constant 128 : i32
    %mul3A_8 = arith.muli %mul3A_6, %mul3A_7 : i32
    "tpu.region"() ({
      %run_scoped3A = tpu.sem_alloc : memref<!tpu.dma_semaphore, #tpu.memory_space<semaphore_mem>>
      %dma_start3A = tpu.memref_slice %arg3[%mul3A_8] : memref<163840xi32, #tpu.memory_space<hbm>> -> memref<5120xi32, #tpu.memory_space<hbm>>
      %dma_start3A_19 = tpu.memref_slice %arg3[%mul3A_8] : memref<163840xi32, #tpu.memory_space<hbm>> -> memref<5120xi32, #tpu.memory_space<hbm>>
      tpu.enqueue_dma source(%dma_start3A_19 : memref<5120xi32, #tpu.memory_space<hbm>>) target(%arg6 : memref<5120xi32, #tpu.memory_space<vmem>>) target_semaphore(%run_scoped3A : memref<!tpu.dma_semaphore, #tpu.memory_space<semaphore_mem>>)
      %dma_wait3A = tpu.memref_slice %arg3[%mul3A_8] : memref<163840xi32, #tpu.memory_space<hbm>> -> memref<5120xi32, #tpu.memory_space<hbm>>
      %dma_wait3A_20 = tpu.memref_slice %arg3[%mul3A_8] : memref<163840xi32, #tpu.memory_space<hbm>> -> memref<5120xi32, #tpu.memory_space<hbm>>
      tpu.wait_dma2 semaphore(%run_scoped3A : memref<!tpu.dma_semaphore, #tpu.memory_space<semaphore_mem>>) src(%dma_wait3A_20 : memref<5120xi32, #tpu.memory_space<hbm>>) dst(%arg6 : memref<5120xi32, #tpu.memory_space<vmem>>)
      tpu.yield
    }) : () -> ()
    %barrier3A = arith.constant 0 : index
    tpu.barrier barrier_id(%barrier3A)
    %scan3A = arith.constant 0 : i32
    %scan3A_9 = arith.constant 0 : i32
    %scan3A_10 = arith.constant 2 : i32
    %scan3A_11 = arith.addi %scan3A_9, %scan3A_10 : i32
    %scan3A_12 = arith.constant 1 : i32
    scf.for %scan3A_19 = %scan3A_9 to %scan3A_11 step %scan3A_12  : i32 {
      %mul3A_20 = arith.constant 40 : i32
      %mul3A_21 = arith.muli %add3A, %mul3A_20 : i32
      %mul3A_22 = arith.constant 20 : i32
      %mul3A_23 = arith.muli %scan3A_19, %mul3A_22 : i32
      %add3A_24 = arith.addi %mul3A_21, %mul3A_23 : i32
      %mul3A_25 = arith.constant 128 : i32
      %mul3A_26 = arith.muli %add3A_24, %mul3A_25 : i32
      "tpu.region"() ({
        %run_scoped3A = tpu.sem_alloc : memref<!tpu.dma_semaphore, #tpu.memory_space<semaphore_mem>>
        %dma_start3A = arith.constant 0 : i32
        %dma_start3A_31 = tpu.memref_slice %arg2[%mul3A_26, %dma_start3A] : memref<163840x32xf32, #tpu.memory_space<hbm>> -> memref<2560x32xf32, #tpu.memory_space<hbm>>
        %dma_start3A_32 = arith.constant 0 : i32
        %dma_start3A_33 = tpu.memref_slice %arg2[%mul3A_26, %dma_start3A_32] : memref<163840x32xf32, #tpu.memory_space<hbm>> -> memref<2560x32xf32, #tpu.memory_space<hbm>>
        tpu.enqueue_dma source(%dma_start3A_33 : memref<2560x32xf32, #tpu.memory_space<hbm>>) target(%arg7 : memref<2560x32xf32, #tpu.memory_space<vmem>>) target_semaphore(%run_scoped3A : memref<!tpu.dma_semaphore, #tpu.memory_space<semaphore_mem>>)
        %dma_wait3A = arith.constant 0 : i32
        %dma_wait3A_34 = tpu.memref_slice %arg2[%mul3A_26, %dma_wait3A] : memref<163840x32xf32, #tpu.memory_space<hbm>> -> memref<2560x32xf32, #tpu.memory_space<hbm>>
        %dma_wait3A_35 = arith.constant 0 : i32
        %dma_wait3A_36 = tpu.memref_slice %arg2[%mul3A_26, %dma_wait3A_35] : memref<163840x32xf32, #tpu.memory_space<hbm>> -> memref<2560x32xf32, #tpu.memory_space<hbm>>
        tpu.wait_dma2 semaphore(%run_scoped3A : memref<!tpu.dma_semaphore, #tpu.memory_space<semaphore_mem>>) src(%dma_wait3A_36 : memref<2560x32xf32, #tpu.memory_space<hbm>>) dst(%arg7 : memref<2560x32xf32, #tpu.memory_space<vmem>>)
        tpu.yield
      }) : () -> ()
      %mul3A_27 = arith.constant 20 : i32
      %mul3A_28 = arith.muli %scan3A_19, %mul3A_27 : i32
      %mul3A_29 = arith.constant 128 : i32
      %mul3A_30 = arith.muli %mul3A_28, %mul3A_29 : i32
      "tpu.region"() ({
        %run_scoped3A = tpu.sem_alloc : memref<!tpu.dma_semaphore, #tpu.memory_space<semaphore_mem>>
        %dma_start3A = tpu.memref_slice %arg6[%mul3A_30] : memref<5120xi32, #tpu.memory_space<vmem>> -> memref<2560xi32, #tpu.memory_space<vmem>>
        %dma_start3A_31 = arith.constant 0 : i32
        %dma_start3A_32 = arith.constant 0 : i32
        %dma_start3A_33 = tpu.memref_slice %arg8[%dma_start3A_31, %dma_start3A_32] : memref<10000x32xf32, #tpu.memory_space<vmem_shared>> -> memref<10000x32xf32, #tpu.memory_space<vmem_shared>>
        tpu.enqueue_indirect_dma source(%arg7 : memref<2560x32xf32, #tpu.memory_space<vmem>>) target(%dma_start3A_33 : memref<10000x32xf32, #tpu.memory_space<vmem_shared>>) offsets(%dma_start3A : memref<2560xi32, #tpu.memory_space<vmem>>) semaphore(%run_scoped3A : memref<!tpu.dma_semaphore, #tpu.memory_space<semaphore_mem>>) {add = true}
        %dma_wait3A = tpu.memref_slice %arg6[%mul3A_30] : memref<5120xi32, #tpu.memory_space<vmem>> -> memref<2560xi32, #tpu.memory_space<vmem>>
        %dma_wait3A_34 = arith.constant 0 : i32
        %dma_wait3A_35 = arith.constant 0 : i32
        %dma_wait3A_36 = tpu.memref_slice %arg8[%dma_wait3A_34, %dma_wait3A_35] : memref<10000x32xf32, #tpu.memory_space<vmem_shared>> -> memref<10000x32xf32, #tpu.memory_space<vmem_shared>>
        tpu.wait_indirect_dma semaphore(%run_scoped3A : memref<!tpu.dma_semaphore, #tpu.memory_space<semaphore_mem>>) src(%arg7 : memref<2560x32xf32, #tpu.memory_space<vmem>>) dst(%dma_wait3A_36 : memref<10000x32xf32, #tpu.memory_space<vmem_shared>>)
        tpu.yield
      }) : () -> ()
    }
    %scan3A_13 = arith.constant 2 : i32
    %barrier3A_14 = arith.constant 0 : index
    tpu.barrier barrier_id(%barrier3A_14)
    %mul3A_15 = arith.constant 625 : i32
    %mul3A_16 = arith.muli %arg1, %mul3A_15 : i32
    %mul3A_17 = arith.constant 625 : i32
    %mul3A_18 = arith.muli %arg1, %mul3A_17 : i32
    "tpu.region"() ({
      %run_scoped3A = tpu.sem_alloc : memref<!tpu.dma_semaphore, #tpu.memory_space<semaphore_mem>>
      %dma_start3A = arith.constant 0 : i32
      %dma_start3A_19 = tpu.memref_slice %arg5[%arg0, %mul3A_18, %dma_start3A] : memref<2x10000x32xf32, #tpu.memory_space<hbm>> -> memref<1x625x32xf32, #tpu.memory_space<hbm>>
      %dma_start3A_20 = tpu.memref_squeeze %dma_start3A_19 : memref<1x625x32xf32, #tpu.memory_space<hbm>> -> memref<625x32xf32, #tpu.memory_space<hbm>>
      %dma_start3A_21 = arith.constant 0 : i32
      %dma_start3A_22 = tpu.memref_slice %arg8[%mul3A_16, %dma_start3A_21] : memref<10000x32xf32, #tpu.memory_space<vmem_shared>> -> memref<625x32xf32, #tpu.memory_space<vmem_shared>>
      tpu.enqueue_dma source(%dma_start3A_22 : memref<625x32xf32, #tpu.memory_space<vmem_shared>>) target(%dma_start3A_20 : memref<625x32xf32, #tpu.memory_space<hbm>>) target_semaphore(%run_scoped3A : memref<!tpu.dma_semaphore, #tpu.memory_space<semaphore_mem>>)
      %dma_wait3A = arith.constant 0 : i32
      %dma_wait3A_23 = tpu.memref_slice %arg5[%arg0, %mul3A_18, %dma_wait3A] : memref<2x10000x32xf32, #tpu.memory_space<hbm>> -> memref<1x625x32xf32, #tpu.memory_space<hbm>>
      %dma_wait3A_24 = tpu.memref_squeeze %dma_wait3A_23 : memref<1x625x32xf32, #tpu.memory_space<hbm>> -> memref<625x32xf32, #tpu.memory_space<hbm>>
      %dma_wait3A_25 = arith.constant 0 : i32
      %dma_wait3A_26 = tpu.memref_slice %arg8[%mul3A_16, %dma_wait3A_25] : memref<10000x32xf32, #tpu.memory_space<vmem_shared>> -> memref<625x32xf32, #tpu.memory_space<vmem_shared>>
      tpu.wait_dma2 semaphore(%run_scoped3A : memref<!tpu.dma_semaphore, #tpu.memory_space<semaphore_mem>>) src(%dma_wait3A_26 : memref<625x32xf32, #tpu.memory_space<vmem_shared>>) dst(%dma_wait3A_24 : memref<625x32xf32, #tpu.memory_space<hbm>>)
      tpu.yield
    }) : () -> ()
    return
  }
}

#map = affine_map<(d0, d1) -> (0, 0)>
#map1 = affine_map<(d0, d1) -> (0)>
module attributes {stable_mosaic.version = 14 : i64} {
  func.func @body(%arg0: i32, %arg1: i32, %arg2: memref<10000x32xf32, #tpu.memory_space<hbm>>, %arg3: memref<163840xi32, #tpu.memory_space<hbm>>, %arg4: memref<163840x32xf32, #tpu.memory_space<hbm>>, %arg5: memref<5120xi32, #tpu.memory_space<vmem>>, %arg6: memref<2560x32xf32, #tpu.memory_space<vmem>>, %arg7: memref<!tpu.dma_semaphore, #tpu.memory_space<semaphore_mem>>) attributes {dimension_semantics = [#tpu.dimension_semantics<core_parallel>, #tpu.dimension_semantics<subcore_parallel>], iteration_bounds = array<i64: 2, 16>, scalar_prefetch = 0 : i64, scratch_operands = 3 : i64, tpu.core_type = #tpu.core_type<sc_vector_subcore>, window_params = [{transform_indices = #map}, {transform_indices = #map1}, {transform_indices = #map}]} {
    %mul3A = arith.constant 2 : i32
    %mul3A_0 = arith.muli %arg1, %mul3A : i32
    %add3A = arith.addi %mul3A_0, %arg0 : i32
    %mul3A_1 = arith.constant 40 : i32
    %mul3A_2 = arith.muli %add3A, %mul3A_1 : i32
    %mul3A_3 = arith.constant 128 : i32
    %mul3A_4 = arith.muli %mul3A_2, %mul3A_3 : i32
    "tpu.region"() ({
      %run_scoped3A = tpu.sem_alloc : memref<!tpu.dma_semaphore, #tpu.memory_space<semaphore_mem>>
      %dma_start3A = tpu.memref_slice %arg3[%mul3A_4] : memref<163840xi32, #tpu.memory_space<hbm>> -> memref<5120xi32, #tpu.memory_space<hbm>>
      %dma_start3A_10 = tpu.memref_slice %arg3[%mul3A_4] : memref<163840xi32, #tpu.memory_space<hbm>> -> memref<5120xi32, #tpu.memory_space<hbm>>
      tpu.enqueue_dma source(%dma_start3A_10 : memref<5120xi32, #tpu.memory_space<hbm>>) target(%arg5 : memref<5120xi32, #tpu.memory_space<vmem>>) target_semaphore(%run_scoped3A : memref<!tpu.dma_semaphore, #tpu.memory_space<semaphore_mem>>)
      %dma_wait3A = tpu.memref_slice %arg3[%mul3A_4] : memref<163840xi32, #tpu.memory_space<hbm>> -> memref<5120xi32, #tpu.memory_space<hbm>>
      %dma_wait3A_11 = tpu.memref_slice %arg3[%mul3A_4] : memref<163840xi32, #tpu.memory_space<hbm>> -> memref<5120xi32, #tpu.memory_space<hbm>>
      tpu.wait_dma2 semaphore(%run_scoped3A : memref<!tpu.dma_semaphore, #tpu.memory_space<semaphore_mem>>) src(%dma_wait3A_11 : memref<5120xi32, #tpu.memory_space<hbm>>) dst(%arg5 : memref<5120xi32, #tpu.memory_space<vmem>>)
      tpu.yield
    }) : () -> ()
    %scan3A = arith.constant 0 : i32
    %scan3A_5 = arith.constant 0 : i32
    %scan3A_6 = arith.constant 2 : i32
    %scan3A_7 = arith.addi %scan3A_5, %scan3A_6 : i32
    %scan3A_8 = arith.constant 1 : i32
    scf.for %scan3A_10 = %scan3A_5 to %scan3A_7 step %scan3A_8  : i32 {
      %mul3A_11 = arith.constant 20 : i32
      %mul3A_12 = arith.muli %scan3A_10, %mul3A_11 : i32
      %mul3A_13 = arith.constant 128 : i32
      %mul3A_14 = arith.muli %mul3A_12, %mul3A_13 : i32
      %dma_start3A = tpu.memref_slice %arg5[%mul3A_14] : memref<5120xi32, #tpu.memory_space<vmem>> -> memref<2560xi32, #tpu.memory_space<vmem>>
      %dma_start3A_15 = arith.constant 0 : i32
      %dma_start3A_16 = arith.constant 0 : i32
      %dma_start3A_17 = tpu.memref_slice %arg2[%dma_start3A_15, %dma_start3A_16] : memref<10000x32xf32, #tpu.memory_space<hbm>> -> memref<10000x32xf32, #tpu.memory_space<hbm>>
      tpu.enqueue_indirect_dma source(%dma_start3A_17 : memref<10000x32xf32, #tpu.memory_space<hbm>>) target(%arg6 : memref<2560x32xf32, #tpu.memory_space<vmem>>) offsets(%dma_start3A : memref<2560xi32, #tpu.memory_space<vmem>>) semaphore(%arg7 : memref<!tpu.dma_semaphore, #tpu.memory_space<semaphore_mem>>)
      %dma_wait3A = tpu.memref_slice %arg5[%mul3A_14] : memref<5120xi32, #tpu.memory_space<vmem>> -> memref<2560xi32, #tpu.memory_space<vmem>>
      %dma_wait3A_18 = arith.constant 0 : i32
      %dma_wait3A_19 = arith.constant 0 : i32
      %dma_wait3A_20 = tpu.memref_slice %arg2[%dma_wait3A_18, %dma_wait3A_19] : memref<10000x32xf32, #tpu.memory_space<hbm>> -> memref<10000x32xf32, #tpu.memory_space<hbm>>
      tpu.wait_indirect_dma semaphore(%arg7 : memref<!tpu.dma_semaphore, #tpu.memory_space<semaphore_mem>>) src(%dma_wait3A_20 : memref<10000x32xf32, #tpu.memory_space<hbm>>) dst(%arg6 : memref<2560x32xf32, #tpu.memory_space<vmem>>)
      %mul3A_21 = arith.constant 40 : i32
      %mul3A_22 = arith.muli %add3A, %mul3A_21 : i32
      %mul3A_23 = arith.constant 20 : i32
      %mul3A_24 = arith.muli %scan3A_10, %mul3A_23 : i32
      %add3A_25 = arith.addi %mul3A_22, %mul3A_24 : i32
      %mul3A_26 = arith.constant 128 : i32
      %mul3A_27 = arith.muli %add3A_25, %mul3A_26 : i32
      "tpu.region"() ({
        %run_scoped3A = tpu.sem_alloc : memref<!tpu.dma_semaphore, #tpu.memory_space<semaphore_mem>>
        %dma_start3A_28 = arith.constant 0 : i32
        %dma_start3A_29 = tpu.memref_slice %arg4[%mul3A_27, %dma_start3A_28] : memref<163840x32xf32, #tpu.memory_space<hbm>> -> memref<2560x32xf32, #tpu.memory_space<hbm>>
        %dma_start3A_30 = arith.constant 0 : i32
        %dma_start3A_31 = tpu.memref_slice %arg4[%mul3A_27, %dma_start3A_30] : memref<163840x32xf32, #tpu.memory_space<hbm>> -> memref<2560x32xf32, #tpu.memory_space<hbm>>
        tpu.enqueue_dma source(%arg6 : memref<2560x32xf32, #tpu.memory_space<vmem>>) target(%dma_start3A_31 : memref<2560x32xf32, #tpu.memory_space<hbm>>) target_semaphore(%run_scoped3A : memref<!tpu.dma_semaphore, #tpu.memory_space<semaphore_mem>>)
        %dma_wait3A_32 = arith.constant 0 : i32
        %dma_wait3A_33 = tpu.memref_slice %arg4[%mul3A_27, %dma_wait3A_32] : memref<163840x32xf32, #tpu.memory_space<hbm>> -> memref<2560x32xf32, #tpu.memory_space<hbm>>
        %dma_wait3A_34 = arith.constant 0 : i32
        %dma_wait3A_35 = tpu.memref_slice %arg4[%mul3A_27, %dma_wait3A_34] : memref<163840x32xf32, #tpu.memory_space<hbm>> -> memref<2560x32xf32, #tpu.memory_space<hbm>>
        tpu.wait_dma2 semaphore(%run_scoped3A : memref<!tpu.dma_semaphore, #tpu.memory_space<semaphore_mem>>) src(%arg6 : memref<2560x32xf32, #tpu.memory_space<vmem>>) dst(%dma_wait3A_35 : memref<2560x32xf32, #tpu.memory_space<hbm>>)
        tpu.yield
      }) : () -> ()
    }
    %scan3A_9 = arith.constant 2 : i32
    return
  }
}

#map = affine_map<(d0, d1) -> (0, 0)>
#map1 = affine_map<(d0, d1) -> (0)>
#map2 = affine_map<(d0, d1) -> (0, 0, 0)>
module attributes {stable_mosaic.version = 14 : i64} {
  func.func @body(%arg0: i32, %arg1: i32, %arg2: memref<163840x32xf32, #tpu.memory_space<hbm>>, %arg3: memref<163840xi32, #tpu.memory_space<hbm>>, %arg4: memref<10000x32xf32, #tpu.memory_space<hbm>>, %arg5: memref<2x10000x32xf32, #tpu.memory_space<hbm>>, %arg6: memref<5120xi32, #tpu.memory_space<vmem>>, %arg7: memref<2560x32xf32, #tpu.memory_space<vmem>>, %arg8: memref<10000x32xf32, #tpu.memory_space<vmem_shared>>) attributes {dimension_semantics = [#tpu.dimension_semantics<core_parallel>, #tpu.dimension_semantics<subcore_parallel>], iteration_bounds = array<i64: 2, 16>, scalar_prefetch = 0 : i64, scratch_operands = 3 : i64, tpu.core_type = #tpu.core_type<sc_vector_subcore>, window_params = [{transform_indices = #map}, {transform_indices = #map1}, {transform_indices = #map}, {transform_indices = #map2}]} {
    %mul3A = arith.constant 2 : i32
    %mul3A_0 = arith.muli %arg1, %mul3A : i32
    %add3A = arith.addi %mul3A_0, %arg0 : i32
    %mul3A_1 = arith.constant 625 : i32
    %mul3A_2 = arith.muli %arg1, %mul3A_1 : i32
    %mul3A_3 = arith.constant 625 : i32
    %mul3A_4 = arith.muli %arg1, %mul3A_3 : i32
    "tpu.region"() ({
      %run_scoped3A = tpu.sem_alloc : memref<!tpu.dma_semaphore, #tpu.memory_space<semaphore_mem>>
      %dma_start3A = arith.constant 0 : i32
      %dma_start3A_19 = tpu.memref_slice %arg8[%mul3A_4, %dma_start3A] : memref<10000x32xf32, #tpu.memory_space<vmem_shared>> -> memref<625x32xf32, #tpu.memory_space<vmem_shared>>
      %dma_start3A_20 = arith.constant 0 : i32
      %dma_start3A_21 = tpu.memref_slice %arg4[%mul3A_2, %dma_start3A_20] : memref<10000x32xf32, #tpu.memory_space<hbm>> -> memref<625x32xf32, #tpu.memory_space<hbm>>
      tpu.enqueue_dma source(%dma_start3A_21 : memref<625x32xf32, #tpu.memory_space<hbm>>) target(%dma_start3A_19 : memref<625x32xf32, #tpu.memory_space<vmem_shared>>) target_semaphore(%run_scoped3A : memref<!tpu.dma_semaphore, #tpu.memory_space<semaphore_mem>>)
      %dma_wait3A = arith.constant 0 : i32
      %dma_wait3A_22 = tpu.memref_slice %arg8[%mul3A_4, %dma_wait3A] : memref<10000x32xf32, #tpu.memory_space<vmem_shared>> -> memref<625x32xf32, #tpu.memory_space<vmem_shared>>
      %dma_wait3A_23 = arith.constant 0 : i32
      %dma_wait3A_24 = tpu.memref_slice %arg4[%mul3A_2, %dma_wait3A_23] : memref<10000x32xf32, #tpu.memory_space<hbm>> -> memref<625x32xf32, #tpu.memory_space<hbm>>
      tpu.wait_dma2 semaphore(%run_scoped3A : memref<!tpu.dma_semaphore, #tpu.memory_space<semaphore_mem>>) src(%dma_wait3A_24 : memref<625x32xf32, #tpu.memory_space<hbm>>) dst(%dma_wait3A_22 : memref<625x32xf32, #tpu.memory_space<vmem_shared>>)
      tpu.yield
    }) : () -> ()
    %mul3A_5 = arith.constant 40 : i32
    %mul3A_6 = arith.muli %add3A, %mul3A_5 : i32
    %mul3A_7 = arith.constant 128 : i32
    %mul3A_8 = arith.muli %mul3A_6, %mul3A_7 : i32
    "tpu.region"() ({
      %run_scoped3A = tpu.sem_alloc : memref<!tpu.dma_semaphore, #tpu.memory_space<semaphore_mem>>
      %dma_start3A = tpu.memref_slice %arg3[%mul3A_8] : memref<163840xi32, #tpu.memory_space<hbm>> -> memref<5120xi32, #tpu.memory_space<hbm>>
      %dma_start3A_19 = tpu.memref_slice %arg3[%mul3A_8] : memref<163840xi32, #tpu.memory_space<hbm>> -> memref<5120xi32, #tpu.memory_space<hbm>>
      tpu.enqueue_dma source(%dma_start3A_19 : memref<5120xi32, #tpu.memory_space<hbm>>) target(%arg6 : memref<5120xi32, #tpu.memory_space<vmem>>) target_semaphore(%run_scoped3A : memref<!tpu.dma_semaphore, #tpu.memory_space<semaphore_mem>>)
      %dma_wait3A = tpu.memref_slice %arg3[%mul3A_8] : memref<163840xi32, #tpu.memory_space<hbm>> -> memref<5120xi32, #tpu.memory_space<hbm>>
      %dma_wait3A_20 = tpu.memref_slice %arg3[%mul3A_8] : memref<163840xi32, #tpu.memory_space<hbm>> -> memref<5120xi32, #tpu.memory_space<hbm>>
      tpu.wait_dma2 semaphore(%run_scoped3A : memref<!tpu.dma_semaphore, #tpu.memory_space<semaphore_mem>>) src(%dma_wait3A_20 : memref<5120xi32, #tpu.memory_space<hbm>>) dst(%arg6 : memref<5120xi32, #tpu.memory_space<vmem>>)
      tpu.yield
    }) : () -> ()
    %barrier3A = arith.constant 0 : index
    tpu.barrier barrier_id(%barrier3A)
    %scan3A = arith.constant 0 : i32
    %scan3A_9 = arith.constant 0 : i32
    %scan3A_10 = arith.constant 2 : i32
    %scan3A_11 = arith.addi %scan3A_9, %scan3A_10 : i32
    %scan3A_12 = arith.constant 1 : i32
    scf.for %scan3A_19 = %scan3A_9 to %scan3A_11 step %scan3A_12  : i32 {
      %mul3A_20 = arith.constant 40 : i32
      %mul3A_21 = arith.muli %add3A, %mul3A_20 : i32
      %mul3A_22 = arith.constant 20 : i32
      %mul3A_23 = arith.muli %scan3A_19, %mul3A_22 : i32
      %add3A_24 = arith.addi %mul3A_21, %mul3A_23 : i32
      %mul3A_25 = arith.constant 128 : i32
      %mul3A_26 = arith.muli %add3A_24, %mul3A_25 : i32
      "tpu.region"() ({
        %run_scoped3A = tpu.sem_alloc : memref<!tpu.dma_semaphore, #tpu.memory_space<semaphore_mem>>
        %dma_start3A = arith.constant 0 : i32
        %dma_start3A_31 = tpu.memref_slice %arg2[%mul3A_26, %dma_start3A] : memref<163840x32xf32, #tpu.memory_space<hbm>> -> memref<2560x32xf32, #tpu.memory_space<hbm>>
        %dma_start3A_32 = arith.constant 0 : i32
        %dma_start3A_33 = tpu.memref_slice %arg2[%mul3A_26, %dma_start3A_32] : memref<163840x32xf32, #tpu.memory_space<hbm>> -> memref<2560x32xf32, #tpu.memory_space<hbm>>
        tpu.enqueue_dma source(%dma_start3A_33 : memref<2560x32xf32, #tpu.memory_space<hbm>>) target(%arg7 : memref<2560x32xf32, #tpu.memory_space<vmem>>) target_semaphore(%run_scoped3A : memref<!tpu.dma_semaphore, #tpu.memory_space<semaphore_mem>>)
        %dma_wait3A = arith.constant 0 : i32
        %dma_wait3A_34 = tpu.memref_slice %arg2[%mul3A_26, %dma_wait3A] : memref<163840x32xf32, #tpu.memory_space<hbm>> -> memref<2560x32xf32, #tpu.memory_space<hbm>>
        %dma_wait3A_35 = arith.constant 0 : i32
        %dma_wait3A_36 = tpu.memref_slice %arg2[%mul3A_26, %dma_wait3A_35] : memref<163840x32xf32, #tpu.memory_space<hbm>> -> memref<2560x32xf32, #tpu.memory_space<hbm>>
        tpu.wait_dma2 semaphore(%run_scoped3A : memref<!tpu.dma_semaphore, #tpu.memory_space<semaphore_mem>>) src(%dma_wait3A_36 : memref<2560x32xf32, #tpu.memory_space<hbm>>) dst(%arg7 : memref<2560x32xf32, #tpu.memory_space<vmem>>)
        tpu.yield
      }) : () -> ()
      %mul3A_27 = arith.constant 20 : i32
      %mul3A_28 = arith.muli %scan3A_19, %mul3A_27 : i32
      %mul3A_29 = arith.constant 128 : i32
      %mul3A_30 = arith.muli %mul3A_28, %mul3A_29 : i32
      "tpu.region"() ({
        %run_scoped3A = tpu.sem_alloc : memref<!tpu.dma_semaphore, #tpu.memory_space<semaphore_mem>>
        %dma_start3A = tpu.memref_slice %arg6[%mul3A_30] : memref<5120xi32, #tpu.memory_space<vmem>> -> memref<2560xi32, #tpu.memory_space<vmem>>
        %dma_start3A_31 = arith.constant 0 : i32
        %dma_start3A_32 = arith.constant 0 : i32
        %dma_start3A_33 = tpu.memref_slice %arg8[%dma_start3A_31, %dma_start3A_32] : memref<10000x32xf32, #tpu.memory_space<vmem_shared>> -> memref<10000x32xf32, #tpu.memory_space<vmem_shared>>
        tpu.enqueue_indirect_dma source(%arg7 : memref<2560x32xf32, #tpu.memory_space<vmem>>) target(%dma_start3A_33 : memref<10000x32xf32, #tpu.memory_space<vmem_shared>>) offsets(%dma_start3A : memref<2560xi32, #tpu.memory_space<vmem>>) semaphore(%run_scoped3A : memref<!tpu.dma_semaphore, #tpu.memory_space<semaphore_mem>>) {add = true}
        %dma_wait3A = tpu.memref_slice %arg6[%mul3A_30] : memref<5120xi32, #tpu.memory_space<vmem>> -> memref<2560xi32, #tpu.memory_space<vmem>>
        %dma_wait3A_34 = arith.constant 0 : i32
        %dma_wait3A_35 = arith.constant 0 : i32
        %dma_wait3A_36 = tpu.memref_slice %arg8[%dma_wait3A_34, %dma_wait3A_35] : memref<10000x32xf32, #tpu.memory_space<vmem_shared>> -> memref<10000x32xf32, #tpu.memory_space<vmem_shared>>
        tpu.wait_indirect_dma semaphore(%run_scoped3A : memref<!tpu.dma_semaphore, #tpu.memory_space<semaphore_mem>>) src(%arg7 : memref<2560x32xf32, #tpu.memory_space<vmem>>) dst(%dma_wait3A_36 : memref<10000x32xf32, #tpu.memory_space<vmem_shared>>)
        tpu.yield
      }) : () -> ()
    }
    %scan3A_13 = arith.constant 2 : i32
    %barrier3A_14 = arith.constant 0 : index
    tpu.barrier barrier_id(%barrier3A_14)
    %mul3A_15 = arith.constant 625 : i32
    %mul3A_16 = arith.muli %arg1, %mul3A_15 : i32
    %mul3A_17 = arith.constant 625 : i32
    %mul3A_18 = arith.muli %arg1, %mul3A_17 : i32
    "tpu.region"() ({
      %run_scoped3A = tpu.sem_alloc : memref<!tpu.dma_semaphore, #tpu.memory_space<semaphore_mem>>
      %dma_start3A = arith.constant 0 : i32
      %dma_start3A_19 = tpu.memref_slice %arg5[%arg0, %mul3A_18, %dma_start3A] : memref<2x10000x32xf32, #tpu.memory_space<hbm>> -> memref<1x625x32xf32, #tpu.memory_space<hbm>>
      %dma_start3A_20 = tpu.memref_squeeze %dma_start3A_19 : memref<1x625x32xf32, #tpu.memory_space<hbm>> -> memref<625x32xf32, #tpu.memory_space<hbm>>
      %dma_start3A_21 = arith.constant 0 : i32
      %dma_start3A_22 = tpu.memref_slice %arg8[%mul3A_16, %dma_start3A_21] : memref<10000x32xf32, #tpu.memory_space<vmem_shared>> -> memref<625x32xf32, #tpu.memory_space<vmem_shared>>
      tpu.enqueue_dma source(%dma_start3A_22 : memref<625x32xf32, #tpu.memory_space<vmem_shared>>) target(%dma_start3A_20 : memref<625x32xf32, #tpu.memory_space<hbm>>) target_semaphore(%run_scoped3A : memref<!tpu.dma_semaphore, #tpu.memory_space<semaphore_mem>>)
      %dma_wait3A = arith.constant 0 : i32
      %dma_wait3A_23 = tpu.memref_slice %arg5[%arg0, %mul3A_18, %dma_wait3A] : memref<2x10000x32xf32, #tpu.memory_space<hbm>> -> memref<1x625x32xf32, #tpu.memory_space<hbm>>
      %dma_wait3A_24 = tpu.memref_squeeze %dma_wait3A_23 : memref<1x625x32xf32, #tpu.memory_space<hbm>> -> memref<625x32xf32, #tpu.memory_space<hbm>>
      %dma_wait3A_25 = arith.constant 0 : i32
      %dma_wait3A_26 = tpu.memref_slice %arg8[%mul3A_16, %dma_wait3A_25] : memref<10000x32xf32, #tpu.memory_space<vmem_shared>> -> memref<625x32xf32, #tpu.memory_space<vmem_shared>>
      tpu.wait_dma2 semaphore(%run_scoped3A : memref<!tpu.dma_semaphore, #tpu.memory_space<semaphore_mem>>) src(%dma_wait3A_26 : memref<625x32xf32, #tpu.memory_space<vmem_shared>>) dst(%dma_wait3A_24 : memref<625x32xf32, #tpu.memory_space<hbm>>)
      tpu.yield
    }) : () -> ()
    return
  }
}

#map = affine_map<(d0, d1) -> (0, 0)>
#map1 = affine_map<(d0, d1) -> (0)>
module attributes {stable_mosaic.version = 14 : i64} {
  func.func @body(%arg0: i32, %arg1: i32, %arg2: memref<10000x32xf32, #tpu.memory_space<hbm>>, %arg3: memref<163840xi32, #tpu.memory_space<hbm>>, %arg4: memref<163840x32xf32, #tpu.memory_space<hbm>>, %arg5: memref<5120xi32, #tpu.memory_space<vmem>>, %arg6: memref<2560x32xf32, #tpu.memory_space<vmem>>, %arg7: memref<!tpu.dma_semaphore, #tpu.memory_space<semaphore_mem>>) attributes {dimension_semantics = [#tpu.dimension_semantics<core_parallel>, #tpu.dimension_semantics<subcore_parallel>], iteration_bounds = array<i64: 2, 16>, scalar_prefetch = 0 : i64, scratch_operands = 3 : i64, tpu.core_type = #tpu.core_type<sc_vector_subcore>, window_params = [{transform_indices = #map}, {transform_indices = #map1}, {transform_indices = #map}]} {
    %mul3A = arith.constant 2 : i32
    %mul3A_0 = arith.muli %arg1, %mul3A : i32
    %add3A = arith.addi %mul3A_0, %arg0 : i32
    %mul3A_1 = arith.constant 40 : i32
    %mul3A_2 = arith.muli %add3A, %mul3A_1 : i32
    %mul3A_3 = arith.constant 128 : i32
    %mul3A_4 = arith.muli %mul3A_2, %mul3A_3 : i32
    "tpu.region"() ({
      %run_scoped3A = tpu.sem_alloc : memref<!tpu.dma_semaphore, #tpu.memory_space<semaphore_mem>>
      %dma_start3A = tpu.memref_slice %arg3[%mul3A_4] : memref<163840xi32, #tpu.memory_space<hbm>> -> memref<5120xi32, #tpu.memory_space<hbm>>
      %dma_start3A_10 = tpu.memref_slice %arg3[%mul3A_4] : memref<163840xi32, #tpu.memory_space<hbm>> -> memref<5120xi32, #tpu.memory_space<hbm>>
      tpu.enqueue_dma source(%dma_start3A_10 : memref<5120xi32, #tpu.memory_space<hbm>>) target(%arg5 : memref<5120xi32, #tpu.memory_space<vmem>>) target_semaphore(%run_scoped3A : memref<!tpu.dma_semaphore, #tpu.memory_space<semaphore_mem>>)
      %dma_wait3A = tpu.memref_slice %arg3[%mul3A_4] : memref<163840xi32, #tpu.memory_space<hbm>> -> memref<5120xi32, #tpu.memory_space<hbm>>
      %dma_wait3A_11 = tpu.memref_slice %arg3[%mul3A_4] : memref<163840xi32, #tpu.memory_space<hbm>> -> memref<5120xi32, #tpu.memory_space<hbm>>
      tpu.wait_dma2 semaphore(%run_scoped3A : memref<!tpu.dma_semaphore, #tpu.memory_space<semaphore_mem>>) src(%dma_wait3A_11 : memref<5120xi32, #tpu.memory_space<hbm>>) dst(%arg5 : memref<5120xi32, #tpu.memory_space<vmem>>)
      tpu.yield
    }) : () -> ()
    %scan3A = arith.constant 0 : i32
    %scan3A_5 = arith.constant 0 : i32
    %scan3A_6 = arith.constant 2 : i32
    %scan3A_7 = arith.addi %scan3A_5, %scan3A_6 : i32
    %scan3A_8 = arith.constant 1 : i32
    scf.for %scan3A_10 = %scan3A_5 to %scan3A_7 step %scan3A_8  : i32 {
      %mul3A_11 = arith.constant 20 : i32
      %mul3A_12 = arith.muli %scan3A_10, %mul3A_11 : i32
      %mul3A_13 = arith.constant 128 : i32
      %mul3A_14 = arith.muli %mul3A_12, %mul3A_13 : i32
      %dma_start3A = tpu.memref_slice %arg5[%mul3A_14] : memref<5120xi32, #tpu.memory_space<vmem>> -> memref<2560xi32, #tpu.memory_space<vmem>>
      %dma_start3A_15 = arith.constant 0 : i32
      %dma_start3A_16 = arith.constant 0 : i32
      %dma_start3A_17 = tpu.memref_slice %arg2[%dma_start3A_15, %dma_start3A_16] : memref<10000x32xf32, #tpu.memory_space<hbm>> -> memref<10000x32xf32, #tpu.memory_space<hbm>>
      tpu.enqueue_indirect_dma source(%dma_start3A_17 : memref<10000x32xf32, #tpu.memory_space<hbm>>) target(%arg6 : memref<2560x32xf32, #tpu.memory_space<vmem>>) offsets(%dma_start3A : memref<2560xi32, #tpu.memory_space<vmem>>) semaphore(%arg7 : memref<!tpu.dma_semaphore, #tpu.memory_space<semaphore_mem>>)
      %dma_wait3A = tpu.memref_slice %arg5[%mul3A_14] : memref<5120xi32, #tpu.memory_space<vmem>> -> memref<2560xi32, #tpu.memory_space<vmem>>
      %dma_wait3A_18 = arith.constant 0 : i32
      %dma_wait3A_19 = arith.constant 0 : i32
      %dma_wait3A_20 = tpu.memref_slice %arg2[%dma_wait3A_18, %dma_wait3A_19] : memref<10000x32xf32, #tpu.memory_space<hbm>> -> memref<10000x32xf32, #tpu.memory_space<hbm>>
      tpu.wait_indirect_dma semaphore(%arg7 : memref<!tpu.dma_semaphore, #tpu.memory_space<semaphore_mem>>) src(%dma_wait3A_20 : memref<10000x32xf32, #tpu.memory_space<hbm>>) dst(%arg6 : memref<2560x32xf32, #tpu.memory_space<vmem>>)
      %mul3A_21 = arith.constant 40 : i32
      %mul3A_22 = arith.muli %add3A, %mul3A_21 : i32
      %mul3A_23 = arith.constant 20 : i32
      %mul3A_24 = arith.muli %scan3A_10, %mul3A_23 : i32
      %add3A_25 = arith.addi %mul3A_22, %mul3A_24 : i32
      %mul3A_26 = arith.constant 128 : i32
      %mul3A_27 = arith.muli %add3A_25, %mul3A_26 : i32
      "tpu.region"() ({
        %run_scoped3A = tpu.sem_alloc : memref<!tpu.dma_semaphore, #tpu.memory_space<semaphore_mem>>
        %dma_start3A_28 = arith.constant 0 : i32
        %dma_start3A_29 = tpu.memref_slice %arg4[%mul3A_27, %dma_start3A_28] : memref<163840x32xf32, #tpu.memory_space<hbm>> -> memref<2560x32xf32, #tpu.memory_space<hbm>>
        %dma_start3A_30 = arith.constant 0 : i32
        %dma_start3A_31 = tpu.memref_slice %arg4[%mul3A_27, %dma_start3A_30] : memref<163840x32xf32, #tpu.memory_space<hbm>> -> memref<2560x32xf32, #tpu.memory_space<hbm>>
        tpu.enqueue_dma source(%arg6 : memref<2560x32xf32, #tpu.memory_space<vmem>>) target(%dma_start3A_31 : memref<2560x32xf32, #tpu.memory_space<hbm>>) target_semaphore(%run_scoped3A : memref<!tpu.dma_semaphore, #tpu.memory_space<semaphore_mem>>)
        %dma_wait3A_32 = arith.constant 0 : i32
        %dma_wait3A_33 = tpu.memref_slice %arg4[%mul3A_27, %dma_wait3A_32] : memref<163840x32xf32, #tpu.memory_space<hbm>> -> memref<2560x32xf32, #tpu.memory_space<hbm>>
        %dma_wait3A_34 = arith.constant 0 : i32
        %dma_wait3A_35 = tpu.memref_slice %arg4[%mul3A_27, %dma_wait3A_34] : memref<163840x32xf32, #tpu.memory_space<hbm>> -> memref<2560x32xf32, #tpu.memory_space<hbm>>
        tpu.wait_dma2 semaphore(%run_scoped3A : memref<!tpu.dma_semaphore, #tpu.memory_space<semaphore_mem>>) src(%arg6 : memref<2560x32xf32, #tpu.memory_space<vmem>>) dst(%dma_wait3A_35 : memref<2560x32xf32, #tpu.memory_space<hbm>>)
        tpu.yield
      }) : () -> ()
    }
    %scan3A_9 = arith.constant 2 : i32
    return
  }
}

#map = affine_map<(d0, d1) -> (0, 0)>
#map1 = affine_map<(d0, d1) -> (0)>
#map2 = affine_map<(d0, d1) -> (0, 0, 0)>
module attributes {stable_mosaic.version = 14 : i64} {
  func.func @body(%arg0: i32, %arg1: i32, %arg2: memref<163840x32xf32, #tpu.memory_space<hbm>>, %arg3: memref<163840xi32, #tpu.memory_space<hbm>>, %arg4: memref<10000x32xf32, #tpu.memory_space<hbm>>, %arg5: memref<2x10000x32xf32, #tpu.memory_space<hbm>>, %arg6: memref<5120xi32, #tpu.memory_space<vmem>>, %arg7: memref<2560x32xf32, #tpu.memory_space<vmem>>, %arg8: memref<10000x32xf32, #tpu.memory_space<vmem_shared>>) attributes {dimension_semantics = [#tpu.dimension_semantics<core_parallel>, #tpu.dimension_semantics<subcore_parallel>], iteration_bounds = array<i64: 2, 16>, scalar_prefetch = 0 : i64, scratch_operands = 3 : i64, tpu.core_type = #tpu.core_type<sc_vector_subcore>, window_params = [{transform_indices = #map}, {transform_indices = #map1}, {transform_indices = #map}, {transform_indices = #map2}]} {
    %mul3A = arith.constant 2 : i32
    %mul3A_0 = arith.muli %arg1, %mul3A : i32
    %add3A = arith.addi %mul3A_0, %arg0 : i32
    %mul3A_1 = arith.constant 625 : i32
    %mul3A_2 = arith.muli %arg1, %mul3A_1 : i32
    %mul3A_3 = arith.constant 625 : i32
    %mul3A_4 = arith.muli %arg1, %mul3A_3 : i32
    "tpu.region"() ({
      %run_scoped3A = tpu.sem_alloc : memref<!tpu.dma_semaphore, #tpu.memory_space<semaphore_mem>>
      %dma_start3A = arith.constant 0 : i32
      %dma_start3A_19 = tpu.memref_slice %arg8[%mul3A_4, %dma_start3A] : memref<10000x32xf32, #tpu.memory_space<vmem_shared>> -> memref<625x32xf32, #tpu.memory_space<vmem_shared>>
      %dma_start3A_20 = arith.constant 0 : i32
      %dma_start3A_21 = tpu.memref_slice %arg4[%mul3A_2, %dma_start3A_20] : memref<10000x32xf32, #tpu.memory_space<hbm>> -> memref<625x32xf32, #tpu.memory_space<hbm>>
      tpu.enqueue_dma source(%dma_start3A_21 : memref<625x32xf32, #tpu.memory_space<hbm>>) target(%dma_start3A_19 : memref<625x32xf32, #tpu.memory_space<vmem_shared>>) target_semaphore(%run_scoped3A : memref<!tpu.dma_semaphore, #tpu.memory_space<semaphore_mem>>)
      %dma_wait3A = arith.constant 0 : i32
      %dma_wait3A_22 = tpu.memref_slice %arg8[%mul3A_4, %dma_wait3A] : memref<10000x32xf32, #tpu.memory_space<vmem_shared>> -> memref<625x32xf32, #tpu.memory_space<vmem_shared>>
      %dma_wait3A_23 = arith.constant 0 : i32
      %dma_wait3A_24 = tpu.memref_slice %arg4[%mul3A_2, %dma_wait3A_23] : memref<10000x32xf32, #tpu.memory_space<hbm>> -> memref<625x32xf32, #tpu.memory_space<hbm>>
      tpu.wait_dma2 semaphore(%run_scoped3A : memref<!tpu.dma_semaphore, #tpu.memory_space<semaphore_mem>>) src(%dma_wait3A_24 : memref<625x32xf32, #tpu.memory_space<hbm>>) dst(%dma_wait3A_22 : memref<625x32xf32, #tpu.memory_space<vmem_shared>>)
      tpu.yield
    }) : () -> ()
    %mul3A_5 = arith.constant 40 : i32
    %mul3A_6 = arith.muli %add3A, %mul3A_5 : i32
    %mul3A_7 = arith.constant 128 : i32
    %mul3A_8 = arith.muli %mul3A_6, %mul3A_7 : i32
    "tpu.region"() ({
      %run_scoped3A = tpu.sem_alloc : memref<!tpu.dma_semaphore, #tpu.memory_space<semaphore_mem>>
      %dma_start3A = tpu.memref_slice %arg3[%mul3A_8] : memref<163840xi32, #tpu.memory_space<hbm>> -> memref<5120xi32, #tpu.memory_space<hbm>>
      %dma_start3A_19 = tpu.memref_slice %arg3[%mul3A_8] : memref<163840xi32, #tpu.memory_space<hbm>> -> memref<5120xi32, #tpu.memory_space<hbm>>
      tpu.enqueue_dma source(%dma_start3A_19 : memref<5120xi32, #tpu.memory_space<hbm>>) target(%arg6 : memref<5120xi32, #tpu.memory_space<vmem>>) target_semaphore(%run_scoped3A : memref<!tpu.dma_semaphore, #tpu.memory_space<semaphore_mem>>)
      %dma_wait3A = tpu.memref_slice %arg3[%mul3A_8] : memref<163840xi32, #tpu.memory_space<hbm>> -> memref<5120xi32, #tpu.memory_space<hbm>>
      %dma_wait3A_20 = tpu.memref_slice %arg3[%mul3A_8] : memref<163840xi32, #tpu.memory_space<hbm>> -> memref<5120xi32, #tpu.memory_space<hbm>>
      tpu.wait_dma2 semaphore(%run_scoped3A : memref<!tpu.dma_semaphore, #tpu.memory_space<semaphore_mem>>) src(%dma_wait3A_20 : memref<5120xi32, #tpu.memory_space<hbm>>) dst(%arg6 : memref<5120xi32, #tpu.memory_space<vmem>>)
      tpu.yield
    }) : () -> ()
    %barrier3A = arith.constant 0 : index
    tpu.barrier barrier_id(%barrier3A)
    %scan3A = arith.constant 0 : i32
    %scan3A_9 = arith.constant 0 : i32
    %scan3A_10 = arith.constant 2 : i32
    %scan3A_11 = arith.addi %scan3A_9, %scan3A_10 : i32
    %scan3A_12 = arith.constant 1 : i32
    scf.for %scan3A_19 = %scan3A_9 to %scan3A_11 step %scan3A_12  : i32 {
      %mul3A_20 = arith.constant 40 : i32
      %mul3A_21 = arith.muli %add3A, %mul3A_20 : i32
      %mul3A_22 = arith.constant 20 : i32
      %mul3A_23 = arith.muli %scan3A_19, %mul3A_22 : i32
      %add3A_24 = arith.addi %mul3A_21, %mul3A_23 : i32
      %mul3A_25 = arith.constant 128 : i32
      %mul3A_26 = arith.muli %add3A_24, %mul3A_25 : i32
      "tpu.region"() ({
        %run_scoped3A = tpu.sem_alloc : memref<!tpu.dma_semaphore, #tpu.memory_space<semaphore_mem>>
        %dma_start3A = arith.constant 0 : i32
        %dma_start3A_31 = tpu.memref_slice %arg2[%mul3A_26, %dma_start3A] : memref<163840x32xf32, #tpu.memory_space<hbm>> -> memref<2560x32xf32, #tpu.memory_space<hbm>>
        %dma_start3A_32 = arith.constant 0 : i32
        %dma_start3A_33 = tpu.memref_slice %arg2[%mul3A_26, %dma_start3A_32] : memref<163840x32xf32, #tpu.memory_space<hbm>> -> memref<2560x32xf32, #tpu.memory_space<hbm>>
        tpu.enqueue_dma source(%dma_start3A_33 : memref<2560x32xf32, #tpu.memory_space<hbm>>) target(%arg7 : memref<2560x32xf32, #tpu.memory_space<vmem>>) target_semaphore(%run_scoped3A : memref<!tpu.dma_semaphore, #tpu.memory_space<semaphore_mem>>)
        %dma_wait3A = arith.constant 0 : i32
        %dma_wait3A_34 = tpu.memref_slice %arg2[%mul3A_26, %dma_wait3A] : memref<163840x32xf32, #tpu.memory_space<hbm>> -> memref<2560x32xf32, #tpu.memory_space<hbm>>
        %dma_wait3A_35 = arith.constant 0 : i32
        %dma_wait3A_36 = tpu.memref_slice %arg2[%mul3A_26, %dma_wait3A_35] : memref<163840x32xf32, #tpu.memory_space<hbm>> -> memref<2560x32xf32, #tpu.memory_space<hbm>>
        tpu.wait_dma2 semaphore(%run_scoped3A : memref<!tpu.dma_semaphore, #tpu.memory_space<semaphore_mem>>) src(%dma_wait3A_36 : memref<2560x32xf32, #tpu.memory_space<hbm>>) dst(%arg7 : memref<2560x32xf32, #tpu.memory_space<vmem>>)
        tpu.yield
      }) : () -> ()
      %mul3A_27 = arith.constant 20 : i32
      %mul3A_28 = arith.muli %scan3A_19, %mul3A_27 : i32
      %mul3A_29 = arith.constant 128 : i32
      %mul3A_30 = arith.muli %mul3A_28, %mul3A_29 : i32
      "tpu.region"() ({
        %run_scoped3A = tpu.sem_alloc : memref<!tpu.dma_semaphore, #tpu.memory_space<semaphore_mem>>
        %dma_start3A = tpu.memref_slice %arg6[%mul3A_30] : memref<5120xi32, #tpu.memory_space<vmem>> -> memref<2560xi32, #tpu.memory_space<vmem>>
        %dma_start3A_31 = arith.constant 0 : i32
        %dma_start3A_32 = arith.constant 0 : i32
        %dma_start3A_33 = tpu.memref_slice %arg8[%dma_start3A_31, %dma_start3A_32] : memref<10000x32xf32, #tpu.memory_space<vmem_shared>> -> memref<10000x32xf32, #tpu.memory_space<vmem_shared>>
        tpu.enqueue_indirect_dma source(%arg7 : memref<2560x32xf32, #tpu.memory_space<vmem>>) target(%dma_start3A_33 : memref<10000x32xf32, #tpu.memory_space<vmem_shared>>) offsets(%dma_start3A : memref<2560xi32, #tpu.memory_space<vmem>>) semaphore(%run_scoped3A : memref<!tpu.dma_semaphore, #tpu.memory_space<semaphore_mem>>) {add = true}
        %dma_wait3A = tpu.memref_slice %arg6[%mul3A_30] : memref<5120xi32, #tpu.memory_space<vmem>> -> memref<2560xi32, #tpu.memory_space<vmem>>
        %dma_wait3A_34 = arith.constant 0 : i32
        %dma_wait3A_35 = arith.constant 0 : i32
        %dma_wait3A_36 = tpu.memref_slice %arg8[%dma_wait3A_34, %dma_wait3A_35] : memref<10000x32xf32, #tpu.memory_space<vmem_shared>> -> memref<10000x32xf32, #tpu.memory_space<vmem_shared>>
        tpu.wait_indirect_dma semaphore(%run_scoped3A : memref<!tpu.dma_semaphore, #tpu.memory_space<semaphore_mem>>) src(%arg7 : memref<2560x32xf32, #tpu.memory_space<vmem>>) dst(%dma_wait3A_36 : memref<10000x32xf32, #tpu.memory_space<vmem_shared>>)
        tpu.yield
      }) : () -> ()
    }
    %scan3A_13 = arith.constant 2 : i32
    %barrier3A_14 = arith.constant 0 : index
    tpu.barrier barrier_id(%barrier3A_14)
    %mul3A_15 = arith.constant 625 : i32
    %mul3A_16 = arith.muli %arg1, %mul3A_15 : i32
    %mul3A_17 = arith.constant 625 : i32
    %mul3A_18 = arith.muli %arg1, %mul3A_17 : i32
    "tpu.region"() ({
      %run_scoped3A = tpu.sem_alloc : memref<!tpu.dma_semaphore, #tpu.memory_space<semaphore_mem>>
      %dma_start3A = arith.constant 0 : i32
      %dma_start3A_19 = tpu.memref_slice %arg5[%arg0, %mul3A_18, %dma_start3A] : memref<2x10000x32xf32, #tpu.memory_space<hbm>> -> memref<1x625x32xf32, #tpu.memory_space<hbm>>
      %dma_start3A_20 = tpu.memref_squeeze %dma_start3A_19 : memref<1x625x32xf32, #tpu.memory_space<hbm>> -> memref<625x32xf32, #tpu.memory_space<hbm>>
      %dma_start3A_21 = arith.constant 0 : i32
      %dma_start3A_22 = tpu.memref_slice %arg8[%mul3A_16, %dma_start3A_21] : memref<10000x32xf32, #tpu.memory_space<vmem_shared>> -> memref<625x32xf32, #tpu.memory_space<vmem_shared>>
      tpu.enqueue_dma source(%dma_start3A_22 : memref<625x32xf32, #tpu.memory_space<vmem_shared>>) target(%dma_start3A_20 : memref<625x32xf32, #tpu.memory_space<hbm>>) target_semaphore(%run_scoped3A : memref<!tpu.dma_semaphore, #tpu.memory_space<semaphore_mem>>)
      %dma_wait3A = arith.constant 0 : i32
      %dma_wait3A_23 = tpu.memref_slice %arg5[%arg0, %mul3A_18, %dma_wait3A] : memref<2x10000x32xf32, #tpu.memory_space<hbm>> -> memref<1x625x32xf32, #tpu.memory_space<hbm>>
      %dma_wait3A_24 = tpu.memref_squeeze %dma_wait3A_23 : memref<1x625x32xf32, #tpu.memory_space<hbm>> -> memref<625x32xf32, #tpu.memory_space<hbm>>
      %dma_wait3A_25 = arith.constant 0 : i32
      %dma_wait3A_26 = tpu.memref_slice %arg8[%mul3A_16, %dma_wait3A_25] : memref<10000x32xf32, #tpu.memory_space<vmem_shared>> -> memref<625x32xf32, #tpu.memory_space<vmem_shared>>
      tpu.wait_dma2 semaphore(%run_scoped3A : memref<!tpu.dma_semaphore, #tpu.memory_space<semaphore_mem>>) src(%dma_wait3A_26 : memref<625x32xf32, #tpu.memory_space<vmem_shared>>) dst(%dma_wait3A_24 : memref<625x32xf32, #tpu.memory_space<hbm>>)
      tpu.yield
    }) : () -> ()
    return
  }
}

#map = affine_map<(d0, d1) -> (0, 0)>
#map1 = affine_map<(d0, d1) -> (0)>
#map2 = affine_map<(d0, d1) -> (0, 0, 0)>
module attributes {stable_mosaic.version = 14 : i64} {
  func.func @body(%arg0: i32, %arg1: i32, %arg2: memref<327680x16xf32, #tpu.memory_space<hbm>>, %arg3: memref<327680xi32, #tpu.memory_space<hbm>>, %arg4: memref<10000x16xf32, #tpu.memory_space<hbm>>, %arg5: memref<2x10000x16xf32, #tpu.memory_space<hbm>>, %arg6: memref<10240xi32, #tpu.memory_space<vmem>>, %arg7: memref<5120x16xf32, #tpu.memory_space<vmem>>, %arg8: memref<10000x16xf32, #tpu.memory_space<vmem_shared>>) attributes {dimension_semantics = [#tpu.dimension_semantics<core_parallel>, #tpu.dimension_semantics<subcore_parallel>], iteration_bounds = array<i64: 2, 16>, scalar_prefetch = 0 : i64, scratch_operands = 3 : i64, tpu.core_type = #tpu.core_type<sc_vector_subcore>, window_params = [{transform_indices = #map}, {transform_indices = #map1}, {transform_indices = #map}, {transform_indices = #map2}]} {
    %mul3A = arith.constant 2 : i32
    %mul3A_0 = arith.muli %arg1, %mul3A : i32
    %add3A = arith.addi %mul3A_0, %arg0 : i32
    %mul3A_1 = arith.constant 625 : i32
    %mul3A_2 = arith.muli %arg1, %mul3A_1 : i32
    %mul3A_3 = arith.constant 625 : i32
    %mul3A_4 = arith.muli %arg1, %mul3A_3 : i32
    "tpu.region"() ({
      %run_scoped3A = tpu.sem_alloc : memref<!tpu.dma_semaphore, #tpu.memory_space<semaphore_mem>>
      %dma_start3A = arith.constant 0 : i32
      %dma_start3A_19 = tpu.memref_slice %arg8[%mul3A_4, %dma_start3A] : memref<10000x16xf32, #tpu.memory_space<vmem_shared>> -> memref<625x16xf32, #tpu.memory_space<vmem_shared>>
      %dma_start3A_20 = arith.constant 0 : i32
      %dma_start3A_21 = tpu.memref_slice %arg4[%mul3A_2, %dma_start3A_20] : memref<10000x16xf32, #tpu.memory_space<hbm>> -> memref<625x16xf32, #tpu.memory_space<hbm>>
      tpu.enqueue_dma source(%dma_start3A_21 : memref<625x16xf32, #tpu.memory_space<hbm>>) target(%dma_start3A_19 : memref<625x16xf32, #tpu.memory_space<vmem_shared>>) target_semaphore(%run_scoped3A : memref<!tpu.dma_semaphore, #tpu.memory_space<semaphore_mem>>)
      %dma_wait3A = arith.constant 0 : i32
      %dma_wait3A_22 = tpu.memref_slice %arg8[%mul3A_4, %dma_wait3A] : memref<10000x16xf32, #tpu.memory_space<vmem_shared>> -> memref<625x16xf32, #tpu.memory_space<vmem_shared>>
      %dma_wait3A_23 = arith.constant 0 : i32
      %dma_wait3A_24 = tpu.memref_slice %arg4[%mul3A_2, %dma_wait3A_23] : memref<10000x16xf32, #tpu.memory_space<hbm>> -> memref<625x16xf32, #tpu.memory_space<hbm>>
      tpu.wait_dma2 semaphore(%run_scoped3A : memref<!tpu.dma_semaphore, #tpu.memory_space<semaphore_mem>>) src(%dma_wait3A_24 : memref<625x16xf32, #tpu.memory_space<hbm>>) dst(%dma_wait3A_22 : memref<625x16xf32, #tpu.memory_space<vmem_shared>>)
      tpu.yield
    }) : () -> ()
    %mul3A_5 = arith.constant 80 : i32
    %mul3A_6 = arith.muli %add3A, %mul3A_5 : i32
    %mul3A_7 = arith.constant 128 : i32
    %mul3A_8 = arith.muli %mul3A_6, %mul3A_7 : i32
    "tpu.region"() ({
      %run_scoped3A = tpu.sem_alloc : memref<!tpu.dma_semaphore, #tpu.memory_space<semaphore_mem>>
      %dma_start3A = tpu.memref_slice %arg3[%mul3A_8] : memref<327680xi32, #tpu.memory_space<hbm>> -> memref<10240xi32, #tpu.memory_space<hbm>>
      %dma_start3A_19 = tpu.memref_slice %arg3[%mul3A_8] : memref<327680xi32, #tpu.memory_space<hbm>> -> memref<10240xi32, #tpu.memory_space<hbm>>
      tpu.enqueue_dma source(%dma_start3A_19 : memref<10240xi32, #tpu.memory_space<hbm>>) target(%arg6 : memref<10240xi32, #tpu.memory_space<vmem>>) target_semaphore(%run_scoped3A : memref<!tpu.dma_semaphore, #tpu.memory_space<semaphore_mem>>)
      %dma_wait3A = tpu.memref_slice %arg3[%mul3A_8] : memref<327680xi32, #tpu.memory_space<hbm>> -> memref<10240xi32, #tpu.memory_space<hbm>>
      %dma_wait3A_20 = tpu.memref_slice %arg3[%mul3A_8] : memref<327680xi32, #tpu.memory_space<hbm>> -> memref<10240xi32, #tpu.memory_space<hbm>>
      tpu.wait_dma2 semaphore(%run_scoped3A : memref<!tpu.dma_semaphore, #tpu.memory_space<semaphore_mem>>) src(%dma_wait3A_20 : memref<10240xi32, #tpu.memory_space<hbm>>) dst(%arg6 : memref<10240xi32, #tpu.memory_space<vmem>>)
      tpu.yield
    }) : () -> ()
    %barrier3A = arith.constant 0 : index
    tpu.barrier barrier_id(%barrier3A)
    %scan3A = arith.constant 0 : i32
    %scan3A_9 = arith.constant 0 : i32
    %scan3A_10 = arith.constant 2 : i32
    %scan3A_11 = arith.addi %scan3A_9, %scan3A_10 : i32
    %scan3A_12 = arith.constant 1 : i32
    scf.for %scan3A_19 = %scan3A_9 to %scan3A_11 step %scan3A_12  : i32 {
      %mul3A_20 = arith.constant 80 : i32
      %mul3A_21 = arith.muli %add3A, %mul3A_20 : i32
      %mul3A_22 = arith.constant 40 : i32
      %mul3A_23 = arith.muli %scan3A_19, %mul3A_22 : i32
      %add3A_24 = arith.addi %mul3A_21, %mul3A_23 : i32
      %mul3A_25 = arith.constant 128 : i32
      %mul3A_26 = arith.muli %add3A_24, %mul3A_25 : i32
      "tpu.region"() ({
        %run_scoped3A = tpu.sem_alloc : memref<!tpu.dma_semaphore, #tpu.memory_space<semaphore_mem>>
        %dma_start3A = arith.constant 0 : i32
        %dma_start3A_31 = tpu.memref_slice %arg2[%mul3A_26, %dma_start3A] : memref<327680x16xf32, #tpu.memory_space<hbm>> -> memref<5120x16xf32, #tpu.memory_space<hbm>>
        %dma_start3A_32 = arith.constant 0 : i32
        %dma_start3A_33 = tpu.memref_slice %arg2[%mul3A_26, %dma_start3A_32] : memref<327680x16xf32, #tpu.memory_space<hbm>> -> memref<5120x16xf32, #tpu.memory_space<hbm>>
        tpu.enqueue_dma source(%dma_start3A_33 : memref<5120x16xf32, #tpu.memory_space<hbm>>) target(%arg7 : memref<5120x16xf32, #tpu.memory_space<vmem>>) target_semaphore(%run_scoped3A : memref<!tpu.dma_semaphore, #tpu.memory_space<semaphore_mem>>)
        %dma_wait3A = arith.constant 0 : i32
        %dma_wait3A_34 = tpu.memref_slice %arg2[%mul3A_26, %dma_wait3A] : memref<327680x16xf32, #tpu.memory_space<hbm>> -> memref<5120x16xf32, #tpu.memory_space<hbm>>
        %dma_wait3A_35 = arith.constant 0 : i32
        %dma_wait3A_36 = tpu.memref_slice %arg2[%mul3A_26, %dma_wait3A_35] : memref<327680x16xf32, #tpu.memory_space<hbm>> -> memref<5120x16xf32, #tpu.memory_space<hbm>>
        tpu.wait_dma2 semaphore(%run_scoped3A : memref<!tpu.dma_semaphore, #tpu.memory_space<semaphore_mem>>) src(%dma_wait3A_36 : memref<5120x16xf32, #tpu.memory_space<hbm>>) dst(%arg7 : memref<5120x16xf32, #tpu.memory_space<vmem>>)
        tpu.yield
      }) : () -> ()
      %mul3A_27 = arith.constant 40 : i32
      %mul3A_28 = arith.muli %scan3A_19, %mul3A_27 : i32
      %mul3A_29 = arith.constant 128 : i32
      %mul3A_30 = arith.muli %mul3A_28, %mul3A_29 : i32
      "tpu.region"() ({
        %run_scoped3A = tpu.sem_alloc : memref<!tpu.dma_semaphore, #tpu.memory_space<semaphore_mem>>
        %dma_start3A = tpu.memref_slice %arg6[%mul3A_30] : memref<10240xi32, #tpu.memory_space<vmem>> -> memref<5120xi32, #tpu.memory_space<vmem>>
        %dma_start3A_31 = arith.constant 0 : i32
        %dma_start3A_32 = arith.constant 0 : i32
        %dma_start3A_33 = tpu.memref_slice %arg8[%dma_start3A_31, %dma_start3A_32] : memref<10000x16xf32, #tpu.memory_space<vmem_shared>> -> memref<10000x16xf32, #tpu.memory_space<vmem_shared>>
        tpu.enqueue_indirect_dma source(%arg7 : memref<5120x16xf32, #tpu.memory_space<vmem>>) target(%dma_start3A_33 : memref<10000x16xf32, #tpu.memory_space<vmem_shared>>) offsets(%dma_start3A : memref<5120xi32, #tpu.memory_space<vmem>>) semaphore(%run_scoped3A : memref<!tpu.dma_semaphore, #tpu.memory_space<semaphore_mem>>) {add = true}
        %dma_wait3A = tpu.memref_slice %arg6[%mul3A_30] : memref<10240xi32, #tpu.memory_space<vmem>> -> memref<5120xi32, #tpu.memory_space<vmem>>
        %dma_wait3A_34 = arith.constant 0 : i32
        %dma_wait3A_35 = arith.constant 0 : i32
        %dma_wait3A_36 = tpu.memref_slice %arg8[%dma_wait3A_34, %dma_wait3A_35] : memref<10000x16xf32, #tpu.memory_space<vmem_shared>> -> memref<10000x16xf32, #tpu.memory_space<vmem_shared>>
        tpu.wait_indirect_dma semaphore(%run_scoped3A : memref<!tpu.dma_semaphore, #tpu.memory_space<semaphore_mem>>) src(%arg7 : memref<5120x16xf32, #tpu.memory_space<vmem>>) dst(%dma_wait3A_36 : memref<10000x16xf32, #tpu.memory_space<vmem_shared>>)
        tpu.yield
      }) : () -> ()
    }
    %scan3A_13 = arith.constant 2 : i32
    %barrier3A_14 = arith.constant 0 : index
    tpu.barrier barrier_id(%barrier3A_14)
    %mul3A_15 = arith.constant 625 : i32
    %mul3A_16 = arith.muli %arg1, %mul3A_15 : i32
    %mul3A_17 = arith.constant 625 : i32
    %mul3A_18 = arith.muli %arg1, %mul3A_17 : i32
    "tpu.region"() ({
      %run_scoped3A = tpu.sem_alloc : memref<!tpu.dma_semaphore, #tpu.memory_space<semaphore_mem>>
      %dma_start3A = arith.constant 0 : i32
      %dma_start3A_19 = tpu.memref_slice %arg5[%arg0, %mul3A_18, %dma_start3A] : memref<2x10000x16xf32, #tpu.memory_space<hbm>> -> memref<1x625x16xf32, #tpu.memory_space<hbm>>
      %dma_start3A_20 = tpu.memref_squeeze %dma_start3A_19 : memref<1x625x16xf32, #tpu.memory_space<hbm>> -> memref<625x16xf32, #tpu.memory_space<hbm>>
      %dma_start3A_21 = arith.constant 0 : i32
      %dma_start3A_22 = tpu.memref_slice %arg8[%mul3A_16, %dma_start3A_21] : memref<10000x16xf32, #tpu.memory_space<vmem_shared>> -> memref<625x16xf32, #tpu.memory_space<vmem_shared>>
      tpu.enqueue_dma source(%dma_start3A_22 : memref<625x16xf32, #tpu.memory_space<vmem_shared>>) target(%dma_start3A_20 : memref<625x16xf32, #tpu.memory_space<hbm>>) target_semaphore(%run_scoped3A : memref<!tpu.dma_semaphore, #tpu.memory_space<semaphore_mem>>)
      %dma_wait3A = arith.constant 0 : i32
      %dma_wait3A_23 = tpu.memref_slice %arg5[%arg0, %mul3A_18, %dma_wait3A] : memref<2x10000x16xf32, #tpu.memory_space<hbm>> -> memref<1x625x16xf32, #tpu.memory_space<hbm>>
      %dma_wait3A_24 = tpu.memref_squeeze %dma_wait3A_23 : memref<1x625x16xf32, #tpu.memory_space<hbm>> -> memref<625x16xf32, #tpu.memory_space<hbm>>
      %dma_wait3A_25 = arith.constant 0 : i32
      %dma_wait3A_26 = tpu.memref_slice %arg8[%mul3A_16, %dma_wait3A_25] : memref<10000x16xf32, #tpu.memory_space<vmem_shared>> -> memref<625x16xf32, #tpu.memory_space<vmem_shared>>
      tpu.wait_dma2 semaphore(%run_scoped3A : memref<!tpu.dma_semaphore, #tpu.memory_space<semaphore_mem>>) src(%dma_wait3A_26 : memref<625x16xf32, #tpu.memory_space<vmem_shared>>) dst(%dma_wait3A_24 : memref<625x16xf32, #tpu.memory_space<hbm>>)
      tpu.yield
    }) : () -> ()
    return
  }
}

#map = affine_map<(d0, d1) -> (0, 0)>
#map1 = affine_map<(d0, d1) -> (0)>
module attributes {stable_mosaic.version = 14 : i64} {
  func.func @body(%arg0: i32, %arg1: i32, %arg2: memref<10000x32xf32, #tpu.memory_space<hbm>>, %arg3: memref<163840xi32, #tpu.memory_space<hbm>>, %arg4: memref<163840x32xf32, #tpu.memory_space<hbm>>, %arg5: memref<5120xi32, #tpu.memory_space<vmem>>, %arg6: memref<2560x32xf32, #tpu.memory_space<vmem>>, %arg7: memref<!tpu.dma_semaphore, #tpu.memory_space<semaphore_mem>>) attributes {dimension_semantics = [#tpu.dimension_semantics<core_parallel>, #tpu.dimension_semantics<subcore_parallel>], iteration_bounds = array<i64: 2, 16>, scalar_prefetch = 0 : i64, scratch_operands = 3 : i64, tpu.core_type = #tpu.core_type<sc_vector_subcore>, window_params = [{transform_indices = #map}, {transform_indices = #map1}, {transform_indices = #map}]} {
    %mul3A = arith.constant 2 : i32
    %mul3A_0 = arith.muli %arg1, %mul3A : i32
    %add3A = arith.addi %mul3A_0, %arg0 : i32
    %mul3A_1 = arith.constant 40 : i32
    %mul3A_2 = arith.muli %add3A, %mul3A_1 : i32
    %mul3A_3 = arith.constant 128 : i32
    %mul3A_4 = arith.muli %mul3A_2, %mul3A_3 : i32
    "tpu.region"() ({
      %run_scoped3A = tpu.sem_alloc : memref<!tpu.dma_semaphore, #tpu.memory_space<semaphore_mem>>
      %dma_start3A = tpu.memref_slice %arg3[%mul3A_4] : memref<163840xi32, #tpu.memory_space<hbm>> -> memref<5120xi32, #tpu.memory_space<hbm>>
      %dma_start3A_10 = tpu.memref_slice %arg3[%mul3A_4] : memref<163840xi32, #tpu.memory_space<hbm>> -> memref<5120xi32, #tpu.memory_space<hbm>>
      tpu.enqueue_dma source(%dma_start3A_10 : memref<5120xi32, #tpu.memory_space<hbm>>) target(%arg5 : memref<5120xi32, #tpu.memory_space<vmem>>) target_semaphore(%run_scoped3A : memref<!tpu.dma_semaphore, #tpu.memory_space<semaphore_mem>>)
      %dma_wait3A = tpu.memref_slice %arg3[%mul3A_4] : memref<163840xi32, #tpu.memory_space<hbm>> -> memref<5120xi32, #tpu.memory_space<hbm>>
      %dma_wait3A_11 = tpu.memref_slice %arg3[%mul3A_4] : memref<163840xi32, #tpu.memory_space<hbm>> -> memref<5120xi32, #tpu.memory_space<hbm>>
      tpu.wait_dma2 semaphore(%run_scoped3A : memref<!tpu.dma_semaphore, #tpu.memory_space<semaphore_mem>>) src(%dma_wait3A_11 : memref<5120xi32, #tpu.memory_space<hbm>>) dst(%arg5 : memref<5120xi32, #tpu.memory_space<vmem>>)
      tpu.yield
    }) : () -> ()
    %scan3A = arith.constant 0 : i32
    %scan3A_5 = arith.constant 0 : i32
    %scan3A_6 = arith.constant 2 : i32
    %scan3A_7 = arith.addi %scan3A_5, %scan3A_6 : i32
    %scan3A_8 = arith.constant 1 : i32
    scf.for %scan3A_10 = %scan3A_5 to %scan3A_7 step %scan3A_8  : i32 {
      %mul3A_11 = arith.constant 20 : i32
      %mul3A_12 = arith.muli %scan3A_10, %mul3A_11 : i32
      %mul3A_13 = arith.constant 128 : i32
      %mul3A_14 = arith.muli %mul3A_12, %mul3A_13 : i32
      %dma_start3A = tpu.memref_slice %arg5[%mul3A_14] : memref<5120xi32, #tpu.memory_space<vmem>> -> memref<2560xi32, #tpu.memory_space<vmem>>
      %dma_start3A_15 = arith.constant 0 : i32
      %dma_start3A_16 = arith.constant 0 : i32
      %dma_start3A_17 = tpu.memref_slice %arg2[%dma_start3A_15, %dma_start3A_16] : memref<10000x32xf32, #tpu.memory_space<hbm>> -> memref<10000x32xf32, #tpu.memory_space<hbm>>
      tpu.enqueue_indirect_dma source(%dma_start3A_17 : memref<10000x32xf32, #tpu.memory_space<hbm>>) target(%arg6 : memref<2560x32xf32, #tpu.memory_space<vmem>>) offsets(%dma_start3A : memref<2560xi32, #tpu.memory_space<vmem>>) semaphore(%arg7 : memref<!tpu.dma_semaphore, #tpu.memory_space<semaphore_mem>>)
      %dma_wait3A = tpu.memref_slice %arg5[%mul3A_14] : memref<5120xi32, #tpu.memory_space<vmem>> -> memref<2560xi32, #tpu.memory_space<vmem>>
      %dma_wait3A_18 = arith.constant 0 : i32
      %dma_wait3A_19 = arith.constant 0 : i32
      %dma_wait3A_20 = tpu.memref_slice %arg2[%dma_wait3A_18, %dma_wait3A_19] : memref<10000x32xf32, #tpu.memory_space<hbm>> -> memref<10000x32xf32, #tpu.memory_space<hbm>>
      tpu.wait_indirect_dma semaphore(%arg7 : memref<!tpu.dma_semaphore, #tpu.memory_space<semaphore_mem>>) src(%dma_wait3A_20 : memref<10000x32xf32, #tpu.memory_space<hbm>>) dst(%arg6 : memref<2560x32xf32, #tpu.memory_space<vmem>>)
      %mul3A_21 = arith.constant 40 : i32
      %mul3A_22 = arith.muli %add3A, %mul3A_21 : i32
      %mul3A_23 = arith.constant 20 : i32
      %mul3A_24 = arith.muli %scan3A_10, %mul3A_23 : i32
      %add3A_25 = arith.addi %mul3A_22, %mul3A_24 : i32
      %mul3A_26 = arith.constant 128 : i32
      %mul3A_27 = arith.muli %add3A_25, %mul3A_26 : i32
      "tpu.region"() ({
        %run_scoped3A = tpu.sem_alloc : memref<!tpu.dma_semaphore, #tpu.memory_space<semaphore_mem>>
        %dma_start3A_28 = arith.constant 0 : i32
        %dma_start3A_29 = tpu.memref_slice %arg4[%mul3A_27, %dma_start3A_28] : memref<163840x32xf32, #tpu.memory_space<hbm>> -> memref<2560x32xf32, #tpu.memory_space<hbm>>
        %dma_start3A_30 = arith.constant 0 : i32
        %dma_start3A_31 = tpu.memref_slice %arg4[%mul3A_27, %dma_start3A_30] : memref<163840x32xf32, #tpu.memory_space<hbm>> -> memref<2560x32xf32, #tpu.memory_space<hbm>>
        tpu.enqueue_dma source(%arg6 : memref<2560x32xf32, #tpu.memory_space<vmem>>) target(%dma_start3A_31 : memref<2560x32xf32, #tpu.memory_space<hbm>>) target_semaphore(%run_scoped3A : memref<!tpu.dma_semaphore, #tpu.memory_space<semaphore_mem>>)
        %dma_wait3A_32 = arith.constant 0 : i32
        %dma_wait3A_33 = tpu.memref_slice %arg4[%mul3A_27, %dma_wait3A_32] : memref<163840x32xf32, #tpu.memory_space<hbm>> -> memref<2560x32xf32, #tpu.memory_space<hbm>>
        %dma_wait3A_34 = arith.constant 0 : i32
        %dma_wait3A_35 = tpu.memref_slice %arg4[%mul3A_27, %dma_wait3A_34] : memref<163840x32xf32, #tpu.memory_space<hbm>> -> memref<2560x32xf32, #tpu.memory_space<hbm>>
        tpu.wait_dma2 semaphore(%run_scoped3A : memref<!tpu.dma_semaphore, #tpu.memory_space<semaphore_mem>>) src(%arg6 : memref<2560x32xf32, #tpu.memory_space<vmem>>) dst(%dma_wait3A_35 : memref<2560x32xf32, #tpu.memory_space<hbm>>)
        tpu.yield
      }) : () -> ()
    }
    %scan3A_9 = arith.constant 2 : i32
    return
  }
}

module attributes {stable_mosaic.version = 14 : i64} {
  func.func @body(%arg0: i32, %arg1: memref<1000x10xf32, #tpu.memory_space<vmem>>, %arg2: memref<10x32xf32, #tpu.memory_space<vmem>>, %arg3: memref<10x1xf32, #tpu.memory_space<vmem>>, %arg4: memref<1000x32xf32, #tpu.memory_space<vmem>>, %arg5: memref<1000x1xf32, #tpu.memory_space<vmem>>) attributes {dimension_semantics = [#tpu.dimension_semantics<arbitrary>], iteration_bounds = array<i64: 10>, scalar_prefetch = 0 : i64, scratch_operands = 0 : i64, tpu.core_type = #tpu.core_type<tc>, window_params = [{transform_indices = @transform_0, window_bounds = array<i64: 1000, 10>}, {pipeline_mode = #tpu.pipeline_mode<synchronous>, transform_indices = @transform_1, window_bounds = array<i64: 10, 32>}, {pipeline_mode = #tpu.pipeline_mode<synchronous>, transform_indices = @transform_2, window_bounds = array<i64: 10, 1>}, {transform_indices = @transform_3, window_bounds = array<i64: 1000, 32>}, {transform_indices = @transform_4, window_bounds = array<i64: 1000, 1>}]} {
    %get3A = arith.constant 0 : index
    %get3A_0 = arith.constant 0 : index
    %get3A_1 = vector.load %arg1[%get3A, %get3A_0] : memref<1000x10xf32, #tpu.memory_space<vmem>>, vector<1000x10xf32>
    %get3A_2 = arith.constant 0 : index
    %get3A_3 = arith.constant 0 : index
    %get3A_4 = vector.load %arg2[%get3A_2, %get3A_3] : memref<10x32xf32, #tpu.memory_space<vmem>>, vector<10x32xf32>
    %dot_general3A = arith.constant dense<0.000000e+00> : vector<1000x32xf32>
    %dot_general3A_5 = tpu.matmul %get3A_1, %get3A_4, %dot_general3A {dimension_numbers = #tpu.dot_dimension_numbers<[1], [0], [0], [1], [0, 0, 1, 1], [], []>, transpose_lhs_hint = false} : vector<1000x10xf32>, vector<10x32xf32>, vector<1000x32xf32> -> vector<1000x32xf32>
    %swap3A = arith.constant 0 : index
    %swap3A_6 = arith.constant 0 : index
    %swap3A_7 = vector.load %arg4[%swap3A, %swap3A_6] : memref<1000x32xf32, #tpu.memory_space<vmem>>, vector<1000x32xf32>
    tpu.vector_store %arg4[%swap3A, %swap3A_6], %dot_general3A_5 {strides = array<i32>} : memref<1000x32xf32, #tpu.memory_space<vmem>>, vector<1000x32xf32>,
    %get3A_8 = arith.constant 0 : index
    %get3A_9 = arith.constant 0 : index
    %get3A_10 = vector.load %arg3[%get3A_8, %get3A_9] : memref<10x1xf32, #tpu.memory_space<vmem>>, vector<10x1xf32>
    %dot_general3A_11 = arith.constant dense<0.000000e+00> : vector<1000x1xf32>
    %dot_general3A_12 = tpu.matmul %get3A_1, %get3A_10, %dot_general3A_11 {dimension_numbers = #tpu.dot_dimension_numbers<[1], [0], [0], [1], [0, 0, 1, 1], [], []>, transpose_lhs_hint = false} : vector<1000x10xf32>, vector<10x1xf32>, vector<1000x1xf32> -> vector<1000x1xf32>
    %swap3A_13 = arith.constant 0 : index
    %swap3A_14 = arith.constant 0 : index
    %swap3A_15 = vector.load %arg5[%swap3A_13, %swap3A_14] : memref<1000x1xf32, #tpu.memory_space<vmem>>, vector<1000x1xf32>
    tpu.vector_store %arg5[%swap3A_13, %swap3A_14], %dot_general3A_12 {strides = array<i32>} : memref<1000x1xf32, #tpu.memory_space<vmem>>, vector<1000x1xf32>,
    return
  }
  func.func @transform_0(%arg0: i32) -> (i32, i32) {
    %c0_i32 = arith.constant 0 : i32
    %c0_i32_0 = arith.constant 0 : i32
    return %arg0, %c0_i32 : i32, i32
  }
  func.func @transform_1(%arg0: i32) -> (i32, i32) {
    %c0_i32 = arith.constant 0 : i32
    %c0_i32_0 = arith.constant 0 : i32
    %c0_i32_1 = arith.constant 0 : i32
    return %c0_i32, %c0_i32_0 : i32, i32
  }
  func.func @transform_2(%arg0: i32) -> (i32, i32) {
    %c0_i32 = arith.constant 0 : i32
    %c0_i32_0 = arith.constant 0 : i32
    %c0_i32_1 = arith.constant 0 : i32
    return %c0_i32, %c0_i32_0 : i32, i32
  }
  func.func @transform_3(%arg0: i32) -> (i32, i32) {
    %c0_i32 = arith.constant 0 : i32
    %c0_i32_0 = arith.constant 0 : i32
    return %arg0, %c0_i32 : i32, i32
  }
  func.func @transform_4(%arg0: i32) -> (i32, i32) {
    %c0_i32 = arith.constant 0 : i32
    %c0_i32_0 = arith.constant 0 : i32
    return %arg0, %c0_i32 : i32, i32
  }
}

module attributes {stable_mosaic.version = 14 : i64} {
  func.func @body(%arg0: i32, %arg1: memref<2x2048x8xf32, #tpu.memory_space<vmem>>, %arg2: memref<4x2048xf32, #tpu.memory_space<vmem>>, %arg3: memref<4x2048xf32, #tpu.memory_space<vmem>>, %arg4: memref<8x2048xf32, #tpu.memory_space<vmem>>, %arg5: memref<8x2048xf32, #tpu.memory_space<vmem>>) attributes {dimension_semantics = [#tpu.dimension_semantics<arbitrary>], iteration_bounds = array<i64: 80>, scalar_prefetch = 0 : i64, scratch_operands = 0 : i64, tpu.core_type = #tpu.core_type<tc>, window_params = [{transform_indices = @transform_0, window_bounds = array<i64: 2, 2048, 8>}, {transform_indices = @transform_1, window_bounds = array<i64: 4, 2048>}, {transform_indices = @transform_2, window_bounds = array<i64: 4, 2048>}, {transform_indices = @transform_3, window_bounds = array<i64: 8, 2048>}, {transform_indices = @transform_4, window_bounds = array<i64: 8, 2048>}]} {
    %get3A = arith.constant 1 : index
    %get3A_0 = arith.constant 0 : index
    %get3A_1 = arith.constant 0 : index
    %get3A_2 = vector.load %arg1[%get3A, %get3A_0, %get3A_1] : memref<2x2048x8xf32, #tpu.memory_space<vmem>>, vector<1x2048x8xf32>
    %get3A_3 = vector.shape_cast %get3A_2 : vector<1x2048x8xf32> to vector<2048x8xf32>
    %get3A_4 = arith.constant 0 : index
    %get3A_5 = arith.constant 0 : index
    %get3A_6 = arith.constant 0 : index
    %get3A_7 = vector.load %arg1[%get3A_4, %get3A_5, %get3A_6] : memref<2x2048x8xf32, #tpu.memory_space<vmem>>, vector<1x2048x8xf32>
    %get3A_8 = vector.shape_cast %get3A_7 : vector<1x2048x8xf32> to vector<2048x8xf32>
    %sub3A = arith.subf %get3A_3, %get3A_8 : vector<2048x8xf32>
    %transpose3A = tpu.transpose %sub3A, [1, 0] : vector<2048x8xf32> -> vector<8x2048xf32>
    %slice3A = vector.extract_strided_slice %transpose3A {offsets = [0, 0], sizes = [3, 2048], strides = [1, 1]} : vector<8x2048xf32> to vector<3x2048xf32>
    %get3A_9 = arith.constant 0 : index
    %get3A_10 = arith.constant 0 : index
    %get3A_11 = vector.load %arg2[%get3A_9, %get3A_10] : memref<4x2048xf32, #tpu.memory_space<vmem>>, vector<3x2048xf32>
    %add3A = arith.addf %slice3A, %get3A_11 : vector<3x2048xf32>
    %mul3A = arith.mulf %add3A, %add3A : vector<3x2048xf32>
    %reduce_sum3A = arith.constant dense<0.000000e+00> : vector<2048xf32>
    %reduce_sum3A_12 = vector.multi_reduction <add>, %mul3A, %reduce_sum3A [0] : vector<3x2048xf32> to vector<2048xf32>
    %broadcast_in_dim3A = vector.shape_cast %reduce_sum3A_12 : vector<2048xf32> to vector<1x2048xf32>
    %add3A_13 = arith.constant 9.99999996E-13 : f32
    %add3A_14 = vector.broadcast %add3A_13 : f32 to vector<1x2048xf32>
    %add3A_15 = arith.addf %broadcast_in_dim3A, %add3A_14 : vector<1x2048xf32>
    %sqrt3A = math.sqrt %add3A_15 : vector<1x2048xf32>
    %div3A = vector.broadcast %sqrt3A : vector<1x2048xf32> to vector<3x2048xf32>
    %div3A_16 = arith.divf %add3A, %div3A : vector<3x2048xf32>
    %concatenate3A = tpu.concatenate %div3A_16, %sqrt3A in 0 : vector<3x2048xf32>, vector<1x2048xf32> -> vector<4x2048xf32>
    %swap3A = arith.constant 0 : index
    %swap3A_17 = arith.constant 0 : index
    %swap3A_18 = vector.load %arg3[%swap3A, %swap3A_17] : memref<4x2048xf32, #tpu.memory_space<vmem>>, vector<4x2048xf32>
    tpu.vector_store %arg3[%swap3A, %swap3A_17], %concatenate3A {strides = array<i32>} : memref<4x2048xf32, #tpu.memory_space<vmem>>, vector<4x2048xf32>,
    %mul3A_19 = arith.constant 2.000000e-01 : f32
    %mul3A_20 = vector.broadcast %mul3A_19 : f32 to vector<1x2048xf32>
    %mul3A_21 = arith.mulf %sqrt3A, %mul3A_20 : vector<1x2048xf32>
    %mul3A_22 = arith.mulf %mul3A_21, %mul3A_21 : vector<1x2048xf32>
    %mul3A_23 = arith.mulf %mul3A_22, %mul3A_22 : vector<1x2048xf32>
    %mul3A_24 = arith.mulf %mul3A_23, %mul3A_21 : vector<1x2048xf32>
    %mul3A_25 = arith.mulf %mul3A_23, %mul3A_22 : vector<1x2048xf32>
    %mul3A_26 = arith.mulf %mul3A_25, %mul3A_21 : vector<1x2048xf32>
    %mul3A_27 = arith.mulf %mul3A_23, %mul3A_23 : vector<1x2048xf32>
    %lt3A = arith.constant 1.000000e+00 : f32
    %lt3A_28 = vector.broadcast %lt3A : f32 to vector<1x2048xf32>
    %lt3A_29 = arith.cmpf olt, %mul3A_21, %lt3A_28 : vector<1x2048xf32>
    %convert_element_type3A = arith.extui %lt3A_29 : vector<1x2048xi1> to vector<1x2048xi32>
    %convert_element_type3A_30 = arith.sitofp %convert_element_type3A : vector<1x2048xi32> to vector<1x2048xf32>
    %mul3A_31 = arith.constant 2.800000e+01 : f32
    %mul3A_32 = vector.broadcast %mul3A_31 : f32 to vector<1x2048xf32>
    %mul3A_33 = arith.mulf %mul3A_32, %mul3A_25 : vector<1x2048xf32>
    %sub3A_34 = arith.constant 1.000000e+00 : f32
    %sub3A_35 = vector.broadcast %sub3A_34 : f32 to vector<1x2048xf32>
    %sub3A_36 = arith.subf %sub3A_35, %mul3A_33 : vector<1x2048xf32>
    %mul3A_37 = arith.constant 4.800000e+01 : f32
    %mul3A_38 = vector.broadcast %mul3A_37 : f32 to vector<1x2048xf32>
    %mul3A_39 = arith.mulf %mul3A_38, %mul3A_26 : vector<1x2048xf32>
    %add3A_40 = arith.addf %sub3A_36, %mul3A_39 : vector<1x2048xf32>
    %mul3A_41 = arith.constant 2.100000e+01 : f32
    %mul3A_42 = vector.broadcast %mul3A_41 : f32 to vector<1x2048xf32>
    %mul3A_43 = arith.mulf %mul3A_42, %mul3A_27 : vector<1x2048xf32>
    %sub3A_44 = arith.subf %add3A_40, %mul3A_43 : vector<1x2048xf32>
    %mul3A_45 = arith.mulf %sub3A_44, %convert_element_type3A_30 : vector<1x2048xf32>
    %add3A_46 = arith.constant 9.99999971E-10 : f32
    %add3A_47 = vector.broadcast %add3A_46 : f32 to vector<1x2048xf32>
    %add3A_48 = arith.addf %sqrt3A, %add3A_47 : vector<1x2048xf32>
    %div3A_49 = arith.constant 1.000000e+00 : f32
    %div3A_50 = vector.broadcast %div3A_49 : f32 to vector<1x2048xf32>
    %div3A_51 = arith.divf %div3A_50, %add3A_48 : vector<1x2048xf32>
    %mul3A_52 = arith.constant -1.680000e+02 : f32
    %mul3A_53 = vector.broadcast %mul3A_52 : f32 to vector<1x2048xf32>
    %mul3A_54 = arith.mulf %mul3A_53, %mul3A_24 : vector<1x2048xf32>
    %mul3A_55 = arith.constant 3.360000e+02 : f32
    %mul3A_56 = vector.broadcast %mul3A_55 : f32 to vector<1x2048xf32>
    %mul3A_57 = arith.mulf %mul3A_56, %mul3A_25 : vector<1x2048xf32>
    %add3A_58 = arith.addf %mul3A_54, %mul3A_57 : vector<1x2048xf32>
    %mul3A_59 = arith.constant 1.680000e+02 : f32
    %mul3A_60 = vector.broadcast %mul3A_59 : f32 to vector<1x2048xf32>
    %mul3A_61 = arith.mulf %mul3A_60, %mul3A_26 : vector<1x2048xf32>
    %sub3A_62 = arith.subf %add3A_58, %mul3A_61 : vector<1x2048xf32>
    %mul3A_63 = arith.constant 2.000000e-01 : f32
    %mul3A_64 = vector.broadcast %mul3A_63 : f32 to vector<1x2048xf32>
    %mul3A_65 = arith.mulf %convert_element_type3A_30, %mul3A_64 : vector<1x2048xf32>
    %mul3A_66 = arith.mulf %sub3A_62, %mul3A_65 : vector<1x2048xf32>
    %mul3A_67 = arith.constant 0.628318548 : f32
    %mul3A_68 = vector.broadcast %mul3A_67 : f32 to vector<1x2048xf32>
    %mul3A_69 = arith.mulf %mul3A_68, %sqrt3A : vector<1x2048xf32>
    %sin3A = math.sin %mul3A_69 : vector<1x2048xf32>
    %mul3A_70 = arith.mulf %sin3A, %div3A_51 : vector<1x2048xf32>
    %mul3A_71 = arith.constant 0.632455527 : f32
    %mul3A_72 = vector.broadcast %mul3A_71 : f32 to vector<1x2048xf32>
    %mul3A_73 = arith.mulf %mul3A_72, %mul3A_70 : vector<1x2048xf32>
    %mul3A_74 = arith.mulf %mul3A_73, %mul3A_45 : vector<1x2048xf32>
    %mul3A_75 = arith.constant 0.628318548 : f32
    %mul3A_76 = vector.broadcast %mul3A_75 : f32 to vector<1x2048xf32>
    %mul3A_77 = arith.mulf %mul3A_76, %sqrt3A : vector<1x2048xf32>
    %cos3A = math.cos %mul3A_77 : vector<1x2048xf32>
    %mul3A_78 = arith.constant 0.628318548 : f32
    %mul3A_79 = vector.broadcast %mul3A_78 : f32 to vector<1x2048xf32>
    %mul3A_80 = arith.mulf %mul3A_79, %cos3A : vector<1x2048xf32>
    %sub3A_81 = arith.subf %mul3A_80, %mul3A_70 : vector<1x2048xf32>
    %mul3A_82 = arith.mulf %mul3A_45, %sub3A_81 : vector<1x2048xf32>
    %mul3A_83 = arith.mulf %mul3A_82, %div3A_51 : vector<1x2048xf32>
    %mul3A_84 = arith.mulf %mul3A_70, %mul3A_66 : vector<1x2048xf32>
    %add3A_85 = arith.addf %mul3A_83, %mul3A_84 : vector<1x2048xf32>
    %mul3A_86 = arith.constant 0.632455527 : f32
    %mul3A_87 = vector.broadcast %mul3A_86 : f32 to vector<1x2048xf32>
    %mul3A_88 = arith.mulf %mul3A_87, %add3A_85 : vector<1x2048xf32>
    %mul3A_89 = arith.constant 1.2566371 : f32
    %mul3A_90 = vector.broadcast %mul3A_89 : f32 to vector<1x2048xf32>
    %mul3A_91 = arith.mulf %mul3A_90, %sqrt3A : vector<1x2048xf32>
    %sin3A_92 = math.sin %mul3A_91 : vector<1x2048xf32>
    %mul3A_93 = arith.mulf %sin3A_92, %div3A_51 : vector<1x2048xf32>
    %mul3A_94 = arith.constant 0.632455527 : f32
    %mul3A_95 = vector.broadcast %mul3A_94 : f32 to vector<1x2048xf32>
    %mul3A_96 = arith.mulf %mul3A_95, %mul3A_93 : vector<1x2048xf32>
    %mul3A_97 = arith.mulf %mul3A_96, %mul3A_45 : vector<1x2048xf32>
    %mul3A_98 = arith.constant 1.2566371 : f32
    %mul3A_99 = vector.broadcast %mul3A_98 : f32 to vector<1x2048xf32>
    %mul3A_100 = arith.mulf %mul3A_99, %sqrt3A : vector<1x2048xf32>
    %cos3A_101 = math.cos %mul3A_100 : vector<1x2048xf32>
    %mul3A_102 = arith.constant 1.2566371 : f32
    %mul3A_103 = vector.broadcast %mul3A_102 : f32 to vector<1x2048xf32>
    %mul3A_104 = arith.mulf %mul3A_103, %cos3A_101 : vector<1x2048xf32>
    %sub3A_105 = arith.subf %mul3A_104, %mul3A_93 : vector<1x2048xf32>
    %mul3A_106 = arith.mulf %mul3A_45, %sub3A_105 : vector<1x2048xf32>
    %mul3A_107 = arith.mulf %mul3A_106, %div3A_51 : vector<1x2048xf32>
    %mul3A_108 = arith.mulf %mul3A_93, %mul3A_66 : vector<1x2048xf32>
    %add3A_109 = arith.addf %mul3A_107, %mul3A_108 : vector<1x2048xf32>
    %mul3A_110 = arith.constant 0.632455527 : f32
    %mul3A_111 = vector.broadcast %mul3A_110 : f32 to vector<1x2048xf32>
    %mul3A_112 = arith.mulf %mul3A_111, %add3A_109 : vector<1x2048xf32>
    %mul3A_113 = arith.constant 1.88495564 : f32
    %mul3A_114 = vector.broadcast %mul3A_113 : f32 to vector<1x2048xf32>
    %mul3A_115 = arith.mulf %mul3A_114, %sqrt3A : vector<1x2048xf32>
    %sin3A_116 = math.sin %mul3A_115 : vector<1x2048xf32>
    %mul3A_117 = arith.mulf %sin3A_116, %div3A_51 : vector<1x2048xf32>
    %mul3A_118 = arith.constant 0.632455527 : f32
    %mul3A_119 = vector.broadcast %mul3A_118 : f32 to vector<1x2048xf32>
    %mul3A_120 = arith.mulf %mul3A_119, %mul3A_117 : vector<1x2048xf32>
    %mul3A_121 = arith.mulf %mul3A_120, %mul3A_45 : vector<1x2048xf32>
    %mul3A_122 = arith.constant 1.88495564 : f32
    %mul3A_123 = vector.broadcast %mul3A_122 : f32 to vector<1x2048xf32>
    %mul3A_124 = arith.mulf %mul3A_123, %sqrt3A : vector<1x2048xf32>
    %cos3A_125 = math.cos %mul3A_124 : vector<1x2048xf32>
    %mul3A_126 = arith.constant 1.88495564 : f32
    %mul3A_127 = vector.broadcast %mul3A_126 : f32 to vector<1x2048xf32>
    %mul3A_128 = arith.mulf %mul3A_127, %cos3A_125 : vector<1x2048xf32>
    %sub3A_129 = arith.subf %mul3A_128, %mul3A_117 : vector<1x2048xf32>
    %mul3A_130 = arith.mulf %mul3A_45, %sub3A_129 : vector<1x2048xf32>
    %mul3A_131 = arith.mulf %mul3A_130, %div3A_51 : vector<1x2048xf32>
    %mul3A_132 = arith.mulf %mul3A_117, %mul3A_66 : vector<1x2048xf32>
    %add3A_133 = arith.addf %mul3A_131, %mul3A_132 : vector<1x2048xf32>
    %mul3A_134 = arith.constant 0.632455527 : f32
    %mul3A_135 = vector.broadcast %mul3A_134 : f32 to vector<1x2048xf32>
    %mul3A_136 = arith.mulf %mul3A_135, %add3A_133 : vector<1x2048xf32>
    %mul3A_137 = arith.constant 2.51327419 : f32
    %mul3A_138 = vector.broadcast %mul3A_137 : f32 to vector<1x2048xf32>
    %mul3A_139 = arith.mulf %mul3A_138, %sqrt3A : vector<1x2048xf32>
    %sin3A_140 = math.sin %mul3A_139 : vector<1x2048xf32>
    %mul3A_141 = arith.mulf %sin3A_140, %div3A_51 : vector<1x2048xf32>
    %mul3A_142 = arith.constant 0.632455527 : f32
    %mul3A_143 = vector.broadcast %mul3A_142 : f32 to vector<1x2048xf32>
    %mul3A_144 = arith.mulf %mul3A_143, %mul3A_141 : vector<1x2048xf32>
    %mul3A_145 = arith.mulf %mul3A_144, %mul3A_45 : vector<1x2048xf32>
    %mul3A_146 = arith.constant 2.51327419 : f32
    %mul3A_147 = vector.broadcast %mul3A_146 : f32 to vector<1x2048xf32>
    %mul3A_148 = arith.mulf %mul3A_147, %sqrt3A : vector<1x2048xf32>
    %cos3A_149 = math.cos %mul3A_148 : vector<1x2048xf32>
    %mul3A_150 = arith.constant 2.51327419 : f32
    %mul3A_151 = vector.broadcast %mul3A_150 : f32 to vector<1x2048xf32>
    %mul3A_152 = arith.mulf %mul3A_151, %cos3A_149 : vector<1x2048xf32>
    %sub3A_153 = arith.subf %mul3A_152, %mul3A_141 : vector<1x2048xf32>
    %mul3A_154 = arith.mulf %mul3A_45, %sub3A_153 : vector<1x2048xf32>
    %mul3A_155 = arith.mulf %mul3A_154, %div3A_51 : vector<1x2048xf32>
    %mul3A_156 = arith.mulf %mul3A_141, %mul3A_66 : vector<1x2048xf32>
    %add3A_157 = arith.addf %mul3A_155, %mul3A_156 : vector<1x2048xf32>
    %mul3A_158 = arith.constant 0.632455527 : f32
    %mul3A_159 = vector.broadcast %mul3A_158 : f32 to vector<1x2048xf32>
    %mul3A_160 = arith.mulf %mul3A_159, %add3A_157 : vector<1x2048xf32>
    %mul3A_161 = arith.constant 3.14159274 : f32
    %mul3A_162 = vector.broadcast %mul3A_161 : f32 to vector<1x2048xf32>
    %mul3A_163 = arith.mulf %mul3A_162, %sqrt3A : vector<1x2048xf32>
    %sin3A_164 = math.sin %mul3A_163 : vector<1x2048xf32>
    %mul3A_165 = arith.mulf %sin3A_164, %div3A_51 : vector<1x2048xf32>
    %mul3A_166 = arith.constant 0.632455527 : f32
    %mul3A_167 = vector.broadcast %mul3A_166 : f32 to vector<1x2048xf32>
    %mul3A_168 = arith.mulf %mul3A_167, %mul3A_165 : vector<1x2048xf32>
    %mul3A_169 = arith.mulf %mul3A_168, %mul3A_45 : vector<1x2048xf32>
    %mul3A_170 = arith.constant 3.14159274 : f32
    %mul3A_171 = vector.broadcast %mul3A_170 : f32 to vector<1x2048xf32>
    %mul3A_172 = arith.mulf %mul3A_171, %sqrt3A : vector<1x2048xf32>
    %cos3A_173 = math.cos %mul3A_172 : vector<1x2048xf32>
    %mul3A_174 = arith.constant 3.14159274 : f32
    %mul3A_175 = vector.broadcast %mul3A_174 : f32 to vector<1x2048xf32>
    %mul3A_176 = arith.mulf %mul3A_175, %cos3A_173 : vector<1x2048xf32>
    %sub3A_177 = arith.subf %mul3A_176, %mul3A_165 : vector<1x2048xf32>
    %mul3A_178 = arith.mulf %mul3A_45, %sub3A_177 : vector<1x2048xf32>
    %mul3A_179 = arith.mulf %mul3A_178, %div3A_51 : vector<1x2048xf32>
    %mul3A_180 = arith.mulf %mul3A_165, %mul3A_66 : vector<1x2048xf32>
    %add3A_181 = arith.addf %mul3A_179, %mul3A_180 : vector<1x2048xf32>
    %mul3A_182 = arith.constant 0.632455527 : f32
    %mul3A_183 = vector.broadcast %mul3A_182 : f32 to vector<1x2048xf32>
    %mul3A_184 = arith.mulf %mul3A_183, %add3A_181 : vector<1x2048xf32>
    %mul3A_185 = arith.constant 3.76991129 : f32
    %mul3A_186 = vector.broadcast %mul3A_185 : f32 to vector<1x2048xf32>
    %mul3A_187 = arith.mulf %mul3A_186, %sqrt3A : vector<1x2048xf32>
    %sin3A_188 = math.sin %mul3A_187 : vector<1x2048xf32>
    %mul3A_189 = arith.mulf %sin3A_188, %div3A_51 : vector<1x2048xf32>
    %mul3A_190 = arith.constant 0.632455527 : f32
    %mul3A_191 = vector.broadcast %mul3A_190 : f32 to vector<1x2048xf32>
    %mul3A_192 = arith.mulf %mul3A_191, %mul3A_189 : vector<1x2048xf32>
    %mul3A_193 = arith.mulf %mul3A_192, %mul3A_45 : vector<1x2048xf32>
    %mul3A_194 = arith.constant 3.76991129 : f32
    %mul3A_195 = vector.broadcast %mul3A_194 : f32 to vector<1x2048xf32>
    %mul3A_196 = arith.mulf %mul3A_195, %sqrt3A : vector<1x2048xf32>
    %cos3A_197 = math.cos %mul3A_196 : vector<1x2048xf32>
    %mul3A_198 = arith.constant 3.76991129 : f32
    %mul3A_199 = vector.broadcast %mul3A_198 : f32 to vector<1x2048xf32>
    %mul3A_200 = arith.mulf %mul3A_199, %cos3A_197 : vector<1x2048xf32>
    %sub3A_201 = arith.subf %mul3A_200, %mul3A_189 : vector<1x2048xf32>
    %mul3A_202 = arith.mulf %mul3A_45, %sub3A_201 : vector<1x2048xf32>
    %mul3A_203 = arith.mulf %mul3A_202, %div3A_51 : vector<1x2048xf32>
    %mul3A_204 = arith.mulf %mul3A_189, %mul3A_66 : vector<1x2048xf32>
    %add3A_205 = arith.addf %mul3A_203, %mul3A_204 : vector<1x2048xf32>
    %mul3A_206 = arith.constant 0.632455527 : f32
    %mul3A_207 = vector.broadcast %mul3A_206 : f32 to vector<1x2048xf32>
    %mul3A_208 = arith.mulf %mul3A_207, %add3A_205 : vector<1x2048xf32>
    %mul3A_209 = arith.constant 4.3982296 : f32
    %mul3A_210 = vector.broadcast %mul3A_209 : f32 to vector<1x2048xf32>
    %mul3A_211 = arith.mulf %mul3A_210, %sqrt3A : vector<1x2048xf32>
    %sin3A_212 = math.sin %mul3A_211 : vector<1x2048xf32>
    %mul3A_213 = arith.mulf %sin3A_212, %div3A_51 : vector<1x2048xf32>
    %mul3A_214 = arith.constant 0.632455527 : f32
    %mul3A_215 = vector.broadcast %mul3A_214 : f32 to vector<1x2048xf32>
    %mul3A_216 = arith.mulf %mul3A_215, %mul3A_213 : vector<1x2048xf32>
    %mul3A_217 = arith.mulf %mul3A_216, %mul3A_45 : vector<1x2048xf32>
    %mul3A_218 = arith.constant 4.3982296 : f32
    %mul3A_219 = vector.broadcast %mul3A_218 : f32 to vector<1x2048xf32>
    %mul3A_220 = arith.mulf %mul3A_219, %sqrt3A : vector<1x2048xf32>
    %cos3A_221 = math.cos %mul3A_220 : vector<1x2048xf32>
    %mul3A_222 = arith.constant 4.3982296 : f32
    %mul3A_223 = vector.broadcast %mul3A_222 : f32 to vector<1x2048xf32>
    %mul3A_224 = arith.mulf %mul3A_223, %cos3A_221 : vector<1x2048xf32>
    %sub3A_225 = arith.subf %mul3A_224, %mul3A_213 : vector<1x2048xf32>
    %mul3A_226 = arith.mulf %mul3A_45, %sub3A_225 : vector<1x2048xf32>
    %mul3A_227 = arith.mulf %mul3A_226, %div3A_51 : vector<1x2048xf32>
    %mul3A_228 = arith.mulf %mul3A_213, %mul3A_66 : vector<1x2048xf32>
    %add3A_229 = arith.addf %mul3A_227, %mul3A_228 : vector<1x2048xf32>
    %mul3A_230 = arith.constant 0.632455527 : f32
    %mul3A_231 = vector.broadcast %mul3A_230 : f32 to vector<1x2048xf32>
    %mul3A_232 = arith.mulf %mul3A_231, %add3A_229 : vector<1x2048xf32>
    %mul3A_233 = arith.constant 5.02654839 : f32
    %mul3A_234 = vector.broadcast %mul3A_233 : f32 to vector<1x2048xf32>
    %mul3A_235 = arith.mulf %mul3A_234, %sqrt3A : vector<1x2048xf32>
    %sin3A_236 = math.sin %mul3A_235 : vector<1x2048xf32>
    %mul3A_237 = arith.mulf %sin3A_236, %div3A_51 : vector<1x2048xf32>
    %mul3A_238 = arith.constant 0.632455527 : f32
    %mul3A_239 = vector.broadcast %mul3A_238 : f32 to vector<1x2048xf32>
    %mul3A_240 = arith.mulf %mul3A_239, %mul3A_237 : vector<1x2048xf32>
    %mul3A_241 = arith.mulf %mul3A_240, %mul3A_45 : vector<1x2048xf32>
    %mul3A_242 = arith.constant 5.02654839 : f32
    %mul3A_243 = vector.broadcast %mul3A_242 : f32 to vector<1x2048xf32>
    %mul3A_244 = arith.mulf %mul3A_243, %sqrt3A : vector<1x2048xf32>
    %cos3A_245 = math.cos %mul3A_244 : vector<1x2048xf32>
    %mul3A_246 = arith.constant 5.02654839 : f32
    %mul3A_247 = vector.broadcast %mul3A_246 : f32 to vector<1x2048xf32>
    %mul3A_248 = arith.mulf %mul3A_247, %cos3A_245 : vector<1x2048xf32>
    %sub3A_249 = arith.subf %mul3A_248, %mul3A_237 : vector<1x2048xf32>
    %mul3A_250 = arith.mulf %mul3A_45, %sub3A_249 : vector<1x2048xf32>
    %mul3A_251 = arith.mulf %mul3A_250, %div3A_51 : vector<1x2048xf32>
    %mul3A_252 = arith.mulf %mul3A_237, %mul3A_66 : vector<1x2048xf32>
    %add3A_253 = arith.addf %mul3A_251, %mul3A_252 : vector<1x2048xf32>
    %mul3A_254 = arith.constant 0.632455527 : f32
    %mul3A_255 = vector.broadcast %mul3A_254 : f32 to vector<1x2048xf32>
    %mul3A_256 = arith.mulf %mul3A_255, %add3A_253 : vector<1x2048xf32>
    %concatenate3A_257 = tpu.concatenate %mul3A_74, %mul3A_97, %mul3A_121, %mul3A_145, %mul3A_169, %mul3A_193, %mul3A_217, %mul3A_241 in 0 : vector<1x2048xf32>, vector<1x2048xf32>, vector<1x2048xf32>, vector<1x2048xf32>, vector<1x2048xf32>, vector<1x2048xf32>, vector<1x2048xf32>, vector<1x2048xf32> -> vector<8x2048xf32>
    %concatenate3A_258 = tpu.concatenate %mul3A_88, %mul3A_112, %mul3A_136, %mul3A_160, %mul3A_184, %mul3A_208, %mul3A_232, %mul3A_256 in 0 : vector<1x2048xf32>, vector<1x2048xf32>, vector<1x2048xf32>, vector<1x2048xf32>, vector<1x2048xf32>, vector<1x2048xf32>, vector<1x2048xf32>, vector<1x2048xf32> -> vector<8x2048xf32>
    %swap3A_259 = arith.constant 0 : index
    %swap3A_260 = arith.constant 0 : index
    %swap3A_261 = vector.load %arg4[%swap3A_259, %swap3A_260] : memref<8x2048xf32, #tpu.memory_space<vmem>>, vector<8x2048xf32>
    tpu.vector_store %arg4[%swap3A_259, %swap3A_260], %concatenate3A_257 {strides = array<i32>} : memref<8x2048xf32, #tpu.memory_space<vmem>>, vector<8x2048xf32>,
    %swap3A_262 = arith.constant 0 : index
    %swap3A_263 = arith.constant 0 : index
    %swap3A_264 = vector.load %arg5[%swap3A_262, %swap3A_263] : memref<8x2048xf32, #tpu.memory_space<vmem>>, vector<8x2048xf32>
    tpu.vector_store %arg5[%swap3A_262, %swap3A_263], %concatenate3A_258 {strides = array<i32>} : memref<8x2048xf32, #tpu.memory_space<vmem>>, vector<8x2048xf32>,
    return
  }
  func.func @transform_0(%arg0: i32) -> (i32, i32, i32) {
    %c0_i32 = arith.constant 0 : i32
    %c0_i32_0 = arith.constant 0 : i32
    %c0_i32_1 = arith.constant 0 : i32
    return %c0_i32, %arg0, %c0_i32_0 : i32, i32, i32
  }
  func.func @transform_1(%arg0: i32) -> (i32, i32) {
    %c0_i32 = arith.constant 0 : i32
    %c0_i32_0 = arith.constant 0 : i32
    return %c0_i32, %arg0 : i32, i32
  }
  func.func @transform_2(%arg0: i32) -> (i32, i32) {
    %c0_i32 = arith.constant 0 : i32
    %c0_i32_0 = arith.constant 0 : i32
    return %c0_i32, %arg0 : i32, i32
  }
  func.func @transform_3(%arg0: i32) -> (i32, i32) {
    %c0_i32 = arith.constant 0 : i32
    %c0_i32_0 = arith.constant 0 : i32
    return %c0_i32, %arg0 : i32, i32
  }
  func.func @transform_4(%arg0: i32) -> (i32, i32) {
    %c0_i32 = arith.constant 0 : i32
    %c0_i32_0 = arith.constant 0 : i32
    return %c0_i32, %arg0 : i32, i32
  }
}

module attributes {stable_mosaic.version = 14 : i64} {
  func.func @body(%arg0: i32, %arg1: memref<4x2048xf32, #tpu.memory_space<vmem>>, %arg2: memref<8x2048xf32, #tpu.memory_space<vmem>>, %arg3: memref<2048x32xf32, #tpu.memory_space<vmem>>, %arg4: memref<64x8xf32, #tpu.memory_space<vmem>>, %arg5: memref<64x1xf32, #tpu.memory_space<vmem>>, %arg6: memref<32x64xf32, #tpu.memory_space<vmem>>, %arg7: memref<32x288xf32, #tpu.memory_space<vmem>>, %arg8: memref<2048x32xf32, #tpu.memory_space<vmem>>) attributes {dimension_semantics = [#tpu.dimension_semantics<arbitrary>], iteration_bounds = array<i64: 80>, scalar_prefetch = 0 : i64, scratch_operands = 0 : i64, tpu.core_type = #tpu.core_type<tc>, window_params = [{transform_indices = @transform_0, window_bounds = array<i64: 4, 2048>}, {transform_indices = @transform_1, window_bounds = array<i64: 8, 2048>}, {transform_indices = @transform_2, window_bounds = array<i64: 2048, 32>}, {pipeline_mode = #tpu.pipeline_mode<synchronous>, transform_indices = @transform_3, window_bounds = array<i64: 64, 8>}, {pipeline_mode = #tpu.pipeline_mode<synchronous>, transform_indices = @transform_4, window_bounds = array<i64: 64, 1>}, {pipeline_mode = #tpu.pipeline_mode<synchronous>, transform_indices = @transform_5, window_bounds = array<i64: 32, 64>}, {pipeline_mode = #tpu.pipeline_mode<synchronous>, transform_indices = @transform_6, window_bounds = array<i64: 32, 288>}, {transform_indices = @transform_7, window_bounds = array<i64: 2048, 32>}]} {
    %get3A = arith.constant 0 : index
    %get3A_0 = arith.constant 0 : index
    %get3A_1 = vector.load %arg1[%get3A, %get3A_0] : memref<4x2048xf32, #tpu.memory_space<vmem>>, vector<4x2048xf32>
    %slice3A = vector.extract_strided_slice %get3A_1 {offsets = [0, 0], sizes = [1, 2048], strides = [1, 1]} : vector<4x2048xf32> to vector<1x2048xf32>
    %slice3A_2 = vector.extract_strided_slice %get3A_1 {offsets = [1, 0], sizes = [1, 2048], strides = [1, 1]} : vector<4x2048xf32> to vector<1x2048xf32>
    %slice3A_3 = vector.extract_strided_slice %get3A_1 {offsets = [2, 0], sizes = [1, 2048], strides = [1, 1]} : vector<4x2048xf32> to vector<1x2048xf32>
    %broadcast_in_dim3A = arith.constant 1.000000e+00 : f32
    %broadcast_in_dim3A_4 = vector.broadcast %broadcast_in_dim3A : f32 to vector<1x2048xf32>
    %mul3A = arith.constant 1.73205078 : f32
    %mul3A_5 = vector.broadcast %mul3A : f32 to vector<1x2048xf32>
    %mul3A_6 = arith.mulf %mul3A_5, %slice3A : vector<1x2048xf32>
    %mul3A_7 = arith.constant 1.73205078 : f32
    %mul3A_8 = vector.broadcast %mul3A_7 : f32 to vector<1x2048xf32>
    %mul3A_9 = arith.mulf %mul3A_8, %slice3A_2 : vector<1x2048xf32>
    %mul3A_10 = arith.constant 1.73205078 : f32
    %mul3A_11 = vector.broadcast %mul3A_10 : f32 to vector<1x2048xf32>
    %mul3A_12 = arith.mulf %mul3A_11, %slice3A_3 : vector<1x2048xf32>
    %mul3A_13 = arith.constant 3.87298346 : f32
    %mul3A_14 = vector.broadcast %mul3A_13 : f32 to vector<1x2048xf32>
    %mul3A_15 = arith.mulf %mul3A_14, %slice3A : vector<1x2048xf32>
    %mul3A_16 = arith.mulf %mul3A_15, %slice3A_2 : vector<1x2048xf32>
    %mul3A_17 = arith.constant 3.87298346 : f32
    %mul3A_18 = vector.broadcast %mul3A_17 : f32 to vector<1x2048xf32>
    %mul3A_19 = arith.mulf %mul3A_18, %slice3A_2 : vector<1x2048xf32>
    %mul3A_20 = arith.mulf %mul3A_19, %slice3A_3 : vector<1x2048xf32>
    %mul3A_21 = arith.constant 3.000000e+00 : f32
    %mul3A_22 = vector.broadcast %mul3A_21 : f32 to vector<1x2048xf32>
    %mul3A_23 = arith.mulf %mul3A_22, %slice3A_3 : vector<1x2048xf32>
    %mul3A_24 = arith.mulf %mul3A_23, %slice3A_3 : vector<1x2048xf32>
    %sub3A = arith.constant 1.000000e+00 : f32
    %sub3A_25 = vector.broadcast %sub3A : f32 to vector<1x2048xf32>
    %sub3A_26 = arith.subf %mul3A_24, %sub3A_25 : vector<1x2048xf32>
    %mul3A_27 = arith.constant 1.11803401 : f32
    %mul3A_28 = vector.broadcast %mul3A_27 : f32 to vector<1x2048xf32>
    %mul3A_29 = arith.mulf %mul3A_28, %sub3A_26 : vector<1x2048xf32>
    %mul3A_30 = arith.constant 3.87298346 : f32
    %mul3A_31 = vector.broadcast %mul3A_30 : f32 to vector<1x2048xf32>
    %mul3A_32 = arith.mulf %mul3A_31, %slice3A : vector<1x2048xf32>
    %mul3A_33 = arith.mulf %mul3A_32, %slice3A_3 : vector<1x2048xf32>
    %mul3A_34 = arith.mulf %slice3A, %slice3A : vector<1x2048xf32>
    %mul3A_35 = arith.mulf %slice3A_2, %slice3A_2 : vector<1x2048xf32>
    %sub3A_36 = arith.subf %mul3A_34, %mul3A_35 : vector<1x2048xf32>
    %mul3A_37 = arith.constant 1.93649173 : f32
    %mul3A_38 = vector.broadcast %mul3A_37 : f32 to vector<1x2048xf32>
    %mul3A_39 = arith.mulf %mul3A_38, %sub3A_36 : vector<1x2048xf32>
    %get3A_40 = arith.constant 0 : index
    %get3A_41 = arith.constant 0 : index
    %get3A_42 = vector.load %arg2[%get3A_40, %get3A_41] : memref<8x2048xf32, #tpu.memory_space<vmem>>, vector<8x2048xf32>
    %get3A_43 = arith.constant 0 : index
    %get3A_44 = arith.constant 0 : index
    %get3A_45 = vector.load %arg4[%get3A_43, %get3A_44] : memref<64x8xf32, #tpu.memory_space<vmem>>, vector<64x8xf32>
    %dot_general3A = arith.constant dense<0.000000e+00> : vector<64x2048xf32>
    %dot_general3A_46 = tpu.matmul %get3A_45, %get3A_42, %dot_general3A {dimension_numbers = #tpu.dot_dimension_numbers<[1], [0], [0], [1], [0, 0, 1, 1], [], []>, transpose_lhs_hint = false} : vector<64x8xf32>, vector<8x2048xf32>, vector<64x2048xf32> -> vector<64x2048xf32>
    %get3A_47 = arith.constant 0 : index
    %get3A_48 = arith.constant 0 : index
    %get3A_49 = vector.load %arg5[%get3A_47, %get3A_48] : memref<64x1xf32, #tpu.memory_space<vmem>>, vector<64x1xf32>
    %add3A = vector.broadcast %get3A_49 : vector<64x1xf32> to vector<64x2048xf32>
    %add3A_50 = arith.addf %dot_general3A_46, %add3A : vector<64x2048xf32>
    %neg3A = arith.constant 0.000000e+00 : f32
    %neg3A_51 = vector.broadcast %neg3A : f32 to vector<64x2048xf32>
    %neg3A_52 = arith.subf %neg3A_51, %add3A_50 : vector<64x2048xf32>
    %exp3A = math.exp %neg3A_52 : vector<64x2048xf32>
    %add3A_53 = arith.constant 1.000000e+00 : f32
    %add3A_54 = vector.broadcast %add3A_53 : f32 to vector<64x2048xf32>
    %add3A_55 = arith.addf %add3A_54, %exp3A : vector<64x2048xf32>
    %div3A = arith.constant 1.000000e+00 : f32
    %div3A_56 = vector.broadcast %div3A : f32 to vector<64x2048xf32>
    %div3A_57 = arith.divf %div3A_56, %add3A_55 : vector<64x2048xf32>
    %mul3A_58 = arith.mulf %add3A_50, %div3A_57 : vector<64x2048xf32>
    %get3A_59 = arith.constant 0 : index
    %get3A_60 = arith.constant 0 : index
    %get3A_61 = vector.load %arg6[%get3A_59, %get3A_60] : memref<32x64xf32, #tpu.memory_space<vmem>>, vector<32x64xf32>
    %dot_general3A_62 = arith.constant dense<0.000000e+00> : vector<32x2048xf32>
    %dot_general3A_63 = tpu.matmul %get3A_61, %mul3A_58, %dot_general3A_62 {dimension_numbers = #tpu.dot_dimension_numbers<[1], [0], [0], [1], [0, 0, 1, 1], [], []>, transpose_lhs_hint = false} : vector<32x64xf32>, vector<64x2048xf32>, vector<32x2048xf32> -> vector<32x2048xf32>
    %get3A_64 = arith.constant 0 : index
    %get3A_65 = arith.constant 0 : index
    %get3A_66 = vector.load %arg3[%get3A_64, %get3A_65] : memref<2048x32xf32, #tpu.memory_space<vmem>>, vector<2048x32xf32>
    %transpose3A = tpu.transpose %get3A_66, [1, 0] : vector<2048x32xf32> -> vector<32x2048xf32>
    %mul3A_67 = arith.mulf %transpose3A, %dot_general3A_63 : vector<32x2048xf32>
    %mul3A_68 = vector.broadcast %broadcast_in_dim3A_4 : vector<1x2048xf32> to vector<32x2048xf32>
    %mul3A_69 = arith.mulf %mul3A_67, %mul3A_68 : vector<32x2048xf32>
    %mul3A_70 = vector.broadcast %mul3A_6 : vector<1x2048xf32> to vector<32x2048xf32>
    %mul3A_71 = arith.mulf %mul3A_67, %mul3A_70 : vector<32x2048xf32>
    %mul3A_72 = vector.broadcast %mul3A_9 : vector<1x2048xf32> to vector<32x2048xf32>
    %mul3A_73 = arith.mulf %mul3A_67, %mul3A_72 : vector<32x2048xf32>
    %mul3A_74 = vector.broadcast %mul3A_12 : vector<1x2048xf32> to vector<32x2048xf32>
    %mul3A_75 = arith.mulf %mul3A_67, %mul3A_74 : vector<32x2048xf32>
    %mul3A_76 = vector.broadcast %mul3A_16 : vector<1x2048xf32> to vector<32x2048xf32>
    %mul3A_77 = arith.mulf %mul3A_67, %mul3A_76 : vector<32x2048xf32>
    %mul3A_78 = vector.broadcast %mul3A_20 : vector<1x2048xf32> to vector<32x2048xf32>
    %mul3A_79 = arith.mulf %mul3A_67, %mul3A_78 : vector<32x2048xf32>
    %mul3A_80 = vector.broadcast %mul3A_29 : vector<1x2048xf32> to vector<32x2048xf32>
    %mul3A_81 = arith.mulf %mul3A_67, %mul3A_80 : vector<32x2048xf32>
    %mul3A_82 = vector.broadcast %mul3A_33 : vector<1x2048xf32> to vector<32x2048xf32>
    %mul3A_83 = arith.mulf %mul3A_67, %mul3A_82 : vector<32x2048xf32>
    %mul3A_84 = vector.broadcast %mul3A_39 : vector<1x2048xf32> to vector<32x2048xf32>
    %mul3A_85 = arith.mulf %mul3A_67, %mul3A_84 : vector<32x2048xf32>
    %concatenate3A = tpu.concatenate %mul3A_69, %mul3A_71, %mul3A_73, %mul3A_75, %mul3A_77, %mul3A_79, %mul3A_81, %mul3A_83, %mul3A_85 in 0 : vector<32x2048xf32>, vector<32x2048xf32>, vector<32x2048xf32>, vector<32x2048xf32>, vector<32x2048xf32>, vector<32x2048xf32>, vector<32x2048xf32>, vector<32x2048xf32>, vector<32x2048xf32> -> vector<288x2048xf32>
    %get3A_86 = arith.constant 0 : index
    %get3A_87 = arith.constant 0 : index
    %get3A_88 = vector.load %arg7[%get3A_86, %get3A_87] : memref<32x288xf32, #tpu.memory_space<vmem>>, vector<32x288xf32>
    %dot_general3A_89 = arith.constant dense<0.000000e+00> : vector<32x2048xf32>
    %dot_general3A_90 = tpu.matmul %get3A_88, %concatenate3A, %dot_general3A_89 {dimension_numbers = #tpu.dot_dimension_numbers<[1], [0], [0], [1], [0, 0, 1, 1], [], []>, transpose_lhs_hint = false} : vector<32x288xf32>, vector<288x2048xf32>, vector<32x2048xf32> -> vector<32x2048xf32>
    %transpose3A_91 = tpu.transpose %dot_general3A_90, [1, 0] : vector<32x2048xf32> -> vector<2048x32xf32>
    %swap3A = arith.constant 0 : index
    %swap3A_92 = arith.constant 0 : index
    %swap3A_93 = vector.load %arg8[%swap3A, %swap3A_92] : memref<2048x32xf32, #tpu.memory_space<vmem>>, vector<2048x32xf32>
    tpu.vector_store %arg8[%swap3A, %swap3A_92], %transpose3A_91 {strides = array<i32>} : memref<2048x32xf32, #tpu.memory_space<vmem>>, vector<2048x32xf32>,
    return
  }
  func.func @transform_0(%arg0: i32) -> (i32, i32) {
    %c0_i32 = arith.constant 0 : i32
    %c0_i32_0 = arith.constant 0 : i32
    return %c0_i32, %arg0 : i32, i32
  }
  func.func @transform_1(%arg0: i32) -> (i32, i32) {
    %c0_i32 = arith.constant 0 : i32
    %c0_i32_0 = arith.constant 0 : i32
    return %c0_i32, %arg0 : i32, i32
  }
  func.func @transform_2(%arg0: i32) -> (i32, i32) {
    %c0_i32 = arith.constant 0 : i32
    %c0_i32_0 = arith.constant 0 : i32
    return %arg0, %c0_i32 : i32, i32
  }
  func.func @transform_3(%arg0: i32) -> (i32, i32) {
    %c0_i32 = arith.constant 0 : i32
    %c0_i32_0 = arith.constant 0 : i32
    %c0_i32_1 = arith.constant 0 : i32
    return %c0_i32, %c0_i32_0 : i32, i32
  }
  func.func @transform_4(%arg0: i32) -> (i32, i32) {
    %c0_i32 = arith.constant 0 : i32
    %c0_i32_0 = arith.constant 0 : i32
    %c0_i32_1 = arith.constant 0 : i32
    return %c0_i32, %c0_i32_0 : i32, i32
  }
  func.func @transform_5(%arg0: i32) -> (i32, i32) {
    %c0_i32 = arith.constant 0 : i32
    %c0_i32_0 = arith.constant 0 : i32
    %c0_i32_1 = arith.constant 0 : i32
    return %c0_i32, %c0_i32_0 : i32, i32
  }
  func.func @transform_6(%arg0: i32) -> (i32, i32) {
    %c0_i32 = arith.constant 0 : i32
    %c0_i32_0 = arith.constant 0 : i32
    %c0_i32_1 = arith.constant 0 : i32
    return %c0_i32, %c0_i32_0 : i32, i32
  }
  func.func @transform_7(%arg0: i32) -> (i32, i32) {
    %c0_i32 = arith.constant 0 : i32
    %c0_i32_0 = arith.constant 0 : i32
    return %arg0, %c0_i32 : i32, i32
  }
}

module attributes {stable_mosaic.version = 14 : i64} {
  func.func @body(%arg0: i32, %arg1: memref<2x1000x32xf32, #tpu.memory_space<vmem>>, %arg2: memref<1000x32xf32, #tpu.memory_space<vmem>>, %arg3: memref<1000x10xf32, #tpu.memory_space<vmem>>, %arg4: memref<32x32xf32, #tpu.memory_space<vmem>>, %arg5: memref<10x32xf32, #tpu.memory_space<vmem>>, %arg6: memref<32x1xf32, #tpu.memory_space<vmem>>, %arg7: memref<1000x32xf32, #tpu.memory_space<vmem>>, %arg8: memref<1000x32xf32, #tpu.memory_space<vmem>>, %arg9: memref<1000x1xf32, #tpu.memory_space<vmem>>) attributes {dimension_semantics = [#tpu.dimension_semantics<arbitrary>], iteration_bounds = array<i64: 10>, scalar_prefetch = 0 : i64, scratch_operands = 0 : i64, tpu.core_type = #tpu.core_type<tc>, window_params = [{transform_indices = @transform_0, window_bounds = array<i64: 2, 1000, 32>}, {transform_indices = @transform_1, window_bounds = array<i64: 1000, 32>}, {transform_indices = @transform_2, window_bounds = array<i64: 1000, 10>}, {pipeline_mode = #tpu.pipeline_mode<synchronous>, transform_indices = @transform_3, window_bounds = array<i64: 32, 32>}, {pipeline_mode = #tpu.pipeline_mode<synchronous>, transform_indices = @transform_4, window_bounds = array<i64: 10, 32>}, {pipeline_mode = #tpu.pipeline_mode<synchronous>, transform_indices = @transform_5, window_bounds = array<i64: 32, 1>}, {transform_indices = @transform_6, window_bounds = array<i64: 1000, 32>}, {transform_indices = @transform_7, window_bounds = array<i64: 1000, 32>}, {transform_indices = @transform_8, window_bounds = array<i64: 1000, 1>}]} {
    %get3A = arith.constant 0 : index
    %get3A_0 = arith.constant 0 : index
    %get3A_1 = arith.constant 0 : index
    %get3A_2 = vector.load %arg1[%get3A, %get3A_0, %get3A_1] : memref<2x1000x32xf32, #tpu.memory_space<vmem>>, vector<1x1000x32xf32>
    %get3A_3 = vector.shape_cast %get3A_2 : vector<1x1000x32xf32> to vector<1000x32xf32>
    %get3A_4 = arith.constant 1 : index
    %get3A_5 = arith.constant 0 : index
    %get3A_6 = arith.constant 0 : index
    %get3A_7 = vector.load %arg1[%get3A_4, %get3A_5, %get3A_6] : memref<2x1000x32xf32, #tpu.memory_space<vmem>>, vector<1x1000x32xf32>
    %get3A_8 = vector.shape_cast %get3A_7 : vector<1x1000x32xf32> to vector<1000x32xf32>
    %add3A = arith.addf %get3A_3, %get3A_8 : vector<1000x32xf32>
    %get3A_9 = arith.constant 0 : index
    %get3A_10 = arith.constant 0 : index
    %get3A_11 = vector.load %arg2[%get3A_9, %get3A_10] : memref<1000x32xf32, #tpu.memory_space<vmem>>, vector<1000x32xf32>
    %get3A_12 = arith.constant 0 : index
    %get3A_13 = arith.constant 0 : index
    %get3A_14 = vector.load %arg4[%get3A_12, %get3A_13] : memref<32x32xf32, #tpu.memory_space<vmem>>, vector<32x32xf32>
    %dot_general3A = arith.constant dense<0.000000e+00> : vector<1000x32xf32>
    %dot_general3A_15 = tpu.matmul %get3A_11, %get3A_14, %dot_general3A {dimension_numbers = #tpu.dot_dimension_numbers<[1], [0], [0], [1], [0, 0, 1, 1], [], []>, transpose_lhs_hint = false} : vector<1000x32xf32>, vector<32x32xf32>, vector<1000x32xf32> -> vector<1000x32xf32>
    %add3A_16 = arith.addf %add3A, %dot_general3A_15 : vector<1000x32xf32>
    %get3A_17 = arith.constant 0 : index
    %get3A_18 = arith.constant 0 : index
    %get3A_19 = vector.load %arg3[%get3A_17, %get3A_18] : memref<1000x10xf32, #tpu.memory_space<vmem>>, vector<1000x10xf32>
    %get3A_20 = arith.constant 0 : index
    %get3A_21 = arith.constant 0 : index
    %get3A_22 = vector.load %arg5[%get3A_20, %get3A_21] : memref<10x32xf32, #tpu.memory_space<vmem>>, vector<10x32xf32>
    %dot_general3A_23 = arith.constant dense<0.000000e+00> : vector<1000x32xf32>
    %dot_general3A_24 = tpu.matmul %get3A_19, %get3A_22, %dot_general3A_23 {dimension_numbers = #tpu.dot_dimension_numbers<[1], [0], [0], [1], [0, 0, 1, 1], [], []>, transpose_lhs_hint = false} : vector<1000x10xf32>, vector<10x32xf32>, vector<1000x32xf32> -> vector<1000x32xf32>
    %add3A_25 = arith.addf %add3A_16, %dot_general3A_24 : vector<1000x32xf32>
    %neg3A = arith.constant 0.000000e+00 : f32
    %neg3A_26 = vector.broadcast %neg3A : f32 to vector<1000x32xf32>
    %neg3A_27 = arith.subf %neg3A_26, %add3A_25 : vector<1000x32xf32>
    %exp3A = math.exp %neg3A_27 : vector<1000x32xf32>
    %add3A_28 = arith.constant 1.000000e+00 : f32
    %add3A_29 = vector.broadcast %add3A_28 : f32 to vector<1000x32xf32>
    %add3A_30 = arith.addf %add3A_29, %exp3A : vector<1000x32xf32>
    %div3A = arith.constant 1.000000e+00 : f32
    %div3A_31 = vector.broadcast %div3A : f32 to vector<1000x32xf32>
    %div3A_32 = arith.divf %div3A_31, %add3A_30 : vector<1000x32xf32>
    %mul3A = arith.mulf %add3A_25, %div3A_32 : vector<1000x32xf32>
    %swap3A = arith.constant 0 : index
    %swap3A_33 = arith.constant 0 : index
    %swap3A_34 = vector.load %arg7[%swap3A, %swap3A_33] : memref<1000x32xf32, #tpu.memory_space<vmem>>, vector<1000x32xf32>
    tpu.vector_store %arg7[%swap3A, %swap3A_33], %mul3A {strides = array<i32>} : memref<1000x32xf32, #tpu.memory_space<vmem>>, vector<1000x32xf32>,
    %swap3A_35 = arith.constant 0 : index
    %swap3A_36 = arith.constant 0 : index
    %swap3A_37 = vector.load %arg8[%swap3A_35, %swap3A_36] : memref<1000x32xf32, #tpu.memory_space<vmem>>, vector<1000x32xf32>
    tpu.vector_store %arg8[%swap3A_35, %swap3A_36], %add3A_25 {strides = array<i32>} : memref<1000x32xf32, #tpu.memory_space<vmem>>, vector<1000x32xf32>,
    %get3A_38 = arith.constant 0 : index
    %get3A_39 = arith.constant 0 : index
    %get3A_40 = vector.load %arg6[%get3A_38, %get3A_39] : memref<32x1xf32, #tpu.memory_space<vmem>>, vector<32x1xf32>
    %dot_general3A_41 = arith.constant dense<0.000000e+00> : vector<1000x1xf32>
    %dot_general3A_42 = tpu.matmul %mul3A, %get3A_40, %dot_general3A_41 {dimension_numbers = #tpu.dot_dimension_numbers<[1], [0], [0], [1], [0, 0, 1, 1], [], []>, transpose_lhs_hint = false} : vector<1000x32xf32>, vector<32x1xf32>, vector<1000x1xf32> -> vector<1000x1xf32>
    %swap3A_43 = arith.constant 0 : index
    %swap3A_44 = arith.constant 0 : index
    %swap3A_45 = vector.load %arg9[%swap3A_43, %swap3A_44] : memref<1000x1xf32, #tpu.memory_space<vmem>>, vector<1000x1xf32>
    tpu.vector_store %arg9[%swap3A_43, %swap3A_44], %dot_general3A_42 {strides = array<i32>} : memref<1000x1xf32, #tpu.memory_space<vmem>>, vector<1000x1xf32>,
    return
  }
  func.func @transform_0(%arg0: i32) -> (i32, i32, i32) {
    %c0_i32 = arith.constant 0 : i32
    %c0_i32_0 = arith.constant 0 : i32
    %c0_i32_1 = arith.constant 0 : i32
    return %c0_i32, %arg0, %c0_i32_0 : i32, i32, i32
  }
  func.func @transform_1(%arg0: i32) -> (i32, i32) {
    %c0_i32 = arith.constant 0 : i32
    %c0_i32_0 = arith.constant 0 : i32
    return %arg0, %c0_i32 : i32, i32
  }
  func.func @transform_2(%arg0: i32) -> (i32, i32) {
    %c0_i32 = arith.constant 0 : i32
    %c0_i32_0 = arith.constant 0 : i32
    return %arg0, %c0_i32 : i32, i32
  }
  func.func @transform_3(%arg0: i32) -> (i32, i32) {
    %c0_i32 = arith.constant 0 : i32
    %c0_i32_0 = arith.constant 0 : i32
    %c0_i32_1 = arith.constant 0 : i32
    return %c0_i32, %c0_i32_0 : i32, i32
  }
  func.func @transform_4(%arg0: i32) -> (i32, i32) {
    %c0_i32 = arith.constant 0 : i32
    %c0_i32_0 = arith.constant 0 : i32
    %c0_i32_1 = arith.constant 0 : i32
    return %c0_i32, %c0_i32_0 : i32, i32
  }
  func.func @transform_5(%arg0: i32) -> (i32, i32) {
    %c0_i32 = arith.constant 0 : i32
    %c0_i32_0 = arith.constant 0 : i32
    %c0_i32_1 = arith.constant 0 : i32
    return %c0_i32, %c0_i32_0 : i32, i32
  }
  func.func @transform_6(%arg0: i32) -> (i32, i32) {
    %c0_i32 = arith.constant 0 : i32
    %c0_i32_0 = arith.constant 0 : i32
    return %arg0, %c0_i32 : i32, i32
  }
  func.func @transform_7(%arg0: i32) -> (i32, i32) {
    %c0_i32 = arith.constant 0 : i32
    %c0_i32_0 = arith.constant 0 : i32
    return %arg0, %c0_i32 : i32, i32
  }
  func.func @transform_8(%arg0: i32) -> (i32, i32) {
    %c0_i32 = arith.constant 0 : i32
    %c0_i32_0 = arith.constant 0 : i32
    return %arg0, %c0_i32 : i32, i32
  }
}

module attributes {stable_mosaic.version = 14 : i64} {
  func.func @body(%arg0: i32, %arg1: memref<2x1000x32xf32, #tpu.memory_space<vmem>>, %arg2: memref<1000x32xf32, #tpu.memory_space<vmem>>, %arg3: memref<1000x10xf32, #tpu.memory_space<vmem>>, %arg4: memref<1000x1xf32, #tpu.memory_space<vmem>>, %arg5: memref<32x32xf32, #tpu.memory_space<vmem>>, %arg6: memref<10x32xf32, #tpu.memory_space<vmem>>, %arg7: memref<32x1xf32, #tpu.memory_space<vmem>>, %arg8: memref<1x32xf32, #tpu.memory_space<vmem>>, %arg9: memref<32x32xf32, #tpu.memory_space<vmem>>, %arg10: memref<1000x1xf32, #tpu.memory_space<vmem>>, %arg11: memref<1000x32xf32, #tpu.memory_space<vmem>>, %arg12: memref<1000x32xf32, #tpu.memory_space<vmem>>) attributes {dimension_semantics = [#tpu.dimension_semantics<arbitrary>], iteration_bounds = array<i64: 10>, scalar_prefetch = 0 : i64, scratch_operands = 0 : i64, tpu.core_type = #tpu.core_type<tc>, window_params = [{transform_indices = @transform_0, window_bounds = array<i64: 2, 1000, 32>}, {transform_indices = @transform_1, window_bounds = array<i64: 1000, 32>}, {transform_indices = @transform_2, window_bounds = array<i64: 1000, 10>}, {transform_indices = @transform_3, window_bounds = array<i64: 1000, 1>}, {pipeline_mode = #tpu.pipeline_mode<synchronous>, transform_indices = @transform_4, window_bounds = array<i64: 32, 32>}, {pipeline_mode = #tpu.pipeline_mode<synchronous>, transform_indices = @transform_5, window_bounds = array<i64: 10, 32>}, {pipeline_mode = #tpu.pipeline_mode<synchronous>, transform_indices = @transform_6, window_bounds = array<i64: 32, 1>}, {pipeline_mode = #tpu.pipeline_mode<synchronous>, transform_indices = @transform_7, window_bounds = array<i64: 1, 32>}, {pipeline_mode = #tpu.pipeline_mode<synchronous>, transform_indices = @transform_8, window_bounds = array<i64: 32, 32>}, {transform_indices = @transform_9, window_bounds = array<i64: 1000, 1>}, {transform_indices = @transform_10, window_bounds = array<i64: 1000, 32>}, {transform_indices = @transform_11, window_bounds = array<i64: 1000, 32>}]} {
    %get3A = arith.constant 0 : index
    %get3A_0 = arith.constant 0 : index
    %get3A_1 = arith.constant 0 : index
    %get3A_2 = vector.load %arg1[%get3A, %get3A_0, %get3A_1] : memref<2x1000x32xf32, #tpu.memory_space<vmem>>, vector<1x1000x32xf32>
    %get3A_3 = vector.shape_cast %get3A_2 : vector<1x1000x32xf32> to vector<1000x32xf32>
    %get3A_4 = arith.constant 1 : index
    %get3A_5 = arith.constant 0 : index
    %get3A_6 = arith.constant 0 : index
    %get3A_7 = vector.load %arg1[%get3A_4, %get3A_5, %get3A_6] : memref<2x1000x32xf32, #tpu.memory_space<vmem>>, vector<1x1000x32xf32>
    %get3A_8 = vector.shape_cast %get3A_7 : vector<1x1000x32xf32> to vector<1000x32xf32>
    %add3A = arith.addf %get3A_3, %get3A_8 : vector<1000x32xf32>
    %get3A_9 = arith.constant 0 : index
    %get3A_10 = arith.constant 0 : index
    %get3A_11 = vector.load %arg2[%get3A_9, %get3A_10] : memref<1000x32xf32, #tpu.memory_space<vmem>>, vector<1000x32xf32>
    %get3A_12 = arith.constant 0 : index
    %get3A_13 = arith.constant 0 : index
    %get3A_14 = vector.load %arg5[%get3A_12, %get3A_13] : memref<32x32xf32, #tpu.memory_space<vmem>>, vector<32x32xf32>
    %dot_general3A = arith.constant dense<0.000000e+00> : vector<1000x32xf32>
    %dot_general3A_15 = tpu.matmul %get3A_11, %get3A_14, %dot_general3A {dimension_numbers = #tpu.dot_dimension_numbers<[1], [0], [0], [1], [0, 0, 1, 1], [], []>, transpose_lhs_hint = false} : vector<1000x32xf32>, vector<32x32xf32>, vector<1000x32xf32> -> vector<1000x32xf32>
    %add3A_16 = arith.addf %add3A, %dot_general3A_15 : vector<1000x32xf32>
    %get3A_17 = arith.constant 0 : index
    %get3A_18 = arith.constant 0 : index
    %get3A_19 = vector.load %arg3[%get3A_17, %get3A_18] : memref<1000x10xf32, #tpu.memory_space<vmem>>, vector<1000x10xf32>
    %get3A_20 = arith.constant 0 : index
    %get3A_21 = arith.constant 0 : index
    %get3A_22 = vector.load %arg6[%get3A_20, %get3A_21] : memref<10x32xf32, #tpu.memory_space<vmem>>, vector<10x32xf32>
    %dot_general3A_23 = arith.constant dense<0.000000e+00> : vector<1000x32xf32>
    %dot_general3A_24 = tpu.matmul %get3A_19, %get3A_22, %dot_general3A_23 {dimension_numbers = #tpu.dot_dimension_numbers<[1], [0], [0], [1], [0, 0, 1, 1], [], []>, transpose_lhs_hint = false} : vector<1000x10xf32>, vector<10x32xf32>, vector<1000x32xf32> -> vector<1000x32xf32>
    %add3A_25 = arith.addf %add3A_16, %dot_general3A_24 : vector<1000x32xf32>
    %neg3A = arith.constant 0.000000e+00 : f32
    %neg3A_26 = vector.broadcast %neg3A : f32 to vector<1000x32xf32>
    %neg3A_27 = arith.subf %neg3A_26, %add3A_25 : vector<1000x32xf32>
    %exp3A = math.exp %neg3A_27 : vector<1000x32xf32>
    %add3A_28 = arith.constant 1.000000e+00 : f32
    %add3A_29 = vector.broadcast %add3A_28 : f32 to vector<1000x32xf32>
    %add3A_30 = arith.addf %add3A_29, %exp3A : vector<1000x32xf32>
    %div3A = arith.constant 1.000000e+00 : f32
    %div3A_31 = vector.broadcast %div3A : f32 to vector<1000x32xf32>
    %div3A_32 = arith.divf %div3A_31, %add3A_30 : vector<1000x32xf32>
    %mul3A = arith.mulf %add3A_25, %div3A_32 : vector<1000x32xf32>
    %get3A_33 = arith.constant 0 : index
    %get3A_34 = arith.constant 0 : index
    %get3A_35 = vector.load %arg4[%get3A_33, %get3A_34] : memref<1000x1xf32, #tpu.memory_space<vmem>>, vector<1000x1xf32>
    %get3A_36 = arith.constant 0 : index
    %get3A_37 = arith.constant 0 : index
    %get3A_38 = vector.load %arg7[%get3A_36, %get3A_37] : memref<32x1xf32, #tpu.memory_space<vmem>>, vector<32x1xf32>
    %dot_general3A_39 = arith.constant dense<0.000000e+00> : vector<1000x1xf32>
    %dot_general3A_40 = tpu.matmul %mul3A, %get3A_38, %dot_general3A_39 {dimension_numbers = #tpu.dot_dimension_numbers<[1], [0], [0], [1], [0, 0, 1, 1], [], []>, transpose_lhs_hint = false} : vector<1000x32xf32>, vector<32x1xf32>, vector<1000x1xf32> -> vector<1000x1xf32>
    %add3A_41 = arith.addf %get3A_35, %dot_general3A_40 : vector<1000x1xf32>
    %swap3A = arith.constant 0 : index
    %swap3A_42 = arith.constant 0 : index
    %swap3A_43 = vector.load %arg10[%swap3A, %swap3A_42] : memref<1000x1xf32, #tpu.memory_space<vmem>>, vector<1000x1xf32>
    tpu.vector_store %arg10[%swap3A, %swap3A_42], %add3A_41 {strides = array<i32>} : memref<1000x1xf32, #tpu.memory_space<vmem>>, vector<1000x1xf32>,
    %get3A_44 = arith.constant 0 : index
    %get3A_45 = arith.constant 0 : index
    %get3A_46 = vector.load %arg7[%get3A_44, %get3A_45] : memref<32x1xf32, #tpu.memory_space<vmem>>, vector<32x1xf32>
    %transpose3A = tpu.transpose %get3A_46, [1, 0] : vector<32x1xf32> -> vector<1x32xf32>
    %neg3A_47 = arith.constant 0.000000e+00 : f32
    %neg3A_48 = vector.broadcast %neg3A_47 : f32 to vector<1000x32xf32>
    %neg3A_49 = arith.subf %neg3A_48, %add3A_25 : vector<1000x32xf32>
    %exp3A_50 = math.exp %neg3A_49 : vector<1000x32xf32>
    %add3A_51 = arith.constant 1.000000e+00 : f32
    %add3A_52 = vector.broadcast %add3A_51 : f32 to vector<1000x32xf32>
    %add3A_53 = arith.addf %add3A_52, %exp3A_50 : vector<1000x32xf32>
    %div3A_54 = arith.constant 1.000000e+00 : f32
    %div3A_55 = vector.broadcast %div3A_54 : f32 to vector<1000x32xf32>
    %div3A_56 = arith.divf %div3A_55, %add3A_53 : vector<1000x32xf32>
    %mul3A_57 = arith.mulf %add3A_25, %div3A_56 : vector<1000x32xf32>
    %sub3A = arith.constant 1.000000e+00 : f32
    %sub3A_58 = vector.broadcast %sub3A : f32 to vector<1000x32xf32>
    %sub3A_59 = arith.subf %sub3A_58, %div3A_56 : vector<1000x32xf32>
    %mul3A_60 = arith.mulf %mul3A_57, %sub3A_59 : vector<1000x32xf32>
    %add3A_61 = arith.addf %div3A_56, %mul3A_60 : vector<1000x32xf32>
    %mul3A_62 = vector.broadcast %transpose3A : vector<1x32xf32> to vector<1000x32xf32>
    %mul3A_63 = arith.mulf %mul3A_62, %add3A_61 : vector<1000x32xf32>
    %swap3A_64 = arith.constant 0 : index
    %swap3A_65 = arith.constant 0 : index
    %swap3A_66 = vector.load %arg11[%swap3A_64, %swap3A_65] : memref<1000x32xf32, #tpu.memory_space<vmem>>, vector<1000x32xf32>
    tpu.vector_store %arg11[%swap3A_64, %swap3A_65], %mul3A_63 {strides = array<i32>} : memref<1000x32xf32, #tpu.memory_space<vmem>>, vector<1000x32xf32>,
    %get3A_67 = arith.constant 0 : index
    %get3A_68 = arith.constant 0 : index
    %get3A_69 = vector.load %arg8[%get3A_67, %get3A_68] : memref<1x32xf32, #tpu.memory_space<vmem>>, vector<1x32xf32>
    %get3A_70 = arith.constant 0 : index
    %get3A_71 = arith.constant 0 : index
    %get3A_72 = vector.load %arg9[%get3A_70, %get3A_71] : memref<32x32xf32, #tpu.memory_space<vmem>>, vector<32x32xf32>
    %dot_general3A_73 = arith.constant dense<0.000000e+00> : vector<1000x32xf32>
    %dot_general3A_74 = tpu.matmul %mul3A_63, %get3A_72, %dot_general3A_73 {dimension_numbers = #tpu.dot_dimension_numbers<[1], [0], [0], [1], [0, 0, 1, 1], [], []>, transpose_lhs_hint = false} : vector<1000x32xf32>, vector<32x32xf32>, vector<1000x32xf32> -> vector<1000x32xf32>
    %add3A_75 = vector.broadcast %get3A_69 : vector<1x32xf32> to vector<1000x32xf32>
    %add3A_76 = arith.addf %add3A_75, %dot_general3A_74 : vector<1000x32xf32>
    %swap3A_77 = arith.constant 0 : index
    %swap3A_78 = arith.constant 0 : index
    %swap3A_79 = vector.load %arg12[%swap3A_77, %swap3A_78] : memref<1000x32xf32, #tpu.memory_space<vmem>>, vector<1000x32xf32>
    tpu.vector_store %arg12[%swap3A_77, %swap3A_78], %add3A_76 {strides = array<i32>} : memref<1000x32xf32, #tpu.memory_space<vmem>>, vector<1000x32xf32>,
    return
  }
  func.func @transform_0(%arg0: i32) -> (i32, i32, i32) {
    %c0_i32 = arith.constant 0 : i32
    %c0_i32_0 = arith.constant 0 : i32
    %c0_i32_1 = arith.constant 0 : i32
    return %c0_i32, %arg0, %c0_i32_0 : i32, i32, i32
  }
  func.func @transform_1(%arg0: i32) -> (i32, i32) {
    %c0_i32 = arith.constant 0 : i32
    %c0_i32_0 = arith.constant 0 : i32
    return %arg0, %c0_i32 : i32, i32
  }
  func.func @transform_2(%arg0: i32) -> (i32, i32) {
    %c0_i32 = arith.constant 0 : i32
    %c0_i32_0 = arith.constant 0 : i32
    return %arg0, %c0_i32 : i32, i32
  }
  func.func @transform_3(%arg0: i32) -> (i32, i32) {
    %c0_i32 = arith.constant 0 : i32
    %c0_i32_0 = arith.constant 0 : i32
    return %arg0, %c0_i32 : i32, i32
  }
  func.func @transform_4(%arg0: i32) -> (i32, i32) {
    %c0_i32 = arith.constant 0 : i32
    %c0_i32_0 = arith.constant 0 : i32
    %c0_i32_1 = arith.constant 0 : i32
    return %c0_i32, %c0_i32_0 : i32, i32
  }
  func.func @transform_5(%arg0: i32) -> (i32, i32) {
    %c0_i32 = arith.constant 0 : i32
    %c0_i32_0 = arith.constant 0 : i32
    %c0_i32_1 = arith.constant 0 : i32
    return %c0_i32, %c0_i32_0 : i32, i32
  }
  func.func @transform_6(%arg0: i32) -> (i32, i32) {
    %c0_i32 = arith.constant 0 : i32
    %c0_i32_0 = arith.constant 0 : i32
    %c0_i32_1 = arith.constant 0 : i32
    return %c0_i32, %c0_i32_0 : i32, i32
  }
  func.func @transform_7(%arg0: i32) -> (i32, i32) {
    %c0_i32 = arith.constant 0 : i32
    %c0_i32_0 = arith.constant 0 : i32
    %c0_i32_1 = arith.constant 0 : i32
    return %c0_i32, %c0_i32_0 : i32, i32
  }
  func.func @transform_8(%arg0: i32) -> (i32, i32) {
    %c0_i32 = arith.constant 0 : i32
    %c0_i32_0 = arith.constant 0 : i32
    %c0_i32_1 = arith.constant 0 : i32
    return %c0_i32, %c0_i32_0 : i32, i32
  }
  func.func @transform_9(%arg0: i32) -> (i32, i32) {
    %c0_i32 = arith.constant 0 : i32
    %c0_i32_0 = arith.constant 0 : i32
    return %arg0, %c0_i32 : i32, i32
  }
  func.func @transform_10(%arg0: i32) -> (i32, i32) {
    %c0_i32 = arith.constant 0 : i32
    %c0_i32_0 = arith.constant 0 : i32
    return %arg0, %c0_i32 : i32, i32
  }
  func.func @transform_11(%arg0: i32) -> (i32, i32) {
    %c0_i32 = arith.constant 0 : i32
    %c0_i32_0 = arith.constant 0 : i32
    return %arg0, %c0_i32 : i32, i32
  }
}

module attributes {stable_mosaic.version = 14 : i64} {
  func.func @body(%arg0: i32, %arg1: memref<4x2048xf32, #tpu.memory_space<vmem>>, %arg2: memref<8x2048xf32, #tpu.memory_space<vmem>>, %arg3: memref<8x2048xf32, #tpu.memory_space<vmem>>, %arg4: memref<2048x32xf32, #tpu.memory_space<vmem>>, %arg5: memref<2048x32xf32, #tpu.memory_space<vmem>>, %arg6: memref<64x8xf32, #tpu.memory_space<vmem>>, %arg7: memref<64x1xf32, #tpu.memory_space<vmem>>, %arg8: memref<32x64xf32, #tpu.memory_space<vmem>>, %arg9: memref<288x32xf32, #tpu.memory_space<vmem>>, %arg10: memref<8x64xf32, #tpu.memory_space<vmem>>, %arg11: memref<64x32xf32, #tpu.memory_space<vmem>>, %arg12: memref<2048x32xf32, #tpu.memory_space<vmem>>, %arg13: memref<4x2048xf32, #tpu.memory_space<vmem>>) attributes {dimension_semantics = [#tpu.dimension_semantics<arbitrary>], iteration_bounds = array<i64: 80>, scalar_prefetch = 0 : i64, scratch_operands = 0 : i64, tpu.core_type = #tpu.core_type<tc>, window_params = [{transform_indices = @transform_0, window_bounds = array<i64: 4, 2048>}, {transform_indices = @transform_1, window_bounds = array<i64: 8, 2048>}, {transform_indices = @transform_2, window_bounds = array<i64: 8, 2048>}, {transform_indices = @transform_3, window_bounds = array<i64: 2048, 32>}, {transform_indices = @transform_4, window_bounds = array<i64: 2048, 32>}, {pipeline_mode = #tpu.pipeline_mode<synchronous>, transform_indices = @transform_5, window_bounds = array<i64: 64, 8>}, {pipeline_mode = #tpu.pipeline_mode<synchronous>, transform_indices = @transform_6, window_bounds = array<i64: 64, 1>}, {pipeline_mode = #tpu.pipeline_mode<synchronous>, transform_indices = @transform_7, window_bounds = array<i64: 32, 64>}, {pipeline_mode = #tpu.pipeline_mode<synchronous>, transform_indices = @transform_8, window_bounds = array<i64: 288, 32>}, {pipeline_mode = #tpu.pipeline_mode<synchronous>, transform_indices = @transform_9, window_bounds = array<i64: 8, 64>}, {pipeline_mode = #tpu.pipeline_mode<synchronous>, transform_indices = @transform_10, window_bounds = array<i64: 64, 32>}, {transform_indices = @transform_11, window_bounds = array<i64: 2048, 32>}, {transform_indices = @transform_12, window_bounds = array<i64: 4, 2048>}]} {
    %get3A = arith.constant 0 : index
    %get3A_0 = arith.constant 0 : index
    %get3A_1 = vector.load %arg1[%get3A, %get3A_0] : memref<4x2048xf32, #tpu.memory_space<vmem>>, vector<4x2048xf32>
    %slice3A = vector.extract_strided_slice %get3A_1 {offsets = [0, 0], sizes = [1, 2048], strides = [1, 1]} : vector<4x2048xf32> to vector<1x2048xf32>
    %slice3A_2 = vector.extract_strided_slice %get3A_1 {offsets = [1, 0], sizes = [1, 2048], strides = [1, 1]} : vector<4x2048xf32> to vector<1x2048xf32>
    %slice3A_3 = vector.extract_strided_slice %get3A_1 {offsets = [2, 0], sizes = [1, 2048], strides = [1, 1]} : vector<4x2048xf32> to vector<1x2048xf32>
    %broadcast_in_dim3A = arith.constant 1.000000e+00 : f32
    %broadcast_in_dim3A_4 = vector.broadcast %broadcast_in_dim3A : f32 to vector<1x2048xf32>
    %mul3A = arith.constant 1.73205078 : f32
    %mul3A_5 = vector.broadcast %mul3A : f32 to vector<1x2048xf32>
    %mul3A_6 = arith.mulf %mul3A_5, %slice3A : vector<1x2048xf32>
    %mul3A_7 = arith.constant 1.73205078 : f32
    %mul3A_8 = vector.broadcast %mul3A_7 : f32 to vector<1x2048xf32>
    %mul3A_9 = arith.mulf %mul3A_8, %slice3A_2 : vector<1x2048xf32>
    %mul3A_10 = arith.constant 1.73205078 : f32
    %mul3A_11 = vector.broadcast %mul3A_10 : f32 to vector<1x2048xf32>
    %mul3A_12 = arith.mulf %mul3A_11, %slice3A_3 : vector<1x2048xf32>
    %mul3A_13 = arith.constant 3.87298346 : f32
    %mul3A_14 = vector.broadcast %mul3A_13 : f32 to vector<1x2048xf32>
    %mul3A_15 = arith.mulf %mul3A_14, %slice3A : vector<1x2048xf32>
    %mul3A_16 = arith.mulf %mul3A_15, %slice3A_2 : vector<1x2048xf32>
    %mul3A_17 = arith.constant 3.87298346 : f32
    %mul3A_18 = vector.broadcast %mul3A_17 : f32 to vector<1x2048xf32>
    %mul3A_19 = arith.mulf %mul3A_18, %slice3A_2 : vector<1x2048xf32>
    %mul3A_20 = arith.mulf %mul3A_19, %slice3A_3 : vector<1x2048xf32>
    %mul3A_21 = arith.constant 3.000000e+00 : f32
    %mul3A_22 = vector.broadcast %mul3A_21 : f32 to vector<1x2048xf32>
    %mul3A_23 = arith.mulf %mul3A_22, %slice3A_3 : vector<1x2048xf32>
    %mul3A_24 = arith.mulf %mul3A_23, %slice3A_3 : vector<1x2048xf32>
    %sub3A = arith.constant 1.000000e+00 : f32
    %sub3A_25 = vector.broadcast %sub3A : f32 to vector<1x2048xf32>
    %sub3A_26 = arith.subf %mul3A_24, %sub3A_25 : vector<1x2048xf32>
    %mul3A_27 = arith.constant 1.11803401 : f32
    %mul3A_28 = vector.broadcast %mul3A_27 : f32 to vector<1x2048xf32>
    %mul3A_29 = arith.mulf %mul3A_28, %sub3A_26 : vector<1x2048xf32>
    %mul3A_30 = arith.constant 3.87298346 : f32
    %mul3A_31 = vector.broadcast %mul3A_30 : f32 to vector<1x2048xf32>
    %mul3A_32 = arith.mulf %mul3A_31, %slice3A : vector<1x2048xf32>
    %mul3A_33 = arith.mulf %mul3A_32, %slice3A_3 : vector<1x2048xf32>
    %mul3A_34 = arith.mulf %slice3A, %slice3A : vector<1x2048xf32>
    %mul3A_35 = arith.mulf %slice3A_2, %slice3A_2 : vector<1x2048xf32>
    %sub3A_36 = arith.subf %mul3A_34, %mul3A_35 : vector<1x2048xf32>
    %mul3A_37 = arith.constant 1.93649173 : f32
    %mul3A_38 = vector.broadcast %mul3A_37 : f32 to vector<1x2048xf32>
    %mul3A_39 = arith.mulf %mul3A_38, %sub3A_36 : vector<1x2048xf32>
    %get3A_40 = arith.constant 0 : index
    %get3A_41 = arith.constant 0 : index
    %get3A_42 = vector.load %arg2[%get3A_40, %get3A_41] : memref<8x2048xf32, #tpu.memory_space<vmem>>, vector<8x2048xf32>
    %get3A_43 = arith.constant 0 : index
    %get3A_44 = arith.constant 0 : index
    %get3A_45 = vector.load %arg6[%get3A_43, %get3A_44] : memref<64x8xf32, #tpu.memory_space<vmem>>, vector<64x8xf32>
    %dot_general3A = arith.constant dense<0.000000e+00> : vector<64x2048xf32>
    %dot_general3A_46 = tpu.matmul %get3A_45, %get3A_42, %dot_general3A {dimension_numbers = #tpu.dot_dimension_numbers<[1], [0], [0], [1], [0, 0, 1, 1], [], []>, transpose_lhs_hint = false} : vector<64x8xf32>, vector<8x2048xf32>, vector<64x2048xf32> -> vector<64x2048xf32>
    %get3A_47 = arith.constant 0 : index
    %get3A_48 = arith.constant 0 : index
    %get3A_49 = vector.load %arg7[%get3A_47, %get3A_48] : memref<64x1xf32, #tpu.memory_space<vmem>>, vector<64x1xf32>
    %add3A = vector.broadcast %get3A_49 : vector<64x1xf32> to vector<64x2048xf32>
    %add3A_50 = arith.addf %dot_general3A_46, %add3A : vector<64x2048xf32>
    %neg3A = arith.constant 0.000000e+00 : f32
    %neg3A_51 = vector.broadcast %neg3A : f32 to vector<64x2048xf32>
    %neg3A_52 = arith.subf %neg3A_51, %add3A_50 : vector<64x2048xf32>
    %exp3A = math.exp %neg3A_52 : vector<64x2048xf32>
    %add3A_53 = arith.constant 1.000000e+00 : f32
    %add3A_54 = vector.broadcast %add3A_53 : f32 to vector<64x2048xf32>
    %add3A_55 = arith.addf %add3A_54, %exp3A : vector<64x2048xf32>
    %div3A = arith.constant 1.000000e+00 : f32
    %div3A_56 = vector.broadcast %div3A : f32 to vector<64x2048xf32>
    %div3A_57 = arith.divf %div3A_56, %add3A_55 : vector<64x2048xf32>
    %mul3A_58 = arith.mulf %add3A_50, %div3A_57 : vector<64x2048xf32>
    %get3A_59 = arith.constant 0 : index
    %get3A_60 = arith.constant 0 : index
    %get3A_61 = vector.load %arg8[%get3A_59, %get3A_60] : memref<32x64xf32, #tpu.memory_space<vmem>>, vector<32x64xf32>
    %dot_general3A_62 = arith.constant dense<0.000000e+00> : vector<32x2048xf32>
    %dot_general3A_63 = tpu.matmul %get3A_61, %mul3A_58, %dot_general3A_62 {dimension_numbers = #tpu.dot_dimension_numbers<[1], [0], [0], [1], [0, 0, 1, 1], [], []>, transpose_lhs_hint = false} : vector<32x64xf32>, vector<64x2048xf32>, vector<32x2048xf32> -> vector<32x2048xf32>
    %get3A_64 = arith.constant 3 : index
    %get3A_65 = arith.constant 0 : index
    %get3A_66 = vector.load %arg1[%get3A_64, %get3A_65] : memref<4x2048xf32, #tpu.memory_space<vmem>>, vector<1x2048xf32>
    %get3A_67 = arith.constant 0 : index
    %get3A_68 = arith.constant 0 : index
    %get3A_69 = vector.load %arg4[%get3A_67, %get3A_68] : memref<2048x32xf32, #tpu.memory_space<vmem>>, vector<2048x32xf32>
    %transpose3A = tpu.transpose %get3A_69, [1, 0] : vector<2048x32xf32> -> vector<32x2048xf32>
    %mul3A_70 = arith.mulf %transpose3A, %dot_general3A_63 : vector<32x2048xf32>
    %get3A_71 = arith.constant 0 : index
    %get3A_72 = arith.constant 0 : index
    %get3A_73 = vector.load %arg5[%get3A_71, %get3A_72] : memref<2048x32xf32, #tpu.memory_space<vmem>>, vector<2048x32xf32>
    %transpose3A_74 = tpu.transpose %get3A_73, [1, 0] : vector<2048x32xf32> -> vector<32x2048xf32>
    %get3A_75 = arith.constant 0 : index
    %get3A_76 = arith.constant 0 : index
    %get3A_77 = vector.load %arg9[%get3A_75, %get3A_76] : memref<288x32xf32, #tpu.memory_space<vmem>>, vector<288x32xf32>
    %dot_general3A_78 = arith.constant dense<0.000000e+00> : vector<288x2048xf32>
    %dot_general3A_79 = tpu.matmul %get3A_77, %transpose3A_74, %dot_general3A_78 {dimension_numbers = #tpu.dot_dimension_numbers<[1], [0], [0], [1], [0, 0, 1, 1], [], []>, transpose_lhs_hint = false} : vector<288x32xf32>, vector<32x2048xf32>, vector<288x2048xf32> -> vector<288x2048xf32>
    %broadcast_in_dim3A_80 = arith.constant 0.000000e+00 : f32
    %broadcast_in_dim3A_81 = vector.broadcast %broadcast_in_dim3A_80 : f32 to vector<32x2048xf32>
    %slice3A_82 = vector.extract_strided_slice %dot_general3A_79 {offsets = [0, 0], sizes = [32, 2048], strides = [1, 1]} : vector<288x2048xf32> to vector<32x2048xf32>
    %mul3A_83 = vector.broadcast %broadcast_in_dim3A_4 : vector<1x2048xf32> to vector<32x2048xf32>
    %mul3A_84 = arith.mulf %slice3A_82, %mul3A_83 : vector<32x2048xf32>
    %add3A_85 = arith.addf %broadcast_in_dim3A_81, %mul3A_84 : vector<32x2048xf32>
    %slice3A_86 = vector.extract_strided_slice %dot_general3A_79 {offsets = [32, 0], sizes = [32, 2048], strides = [1, 1]} : vector<288x2048xf32> to vector<32x2048xf32>
    %mul3A_87 = vector.broadcast %mul3A_6 : vector<1x2048xf32> to vector<32x2048xf32>
    %mul3A_88 = arith.mulf %slice3A_86, %mul3A_87 : vector<32x2048xf32>
    %add3A_89 = arith.addf %add3A_85, %mul3A_88 : vector<32x2048xf32>
    %mul3A_90 = arith.mulf %slice3A_86, %mul3A_70 : vector<32x2048xf32>
    %reduce_sum3A = arith.constant dense<0.000000e+00> : vector<2048xf32>
    %reduce_sum3A_91 = vector.multi_reduction <add>, %mul3A_90, %reduce_sum3A [0] : vector<32x2048xf32> to vector<2048xf32>
    %broadcast_in_dim3A_92 = vector.shape_cast %reduce_sum3A_91 : vector<2048xf32> to vector<1x2048xf32>
    %slice3A_93 = vector.extract_strided_slice %dot_general3A_79 {offsets = [64, 0], sizes = [32, 2048], strides = [1, 1]} : vector<288x2048xf32> to vector<32x2048xf32>
    %mul3A_94 = vector.broadcast %mul3A_9 : vector<1x2048xf32> to vector<32x2048xf32>
    %mul3A_95 = arith.mulf %slice3A_93, %mul3A_94 : vector<32x2048xf32>
    %add3A_96 = arith.addf %add3A_89, %mul3A_95 : vector<32x2048xf32>
    %mul3A_97 = arith.mulf %slice3A_93, %mul3A_70 : vector<32x2048xf32>
    %reduce_sum3A_98 = arith.constant dense<0.000000e+00> : vector<2048xf32>
    %reduce_sum3A_99 = vector.multi_reduction <add>, %mul3A_97, %reduce_sum3A_98 [0] : vector<32x2048xf32> to vector<2048xf32>
    %broadcast_in_dim3A_100 = vector.shape_cast %reduce_sum3A_99 : vector<2048xf32> to vector<1x2048xf32>
    %slice3A_101 = vector.extract_strided_slice %dot_general3A_79 {offsets = [96, 0], sizes = [32, 2048], strides = [1, 1]} : vector<288x2048xf32> to vector<32x2048xf32>
    %mul3A_102 = vector.broadcast %mul3A_12 : vector<1x2048xf32> to vector<32x2048xf32>
    %mul3A_103 = arith.mulf %slice3A_101, %mul3A_102 : vector<32x2048xf32>
    %add3A_104 = arith.addf %add3A_96, %mul3A_103 : vector<32x2048xf32>
    %mul3A_105 = arith.mulf %slice3A_101, %mul3A_70 : vector<32x2048xf32>
    %reduce_sum3A_106 = arith.constant dense<0.000000e+00> : vector<2048xf32>
    %reduce_sum3A_107 = vector.multi_reduction <add>, %mul3A_105, %reduce_sum3A_106 [0] : vector<32x2048xf32> to vector<2048xf32>
    %broadcast_in_dim3A_108 = vector.shape_cast %reduce_sum3A_107 : vector<2048xf32> to vector<1x2048xf32>
    %slice3A_109 = vector.extract_strided_slice %dot_general3A_79 {offsets = [128, 0], sizes = [32, 2048], strides = [1, 1]} : vector<288x2048xf32> to vector<32x2048xf32>
    %mul3A_110 = vector.broadcast %mul3A_16 : vector<1x2048xf32> to vector<32x2048xf32>
    %mul3A_111 = arith.mulf %slice3A_109, %mul3A_110 : vector<32x2048xf32>
    %add3A_112 = arith.addf %add3A_104, %mul3A_111 : vector<32x2048xf32>
    %mul3A_113 = arith.mulf %slice3A_109, %mul3A_70 : vector<32x2048xf32>
    %reduce_sum3A_114 = arith.constant dense<0.000000e+00> : vector<2048xf32>
    %reduce_sum3A_115 = vector.multi_reduction <add>, %mul3A_113, %reduce_sum3A_114 [0] : vector<32x2048xf32> to vector<2048xf32>
    %broadcast_in_dim3A_116 = vector.shape_cast %reduce_sum3A_115 : vector<2048xf32> to vector<1x2048xf32>
    %slice3A_117 = vector.extract_strided_slice %dot_general3A_79 {offsets = [160, 0], sizes = [32, 2048], strides = [1, 1]} : vector<288x2048xf32> to vector<32x2048xf32>
    %mul3A_118 = vector.broadcast %mul3A_20 : vector<1x2048xf32> to vector<32x2048xf32>
    %mul3A_119 = arith.mulf %slice3A_117, %mul3A_118 : vector<32x2048xf32>
    %add3A_120 = arith.addf %add3A_112, %mul3A_119 : vector<32x2048xf32>
    %mul3A_121 = arith.mulf %slice3A_117, %mul3A_70 : vector<32x2048xf32>
    %reduce_sum3A_122 = arith.constant dense<0.000000e+00> : vector<2048xf32>
    %reduce_sum3A_123 = vector.multi_reduction <add>, %mul3A_121, %reduce_sum3A_122 [0] : vector<32x2048xf32> to vector<2048xf32>
    %broadcast_in_dim3A_124 = vector.shape_cast %reduce_sum3A_123 : vector<2048xf32> to vector<1x2048xf32>
    %slice3A_125 = vector.extract_strided_slice %dot_general3A_79 {offsets = [192, 0], sizes = [32, 2048], strides = [1, 1]} : vector<288x2048xf32> to vector<32x2048xf32>
    %mul3A_126 = vector.broadcast %mul3A_29 : vector<1x2048xf32> to vector<32x2048xf32>
    %mul3A_127 = arith.mulf %slice3A_125, %mul3A_126 : vector<32x2048xf32>
    %add3A_128 = arith.addf %add3A_120, %mul3A_127 : vector<32x2048xf32>
    %mul3A_129 = arith.mulf %slice3A_125, %mul3A_70 : vector<32x2048xf32>
    %reduce_sum3A_130 = arith.constant dense<0.000000e+00> : vector<2048xf32>
    %reduce_sum3A_131 = vector.multi_reduction <add>, %mul3A_129, %reduce_sum3A_130 [0] : vector<32x2048xf32> to vector<2048xf32>
    %broadcast_in_dim3A_132 = vector.shape_cast %reduce_sum3A_131 : vector<2048xf32> to vector<1x2048xf32>
    %slice3A_133 = vector.extract_strided_slice %dot_general3A_79 {offsets = [224, 0], sizes = [32, 2048], strides = [1, 1]} : vector<288x2048xf32> to vector<32x2048xf32>
    %mul3A_134 = vector.broadcast %mul3A_33 : vector<1x2048xf32> to vector<32x2048xf32>
    %mul3A_135 = arith.mulf %slice3A_133, %mul3A_134 : vector<32x2048xf32>
    %add3A_136 = arith.addf %add3A_128, %mul3A_135 : vector<32x2048xf32>
    %mul3A_137 = arith.mulf %slice3A_133, %mul3A_70 : vector<32x2048xf32>
    %reduce_sum3A_138 = arith.constant dense<0.000000e+00> : vector<2048xf32>
    %reduce_sum3A_139 = vector.multi_reduction <add>, %mul3A_137, %reduce_sum3A_138 [0] : vector<32x2048xf32> to vector<2048xf32>
    %broadcast_in_dim3A_140 = vector.shape_cast %reduce_sum3A_139 : vector<2048xf32> to vector<1x2048xf32>
    %slice3A_141 = vector.extract_strided_slice %dot_general3A_79 {offsets = [256, 0], sizes = [32, 2048], strides = [1, 1]} : vector<288x2048xf32> to vector<32x2048xf32>
    %mul3A_142 = vector.broadcast %mul3A_39 : vector<1x2048xf32> to vector<32x2048xf32>
    %mul3A_143 = arith.mulf %slice3A_141, %mul3A_142 : vector<32x2048xf32>
    %add3A_144 = arith.addf %add3A_136, %mul3A_143 : vector<32x2048xf32>
    %mul3A_145 = arith.mulf %slice3A_141, %mul3A_70 : vector<32x2048xf32>
    %reduce_sum3A_146 = arith.constant dense<0.000000e+00> : vector<2048xf32>
    %reduce_sum3A_147 = vector.multi_reduction <add>, %mul3A_145, %reduce_sum3A_146 [0] : vector<32x2048xf32> to vector<2048xf32>
    %broadcast_in_dim3A_148 = vector.shape_cast %reduce_sum3A_147 : vector<2048xf32> to vector<1x2048xf32>
    %mul3A_149 = arith.mulf %add3A_144, %dot_general3A_63 : vector<32x2048xf32>
    %transpose3A_150 = tpu.transpose %mul3A_149, [1, 0] : vector<32x2048xf32> -> vector<2048x32xf32>
    %swap3A = arith.constant 0 : index
    %swap3A_151 = arith.constant 0 : index
    %swap3A_152 = vector.load %arg12[%swap3A, %swap3A_151] : memref<2048x32xf32, #tpu.memory_space<vmem>>, vector<2048x32xf32>
    tpu.vector_store %arg12[%swap3A, %swap3A_151], %transpose3A_150 {strides = array<i32>} : memref<2048x32xf32, #tpu.memory_space<vmem>>, vector<2048x32xf32>,
    %mul3A_153 = arith.mulf %add3A_144, %transpose3A : vector<32x2048xf32>
    %get3A_154 = arith.constant 0 : index
    %get3A_155 = arith.constant 0 : index
    %get3A_156 = vector.load %arg11[%get3A_154, %get3A_155] : memref<64x32xf32, #tpu.memory_space<vmem>>, vector<64x32xf32>
    %dot_general3A_157 = arith.constant dense<0.000000e+00> : vector<64x2048xf32>
    %dot_general3A_158 = tpu.matmul %get3A_156, %mul3A_153, %dot_general3A_157 {dimension_numbers = #tpu.dot_dimension_numbers<[1], [0], [0], [1], [0, 0, 1, 1], [], []>, transpose_lhs_hint = false} : vector<64x32xf32>, vector<32x2048xf32>, vector<64x2048xf32> -> vector<64x2048xf32>
    %neg3A_159 = arith.constant 0.000000e+00 : f32
    %neg3A_160 = vector.broadcast %neg3A_159 : f32 to vector<64x2048xf32>
    %neg3A_161 = arith.subf %neg3A_160, %add3A_50 : vector<64x2048xf32>
    %exp3A_162 = math.exp %neg3A_161 : vector<64x2048xf32>
    %add3A_163 = arith.constant 1.000000e+00 : f32
    %add3A_164 = vector.broadcast %add3A_163 : f32 to vector<64x2048xf32>
    %add3A_165 = arith.addf %add3A_164, %exp3A_162 : vector<64x2048xf32>
    %div3A_166 = arith.constant 1.000000e+00 : f32
    %div3A_167 = vector.broadcast %div3A_166 : f32 to vector<64x2048xf32>
    %div3A_168 = arith.divf %div3A_167, %add3A_165 : vector<64x2048xf32>
    %mul3A_169 = arith.mulf %add3A_50, %div3A_168 : vector<64x2048xf32>
    %sub3A_170 = arith.constant 1.000000e+00 : f32
    %sub3A_171 = vector.broadcast %sub3A_170 : f32 to vector<64x2048xf32>
    %sub3A_172 = arith.subf %sub3A_171, %div3A_168 : vector<64x2048xf32>
    %mul3A_173 = arith.mulf %mul3A_169, %sub3A_172 : vector<64x2048xf32>
    %add3A_174 = arith.addf %div3A_168, %mul3A_173 : vector<64x2048xf32>
    %mul3A_175 = arith.mulf %dot_general3A_158, %add3A_174 : vector<64x2048xf32>
    %get3A_176 = arith.constant 0 : index
    %get3A_177 = arith.constant 0 : index
    %get3A_178 = vector.load %arg10[%get3A_176, %get3A_177] : memref<8x64xf32, #tpu.memory_space<vmem>>, vector<8x64xf32>
    %dot_general3A_179 = arith.constant dense<0.000000e+00> : vector<8x2048xf32>
    %dot_general3A_180 = tpu.matmul %get3A_178, %mul3A_175, %dot_general3A_179 {dimension_numbers = #tpu.dot_dimension_numbers<[1], [0], [0], [1], [0, 0, 1, 1], [], []>, transpose_lhs_hint = false} : vector<8x64xf32>, vector<64x2048xf32>, vector<8x2048xf32> -> vector<8x2048xf32>
    %get3A_181 = arith.constant 0 : index
    %get3A_182 = arith.constant 0 : index
    %get3A_183 = vector.load %arg3[%get3A_181, %get3A_182] : memref<8x2048xf32, #tpu.memory_space<vmem>>, vector<8x2048xf32>
    %mul3A_184 = arith.mulf %dot_general3A_180, %get3A_183 : vector<8x2048xf32>
    %reduce_sum3A_185 = arith.constant dense<0.000000e+00> : vector<2048xf32>
    %reduce_sum3A_186 = vector.multi_reduction <add>, %mul3A_184, %reduce_sum3A_185 [0] : vector<8x2048xf32> to vector<2048xf32>
    %broadcast_in_dim3A_187 = vector.shape_cast %reduce_sum3A_186 : vector<2048xf32> to vector<1x2048xf32>
    %mul3A_188 = arith.constant 1.73205078 : f32
    %mul3A_189 = vector.broadcast %mul3A_188 : f32 to vector<1x2048xf32>
    %mul3A_190 = arith.mulf %mul3A_189, %broadcast_in_dim3A_92 : vector<1x2048xf32>
    %mul3A_191 = arith.mulf %slice3A_2, %broadcast_in_dim3A_116 : vector<1x2048xf32>
    %mul3A_192 = arith.mulf %slice3A_3, %broadcast_in_dim3A_140 : vector<1x2048xf32>
    %add3A_193 = arith.addf %mul3A_191, %mul3A_192 : vector<1x2048xf32>
    %mul3A_194 = arith.mulf %slice3A, %broadcast_in_dim3A_148 : vector<1x2048xf32>
    %add3A_195 = arith.addf %add3A_193, %mul3A_194 : vector<1x2048xf32>
    %mul3A_196 = arith.constant 3.87298346 : f32
    %mul3A_197 = vector.broadcast %mul3A_196 : f32 to vector<1x2048xf32>
    %mul3A_198 = arith.mulf %mul3A_197, %add3A_195 : vector<1x2048xf32>
    %add3A_199 = arith.addf %mul3A_190, %mul3A_198 : vector<1x2048xf32>
    %mul3A_200 = arith.constant 1.73205078 : f32
    %mul3A_201 = vector.broadcast %mul3A_200 : f32 to vector<1x2048xf32>
    %mul3A_202 = arith.mulf %mul3A_201, %broadcast_in_dim3A_100 : vector<1x2048xf32>
    %mul3A_203 = arith.mulf %slice3A, %broadcast_in_dim3A_116 : vector<1x2048xf32>
    %mul3A_204 = arith.mulf %slice3A_3, %broadcast_in_dim3A_124 : vector<1x2048xf32>
    %add3A_205 = arith.addf %mul3A_203, %mul3A_204 : vector<1x2048xf32>
    %mul3A_206 = arith.mulf %slice3A_2, %broadcast_in_dim3A_148 : vector<1x2048xf32>
    %sub3A_207 = arith.subf %add3A_205, %mul3A_206 : vector<1x2048xf32>
    %mul3A_208 = arith.constant 3.87298346 : f32
    %mul3A_209 = vector.broadcast %mul3A_208 : f32 to vector<1x2048xf32>
    %mul3A_210 = arith.mulf %mul3A_209, %sub3A_207 : vector<1x2048xf32>
    %add3A_211 = arith.addf %mul3A_202, %mul3A_210 : vector<1x2048xf32>
    %mul3A_212 = arith.constant 1.73205078 : f32
    %mul3A_213 = vector.broadcast %mul3A_212 : f32 to vector<1x2048xf32>
    %mul3A_214 = arith.mulf %mul3A_213, %broadcast_in_dim3A_108 : vector<1x2048xf32>
    %mul3A_215 = arith.mulf %slice3A_2, %broadcast_in_dim3A_124 : vector<1x2048xf32>
    %mul3A_216 = arith.mulf %slice3A, %broadcast_in_dim3A_140 : vector<1x2048xf32>
    %add3A_217 = arith.addf %mul3A_215, %mul3A_216 : vector<1x2048xf32>
    %mul3A_218 = arith.constant 3.87298346 : f32
    %mul3A_219 = vector.broadcast %mul3A_218 : f32 to vector<1x2048xf32>
    %mul3A_220 = arith.mulf %mul3A_219, %add3A_217 : vector<1x2048xf32>
    %add3A_221 = arith.addf %mul3A_214, %mul3A_220 : vector<1x2048xf32>
    %mul3A_222 = arith.constant 6.70820379 : f32
    %mul3A_223 = vector.broadcast %mul3A_222 : f32 to vector<1x2048xf32>
    %mul3A_224 = arith.mulf %mul3A_223, %slice3A_3 : vector<1x2048xf32>
    %mul3A_225 = arith.mulf %mul3A_224, %broadcast_in_dim3A_132 : vector<1x2048xf32>
    %add3A_226 = arith.addf %add3A_221, %mul3A_225 : vector<1x2048xf32>
    %mul3A_227 = arith.mulf %slice3A, %add3A_199 : vector<1x2048xf32>
    %mul3A_228 = arith.mulf %slice3A_2, %add3A_211 : vector<1x2048xf32>
    %add3A_229 = arith.addf %mul3A_227, %mul3A_228 : vector<1x2048xf32>
    %mul3A_230 = arith.mulf %slice3A_3, %add3A_226 : vector<1x2048xf32>
    %add3A_231 = arith.addf %add3A_229, %mul3A_230 : vector<1x2048xf32>
    %div3A_232 = arith.constant 1.000000e+00 : f32
    %div3A_233 = vector.broadcast %div3A_232 : f32 to vector<1x2048xf32>
    %div3A_234 = arith.divf %div3A_233, %get3A_66 : vector<1x2048xf32>
    %mul3A_235 = arith.mulf %slice3A, %add3A_231 : vector<1x2048xf32>
    %sub3A_236 = arith.subf %add3A_199, %mul3A_235 : vector<1x2048xf32>
    %mul3A_237 = arith.mulf %sub3A_236, %div3A_234 : vector<1x2048xf32>
    %mul3A_238 = arith.mulf %broadcast_in_dim3A_187, %slice3A : vector<1x2048xf32>
    %add3A_239 = arith.addf %mul3A_237, %mul3A_238 : vector<1x2048xf32>
    %mul3A_240 = arith.mulf %slice3A_2, %add3A_231 : vector<1x2048xf32>
    %sub3A_241 = arith.subf %add3A_211, %mul3A_240 : vector<1x2048xf32>
    %mul3A_242 = arith.mulf %sub3A_241, %div3A_234 : vector<1x2048xf32>
    %mul3A_243 = arith.mulf %broadcast_in_dim3A_187, %slice3A_2 : vector<1x2048xf32>
    %add3A_244 = arith.addf %mul3A_242, %mul3A_243 : vector<1x2048xf32>
    %mul3A_245 = arith.mulf %slice3A_3, %add3A_231 : vector<1x2048xf32>
    %sub3A_246 = arith.subf %add3A_226, %mul3A_245 : vector<1x2048xf32>
    %mul3A_247 = arith.mulf %sub3A_246, %div3A_234 : vector<1x2048xf32>
    %mul3A_248 = arith.mulf %broadcast_in_dim3A_187, %slice3A_3 : vector<1x2048xf32>
    %add3A_249 = arith.addf %mul3A_247, %mul3A_248 : vector<1x2048xf32>
    %broadcast_in_dim3A_250 = arith.constant 0.000000e+00 : f32
    %broadcast_in_dim3A_251 = vector.broadcast %broadcast_in_dim3A_250 : f32 to vector<1x2048xf32>
    %concatenate3A = tpu.concatenate %add3A_239, %add3A_244, %add3A_249, %broadcast_in_dim3A_251 in 0 : vector<1x2048xf32>, vector<1x2048xf32>, vector<1x2048xf32>, vector<1x2048xf32> -> vector<4x2048xf32>
    %swap3A_252 = arith.constant 0 : index
    %swap3A_253 = arith.constant 0 : index
    %swap3A_254 = vector.load %arg13[%swap3A_252, %swap3A_253] : memref<4x2048xf32, #tpu.memory_space<vmem>>, vector<4x2048xf32>
    tpu.vector_store %arg13[%swap3A_252, %swap3A_253], %concatenate3A {strides = array<i32>} : memref<4x2048xf32, #tpu.memory_space<vmem>>, vector<4x2048xf32>,
    return
  }
  func.func @transform_0(%arg0: i32) -> (i32, i32) {
    %c0_i32 = arith.constant 0 : i32
    %c0_i32_0 = arith.constant 0 : i32
    return %c0_i32, %arg0 : i32, i32
  }
  func.func @transform_1(%arg0: i32) -> (i32, i32) {
    %c0_i32 = arith.constant 0 : i32
    %c0_i32_0 = arith.constant 0 : i32
    return %c0_i32, %arg0 : i32, i32
  }
  func.func @transform_2(%arg0: i32) -> (i32, i32) {
    %c0_i32 = arith.constant 0 : i32
    %c0_i32_0 = arith.constant 0 : i32
    return %c0_i32, %arg0 : i32, i32
  }
  func.func @transform_3(%arg0: i32) -> (i32, i32) {
    %c0_i32 = arith.constant 0 : i32
    %c0_i32_0 = arith.constant 0 : i32
    return %arg0, %c0_i32 : i32, i32
  }
  func.func @transform_4(%arg0: i32) -> (i32, i32) {
    %c0_i32 = arith.constant 0 : i32
    %c0_i32_0 = arith.constant 0 : i32
    return %arg0, %c0_i32 : i32, i32
  }
  func.func @transform_5(%arg0: i32) -> (i32, i32) {
    %c0_i32 = arith.constant 0 : i32
    %c0_i32_0 = arith.constant 0 : i32
    %c0_i32_1 = arith.constant 0 : i32
    return %c0_i32, %c0_i32_0 : i32, i32
  }
  func.func @transform_6(%arg0: i32) -> (i32, i32) {
    %c0_i32 = arith.constant 0 : i32
    %c0_i32_0 = arith.constant 0 : i32
    %c0_i32_1 = arith.constant 0 : i32
    return %c0_i32, %c0_i32_0 : i32, i32
  }
  func.func @transform_7(%arg0: i32) -> (i32, i32) {
    %c0_i32 = arith.constant 0 : i32
    %c0_i32_0 = arith.constant 0 : i32
    %c0_i32_1 = arith.constant 0 : i32
    return %c0_i32, %c0_i32_0 : i32, i32
  }
  func.func @transform_8(%arg0: i32) -> (i32, i32) {
    %c0_i32 = arith.constant 0 : i32
    %c0_i32_0 = arith.constant 0 : i32
    %c0_i32_1 = arith.constant 0 : i32
    return %c0_i32, %c0_i32_0 : i32, i32
  }
  func.func @transform_9(%arg0: i32) -> (i32, i32) {
    %c0_i32 = arith.constant 0 : i32
    %c0_i32_0 = arith.constant 0 : i32
    %c0_i32_1 = arith.constant 0 : i32
    return %c0_i32, %c0_i32_0 : i32, i32
  }
  func.func @transform_10(%arg0: i32) -> (i32, i32) {
    %c0_i32 = arith.constant 0 : i32
    %c0_i32_0 = arith.constant 0 : i32
    %c0_i32_1 = arith.constant 0 : i32
    return %c0_i32, %c0_i32_0 : i32, i32
  }
  func.func @transform_11(%arg0: i32) -> (i32, i32) {
    %c0_i32 = arith.constant 0 : i32
    %c0_i32_0 = arith.constant 0 : i32
    return %arg0, %c0_i32 : i32, i32
  }
  func.func @transform_12(%arg0: i32) -> (i32, i32) {
    %c0_i32 = arith.constant 0 : i32
    %c0_i32_0 = arith.constant 0 : i32
    return %c0_i32, %arg0 : i32, i32
  }
}

module attributes {stable_mosaic.version = 14 : i64} {
  func.func @body(%arg0: i32, %arg1: memref<2x1000x32xf32, #tpu.memory_space<vmem>>, %arg2: memref<1000x32xf32, #tpu.memory_space<vmem>>, %arg3: memref<1000x32xf32, #tpu.memory_space<vmem>>, %arg4: memref<1000x32xf32, #tpu.memory_space<vmem>>) attributes {dimension_semantics = [#tpu.dimension_semantics<arbitrary>], iteration_bounds = array<i64: 10>, scalar_prefetch = 0 : i64, scratch_operands = 0 : i64, tpu.core_type = #tpu.core_type<tc>, window_params = [{transform_indices = @transform_0, window_bounds = array<i64: 2, 1000, 32>}, {transform_indices = @transform_1, window_bounds = array<i64: 1000, 32>}, {transform_indices = @transform_2, window_bounds = array<i64: 1000, 32>}, {transform_indices = @transform_3, window_bounds = array<i64: 1000, 32>}]} {
    %get3A = arith.constant 0 : index
    %get3A_0 = arith.constant 0 : index
    %get3A_1 = arith.constant 0 : index
    %get3A_2 = vector.load %arg1[%get3A, %get3A_0, %get3A_1] : memref<2x1000x32xf32, #tpu.memory_space<vmem>>, vector<1x1000x32xf32>
    %get3A_3 = vector.shape_cast %get3A_2 : vector<1x1000x32xf32> to vector<1000x32xf32>
    %get3A_4 = arith.constant 1 : index
    %get3A_5 = arith.constant 0 : index
    %get3A_6 = arith.constant 0 : index
    %get3A_7 = vector.load %arg1[%get3A_4, %get3A_5, %get3A_6] : memref<2x1000x32xf32, #tpu.memory_space<vmem>>, vector<1x1000x32xf32>
    %get3A_8 = vector.shape_cast %get3A_7 : vector<1x1000x32xf32> to vector<1000x32xf32>
    %add3A = arith.addf %get3A_3, %get3A_8 : vector<1000x32xf32>
    %get3A_9 = arith.constant 0 : index
    %get3A_10 = arith.constant 0 : index
    %get3A_11 = vector.load %arg2[%get3A_9, %get3A_10] : memref<1000x32xf32, #tpu.memory_space<vmem>>, vector<1000x32xf32>
    %add3A_12 = arith.addf %add3A, %get3A_11 : vector<1000x32xf32>
    %get3A_13 = arith.constant 0 : index
    %get3A_14 = arith.constant 0 : index
    %get3A_15 = vector.load %arg3[%get3A_13, %get3A_14] : memref<1000x32xf32, #tpu.memory_space<vmem>>, vector<1000x32xf32>
    %neg3A = arith.constant 0.000000e+00 : f32
    %neg3A_16 = vector.broadcast %neg3A : f32 to vector<1000x32xf32>
    %neg3A_17 = arith.subf %neg3A_16, %get3A_15 : vector<1000x32xf32>
    %exp3A = math.exp %neg3A_17 : vector<1000x32xf32>
    %add3A_18 = arith.constant 1.000000e+00 : f32
    %add3A_19 = vector.broadcast %add3A_18 : f32 to vector<1000x32xf32>
    %add3A_20 = arith.addf %add3A_19, %exp3A : vector<1000x32xf32>
    %div3A = arith.constant 1.000000e+00 : f32
    %div3A_21 = vector.broadcast %div3A : f32 to vector<1000x32xf32>
    %div3A_22 = arith.divf %div3A_21, %add3A_20 : vector<1000x32xf32>
    %mul3A = arith.mulf %get3A_15, %div3A_22 : vector<1000x32xf32>
    %sub3A = arith.constant 1.000000e+00 : f32
    %sub3A_23 = vector.broadcast %sub3A : f32 to vector<1000x32xf32>
    %sub3A_24 = arith.subf %sub3A_23, %div3A_22 : vector<1000x32xf32>
    %mul3A_25 = arith.mulf %mul3A, %sub3A_24 : vector<1000x32xf32>
    %add3A_26 = arith.addf %div3A_22, %mul3A_25 : vector<1000x32xf32>
    %mul3A_27 = arith.mulf %add3A_12, %add3A_26 : vector<1000x32xf32>
    %swap3A = arith.constant 0 : index
    %swap3A_28 = arith.constant 0 : index
    %swap3A_29 = vector.load %arg4[%swap3A, %swap3A_28] : memref<1000x32xf32, #tpu.memory_space<vmem>>, vector<1000x32xf32>
    tpu.vector_store %arg4[%swap3A, %swap3A_28], %mul3A_27 {strides = array<i32>} : memref<1000x32xf32, #tpu.memory_space<vmem>>, vector<1000x32xf32>,
    return
  }
  func.func @transform_0(%arg0: i32) -> (i32, i32, i32) {
    %c0_i32 = arith.constant 0 : i32
    %c0_i32_0 = arith.constant 0 : i32
    %c0_i32_1 = arith.constant 0 : i32
    return %c0_i32, %arg0, %c0_i32_0 : i32, i32, i32
  }
  func.func @transform_1(%arg0: i32) -> (i32, i32) {
    %c0_i32 = arith.constant 0 : i32
    %c0_i32_0 = arith.constant 0 : i32
    return %arg0, %c0_i32 : i32, i32
  }
  func.func @transform_2(%arg0: i32) -> (i32, i32) {
    %c0_i32 = arith.constant 0 : i32
    %c0_i32_0 = arith.constant 0 : i32
    return %arg0, %c0_i32 : i32, i32
  }
  func.func @transform_3(%arg0: i32) -> (i32, i32) {
    %c0_i32 = arith.constant 0 : i32
    %c0_i32_0 = arith.constant 0 : i32
    return %arg0, %c0_i32 : i32, i32
  }
}

module attributes {stable_mosaic.version = 14 : i64} {
  func.func @body(%arg0: i32, %arg1: memref<4x2048xf32, #tpu.memory_space<vmem>>, %arg2: memref<8x2048xf32, #tpu.memory_space<vmem>>, %arg3: memref<8x2048xf32, #tpu.memory_space<vmem>>, %arg4: memref<2048x32xf32, #tpu.memory_space<vmem>>, %arg5: memref<2048x32xf32, #tpu.memory_space<vmem>>, %arg6: memref<4x2048xf32, #tpu.memory_space<vmem>>, %arg7: memref<64x8xf32, #tpu.memory_space<vmem>>, %arg8: memref<64x1xf32, #tpu.memory_space<vmem>>, %arg9: memref<32x64xf32, #tpu.memory_space<vmem>>, %arg10: memref<288x32xf32, #tpu.memory_space<vmem>>, %arg11: memref<8x64xf32, #tpu.memory_space<vmem>>, %arg12: memref<64x32xf32, #tpu.memory_space<vmem>>, %arg13: memref<2x2048x16xf32, #tpu.memory_space<vmem>>) attributes {dimension_semantics = [#tpu.dimension_semantics<arbitrary>], iteration_bounds = array<i64: 80>, scalar_prefetch = 0 : i64, scratch_operands = 0 : i64, tpu.core_type = #tpu.core_type<tc>, window_params = [{transform_indices = @transform_0, window_bounds = array<i64: 4, 2048>}, {transform_indices = @transform_1, window_bounds = array<i64: 8, 2048>}, {transform_indices = @transform_2, window_bounds = array<i64: 8, 2048>}, {transform_indices = @transform_3, window_bounds = array<i64: 2048, 32>}, {transform_indices = @transform_4, window_bounds = array<i64: 2048, 32>}, {transform_indices = @transform_5, window_bounds = array<i64: 4, 2048>}, {pipeline_mode = #tpu.pipeline_mode<synchronous>, transform_indices = @transform_6, window_bounds = array<i64: 64, 8>}, {pipeline_mode = #tpu.pipeline_mode<synchronous>, transform_indices = @transform_7, window_bounds = array<i64: 64, 1>}, {pipeline_mode = #tpu.pipeline_mode<synchronous>, transform_indices = @transform_8, window_bounds = array<i64: 32, 64>}, {pipeline_mode = #tpu.pipeline_mode<synchronous>, transform_indices = @transform_9, window_bounds = array<i64: 288, 32>}, {pipeline_mode = #tpu.pipeline_mode<synchronous>, transform_indices = @transform_10, window_bounds = array<i64: 8, 64>}, {pipeline_mode = #tpu.pipeline_mode<synchronous>, transform_indices = @transform_11, window_bounds = array<i64: 64, 32>}, {transform_indices = @transform_12, window_bounds = array<i64: 2, 2048, 16>}]} {
    %get3A = arith.constant 0 : index
    %get3A_0 = arith.constant 0 : index
    %get3A_1 = vector.load %arg1[%get3A, %get3A_0] : memref<4x2048xf32, #tpu.memory_space<vmem>>, vector<4x2048xf32>
    %slice3A = vector.extract_strided_slice %get3A_1 {offsets = [0, 0], sizes = [1, 2048], strides = [1, 1]} : vector<4x2048xf32> to vector<1x2048xf32>
    %slice3A_2 = vector.extract_strided_slice %get3A_1 {offsets = [1, 0], sizes = [1, 2048], strides = [1, 1]} : vector<4x2048xf32> to vector<1x2048xf32>
    %slice3A_3 = vector.extract_strided_slice %get3A_1 {offsets = [2, 0], sizes = [1, 2048], strides = [1, 1]} : vector<4x2048xf32> to vector<1x2048xf32>
    %broadcast_in_dim3A = arith.constant 1.000000e+00 : f32
    %broadcast_in_dim3A_4 = vector.broadcast %broadcast_in_dim3A : f32 to vector<1x2048xf32>
    %mul3A = arith.constant 1.73205078 : f32
    %mul3A_5 = vector.broadcast %mul3A : f32 to vector<1x2048xf32>
    %mul3A_6 = arith.mulf %mul3A_5, %slice3A : vector<1x2048xf32>
    %mul3A_7 = arith.constant 1.73205078 : f32
    %mul3A_8 = vector.broadcast %mul3A_7 : f32 to vector<1x2048xf32>
    %mul3A_9 = arith.mulf %mul3A_8, %slice3A_2 : vector<1x2048xf32>
    %mul3A_10 = arith.constant 1.73205078 : f32
    %mul3A_11 = vector.broadcast %mul3A_10 : f32 to vector<1x2048xf32>
    %mul3A_12 = arith.mulf %mul3A_11, %slice3A_3 : vector<1x2048xf32>
    %mul3A_13 = arith.constant 3.87298346 : f32
    %mul3A_14 = vector.broadcast %mul3A_13 : f32 to vector<1x2048xf32>
    %mul3A_15 = arith.mulf %mul3A_14, %slice3A : vector<1x2048xf32>
    %mul3A_16 = arith.mulf %mul3A_15, %slice3A_2 : vector<1x2048xf32>
    %mul3A_17 = arith.constant 3.87298346 : f32
    %mul3A_18 = vector.broadcast %mul3A_17 : f32 to vector<1x2048xf32>
    %mul3A_19 = arith.mulf %mul3A_18, %slice3A_2 : vector<1x2048xf32>
    %mul3A_20 = arith.mulf %mul3A_19, %slice3A_3 : vector<1x2048xf32>
    %mul3A_21 = arith.constant 3.000000e+00 : f32
    %mul3A_22 = vector.broadcast %mul3A_21 : f32 to vector<1x2048xf32>
    %mul3A_23 = arith.mulf %mul3A_22, %slice3A_3 : vector<1x2048xf32>
    %mul3A_24 = arith.mulf %mul3A_23, %slice3A_3 : vector<1x2048xf32>
    %sub3A = arith.constant 1.000000e+00 : f32
    %sub3A_25 = vector.broadcast %sub3A : f32 to vector<1x2048xf32>
    %sub3A_26 = arith.subf %mul3A_24, %sub3A_25 : vector<1x2048xf32>
    %mul3A_27 = arith.constant 1.11803401 : f32
    %mul3A_28 = vector.broadcast %mul3A_27 : f32 to vector<1x2048xf32>
    %mul3A_29 = arith.mulf %mul3A_28, %sub3A_26 : vector<1x2048xf32>
    %mul3A_30 = arith.constant 3.87298346 : f32
    %mul3A_31 = vector.broadcast %mul3A_30 : f32 to vector<1x2048xf32>
    %mul3A_32 = arith.mulf %mul3A_31, %slice3A : vector<1x2048xf32>
    %mul3A_33 = arith.mulf %mul3A_32, %slice3A_3 : vector<1x2048xf32>
    %mul3A_34 = arith.mulf %slice3A, %slice3A : vector<1x2048xf32>
    %mul3A_35 = arith.mulf %slice3A_2, %slice3A_2 : vector<1x2048xf32>
    %sub3A_36 = arith.subf %mul3A_34, %mul3A_35 : vector<1x2048xf32>
    %mul3A_37 = arith.constant 1.93649173 : f32
    %mul3A_38 = vector.broadcast %mul3A_37 : f32 to vector<1x2048xf32>
    %mul3A_39 = arith.mulf %mul3A_38, %sub3A_36 : vector<1x2048xf32>
    %get3A_40 = arith.constant 0 : index
    %get3A_41 = arith.constant 0 : index
    %get3A_42 = vector.load %arg2[%get3A_40, %get3A_41] : memref<8x2048xf32, #tpu.memory_space<vmem>>, vector<8x2048xf32>
    %get3A_43 = arith.constant 0 : index
    %get3A_44 = arith.constant 0 : index
    %get3A_45 = vector.load %arg7[%get3A_43, %get3A_44] : memref<64x8xf32, #tpu.memory_space<vmem>>, vector<64x8xf32>
    %dot_general3A = arith.constant dense<0.000000e+00> : vector<64x2048xf32>
    %dot_general3A_46 = tpu.matmul %get3A_45, %get3A_42, %dot_general3A {dimension_numbers = #tpu.dot_dimension_numbers<[1], [0], [0], [1], [0, 0, 1, 1], [], []>, transpose_lhs_hint = false} : vector<64x8xf32>, vector<8x2048xf32>, vector<64x2048xf32> -> vector<64x2048xf32>
    %get3A_47 = arith.constant 0 : index
    %get3A_48 = arith.constant 0 : index
    %get3A_49 = vector.load %arg8[%get3A_47, %get3A_48] : memref<64x1xf32, #tpu.memory_space<vmem>>, vector<64x1xf32>
    %add3A = vector.broadcast %get3A_49 : vector<64x1xf32> to vector<64x2048xf32>
    %add3A_50 = arith.addf %dot_general3A_46, %add3A : vector<64x2048xf32>
    %neg3A = arith.constant 0.000000e+00 : f32
    %neg3A_51 = vector.broadcast %neg3A : f32 to vector<64x2048xf32>
    %neg3A_52 = arith.subf %neg3A_51, %add3A_50 : vector<64x2048xf32>
    %exp3A = math.exp %neg3A_52 : vector<64x2048xf32>
    %add3A_53 = arith.constant 1.000000e+00 : f32
    %add3A_54 = vector.broadcast %add3A_53 : f32 to vector<64x2048xf32>
    %add3A_55 = arith.addf %add3A_54, %exp3A : vector<64x2048xf32>
    %div3A = arith.constant 1.000000e+00 : f32
    %div3A_56 = vector.broadcast %div3A : f32 to vector<64x2048xf32>
    %div3A_57 = arith.divf %div3A_56, %add3A_55 : vector<64x2048xf32>
    %mul3A_58 = arith.mulf %add3A_50, %div3A_57 : vector<64x2048xf32>
    %get3A_59 = arith.constant 0 : index
    %get3A_60 = arith.constant 0 : index
    %get3A_61 = vector.load %arg9[%get3A_59, %get3A_60] : memref<32x64xf32, #tpu.memory_space<vmem>>, vector<32x64xf32>
    %dot_general3A_62 = arith.constant dense<0.000000e+00> : vector<32x2048xf32>
    %dot_general3A_63 = tpu.matmul %get3A_61, %mul3A_58, %dot_general3A_62 {dimension_numbers = #tpu.dot_dimension_numbers<[1], [0], [0], [1], [0, 0, 1, 1], [], []>, transpose_lhs_hint = false} : vector<32x64xf32>, vector<64x2048xf32>, vector<32x2048xf32> -> vector<32x2048xf32>
    %get3A_64 = arith.constant 3 : index
    %get3A_65 = arith.constant 0 : index
    %get3A_66 = vector.load %arg1[%get3A_64, %get3A_65] : memref<4x2048xf32, #tpu.memory_space<vmem>>, vector<1x2048xf32>
    %get3A_67 = arith.constant 0 : index
    %get3A_68 = arith.constant 0 : index
    %get3A_69 = vector.load %arg4[%get3A_67, %get3A_68] : memref<2048x32xf32, #tpu.memory_space<vmem>>, vector<2048x32xf32>
    %transpose3A = tpu.transpose %get3A_69, [1, 0] : vector<2048x32xf32> -> vector<32x2048xf32>
    %mul3A_70 = arith.mulf %transpose3A, %dot_general3A_63 : vector<32x2048xf32>
    %get3A_71 = arith.constant 0 : index
    %get3A_72 = arith.constant 0 : index
    %get3A_73 = vector.load %arg5[%get3A_71, %get3A_72] : memref<2048x32xf32, #tpu.memory_space<vmem>>, vector<2048x32xf32>
    %transpose3A_74 = tpu.transpose %get3A_73, [1, 0] : vector<2048x32xf32> -> vector<32x2048xf32>
    %get3A_75 = arith.constant 0 : index
    %get3A_76 = arith.constant 0 : index
    %get3A_77 = vector.load %arg10[%get3A_75, %get3A_76] : memref<288x32xf32, #tpu.memory_space<vmem>>, vector<288x32xf32>
    %dot_general3A_78 = arith.constant dense<0.000000e+00> : vector<288x2048xf32>
    %dot_general3A_79 = tpu.matmul %get3A_77, %transpose3A_74, %dot_general3A_78 {dimension_numbers = #tpu.dot_dimension_numbers<[1], [0], [0], [1], [0, 0, 1, 1], [], []>, transpose_lhs_hint = false} : vector<288x32xf32>, vector<32x2048xf32>, vector<288x2048xf32> -> vector<288x2048xf32>
    %broadcast_in_dim3A_80 = arith.constant 0.000000e+00 : f32
    %broadcast_in_dim3A_81 = vector.broadcast %broadcast_in_dim3A_80 : f32 to vector<32x2048xf32>
    %slice3A_82 = vector.extract_strided_slice %dot_general3A_79 {offsets = [0, 0], sizes = [32, 2048], strides = [1, 1]} : vector<288x2048xf32> to vector<32x2048xf32>
    %mul3A_83 = vector.broadcast %broadcast_in_dim3A_4 : vector<1x2048xf32> to vector<32x2048xf32>
    %mul3A_84 = arith.mulf %slice3A_82, %mul3A_83 : vector<32x2048xf32>
    %add3A_85 = arith.addf %broadcast_in_dim3A_81, %mul3A_84 : vector<32x2048xf32>
    %slice3A_86 = vector.extract_strided_slice %dot_general3A_79 {offsets = [32, 0], sizes = [32, 2048], strides = [1, 1]} : vector<288x2048xf32> to vector<32x2048xf32>
    %mul3A_87 = vector.broadcast %mul3A_6 : vector<1x2048xf32> to vector<32x2048xf32>
    %mul3A_88 = arith.mulf %slice3A_86, %mul3A_87 : vector<32x2048xf32>
    %add3A_89 = arith.addf %add3A_85, %mul3A_88 : vector<32x2048xf32>
    %mul3A_90 = arith.mulf %slice3A_86, %mul3A_70 : vector<32x2048xf32>
    %reduce_sum3A = arith.constant dense<0.000000e+00> : vector<2048xf32>
    %reduce_sum3A_91 = vector.multi_reduction <add>, %mul3A_90, %reduce_sum3A [0] : vector<32x2048xf32> to vector<2048xf32>
    %broadcast_in_dim3A_92 = vector.shape_cast %reduce_sum3A_91 : vector<2048xf32> to vector<1x2048xf32>
    %slice3A_93 = vector.extract_strided_slice %dot_general3A_79 {offsets = [64, 0], sizes = [32, 2048], strides = [1, 1]} : vector<288x2048xf32> to vector<32x2048xf32>
    %mul3A_94 = vector.broadcast %mul3A_9 : vector<1x2048xf32> to vector<32x2048xf32>
    %mul3A_95 = arith.mulf %slice3A_93, %mul3A_94 : vector<32x2048xf32>
    %add3A_96 = arith.addf %add3A_89, %mul3A_95 : vector<32x2048xf32>
    %mul3A_97 = arith.mulf %slice3A_93, %mul3A_70 : vector<32x2048xf32>
    %reduce_sum3A_98 = arith.constant dense<0.000000e+00> : vector<2048xf32>
    %reduce_sum3A_99 = vector.multi_reduction <add>, %mul3A_97, %reduce_sum3A_98 [0] : vector<32x2048xf32> to vector<2048xf32>
    %broadcast_in_dim3A_100 = vector.shape_cast %reduce_sum3A_99 : vector<2048xf32> to vector<1x2048xf32>
    %slice3A_101 = vector.extract_strided_slice %dot_general3A_79 {offsets = [96, 0], sizes = [32, 2048], strides = [1, 1]} : vector<288x2048xf32> to vector<32x2048xf32>
    %mul3A_102 = vector.broadcast %mul3A_12 : vector<1x2048xf32> to vector<32x2048xf32>
    %mul3A_103 = arith.mulf %slice3A_101, %mul3A_102 : vector<32x2048xf32>
    %add3A_104 = arith.addf %add3A_96, %mul3A_103 : vector<32x2048xf32>
    %mul3A_105 = arith.mulf %slice3A_101, %mul3A_70 : vector<32x2048xf32>
    %reduce_sum3A_106 = arith.constant dense<0.000000e+00> : vector<2048xf32>
    %reduce_sum3A_107 = vector.multi_reduction <add>, %mul3A_105, %reduce_sum3A_106 [0] : vector<32x2048xf32> to vector<2048xf32>
    %broadcast_in_dim3A_108 = vector.shape_cast %reduce_sum3A_107 : vector<2048xf32> to vector<1x2048xf32>
    %slice3A_109 = vector.extract_strided_slice %dot_general3A_79 {offsets = [128, 0], sizes = [32, 2048], strides = [1, 1]} : vector<288x2048xf32> to vector<32x2048xf32>
    %mul3A_110 = vector.broadcast %mul3A_16 : vector<1x2048xf32> to vector<32x2048xf32>
    %mul3A_111 = arith.mulf %slice3A_109, %mul3A_110 : vector<32x2048xf32>
    %add3A_112 = arith.addf %add3A_104, %mul3A_111 : vector<32x2048xf32>
    %mul3A_113 = arith.mulf %slice3A_109, %mul3A_70 : vector<32x2048xf32>
    %reduce_sum3A_114 = arith.constant dense<0.000000e+00> : vector<2048xf32>
    %reduce_sum3A_115 = vector.multi_reduction <add>, %mul3A_113, %reduce_sum3A_114 [0] : vector<32x2048xf32> to vector<2048xf32>
    %broadcast_in_dim3A_116 = vector.shape_cast %reduce_sum3A_115 : vector<2048xf32> to vector<1x2048xf32>
    %slice3A_117 = vector.extract_strided_slice %dot_general3A_79 {offsets = [160, 0], sizes = [32, 2048], strides = [1, 1]} : vector<288x2048xf32> to vector<32x2048xf32>
    %mul3A_118 = vector.broadcast %mul3A_20 : vector<1x2048xf32> to vector<32x2048xf32>
    %mul3A_119 = arith.mulf %slice3A_117, %mul3A_118 : vector<32x2048xf32>
    %add3A_120 = arith.addf %add3A_112, %mul3A_119 : vector<32x2048xf32>
    %mul3A_121 = arith.mulf %slice3A_117, %mul3A_70 : vector<32x2048xf32>
    %reduce_sum3A_122 = arith.constant dense<0.000000e+00> : vector<2048xf32>
    %reduce_sum3A_123 = vector.multi_reduction <add>, %mul3A_121, %reduce_sum3A_122 [0] : vector<32x2048xf32> to vector<2048xf32>
    %broadcast_in_dim3A_124 = vector.shape_cast %reduce_sum3A_123 : vector<2048xf32> to vector<1x2048xf32>
    %slice3A_125 = vector.extract_strided_slice %dot_general3A_79 {offsets = [192, 0], sizes = [32, 2048], strides = [1, 1]} : vector<288x2048xf32> to vector<32x2048xf32>
    %mul3A_126 = vector.broadcast %mul3A_29 : vector<1x2048xf32> to vector<32x2048xf32>
    %mul3A_127 = arith.mulf %slice3A_125, %mul3A_126 : vector<32x2048xf32>
    %add3A_128 = arith.addf %add3A_120, %mul3A_127 : vector<32x2048xf32>
    %mul3A_129 = arith.mulf %slice3A_125, %mul3A_70 : vector<32x2048xf32>
    %reduce_sum3A_130 = arith.constant dense<0.000000e+00> : vector<2048xf32>
    %reduce_sum3A_131 = vector.multi_reduction <add>, %mul3A_129, %reduce_sum3A_130 [0] : vector<32x2048xf32> to vector<2048xf32>
    %broadcast_in_dim3A_132 = vector.shape_cast %reduce_sum3A_131 : vector<2048xf32> to vector<1x2048xf32>
    %slice3A_133 = vector.extract_strided_slice %dot_general3A_79 {offsets = [224, 0], sizes = [32, 2048], strides = [1, 1]} : vector<288x2048xf32> to vector<32x2048xf32>
    %mul3A_134 = vector.broadcast %mul3A_33 : vector<1x2048xf32> to vector<32x2048xf32>
    %mul3A_135 = arith.mulf %slice3A_133, %mul3A_134 : vector<32x2048xf32>
    %add3A_136 = arith.addf %add3A_128, %mul3A_135 : vector<32x2048xf32>
    %mul3A_137 = arith.mulf %slice3A_133, %mul3A_70 : vector<32x2048xf32>
    %reduce_sum3A_138 = arith.constant dense<0.000000e+00> : vector<2048xf32>
    %reduce_sum3A_139 = vector.multi_reduction <add>, %mul3A_137, %reduce_sum3A_138 [0] : vector<32x2048xf32> to vector<2048xf32>
    %broadcast_in_dim3A_140 = vector.shape_cast %reduce_sum3A_139 : vector<2048xf32> to vector<1x2048xf32>
    %slice3A_141 = vector.extract_strided_slice %dot_general3A_79 {offsets = [256, 0], sizes = [32, 2048], strides = [1, 1]} : vector<288x2048xf32> to vector<32x2048xf32>
    %mul3A_142 = vector.broadcast %mul3A_39 : vector<1x2048xf32> to vector<32x2048xf32>
    %mul3A_143 = arith.mulf %slice3A_141, %mul3A_142 : vector<32x2048xf32>
    %add3A_144 = arith.addf %add3A_136, %mul3A_143 : vector<32x2048xf32>
    %mul3A_145 = arith.mulf %slice3A_141, %mul3A_70 : vector<32x2048xf32>
    %reduce_sum3A_146 = arith.constant dense<0.000000e+00> : vector<2048xf32>
    %reduce_sum3A_147 = vector.multi_reduction <add>, %mul3A_145, %reduce_sum3A_146 [0] : vector<32x2048xf32> to vector<2048xf32>
    %broadcast_in_dim3A_148 = vector.shape_cast %reduce_sum3A_147 : vector<2048xf32> to vector<1x2048xf32>
    %mul3A_149 = arith.mulf %add3A_144, %transpose3A : vector<32x2048xf32>
    %get3A_150 = arith.constant 0 : index
    %get3A_151 = arith.constant 0 : index
    %get3A_152 = vector.load %arg12[%get3A_150, %get3A_151] : memref<64x32xf32, #tpu.memory_space<vmem>>, vector<64x32xf32>
    %dot_general3A_153 = arith.constant dense<0.000000e+00> : vector<64x2048xf32>
    %dot_general3A_154 = tpu.matmul %get3A_152, %mul3A_149, %dot_general3A_153 {dimension_numbers = #tpu.dot_dimension_numbers<[1], [0], [0], [1], [0, 0, 1, 1], [], []>, transpose_lhs_hint = false} : vector<64x32xf32>, vector<32x2048xf32>, vector<64x2048xf32> -> vector<64x2048xf32>
    %neg3A_155 = arith.constant 0.000000e+00 : f32
    %neg3A_156 = vector.broadcast %neg3A_155 : f32 to vector<64x2048xf32>
    %neg3A_157 = arith.subf %neg3A_156, %add3A_50 : vector<64x2048xf32>
    %exp3A_158 = math.exp %neg3A_157 : vector<64x2048xf32>
    %add3A_159 = arith.constant 1.000000e+00 : f32
    %add3A_160 = vector.broadcast %add3A_159 : f32 to vector<64x2048xf32>
    %add3A_161 = arith.addf %add3A_160, %exp3A_158 : vector<64x2048xf32>
    %div3A_162 = arith.constant 1.000000e+00 : f32
    %div3A_163 = vector.broadcast %div3A_162 : f32 to vector<64x2048xf32>
    %div3A_164 = arith.divf %div3A_163, %add3A_161 : vector<64x2048xf32>
    %mul3A_165 = arith.mulf %add3A_50, %div3A_164 : vector<64x2048xf32>
    %sub3A_166 = arith.constant 1.000000e+00 : f32
    %sub3A_167 = vector.broadcast %sub3A_166 : f32 to vector<64x2048xf32>
    %sub3A_168 = arith.subf %sub3A_167, %div3A_164 : vector<64x2048xf32>
    %mul3A_169 = arith.mulf %mul3A_165, %sub3A_168 : vector<64x2048xf32>
    %add3A_170 = arith.addf %div3A_164, %mul3A_169 : vector<64x2048xf32>
    %mul3A_171 = arith.mulf %dot_general3A_154, %add3A_170 : vector<64x2048xf32>
    %get3A_172 = arith.constant 0 : index
    %get3A_173 = arith.constant 0 : index
    %get3A_174 = vector.load %arg11[%get3A_172, %get3A_173] : memref<8x64xf32, #tpu.memory_space<vmem>>, vector<8x64xf32>
    %dot_general3A_175 = arith.constant dense<0.000000e+00> : vector<8x2048xf32>
    %dot_general3A_176 = tpu.matmul %get3A_174, %mul3A_171, %dot_general3A_175 {dimension_numbers = #tpu.dot_dimension_numbers<[1], [0], [0], [1], [0, 0, 1, 1], [], []>, transpose_lhs_hint = false} : vector<8x64xf32>, vector<64x2048xf32>, vector<8x2048xf32> -> vector<8x2048xf32>
    %get3A_177 = arith.constant 0 : index
    %get3A_178 = arith.constant 0 : index
    %get3A_179 = vector.load %arg3[%get3A_177, %get3A_178] : memref<8x2048xf32, #tpu.memory_space<vmem>>, vector<8x2048xf32>
    %mul3A_180 = arith.mulf %dot_general3A_176, %get3A_179 : vector<8x2048xf32>
    %reduce_sum3A_181 = arith.constant dense<0.000000e+00> : vector<2048xf32>
    %reduce_sum3A_182 = vector.multi_reduction <add>, %mul3A_180, %reduce_sum3A_181 [0] : vector<8x2048xf32> to vector<2048xf32>
    %broadcast_in_dim3A_183 = vector.shape_cast %reduce_sum3A_182 : vector<2048xf32> to vector<1x2048xf32>
    %mul3A_184 = arith.constant 1.73205078 : f32
    %mul3A_185 = vector.broadcast %mul3A_184 : f32 to vector<1x2048xf32>
    %mul3A_186 = arith.mulf %mul3A_185, %broadcast_in_dim3A_92 : vector<1x2048xf32>
    %mul3A_187 = arith.mulf %slice3A_2, %broadcast_in_dim3A_116 : vector<1x2048xf32>
    %mul3A_188 = arith.mulf %slice3A_3, %broadcast_in_dim3A_140 : vector<1x2048xf32>
    %add3A_189 = arith.addf %mul3A_187, %mul3A_188 : vector<1x2048xf32>
    %mul3A_190 = arith.mulf %slice3A, %broadcast_in_dim3A_148 : vector<1x2048xf32>
    %add3A_191 = arith.addf %add3A_189, %mul3A_190 : vector<1x2048xf32>
    %mul3A_192 = arith.constant 3.87298346 : f32
    %mul3A_193 = vector.broadcast %mul3A_192 : f32 to vector<1x2048xf32>
    %mul3A_194 = arith.mulf %mul3A_193, %add3A_191 : vector<1x2048xf32>
    %add3A_195 = arith.addf %mul3A_186, %mul3A_194 : vector<1x2048xf32>
    %mul3A_196 = arith.constant 1.73205078 : f32
    %mul3A_197 = vector.broadcast %mul3A_196 : f32 to vector<1x2048xf32>
    %mul3A_198 = arith.mulf %mul3A_197, %broadcast_in_dim3A_100 : vector<1x2048xf32>
    %mul3A_199 = arith.mulf %slice3A, %broadcast_in_dim3A_116 : vector<1x2048xf32>
    %mul3A_200 = arith.mulf %slice3A_3, %broadcast_in_dim3A_124 : vector<1x2048xf32>
    %add3A_201 = arith.addf %mul3A_199, %mul3A_200 : vector<1x2048xf32>
    %mul3A_202 = arith.mulf %slice3A_2, %broadcast_in_dim3A_148 : vector<1x2048xf32>
    %sub3A_203 = arith.subf %add3A_201, %mul3A_202 : vector<1x2048xf32>
    %mul3A_204 = arith.constant 3.87298346 : f32
    %mul3A_205 = vector.broadcast %mul3A_204 : f32 to vector<1x2048xf32>
    %mul3A_206 = arith.mulf %mul3A_205, %sub3A_203 : vector<1x2048xf32>
    %add3A_207 = arith.addf %mul3A_198, %mul3A_206 : vector<1x2048xf32>
    %mul3A_208 = arith.constant 1.73205078 : f32
    %mul3A_209 = vector.broadcast %mul3A_208 : f32 to vector<1x2048xf32>
    %mul3A_210 = arith.mulf %mul3A_209, %broadcast_in_dim3A_108 : vector<1x2048xf32>
    %mul3A_211 = arith.mulf %slice3A_2, %broadcast_in_dim3A_124 : vector<1x2048xf32>
    %mul3A_212 = arith.mulf %slice3A, %broadcast_in_dim3A_140 : vector<1x2048xf32>
    %add3A_213 = arith.addf %mul3A_211, %mul3A_212 : vector<1x2048xf32>
    %mul3A_214 = arith.constant 3.87298346 : f32
    %mul3A_215 = vector.broadcast %mul3A_214 : f32 to vector<1x2048xf32>
    %mul3A_216 = arith.mulf %mul3A_215, %add3A_213 : vector<1x2048xf32>
    %add3A_217 = arith.addf %mul3A_210, %mul3A_216 : vector<1x2048xf32>
    %mul3A_218 = arith.constant 6.70820379 : f32
    %mul3A_219 = vector.broadcast %mul3A_218 : f32 to vector<1x2048xf32>
    %mul3A_220 = arith.mulf %mul3A_219, %slice3A_3 : vector<1x2048xf32>
    %mul3A_221 = arith.mulf %mul3A_220, %broadcast_in_dim3A_132 : vector<1x2048xf32>
    %add3A_222 = arith.addf %add3A_217, %mul3A_221 : vector<1x2048xf32>
    %mul3A_223 = arith.mulf %slice3A, %add3A_195 : vector<1x2048xf32>
    %mul3A_224 = arith.mulf %slice3A_2, %add3A_207 : vector<1x2048xf32>
    %add3A_225 = arith.addf %mul3A_223, %mul3A_224 : vector<1x2048xf32>
    %mul3A_226 = arith.mulf %slice3A_3, %add3A_222 : vector<1x2048xf32>
    %add3A_227 = arith.addf %add3A_225, %mul3A_226 : vector<1x2048xf32>
    %div3A_228 = arith.constant 1.000000e+00 : f32
    %div3A_229 = vector.broadcast %div3A_228 : f32 to vector<1x2048xf32>
    %div3A_230 = arith.divf %div3A_229, %get3A_66 : vector<1x2048xf32>
    %mul3A_231 = arith.mulf %slice3A, %add3A_227 : vector<1x2048xf32>
    %sub3A_232 = arith.subf %add3A_195, %mul3A_231 : vector<1x2048xf32>
    %mul3A_233 = arith.mulf %sub3A_232, %div3A_230 : vector<1x2048xf32>
    %mul3A_234 = arith.mulf %broadcast_in_dim3A_183, %slice3A : vector<1x2048xf32>
    %add3A_235 = arith.addf %mul3A_233, %mul3A_234 : vector<1x2048xf32>
    %mul3A_236 = arith.mulf %slice3A_2, %add3A_227 : vector<1x2048xf32>
    %sub3A_237 = arith.subf %add3A_207, %mul3A_236 : vector<1x2048xf32>
    %mul3A_238 = arith.mulf %sub3A_237, %div3A_230 : vector<1x2048xf32>
    %mul3A_239 = arith.mulf %broadcast_in_dim3A_183, %slice3A_2 : vector<1x2048xf32>
    %add3A_240 = arith.addf %mul3A_238, %mul3A_239 : vector<1x2048xf32>
    %mul3A_241 = arith.mulf %slice3A_3, %add3A_227 : vector<1x2048xf32>
    %sub3A_242 = arith.subf %add3A_222, %mul3A_241 : vector<1x2048xf32>
    %mul3A_243 = arith.mulf %sub3A_242, %div3A_230 : vector<1x2048xf32>
    %mul3A_244 = arith.mulf %broadcast_in_dim3A_183, %slice3A_3 : vector<1x2048xf32>
    %add3A_245 = arith.addf %mul3A_243, %mul3A_244 : vector<1x2048xf32>
    %get3A_246 = arith.constant 0 : index
    %get3A_247 = arith.constant 0 : index
    %get3A_248 = vector.load %arg6[%get3A_246, %get3A_247] : memref<4x2048xf32, #tpu.memory_space<vmem>>, vector<4x2048xf32>
    %slice3A_249 = vector.extract_strided_slice %get3A_248 {offsets = [0, 0], sizes = [1, 2048], strides = [1, 1]} : vector<4x2048xf32> to vector<1x2048xf32>
    %add3A_250 = arith.addf %add3A_235, %slice3A_249 : vector<1x2048xf32>
    %slice3A_251 = vector.extract_strided_slice %get3A_248 {offsets = [1, 0], sizes = [1, 2048], strides = [1, 1]} : vector<4x2048xf32> to vector<1x2048xf32>
    %add3A_252 = arith.addf %add3A_240, %slice3A_251 : vector<1x2048xf32>
    %slice3A_253 = vector.extract_strided_slice %get3A_248 {offsets = [2, 0], sizes = [1, 2048], strides = [1, 1]} : vector<4x2048xf32> to vector<1x2048xf32>
    %add3A_254 = arith.addf %add3A_245, %slice3A_253 : vector<1x2048xf32>
    %broadcast_in_dim3A_255 = arith.constant 0.000000e+00 : f32
    %broadcast_in_dim3A_256 = vector.broadcast %broadcast_in_dim3A_255 : f32 to vector<13x2048xf32>
    %concatenate3A = tpu.concatenate %add3A_250, %add3A_252, %add3A_254, %broadcast_in_dim3A_256 in 0 : vector<1x2048xf32>, vector<1x2048xf32>, vector<1x2048xf32>, vector<13x2048xf32> -> vector<16x2048xf32>
    %transpose3A_257 = tpu.transpose %concatenate3A, [1, 0] : vector<16x2048xf32> -> vector<2048x16xf32>
    %swap3A = arith.constant 0 : index
    %swap3A_258 = arith.constant 0 : index
    %swap3A_259 = arith.constant 0 : index
    %swap3A_260 = vector.load %arg13[%swap3A, %swap3A_258, %swap3A_259] : memref<2x2048x16xf32, #tpu.memory_space<vmem>>, vector<1x2048x16xf32>
    %swap3A_261 = vector.shape_cast %swap3A_260 : vector<1x2048x16xf32> to vector<2048x16xf32>
    %swap3A_262 = vector.shape_cast %transpose3A_257 : vector<2048x16xf32> to vector<1x2048x16xf32>
    tpu.vector_store %arg13[%swap3A, %swap3A_258, %swap3A_259], %swap3A_262 {strides = array<i32>} : memref<2x2048x16xf32, #tpu.memory_space<vmem>>, vector<1x2048x16xf32>,
    %neg3A_263 = arith.constant 0.000000e+00 : f32
    %neg3A_264 = vector.broadcast %neg3A_263 : f32 to vector<2048x16xf32>
    %neg3A_265 = arith.subf %neg3A_264, %transpose3A_257 : vector<2048x16xf32>
    %swap3A_266 = arith.constant 1 : index
    %swap3A_267 = arith.constant 0 : index
    %swap3A_268 = arith.constant 0 : index
    %swap3A_269 = vector.load %arg13[%swap3A_266, %swap3A_267, %swap3A_268] : memref<2x2048x16xf32, #tpu.memory_space<vmem>>, vector<1x2048x16xf32>
    %swap3A_270 = vector.shape_cast %swap3A_269 : vector<1x2048x16xf32> to vector<2048x16xf32>
    %swap3A_271 = vector.shape_cast %neg3A_265 : vector<2048x16xf32> to vector<1x2048x16xf32>
    tpu.vector_store %arg13[%swap3A_266, %swap3A_267, %swap3A_268], %swap3A_271 {strides = array<i32>} : memref<2x2048x16xf32, #tpu.memory_space<vmem>>, vector<1x2048x16xf32>,
    return
  }
  func.func @transform_0(%arg0: i32) -> (i32, i32) {
    %c0_i32 = arith.constant 0 : i32
    %c0_i32_0 = arith.constant 0 : i32
    return %c0_i32, %arg0 : i32, i32
  }
  func.func @transform_1(%arg0: i32) -> (i32, i32) {
    %c0_i32 = arith.constant 0 : i32
    %c0_i32_0 = arith.constant 0 : i32
    return %c0_i32, %arg0 : i32, i32
  }
  func.func @transform_2(%arg0: i32) -> (i32, i32) {
    %c0_i32 = arith.constant 0 : i32
    %c0_i32_0 = arith.constant 0 : i32
    return %c0_i32, %arg0 : i32, i32
  }
  func.func @transform_3(%arg0: i32) -> (i32, i32) {
    %c0_i32 = arith.constant 0 : i32
    %c0_i32_0 = arith.constant 0 : i32
    return %arg0, %c0_i32 : i32, i32
  }
  func.func @transform_4(%arg0: i32) -> (i32, i32) {
    %c0_i32 = arith.constant 0 : i32
    %c0_i32_0 = arith.constant 0 : i32
    return %arg0, %c0_i32 : i32, i32
  }
  func.func @transform_5(%arg0: i32) -> (i32, i32) {
    %c0_i32 = arith.constant 0 : i32
    %c0_i32_0 = arith.constant 0 : i32
    return %c0_i32, %arg0 : i32, i32
  }
  func.func @transform_6(%arg0: i32) -> (i32, i32) {
    %c0_i32 = arith.constant 0 : i32
    %c0_i32_0 = arith.constant 0 : i32
    %c0_i32_1 = arith.constant 0 : i32
    return %c0_i32, %c0_i32_0 : i32, i32
  }
  func.func @transform_7(%arg0: i32) -> (i32, i32) {
    %c0_i32 = arith.constant 0 : i32
    %c0_i32_0 = arith.constant 0 : i32
    %c0_i32_1 = arith.constant 0 : i32
    return %c0_i32, %c0_i32_0 : i32, i32
  }
  func.func @transform_8(%arg0: i32) -> (i32, i32) {
    %c0_i32 = arith.constant 0 : i32
    %c0_i32_0 = arith.constant 0 : i32
    %c0_i32_1 = arith.constant 0 : i32
    return %c0_i32, %c0_i32_0 : i32, i32
  }
  func.func @transform_9(%arg0: i32) -> (i32, i32) {
    %c0_i32 = arith.constant 0 : i32
    %c0_i32_0 = arith.constant 0 : i32
    %c0_i32_1 = arith.constant 0 : i32
    return %c0_i32, %c0_i32_0 : i32, i32
  }
  func.func @transform_10(%arg0: i32) -> (i32, i32) {
    %c0_i32 = arith.constant 0 : i32
    %c0_i32_0 = arith.constant 0 : i32
    %c0_i32_1 = arith.constant 0 : i32
    return %c0_i32, %c0_i32_0 : i32, i32
  }
  func.func @transform_11(%arg0: i32) -> (i32, i32) {
    %c0_i32 = arith.constant 0 : i32
    %c0_i32_0 = arith.constant 0 : i32
    %c0_i32_1 = arith.constant 0 : i32
    return %c0_i32, %c0_i32_0 : i32, i32
  }
  func.func @transform_12(%arg0: i32) -> (i32, i32, i32) {
    %c0_i32 = arith.constant 0 : i32
    %c0_i32_0 = arith.constant 0 : i32
    %c0_i32_1 = arith.constant 0 : i32
    return %c0_i32, %arg0, %c0_i32_0 : i32, i32, i32
  }
}

module attributes {stable_mosaic.version = 14 : i64} {
  func.func @body(%arg0: i32, %arg1: memref<1000x1xf32, #tpu.memory_space<vmem>>, %arg2: memref<1000x1xf32, #tpu.memory_space<vmem>>, %arg3: memref<1000x1xi32, #tpu.memory_space<vmem>>, %arg4: memref<1x100xf32, #tpu.memory_space<vmem>>, %arg5: memref<1x100xf32, #tpu.memory_space<vmem>>) attributes {dimension_semantics = [#tpu.dimension_semantics<arbitrary>], iteration_bounds = array<i64: 10>, scalar_prefetch = 0 : i64, scratch_operands = 0 : i64, tpu.core_type = #tpu.core_type<tc>, window_params = [{transform_indices = @transform_0, window_bounds = array<i64: 1000, 1>}, {transform_indices = @transform_1, window_bounds = array<i64: 1000, 1>}, {transform_indices = @transform_2, window_bounds = array<i64: 1000, 1>}, {pipeline_mode = #tpu.pipeline_mode<synchronous>, transform_indices = @transform_3, window_bounds = array<i64: 1, 100>}, {pipeline_mode = #tpu.pipeline_mode<synchronous>, transform_indices = @transform_4, window_bounds = array<i64: 1, 100>}]} {
    %eq3A = arith.constant 0 : i32
    %eq3A_0 = arith.cmpi eq, %arg0, %eq3A : i32
    %convert_element_type3A = arith.extui %eq3A_0 : i1 to i32
    %cond3A = arith.constant 0 : i32
    %cond3A_1 = arith.cmpi ne, %convert_element_type3A, %cond3A : i32
    scf.if %cond3A_1 {
      %broadcast_in_dim3A_38 = arith.constant 0.000000e+00 : f32
      %broadcast_in_dim3A_39 = vector.broadcast %broadcast_in_dim3A_38 : f32 to vector<1x100xf32>
      %swap3A_40 = arith.constant 0 : index
      %swap3A_41 = arith.constant 0 : index
      %swap3A_42 = vector.load %arg4[%swap3A_40, %swap3A_41] : memref<1x100xf32, #tpu.memory_space<vmem>>, vector<1x100xf32>
      tpu.vector_store %arg4[%swap3A_40, %swap3A_41], %broadcast_in_dim3A_39 {strides = array<i32>} : memref<1x100xf32, #tpu.memory_space<vmem>>, vector<1x100xf32>,
      %broadcast_in_dim3A_43 = arith.constant 0.000000e+00 : f32
      %broadcast_in_dim3A_44 = vector.broadcast %broadcast_in_dim3A_43 : f32 to vector<1x100xf32>
      %swap3A_45 = arith.constant 0 : index
      %swap3A_46 = arith.constant 0 : index
      %swap3A_47 = vector.load %arg5[%swap3A_45, %swap3A_46] : memref<1x100xf32, #tpu.memory_space<vmem>>, vector<1x100xf32>
      tpu.vector_store %arg5[%swap3A_45, %swap3A_46], %broadcast_in_dim3A_44 {strides = array<i32>} : memref<1x100xf32, #tpu.memory_space<vmem>>, vector<1x100xf32>,
    } else {
    }
    %get3A = arith.constant 0 : index
    %get3A_2 = arith.constant 0 : index
    %get3A_3 = vector.load %arg3[%get3A, %get3A_2] : memref<1000x1xi32, #tpu.memory_space<vmem>>, vector<1000x1xi32>
    %iota3A = tpu.iota {dimensions = array<i32: 1>} : vector<1000x100xi32>
    %eq3A_4 = vector.broadcast %get3A_3 : vector<1000x1xi32> to vector<1000x100xi32>
    %eq3A_5 = arith.cmpi eq, %eq3A_4, %iota3A : vector<1000x100xi32>
    %convert_element_type3A_6 = arith.extui %eq3A_5 : vector<1000x100xi1> to vector<1000x100xi32>
    %convert_element_type3A_7 = arith.sitofp %convert_element_type3A_6 : vector<1000x100xi32> to vector<1000x100xf32>
    %get3A_8 = arith.constant 0 : index
    %get3A_9 = arith.constant 0 : index
    %get3A_10 = vector.load %arg5[%get3A_8, %get3A_9] : memref<1x100xf32, #tpu.memory_space<vmem>>, vector<1x100xf32>
    %get3A_11 = arith.constant 0 : index
    %get3A_12 = arith.constant 0 : index
    %get3A_13 = vector.load %arg2[%get3A_11, %get3A_12] : memref<1000x1xf32, #tpu.memory_space<vmem>>, vector<1000x1xf32>
    %mul3A = vector.broadcast %get3A_13 : vector<1000x1xf32> to vector<1000x100xf32>
    %mul3A_14 = arith.mulf %mul3A, %convert_element_type3A_7 : vector<1000x100xf32>
    %reduce_sum3A = arith.constant dense<0.000000e+00> : vector<100xf32>
    %reduce_sum3A_15 = vector.multi_reduction <add>, %mul3A_14, %reduce_sum3A [0] : vector<1000x100xf32> to vector<100xf32>
    %broadcast_in_dim3A = vector.shape_cast %reduce_sum3A_15 : vector<100xf32> to vector<1x100xf32>
    %add3A = arith.addf %get3A_10, %broadcast_in_dim3A : vector<1x100xf32>
    %swap3A = arith.constant 0 : index
    %swap3A_16 = arith.constant 0 : index
    %swap3A_17 = vector.load %arg5[%swap3A, %swap3A_16] : memref<1x100xf32, #tpu.memory_space<vmem>>, vector<1x100xf32>
    tpu.vector_store %arg5[%swap3A, %swap3A_16], %add3A {strides = array<i32>} : memref<1x100xf32, #tpu.memory_space<vmem>>, vector<1x100xf32>,
    %get3A_18 = arith.constant 0 : index
    %get3A_19 = arith.constant 0 : index
    %get3A_20 = vector.load %arg4[%get3A_18, %get3A_19] : memref<1x100xf32, #tpu.memory_space<vmem>>, vector<1x100xf32>
    %get3A_21 = arith.constant 0 : index
    %get3A_22 = arith.constant 0 : index
    %get3A_23 = vector.load %arg1[%get3A_21, %get3A_22] : memref<1000x1xf32, #tpu.memory_space<vmem>>, vector<1000x1xf32>
    %mul3A_24 = vector.broadcast %get3A_23 : vector<1000x1xf32> to vector<1000x100xf32>
    %mul3A_25 = arith.mulf %mul3A_24, %convert_element_type3A_7 : vector<1000x100xf32>
    %reduce_sum3A_26 = arith.constant dense<0.000000e+00> : vector<100xf32>
    %reduce_sum3A_27 = vector.multi_reduction <add>, %mul3A_25, %reduce_sum3A_26 [0] : vector<1000x100xf32> to vector<100xf32>
    %broadcast_in_dim3A_28 = vector.shape_cast %reduce_sum3A_27 : vector<100xf32> to vector<1x100xf32>
    %add3A_29 = arith.addf %get3A_20, %broadcast_in_dim3A_28 : vector<1x100xf32>
    %swap3A_30 = arith.constant 0 : index
    %swap3A_31 = arith.constant 0 : index
    %swap3A_32 = vector.load %arg4[%swap3A_30, %swap3A_31] : memref<1x100xf32, #tpu.memory_space<vmem>>, vector<1x100xf32>
    tpu.vector_store %arg4[%swap3A_30, %swap3A_31], %add3A_29 {strides = array<i32>} : memref<1x100xf32, #tpu.memory_space<vmem>>, vector<1x100xf32>,
    %eq3A_33 = arith.constant 9 : i32
    %eq3A_34 = arith.cmpi eq, %arg0, %eq3A_33 : i32
    %convert_element_type3A_35 = arith.extui %eq3A_34 : i1 to i32
    %cond3A_36 = arith.constant 0 : i32
    %cond3A_37 = arith.cmpi ne, %convert_element_type3A_35, %cond3A_36 : i32
    scf.if %cond3A_37 {
      %get3A_38 = arith.constant 0 : index
      %get3A_39 = arith.constant 0 : index
      %get3A_40 = vector.load %arg4[%get3A_38, %get3A_39] : memref<1x100xf32, #tpu.memory_space<vmem>>, vector<1x100xf32>
      %get3A_41 = arith.constant 0 : index
      %get3A_42 = arith.constant 0 : index
      %get3A_43 = vector.load %arg5[%get3A_41, %get3A_42] : memref<1x100xf32, #tpu.memory_space<vmem>>, vector<1x100xf32>
      %add3A_44 = arith.addf %get3A_40, %get3A_43 : vector<1x100xf32>
      %swap3A_45 = arith.constant 0 : index
      %swap3A_46 = arith.constant 0 : index
      %swap3A_47 = vector.load %arg4[%swap3A_45, %swap3A_46] : memref<1x100xf32, #tpu.memory_space<vmem>>, vector<1x100xf32>
      tpu.vector_store %arg4[%swap3A_45, %swap3A_46], %add3A_44 {strides = array<i32>} : memref<1x100xf32, #tpu.memory_space<vmem>>, vector<1x100xf32>,
    } else {
    }
    return
  }
  func.func @transform_0(%arg0: i32) -> (i32, i32) {
    %c0_i32 = arith.constant 0 : i32
    %c0_i32_0 = arith.constant 0 : i32
    return %arg0, %c0_i32 : i32, i32
  }
  func.func @transform_1(%arg0: i32) -> (i32, i32) {
    %c0_i32 = arith.constant 0 : i32
    %c0_i32_0 = arith.constant 0 : i32
    return %arg0, %c0_i32 : i32, i32
  }
  func.func @transform_2(%arg0: i32) -> (i32, i32) {
    %c0_i32 = arith.constant 0 : i32
    %c0_i32_0 = arith.constant 0 : i32
    return %arg0, %c0_i32 : i32, i32
  }
  func.func @transform_3(%arg0: i32) -> (i32, i32) {
    %c0_i32 = arith.constant 0 : i32
    %c0_i32_0 = arith.constant 0 : i32
    %c0_i32_1 = arith.constant 0 : i32
    return %c0_i32, %c0_i32_0 : i32, i32
  }
  func.func @transform_4(%arg0: i32) -> (i32, i32) {
    %c0_i32 = arith.constant 0 : i32
    %c0_i32_0 = arith.constant 0 : i32
    %c0_i32_1 = arith.constant 0 : i32
    return %c0_i32, %c0_i32_0 : i32, i32
  }
}

module attributes {stable_mosaic.version = 14 : i64} {
  func.func @body(%arg0: i32, %arg1: memref<2x1000x16xf32, #tpu.memory_space<vmem>>, %arg2: memref<1000x3xf32, #tpu.memory_space<vmem>>) attributes {dimension_semantics = [#tpu.dimension_semantics<arbitrary>], iteration_bounds = array<i64: 10>, scalar_prefetch = 0 : i64, scratch_operands = 0 : i64, tpu.core_type = #tpu.core_type<tc>, window_params = [{transform_indices = @transform_0, window_bounds = array<i64: 2, 1000, 16>}, {transform_indices = @transform_1, window_bounds = array<i64: 1000, 3>}]} {
    %get3A = arith.constant 0 : index
    %get3A_0 = arith.constant 0 : index
    %get3A_1 = arith.constant 0 : index
    %get3A_2 = vector.load %arg1[%get3A, %get3A_0, %get3A_1] : memref<2x1000x16xf32, #tpu.memory_space<vmem>>, vector<1x1000x16xf32>
    %get3A_3 = vector.shape_cast %get3A_2 : vector<1x1000x16xf32> to vector<1000x16xf32>
    %get3A_4 = arith.constant 1 : index
    %get3A_5 = arith.constant 0 : index
    %get3A_6 = arith.constant 0 : index
    %get3A_7 = vector.load %arg1[%get3A_4, %get3A_5, %get3A_6] : memref<2x1000x16xf32, #tpu.memory_space<vmem>>, vector<1x1000x16xf32>
    %get3A_8 = vector.shape_cast %get3A_7 : vector<1x1000x16xf32> to vector<1000x16xf32>
    %add3A = arith.addf %get3A_3, %get3A_8 : vector<1000x16xf32>
    %slice3A = vector.extract_strided_slice %add3A {offsets = [0, 0], sizes = [1000, 3], strides = [1, 1]} : vector<1000x16xf32> to vector<1000x3xf32>
    %swap3A = arith.constant 0 : index
    %swap3A_9 = arith.constant 0 : index
    %swap3A_10 = vector.load %arg2[%swap3A, %swap3A_9] : memref<1000x3xf32, #tpu.memory_space<vmem>>, vector<1000x3xf32>
    tpu.vector_store %arg2[%swap3A, %swap3A_9], %slice3A {strides = array<i32>} : memref<1000x3xf32, #tpu.memory_space<vmem>>, vector<1000x3xf32>,
    return
  }
  func.func @transform_0(%arg0: i32) -> (i32, i32, i32) {
    %c0_i32 = arith.constant 0 : i32
    %c0_i32_0 = arith.constant 0 : i32
    %c0_i32_1 = arith.constant 0 : i32
    return %c0_i32, %arg0, %c0_i32_0 : i32, i32, i32
  }
  func.func @transform_1(%arg0: i32) -> (i32, i32) {
    %c0_i32 = arith.constant 0 : i32
    %c0_i32_0 = arith.constant 0 : i32
    return %arg0, %c0_i32 : i32, i32
  }
}

</mosaic_0001>

<sc_bundles>
// kernel: kernel.22.cloned.1.call-start
scs
__scs_entry_jumppad:
0x0: {  	(pc) =	sbr.rel $0x88, $3  }
0x1: {  	(tag) =	ssettag $0x0;
	lr =	simm.s32 $0x1  }
0x2: {  	[smem:$0x3F8C] =	sst lr;
	_ =	strace $0xD0000000  }
0x3: {  	_ = 	snop  }
0x4: {  	_ = 	snop  }
0x5: {  	_ = 	snop  }
0x6: {  	_ = 	snop  }
0x7: {  	_ = 	snop  }
__scs_overlays_trampoline_lowered:
0x8: {  	[smem:$0x3F9B] =	sst s0  }
0x9: {  	[smem:$0x3F9C] =	sst s1  }
0xa: {  	[smem:$0x3F9D] =	sst s2  }
0xb: {  	[smem:$0x3F9E] =	sst s3  }
0xc: {  	[smem:$0x3F9F] =	sst s4  }
0xd: {  	[smem:$0x3FA0] =	sst s5  }
0xe: {  	[smem:$0x3FA1] =	sst s6  }
0xf: {  	[smem:$0x3FA2] =	sst s7  }
0x10: {  	[smem:$0x3FA3] =	sst s8  }
0x11: {  	[smem:$0x3FA4] =	sst s9;
	s0 =	simm.s32 @!p0 $0x0  }
0x12: {  	s1 =	sld [smem:$0x3F8A];
	s0 =	simm.s32 @p0 $0x1  }
0x13: {  	[smem:$0x3FA5] =	sst s0;
	s0 =	simm.s32 @!p1 $0x0  }
0x14: {  	s2 =	sld [smem:$0x3F89];
	s0 =	simm.s32 @p1 $0x1  }
0x15: {  	[smem:$0x3FA6] =	sst s0;
	s0 =	simm.s32 @!p2 $0x0  }
0x16: {  	s3 =	sld [smem:$0x3FDB];
	s0 =	simm.s32 @p2 $0x1  }
0x17: {  	s4 =	simm.s32 $0x1BF5;
	[smem:$0x3FA8] =	sst s0  }
0x18: {  	s0 =	sld [smem:$0x3F8B];
	_ =	swait.ge [sflag:s4], $0x0  }
0x19: {  	s7 =	sld [smem:$0x3F8C]  }
0x1a: {  	s8 =	sadd.s32 $0xFFFFE003, lr  }
0x1b: {  	s9 =	sadd.s32 $0xFFFFFEF7, lr;
	s5 =	simm.s32 $0xFFFFFFFF;
	p2 =	slt.u32 s8, $0xFFFFF086  }
0x1c: {  	p1 =	slt.u32 s9, $0xF7A;
	s5 =	simm.s32 @!p2 $0x0  }
0x1d: {  	s5 =	simm.s32 @p1 $0x1;
	p0 =	seq.s32 s7, s2  }
0x1e: {  	s7 =	smul.u32 @!p0 $0xF7A, s2;
	p2 =	seq.s32 @!p0 s5, $0x0  }
0x1f: {  	s9 =	smul.u32 $0xF7A, s1;
	s8 =	simm.s32 @!p0 $0x1BF5;
	p2 =	por !p2, p0  }
0x20: {  	[sflag:s8] =	ssyncset.s32 @!p0 $0xFFFFF086;
	s6 =	sadd.s32 @!p0 s3, s7;
	s7 =	simm.s32 @!p0 $0x108  }
0x21: {  	s3 =	sadd.s32 s3, s9;
	s6 =	sadd.s32 @!p0 $0x88, s6;
	s7 =	simm.s32 @p2 $0x1082  }
0x22: {  	[simem:s7], [sflag:s8] =	dma.local @!p0 [hbm:s6], $0xF7A  }
0x23: {  	s9 =	sor.u32 $0xD0000000, s2;
	s6 =	simm.s32 $0x108;
	_ =	swait.ge @!p0 [sflag:s8], $0x0  }
0x24: {  	s3 =	sadd.s32 $0x88, s3;
	s6 =	simm.s32 @!p1 $0x1082;
	[sflag:s4] =	ssyncset.s32 $0xFFFFF086  }
0x25: {  	[simem:s6], [sflag:s4] =	dma.local [hbm:s3], $0xF7A  }
0x26: {  	[smem:$0x3F8C] =	sst s1;
	(tag) =	ssettag s2;
	_ =	strace s9  }
0x27: {  	s1 =	sld [smem:$0x3F9C]  }
0x28: {  	s2 =	sld [smem:$0x3F9D]  }
0x29: {  	s4 =	sld [smem:$0x3F9F]  }
0x2a: {  	p0 =	seq.s32 s5, $0x0;
	s5 =	sld [smem:$0x3FA0]  }
0x2b: {  	s6 =	sld [smem:$0x3FA1]  }
0x2c: {  	s7 =	sld [smem:$0x3FA2]  }
0x2d: {  	s3 =	simm.s32 $0x108;
	s8 =	sld [smem:$0x3FA3]  }
0x2e: {  	s3 =	simm.s32 @!p0 $0x1082;
	s9 =	sld [smem:$0x3FA4]  }
0x2f: {  	lr =	sadd.s32 s0, s3;
	s0 =	sld [smem:$0x3F9B]  }
0x30: {  	s3 =	sld [smem:$0x3F9E]  }
0x31: {  	[smem:$0x3FA7] =	sst s10  }
0x32: {  	s10 =	sld [smem:$0x3FA5];
	_ =	sdelay $0x3  }
0x33: {  	p0 =	seq.s32 s10, $0x1;
	s10 =	sld [smem:$0x3FA7];
	_ =	sdelay $0x3  }
0x34: {  	[smem:$0x3FA7] =	sst s10  }
0x35: {  	s10 =	sld [smem:$0x3FA6];
	_ =	sdelay $0x3  }
0x36: {  	p1 =	seq.s32 s10, $0x1;
	s10 =	sld [smem:$0x3FA7];
	_ =	sdelay $0x3  }
0x37: {  	[smem:$0x3FA7] =	sst s10  }
0x38: {  	s10 =	sld [smem:$0x3FA8]  }
0x39: {  	_ = 	snop;
	(pc) =	sbr.ind lr, $3  }
0x3a: {  	_ = 	snop  }
0x3b: {  	_ = 	snop  }
0x3c: {  	p2 =	seq.s32 s10, $0x1;
	s10 =	sld [smem:$0x3FA7]  }
0x3d: {  	_ =	shalt  }
0x3e: {  	_ =	shalt  }
0x3f: {  	_ =	shalt  }
0x40: {  	_ =	shalt  }
0x41: {  	_ =	shalt  }
0x42: {  	_ =	shalt  }
0x43: {  	_ =	shalt  }
0x44: {  	_ =	shalt  }
0x45: {  	_ =	shalt  }
0x46: {  	_ =	shalt  }
0x47: {  	_ =	shalt  }
0x48: {  	_ =	shalt  }
0x49: {  	_ =	shalt  }
0x4a: {  	_ =	shalt  }
0x4b: {  	_ =	shalt  }
0x4c: {  	_ =	shalt  }
0x4d: {  	_ =	shalt  }
0x4e: {  	_ =	shalt  }
0x4f: {  	_ =	shalt  }
0x50: {  	_ =	shalt  }
0x51: {  	_ =	shalt  }
0x52: {  	_ =	shalt  }
0x53: {  	_ =	shalt  }
0x54: {  	_ =	shalt  }
0x55: {  	_ =	shalt  }
0x56: {  	_ =	shalt  }
0x57: {  	_ =	shalt  }
0x58: {  	_ =	shalt  }
0x59: {  	_ =	shalt  }
0x5a: {  	_ =	shalt  }
0x5b: {  	_ =	shalt  }
0x5c: {  	_ =	shalt  }
0x5d: {  	_ =	shalt  }
0x5e: {  	_ =	shalt  }
0x5f: {  	_ =	shalt  }
0x60: {  	_ =	shalt  }
0x61: {  	_ =	shalt  }
0x62: {  	_ =	shalt  }
0x63: {  	_ =	shalt  }
0x64: {  	_ =	shalt  }
0x65: {  	_ =	shalt  }
0x66: {  	_ =	shalt  }
0x67: {  	_ =	shalt  }
0x68: {  	_ =	shalt  }
0x69: {  	_ =	shalt  }
0x6a: {  	_ =	shalt  }
0x6b: {  	_ =	shalt  }
0x6c: {  	_ =	shalt  }
0x6d: {  	_ =	shalt  }
0x6e: {  	_ =	shalt  }
0x6f: {  	_ =	shalt  }
0x70: {  	_ =	shalt  }
0x71: {  	_ =	shalt  }
0x72: {  	_ =	shalt  }
0x73: {  	_ =	shalt  }
0x74: {  	_ =	shalt  }
0x75: {  	_ =	shalt  }
0x76: {  	_ =	shalt  }
0x77: {  	_ =	shalt  }
0x78: {  	_ =	shalt  }
0x79: {  	_ =	shalt  }
0x7a: {  	_ =	shalt  }
0x7b: {  	_ =	shalt  }
0x7c: {  	_ =	shalt  }
0x7d: {  	_ =	shalt  }
0x7e: {  	_ =	shalt  }
0x7f: {  	_ =	shalt  }
0x80: {  	_ =	shalt  }
0x81: {  	_ =	shalt  }
0x82: {  	_ =	shalt  }
0x83: {  	_ =	shalt  }
0x84: {  	_ =	shalt  }
0x85: {  	_ =	shalt  }
0x86: {  	_ =	shalt  }
0x87: {  	_ =	shalt  }
.Lfunc_end0:
.L_simem_size_0:
called_computation_lowered:
.L_overlay_start_0:
0x88: {  	s2 =	sld [smem:$0x3FD9]  }
0x89: {  	s3 =	sld [smem:$0x3FFE];
	_ =	sdelay $0x1  }
0x8a: {  	s1 =	srdreg.scid  }
0x8b: {  	s0 =	sand.u32 $0x1, s1  }
0x8c: {  	s16 =	sshll.u32 s0, $0xA;
	s2 =	sadd.s32 s3, s2  }
0x8d: {  	s2 =	sadd.s32 s2, s16  }
0x8e: {  	[smem:$0x3FB3] =	sst s2  }
0x8f: {  	_ = 	snop  }
0x90: {  	(tm) =	ssettm $0x1  }
0x91: {  	s17 =	sld [smem:$0x3FFB];
	_ =	sdelay $0x3  }
0x92: {  	_ =	strace s17  }
0x93: {  	s2 =	sld [smem:$0x3FFC];
	_ =	sdelay $0x3  }
0x94: {  	_ =	strace s2  }
0x95: {  	s2 =	sld [smem:$0x3FFD];
	_ =	sdelay $0x3  }
0x96: {  	_ =	strace s2  }
0x97: {  	_ =	strace $0x8FFFFFFF  }
0x98: {  	s18 =	sld [smem:$0x3FDB];
	_ =	sdelay $0x1  }
0x99: {  	s19 =	simm.s32 $_scs_section_size  }
0x9a: {  	s4 =	simm.s32 $_size__tile_overlayer_lowered;
	s5 =	simm.s32 $_tile_overlayer_lowered  }
0x9b: {  	s22 =	simm.s32 $0x1BFF;
	s21 =	sshll.u32 s5, $0x1;
	s2 =	sadd.s32 s19, s18  }
0x9c: {  	s6 =	simm.s32 $0x0;
	s20 =	sshll.u32 s4, $0x1;
	s4 =	sadd.s32 s21, s2  }
0x9d: {  	[timem:s6], [sflag:s22] =	dma.local [hbm:s4], s20  }
0x9e: {  	_ =	swait.ge [sflag:s22], s20  }
0x9f: {  	s3 =	ssub.s32 $0x0, s20;
	[sflag:s22] =	ssyncset.done $0x0  }
0xa0: {  	[sflag:s22] =	ssyncadd.s32 s3;
	_ =	sdelay $0x1  }
0xa1: {  	s23 =	simm.s32 $0x1B8B  }
0xa2: {  	_ =	swait.ge [sflag:s23], $0x1  }
0xa3: {  	[sflag:s23] =	ssyncset.done $0x0  }
0xa4: {  	s25 =	simm.s32 $0x1B8E;
	s24 =	sld [smem:$0x3FFE];
	[sflag:s23] =	ssyncadd.s32 $0xFFFFFFFF  }
0xa5: {  	s26 =	simm.s32 $execute0_lowered;
	[smem:$0x3FD2] =	sst s25  }
0xa6: {  	s4 =	sshll.u32 s26, $0x1;
	_ =	strace $0x80000046;
	[dreg:$0x1] =	wrdreg $0xFFFFFFFF  }
0xa7: {  	s28 =	simm.s32 $_size_execute0_lowered;
	s2 =	sadd.s32 s2, s4;
	[dreg:$0x0] =	wrdreg $0x0  }
0xa8: {  	s4 =	sshll.u32 s28, $0x1;
	[dreg:$0x2] =	wrdreg s2  }
0xa9: {  	[dreg:$0x3] =	wrdreg s4  }
0xaa: {  	[dreg:$0x4] =	wrdreg $0xC0  }
0xab: {  	_ =	task [dreg:s6], $0x5FFFF  }
0xac: {  	[dreg:$0x1] =	wrdreg $0xFFFFFFFF  }
0xad: {  	[dreg:$0x0] =	wrdreg $0x60  }
0xae: {  	[dreg:$0x2] =	wrdreg s24  }
0xaf: {  	[dreg:$0x3] =	wrdreg $0x9  }
0xb0: {  	_ =	task.clear_ibuf [dreg:s6], $0x4FFFF;
	_ =	strace $0x90000046  }
0xb1: {  	s29 =	simm.s32 $0x9;
	_ =	strace $0x80000048  }
0xb2: {  	_ =	swait.ge [sflag:s29], $0x1  }
0xb3: {  	[sflag:s29] =	ssyncadd.s32 $0xFFFFFFFF  }
0xb4: {  	_ =	strace $0x90000048  }
0xb5: {  	_ =	sfence  }
0xb6: {  	s30 =	sld [smem:$0x0];
	_ =	sdelay $0x2  }
0xb7: {  	s31 =	sshll.u32 s1, $0xD;
	s1 =	sshrl.u32 s1, $0x2  }
0xb8: {  	s3 =	sand.u32 $0x4000, s31;
	s1 =	sadd.s32 s1, s30  }
0xb9: {  	s0 =	sor.u32 s3, s0;
	s1 =	sshll.u32 s1, $0x11  }
0xba: {  	s0 =	sor.u32 s1, s0  }
0xbb: {  	s0 =	sadd.s32 $0x8F2B, s0  }
0xbc: {  	[sflag:s0] =	ssyncadd.remote.s32 $0x1  }
0xbd: {  	_ =	sfence.sel $0xFFFF  }
0xbe: {  	[dreg:$0x0] =	wrdreg $0xFFFFFFFF;
	(pc) =	sbr.abs _section_cstart, $3  }
0xbf: {  	[dreg:$0x1] =	wrdreg $0xFFFFFFFF  }
0xc0: {  	_ =	task.clear_ibuf [dreg:s6], $0x2FFFF;
	_ =	strace $0x9FFFFFFF  }
0xc1: {  	(tm) =	ssettm $0x7FFFFFFF  }
tec
execute0_lowered:
.L_overlay_start_1:
0x0: {  	(tag) =	ssettag $0x1  }
0x1: {  	s1 =	srdreg.scid;
	s0 =	stileid.u32  }
0x2: {  	s6 =	sand.u32 $0x1, s1;
	s30 =	sshll.u32 s0, $0x1  }
0x3: {  	s8 =	rddreg [dreg:$0x0];
	s7 =	sor.u32 s6, s30  }
0x4: {  	s2 =	simm.s32 $0x0;
	s1 =	rddreg [dreg:$0x1];
	s3 =	smul.u32 $0x500, s7  }
0x5: {  	[smem:$0x7FF] =	sst s2;
	s5 =	sadd.s32 $0xAA00, s8  }
0x6: {  	_ =	strace $0x80000047;
	s10 =	ssub.s32 $0x2, s6;
	s3 =	sadd.s32 s3, s8  }
0x7: {  	s6 =	simm.s32 $0x2800;
	s4 =	sadd.s32 $0xD200, s3;
	s3 =	simm.s32 $0x2  }
0x8: {  	[tilespmem:s2], [sflag:$0x2] =	stream.linear.gather [hbm4b:s4+s2], $0x2800, $0x38;
	[tilespmem:$0x16800] =	vst v63  }
0x9: {  	s9 =	smul.u32 $0x2800, s7;
	s11 =	sshrl.u32 s10, $0x1;
	_ =	swait.ge [sflag:s3], $0x2800  }
0xa: {  	s7 =	simm.s32 $0x1;
	s31 =	ssub.s32 s10, s11;
	[sflag:s3] =	ssyncset.done $0x0  }
0xb: {  	s8 =	sadd.s32 s9, s8;
	s9 =	smax.u32 s31, $0x1;
	[sflag:s3] =	ssyncadd.s32 $0xFFFFD800  }
0xc: {  	[tilespmem:s6], [sflag:$0x1] =	stream.indirect.gather [hbm4b:s5+s6], $0x8, s2, s6, $0xb8;
	[tilespmem:$0x16800] =	vst v63  }
0xd: {  	p0 =	sne.s32 s9, $0x1;
	_ =	swait.ge [sflag:s7], $0x14000  }
.Ltmp0:
0xe: {  	[sflag:s7] =	ssyncset.done $0x0;
	(pc) =	sbr.rel @!p0 .LBB2_2-.Ltmp0, $4  }
0xf: {  	s8 =	sadd.s32 $0x17200, s8;
	[sflag:s7] =	ssyncadd.s32 $0xFFFEC000  }
0x10: {  	[hbm4b:s8+s2] =	stream.linear.scatter [tilespmem:s6], [sflag:$0x2], $0x14000, $0x38;
	[tilespmem:$0x16800] =	vst v63  }
0x11: {  	_ =	swait.ge [sflag:s3], $0x14000  }
0x12: {  	s9 =	sadd.s32 $0xFFFFFFFF, s9;
	[sflag:s3] =	ssyncset.done $0x0  }
.LBB2_1:
0x13: {  	p0 =	sne.s32 s9, $0x1;
	s9 =	sadd.s32 $0xFFFFFFFF, s9;
	[sflag:s3] =	ssyncadd.s32 $0xFFFEC000  }
0x14: {  	[tilespmem:s2], [sflag:$0x2] =	stream.linear.gather [hbm4b:s4+s2], $0x2800, $0x38;
	[tilespmem:$0x16800] =	vst v63  }
0x15: {  	_ =	swait.ge [sflag:s3], $0x2800  }
0x16: {  	[sflag:s3] =	ssyncset.done $0x0  }
0x17: {  	[sflag:s3] =	ssyncadd.s32 $0xFFFFD800  }
0x18: {  	[tilespmem:s6], [sflag:$0x1] =	stream.indirect.gather [hbm4b:s5+s6], $0x8, s2, s6, $0xb8;
	[tilespmem:$0x16800] =	vst v63  }
0x19: {  	_ =	swait.ge [sflag:s7], $0x14000  }
.Ltmp1:
0x1a: {  	[sflag:s7] =	ssyncset.done $0x0;
	(pc) =	sbr.rel @p0 .LBB2_1-.Ltmp1, $4  }
0x1b: {  	[sflag:s7] =	ssyncadd.s32 $0xFFFEC000  }
0x1c: {  	[hbm4b:s8+s2] =	stream.linear.scatter [tilespmem:s6], [sflag:$0x2], $0x14000, $0x38;
	[tilespmem:$0x16800] =	vst v63  }
0x1d: {  	_ =	swait.ge [sflag:s3], $0x14000  }
0x1e: {  	[sflag:s3] =	ssyncset.done $0x0  }
.LBB2_2:
0x1f: {  	[sflag:s3] =	ssyncadd.s32 $0xFFFEC000  }
0x20: {  	_ =	sfence.sel $0x180000  }
0x21: {  	[bflag:$0x0] =	sbarrier.arrive $0xFFFF  }
0x22: {  	p0 =	sne.s32 s0, $0x0;
	_ =	strace $0x90000047  }
0x23: {  	s0 =	sadd.s32 @!p0 $0x100000, s1;
	[bflag:$0x2] =	sbarrier.arrive $0xFFFF  }
0x24: {  	[sflag:s0] =	ssyncadd.tile.s32 @!p0 $0x1;
	_ =	shalt  }
.Lfunc_end2:
_tile_overlayer_lowered:
.L_overlay_start_2:
0x25: {  	(tag) =	ssettag $0x2  }
0x26: {  	s0 =	rddreg [dreg:$0x0];
	s2 =	stileid.u32  }
0x27: {  	s1 =	rddreg [dreg:$0x1];
	p0 =	sne.s32 s2, $0x0  }
0x28: {  	s3 =	rddreg [dreg:$0x2];
	[bflag:$0x3] =	sbarrier.arrive $0xFFFF;
	s2 =	simm.s32 @!p0 $0x1C02  }
0x29: {  	[timem:s3], [sflag:s2] =	dma.local @!p0 [hbm:s0], s1  }
0x2a: {  	s0 =	simm.s32 @!p0 $0x2  }
0x2b: {  	_ =	swait.ge @!p0 [sflag:s0], s1  }
0x2c: {  	s1 =	ssub.s32 @!p0 $0x0, s1;
	[sflag:s0] =	ssyncset.done @!p0 $0x0  }
0x2d: {  	[sflag:s0] =	ssyncadd.s32 @!p0 s1  }
0x2e: {  	[bflag:$0x3] =	sbarrier.arrive $0xFFFF  }
0x2f: {  	_ =	shalt  }

// kernel: kernel.25.cloned.1.call-start
scs
__scs_entry_jumppad:
0x0: {  	(pc) =	sbr.rel $0x88, $3  }
0x1: {  	(tag) =	ssettag $0x0;
	lr =	simm.s32 $0x1  }
0x2: {  	[smem:$0x3F8C] =	sst lr;
	_ =	strace $0xD0000000  }
0x3: {  	_ = 	snop  }
0x4: {  	_ = 	snop  }
0x5: {  	_ = 	snop  }
0x6: {  	_ = 	snop  }
0x7: {  	_ = 	snop  }
__scs_overlays_trampoline_lowered:
0x8: {  	[smem:$0x3F9B] =	sst s0  }
0x9: {  	[smem:$0x3F9C] =	sst s1  }
0xa: {  	[smem:$0x3F9D] =	sst s2  }
0xb: {  	[smem:$0x3F9E] =	sst s3  }
0xc: {  	[smem:$0x3F9F] =	sst s4  }
0xd: {  	[smem:$0x3FA0] =	sst s5  }
0xe: {  	[smem:$0x3FA1] =	sst s6  }
0xf: {  	[smem:$0x3FA2] =	sst s7  }
0x10: {  	[smem:$0x3FA3] =	sst s8  }
0x11: {  	[smem:$0x3FA4] =	sst s9;
	s0 =	simm.s32 @!p0 $0x0  }
0x12: {  	s1 =	sld [smem:$0x3F8A];
	s0 =	simm.s32 @p0 $0x1  }
0x13: {  	[smem:$0x3FA5] =	sst s0;
	s0 =	simm.s32 @!p1 $0x0  }
0x14: {  	s2 =	sld [smem:$0x3F89];
	s0 =	simm.s32 @p1 $0x1  }
0x15: {  	[smem:$0x3FA6] =	sst s0;
	s0 =	simm.s32 @!p2 $0x0  }
0x16: {  	s3 =	sld [smem:$0x3FDB];
	s0 =	simm.s32 @p2 $0x1  }
0x17: {  	s4 =	simm.s32 $0x1BF5;
	[smem:$0x3FA8] =	sst s0  }
0x18: {  	s0 =	sld [smem:$0x3F8B];
	_ =	swait.ge [sflag:s4], $0x0  }
0x19: {  	s7 =	sld [smem:$0x3F8C]  }
0x1a: {  	s8 =	sadd.s32 $0xFFFFE003, lr  }
0x1b: {  	s9 =	sadd.s32 $0xFFFFFEF7, lr;
	s5 =	simm.s32 $0xFFFFFFFF;
	p2 =	slt.u32 s8, $0xFFFFF086  }
0x1c: {  	p1 =	slt.u32 s9, $0xF7A;
	s5 =	simm.s32 @!p2 $0x0  }
0x1d: {  	s5 =	simm.s32 @p1 $0x1;
	p0 =	seq.s32 s7, s2  }
0x1e: {  	s7 =	smul.u32 @!p0 $0xF7A, s2;
	p2 =	seq.s32 @!p0 s5, $0x0  }
0x1f: {  	s9 =	smul.u32 $0xF7A, s1;
	s8 =	simm.s32 @!p0 $0x1BF5;
	p2 =	por !p2, p0  }
0x20: {  	[sflag:s8] =	ssyncset.s32 @!p0 $0xFFFFF086;
	s6 =	sadd.s32 @!p0 s3, s7;
	s7 =	simm.s32 @!p0 $0x108  }
0x21: {  	s3 =	sadd.s32 s3, s9;
	s6 =	sadd.s32 @!p0 $0x88, s6;
	s7 =	simm.s32 @p2 $0x1082  }
0x22: {  	[simem:s7], [sflag:s8] =	dma.local @!p0 [hbm:s6], $0xF7A  }
0x23: {  	s9 =	sor.u32 $0xD0000000, s2;
	s6 =	simm.s32 $0x108;
	_ =	swait.ge @!p0 [sflag:s8], $0x0  }
0x24: {  	s3 =	sadd.s32 $0x88, s3;
	s6 =	simm.s32 @!p1 $0x1082;
	[sflag:s4] =	ssyncset.s32 $0xFFFFF086  }
0x25: {  	[simem:s6], [sflag:s4] =	dma.local [hbm:s3], $0xF7A  }
0x26: {  	[smem:$0x3F8C] =	sst s1;
	(tag) =	ssettag s2;
	_ =	strace s9  }
0x27: {  	s1 =	sld [smem:$0x3F9C]  }
0x28: {  	s2 =	sld [smem:$0x3F9D]  }
0x29: {  	s4 =	sld [smem:$0x3F9F]  }
0x2a: {  	p0 =	seq.s32 s5, $0x0;
	s5 =	sld [smem:$0x3FA0]  }
0x2b: {  	s6 =	sld [smem:$0x3FA1]  }
0x2c: {  	s7 =	sld [smem:$0x3FA2]  }
0x2d: {  	s3 =	simm.s32 $0x108;
	s8 =	sld [smem:$0x3FA3]  }
0x2e: {  	s3 =	simm.s32 @!p0 $0x1082;
	s9 =	sld [smem:$0x3FA4]  }
0x2f: {  	lr =	sadd.s32 s0, s3;
	s0 =	sld [smem:$0x3F9B]  }
0x30: {  	s3 =	sld [smem:$0x3F9E]  }
0x31: {  	[smem:$0x3FA7] =	sst s10  }
0x32: {  	s10 =	sld [smem:$0x3FA5];
	_ =	sdelay $0x3  }
0x33: {  	p0 =	seq.s32 s10, $0x1;
	s10 =	sld [smem:$0x3FA7];
	_ =	sdelay $0x3  }
0x34: {  	[smem:$0x3FA7] =	sst s10  }
0x35: {  	s10 =	sld [smem:$0x3FA6];
	_ =	sdelay $0x3  }
0x36: {  	p1 =	seq.s32 s10, $0x1;
	s10 =	sld [smem:$0x3FA7];
	_ =	sdelay $0x3  }
0x37: {  	[smem:$0x3FA7] =	sst s10  }
0x38: {  	s10 =	sld [smem:$0x3FA8]  }
0x39: {  	_ = 	snop;
	(pc) =	sbr.ind lr, $3  }
0x3a: {  	_ = 	snop  }
0x3b: {  	_ = 	snop  }
0x3c: {  	p2 =	seq.s32 s10, $0x1;
	s10 =	sld [smem:$0x3FA7]  }
0x3d: {  	_ =	shalt  }
0x3e: {  	_ =	shalt  }
0x3f: {  	_ =	shalt  }
0x40: {  	_ =	shalt  }
0x41: {  	_ =	shalt  }
0x42: {  	_ =	shalt  }
0x43: {  	_ =	shalt  }
0x44: {  	_ =	shalt  }
0x45: {  	_ =	shalt  }
0x46: {  	_ =	shalt  }
0x47: {  	_ =	shalt  }
0x48: {  	_ =	shalt  }
0x49: {  	_ =	shalt  }
0x4a: {  	_ =	shalt  }
0x4b: {  	_ =	shalt  }
0x4c: {  	_ =	shalt  }
0x4d: {  	_ =	shalt  }
0x4e: {  	_ =	shalt  }
0x4f: {  	_ =	shalt  }
0x50: {  	_ =	shalt  }
0x51: {  	_ =	shalt  }
0x52: {  	_ =	shalt  }
0x53: {  	_ =	shalt  }
0x54: {  	_ =	shalt  }
0x55: {  	_ =	shalt  }
0x56: {  	_ =	shalt  }
0x57: {  	_ =	shalt  }
0x58: {  	_ =	shalt  }
0x59: {  	_ =	shalt  }
0x5a: {  	_ =	shalt  }
0x5b: {  	_ =	shalt  }
0x5c: {  	_ =	shalt  }
0x5d: {  	_ =	shalt  }
0x5e: {  	_ =	shalt  }
0x5f: {  	_ =	shalt  }
0x60: {  	_ =	shalt  }
0x61: {  	_ =	shalt  }
0x62: {  	_ =	shalt  }
0x63: {  	_ =	shalt  }
0x64: {  	_ =	shalt  }
0x65: {  	_ =	shalt  }
0x66: {  	_ =	shalt  }
0x67: {  	_ =	shalt  }
0x68: {  	_ =	shalt  }
0x69: {  	_ =	shalt  }
0x6a: {  	_ =	shalt  }
0x6b: {  	_ =	shalt  }
0x6c: {  	_ =	shalt  }
0x6d: {  	_ =	shalt  }
0x6e: {  	_ =	shalt  }
0x6f: {  	_ =	shalt  }
0x70: {  	_ =	shalt  }
0x71: {  	_ =	shalt  }
0x72: {  	_ =	shalt  }
0x73: {  	_ =	shalt  }
0x74: {  	_ =	shalt  }
0x75: {  	_ =	shalt  }
0x76: {  	_ =	shalt  }
0x77: {  	_ =	shalt  }
0x78: {  	_ =	shalt  }
0x79: {  	_ =	shalt  }
0x7a: {  	_ =	shalt  }
0x7b: {  	_ =	shalt  }
0x7c: {  	_ =	shalt  }
0x7d: {  	_ =	shalt  }
0x7e: {  	_ =	shalt  }
0x7f: {  	_ =	shalt  }
0x80: {  	_ =	shalt  }
0x81: {  	_ =	shalt  }
0x82: {  	_ =	shalt  }
0x83: {  	_ =	shalt  }
0x84: {  	_ =	shalt  }
0x85: {  	_ =	shalt  }
0x86: {  	_ =	shalt  }
0x87: {  	_ =	shalt  }
.Lfunc_end0:
.L_simem_size_0:
called_computation.1_lowered:
.L_overlay_start_0:
0x88: {  	s2 =	sld [smem:$0x3FD9]  }
0x89: {  	s3 =	sld [smem:$0x3FFE];
	_ =	sdelay $0x1  }
0x8a: {  	s1 =	srdreg.scid  }
0x8b: {  	s0 =	sand.u32 $0x1, s1  }
0x8c: {  	s17 =	sshll.u32 s0, $0xA;
	s2 =	sadd.s32 s3, s2  }
0x8d: {  	s2 =	sadd.s32 s2, s17  }
0x8e: {  	[smem:$0x3FB3] =	sst s2  }
0x8f: {  	_ = 	snop  }
0x90: {  	(tm) =	ssettm $0x1  }
0x91: {  	s18 =	sld [smem:$0x3FFB];
	_ =	sdelay $0x3  }
0x92: {  	_ =	strace s18  }
0x93: {  	s2 =	sld [smem:$0x3FFC];
	_ =	sdelay $0x3  }
0x94: {  	_ =	strace s2  }
0x95: {  	s2 =	sld [smem:$0x3FFD];
	_ =	sdelay $0x3  }
0x96: {  	_ =	strace s2  }
0x97: {  	_ =	strace $0x8FFFFFFF  }
0x98: {  	s19 =	sld [smem:$0x3FDB];
	_ =	sdelay $0x1  }
0x99: {  	s20 =	simm.s32 $_scs_section_size  }
0x9a: {  	s4 =	simm.s32 $_size__tile_overlayer_lowered;
	s5 =	simm.s32 $_tile_overlayer_lowered  }
0x9b: {  	s6 =	simm.s32 $0x1BFF;
	s21 =	sshll.u32 s5, $0x1;
	s3 =	sadd.s32 s20, s19  }
0x9c: {  	s22 =	simm.s32 $0x0;
	s4 =	sshll.u32 s4, $0x1;
	s5 =	sadd.s32 s21, s3  }
0x9d: {  	[timem:s22], [sflag:s6] =	dma.local [hbm:s5], s4  }
0x9e: {  	_ =	swait.ge [sflag:s6], s4  }
0x9f: {  	s4 =	ssub.s32 $0x0, s4;
	[sflag:s6] =	ssyncset.done $0x0  }
0xa0: {  	[sflag:s6] =	ssyncadd.s32 s4;
	_ =	sdelay $0x1  }
0xa1: {  	s23 =	simm.s32 $0x1B8B  }
0xa2: {  	_ =	swait.ge [sflag:s23], $0x1  }
0xa3: {  	[sflag:s23] =	ssyncset.done $0x0  }
0xa4: {  	[sflag:s23] =	ssyncadd.s32 $0xFFFFFFFF  }
0xa5: {  	s4 =	sld [smem:$0x0]  }
0xa6: {  	s5 =	sand.u32 $0xFFFFFFFE, s1  }
0xa7: {  	p0 =	sne.s32 s1, s5  }
0xa8: {  	s5 =	sshll.u32 @p0 s5, $0xE  }
0xa9: {  	s5 =	sadd.s32 @p0 $0x11B8D, s5;
	s6 =	sshll.u32 @p0 s4, $0x11  }
0xaa: {  	s5 =	sor.u32 @p0 s6, s5  }
0xab: {  	[sflag:s5] =	ssyncadd.remote.s32 @p0 $0x1;
	_ =	sdelay $0x1  }
0xac: {  	s5 =	simm.s32 @p0 $0x1B8D  }
0xad: {  	_ =	swait.eq @p0 [sflag:s5], $0x1  }
0xae: {  	[sflag:s5] =	ssyncadd.s32 @p0 $0xFFFFFFFF  }
0xaf: {  	s6 =	sshll.u32 @!p0 s1, $0xE  }
0xb0: {  	s6 =	sor.u32 @!p0 $0x4000, s6;
	s5 =	simm.s32 @!p0 $0x1B8D  }
0xb1: {  	s4 =	sshll.u32 @!p0 s4, $0x11;
	s6 =	sadd.s32 @!p0 $0x11B8D, s6;
	_ =	swait.eq @!p0 [sflag:s5], $0x1  }
0xb2: {  	s4 =	sor.u32 @!p0 s4, s6;
	[sflag:s5] =	ssyncadd.s32 @!p0 $0xFFFFFFFF  }
0xb3: {  	s25 =	simm.s32 $0x1B8E;
	s24 =	sld [smem:$0x3FFE];
	[sflag:s4] =	ssyncadd.remote.s32 @!p0 $0x1  }
0xb4: {  	s26 =	simm.s32 $execute0_lowered;
	[smem:$0x3FD2] =	sst s25  }
0xb5: {  	s5 =	sshll.u32 s26, $0x1;
	_ =	strace $0x80000049;
	[dreg:$0x1] =	wrdreg $0xFFFFFFFF  }
0xb6: {  	s28 =	simm.s32 $_size_execute0_lowered;
	s3 =	sadd.s32 s3, s5;
	[dreg:$0x0] =	wrdreg $0x0  }
0xb7: {  	s5 =	sshll.u32 s28, $0x1;
	[dreg:$0x2] =	wrdreg s3  }
0xb8: {  	[dreg:$0x3] =	wrdreg s5  }
0xb9: {  	[dreg:$0x4] =	wrdreg $0xC0  }
0xba: {  	_ =	task [dreg:s22], $0x5FFFF  }
0xbb: {  	[dreg:$0x1] =	wrdreg $0xFFFFFFFF  }
0xbc: {  	[dreg:$0x0] =	wrdreg $0x60  }
0xbd: {  	[dreg:$0x2] =	wrdreg s24  }
0xbe: {  	[dreg:$0x3] =	wrdreg $0xA  }
0xbf: {  	_ =	task.clear_ibuf [dreg:s22], $0x4FFFF;
	_ =	strace $0x90000049  }
0xc0: {  	s29 =	simm.s32 $0xA;
	_ =	strace $0x8000004B  }
0xc1: {  	_ =	swait.ge [sflag:s29], $0x1  }
0xc2: {  	[sflag:s29] =	ssyncadd.s32 $0xFFFFFFFF  }
0xc3: {  	_ =	strace $0x9000004B  }
0xc4: {  	_ =	sfence  }
0xc5: {  	s30 =	sld [smem:$0x0];
	_ =	sdelay $0x2  }
0xc6: {  	s31 =	sshll.u32 s1, $0xD;
	s1 =	sshrl.u32 s1, $0x2  }
0xc7: {  	s4 =	sand.u32 $0x4000, s31;
	s1 =	sadd.s32 s1, s30  }
0xc8: {  	s0 =	sor.u32 s4, s0;
	s1 =	sshll.u32 s1, $0x11  }
0xc9: {  	s0 =	sor.u32 s1, s0  }
0xca: {  	s0 =	sadd.s32 $0x8F2B, s0  }
0xcb: {  	[sflag:s0] =	ssyncadd.remote.s32 $0x1  }
0xcc: {  	_ =	sfence.sel $0xFFFF  }
0xcd: {  	[dreg:$0x0] =	wrdreg $0xFFFFFFFF;
	(pc) =	sbr.abs _section_cstart, $3  }
0xce: {  	[dreg:$0x1] =	wrdreg $0xFFFFFFFF  }
0xcf: {  	_ =	task.clear_ibuf [dreg:s22], $0x2FFFF;
	_ =	strace $0x9FFFFFFF  }
0xd0: {  	(tm) =	ssettm $0x7FFFFFFF  }
0xd1: {  	_ =	shalt  }
tec
execute0_lowered:
.L_overlay_start_1:
0x0: {  	(tag) =	ssettag $0x1  }
0x1: {  	s1 =	srdreg.scid;
	s0 =	stileid.u32  }
0x2: {  	s10 =	sand.u32 $0x1, s1;
	s31 =	sshll.u32 s0, $0x1  }
0x3: {  	s6 =	sor.u32 s10, s31  }
0x4: {  	s9 =	rddreg [dreg:$0x0];
	s3 =	smul.u32 $0x280, s6  }
0x5: {  	s2 =	simm.s32 $0x0;
	s1 =	rddreg [dreg:$0x1]  }
0x6: {  	[smem:$0x7FF] =	sst s2;
	s3 =	sadd.s32 s3, s9  }
0x7: {  	_ =	strace $0x8000004A;
	s4 =	sadd.s32 $0x67200, s3;
	s3 =	simm.s32 $0x2  }
0x8: {  	[tilespmem:s2], [sflag:$0x2] =	stream.linear.gather [hbm4b:s4+s2], $0x1400, $0x38;
	[tilespmem:$0x15400] =	vst v63  }
0x9: {  	s7 =	simm.s32 $0x1400;
	_ =	swait.ge [sflag:s3], $0x1400  }
0xa: {  	s8 =	simm.s32 $0x1;
	s5 =	sadd.s32 $0xE1800, s9;
	[sflag:s3] =	ssyncset.done $0x0  }
0xb: {  	s11 =	smul.u32 $0x5000, s6;
	s6 =	simm.s32 $0xA00;
	[sflag:s3] =	ssyncadd.s32 $0xFFFFEC00  }
0xc: {  	[tilespmem:s7], [sflag:$0x1] =	stream.indirect.gather [hbm4b:s5+s6], $0x20, s2, s6, $0xb8;
	[tilespmem:$0x15400] =	vst v63  }
0xd: {  	_ =	swait.ge [sflag:s8], $0x14000  }
0xe: {  	s11 =	sadd.s32 s11, s9;
	[sflag:s8] =	ssyncset.done $0x0  }
0xf: {  	s10 =	ssub.s32 $0x2, s10;
	s9 =	sadd.s32 $0xEB600, s11;
	[sflag:s8] =	ssyncadd.s32 $0xFFFEC000  }
0x10: {  	[hbm4b:s9+s2] =	stream.linear.scatter [tilespmem:s7], [sflag:$0x2], $0x14000, $0x38;
	[tilespmem:$0x15400] =	vst v63  }
0x11: {  	s12 =	sshrl.u32 s10, $0x1;
	_ =	swait.ge [sflag:s3], $0x14000  }
0x12: {  	s10 =	ssub.s32 s10, s12;
	[sflag:s3] =	ssyncset.done $0x0  }
0x13: {  	s12 =	smax.u32 s10, $0x1;
	[sflag:s3] =	ssyncadd.s32 $0xFFFEC000  }
0x14: {  	[tilespmem:s7], [sflag:$0x1] =	stream.indirect.gather [hbm4b:s5+s6], $0x20, s6, s6, $0xb8;
	[tilespmem:$0x15400] =	vst v63  }
0x15: {  	p0 =	sne.s32 s12, $0x1;
	_ =	swait.ge [sflag:s8], $0x14000  }
.Ltmp0:
0x16: {  	[sflag:s8] =	ssyncset.done $0x0;
	(pc) =	sbr.rel @!p0 .LBB2_2-.Ltmp0, $4  }
0x17: {  	s10 =	sadd.s32 $0xEDE00, s11;
	[sflag:s8] =	ssyncadd.s32 $0xFFFEC000  }
0x18: {  	[hbm4b:s10+s2] =	stream.linear.scatter [tilespmem:s7], [sflag:$0x2], $0x14000, $0x38;
	[tilespmem:$0x15400] =	vst v63  }
0x19: {  	_ =	swait.ge [sflag:s3], $0x14000  }
0x1a: {  	s11 =	sadd.s32 $0xFFFFFFFF, s12;
	[sflag:s3] =	ssyncset.done $0x0  }
.LBB2_1:
0x1b: {  	p0 =	sne.s32 s11, $0x1;
	s11 =	sadd.s32 $0xFFFFFFFF, s11;
	[sflag:s3] =	ssyncadd.s32 $0xFFFEC000  }
0x1c: {  	[tilespmem:s2], [sflag:$0x2] =	stream.linear.gather [hbm4b:s4+s2], $0x1400, $0x38;
	[tilespmem:$0x15400] =	vst v63  }
0x1d: {  	_ =	swait.ge [sflag:s3], $0x1400  }
0x1e: {  	[sflag:s3] =	ssyncset.done $0x0  }
0x1f: {  	[sflag:s3] =	ssyncadd.s32 $0xFFFFEC00  }
0x20: {  	[tilespmem:s7], [sflag:$0x1] =	stream.indirect.gather [hbm4b:s5+s6], $0x20, s2, s6, $0xb8;
	[tilespmem:$0x15400] =	vst v63  }
0x21: {  	_ =	swait.ge [sflag:s8], $0x14000  }
0x22: {  	[sflag:s8] =	ssyncset.done $0x0  }
0x23: {  	[sflag:s8] =	ssyncadd.s32 $0xFFFEC000  }
0x24: {  	[hbm4b:s9+s2] =	stream.linear.scatter [tilespmem:s7], [sflag:$0x2], $0x14000, $0x38;
	[tilespmem:$0x15400] =	vst v63  }
0x25: {  	_ =	swait.ge [sflag:s3], $0x14000  }
0x26: {  	[sflag:s3] =	ssyncset.done $0x0  }
0x27: {  	[sflag:s3] =	ssyncadd.s32 $0xFFFEC000  }
0x28: {  	[tilespmem:s7], [sflag:$0x1] =	stream.indirect.gather [hbm4b:s5+s6], $0x20, s6, s6, $0xb8;
	[tilespmem:$0x15400] =	vst v63  }
0x29: {  	_ =	swait.ge [sflag:s8], $0x14000  }
.Ltmp1:
0x2a: {  	[sflag:s8] =	ssyncset.done $0x0;
	(pc) =	sbr.rel @p0 .LBB2_1-.Ltmp1, $4  }
0x2b: {  	[sflag:s8] =	ssyncadd.s32 $0xFFFEC000  }
0x2c: {  	[hbm4b:s10+s2] =	stream.linear.scatter [tilespmem:s7], [sflag:$0x2], $0x14000, $0x38;
	[tilespmem:$0x15400] =	vst v63  }
0x2d: {  	_ =	swait.ge [sflag:s3], $0x14000  }
0x2e: {  	[sflag:s3] =	ssyncset.done $0x0  }
.LBB2_2:
0x2f: {  	[sflag:s3] =	ssyncadd.s32 $0xFFFEC000  }
0x30: {  	_ =	sfence.sel $0x180000  }
0x31: {  	[bflag:$0x0] =	sbarrier.arrive $0xFFFF  }
0x32: {  	p0 =	sne.s32 s0, $0x0;
	_ =	strace $0x9000004A  }
0x33: {  	s0 =	sadd.s32 @!p0 $0x100000, s1;
	[bflag:$0x2] =	sbarrier.arrive $0xFFFF  }
0x34: {  	[sflag:s0] =	ssyncadd.tile.s32 @!p0 $0x1;
	_ =	shalt  }
.Lfunc_end2:
_tile_overlayer_lowered:
.L_overlay_start_2:
0x35: {  	(tag) =	ssettag $0x2  }
0x36: {  	s0 =	rddreg [dreg:$0x0];
	s2 =	stileid.u32  }
0x37: {  	s1 =	rddreg [dreg:$0x1];
	p0 =	sne.s32 s2, $0x0  }
0x38: {  	s3 =	rddreg [dreg:$0x2];
	[bflag:$0x3] =	sbarrier.arrive $0xFFFF;
	s2 =	simm.s32 @!p0 $0x1C02  }
0x39: {  	[timem:s3], [sflag:s2] =	dma.local @!p0 [hbm:s0], s1  }
0x3a: {  	s0 =	simm.s32 @!p0 $0x2  }
0x3b: {  	_ =	swait.ge @!p0 [sflag:s0], s1  }
0x3c: {  	s1 =	ssub.s32 @!p0 $0x0, s1;
	[sflag:s0] =	ssyncset.done @!p0 $0x0  }
0x3d: {  	[sflag:s0] =	ssyncadd.s32 @!p0 s1  }
0x3e: {  	[bflag:$0x3] =	sbarrier.arrive $0xFFFF  }
0x3f: {  	_ =	shalt  }

// kernel: kernel.28.cloned.1.call-start
scs
__scs_entry_jumppad:
0x0: {  	(pc) =	sbr.rel $0x88, $3  }
0x1: {  	(tag) =	ssettag $0x0;
	lr =	simm.s32 $0x1  }
0x2: {  	[smem:$0x3F8C] =	sst lr;
	_ =	strace $0xD0000000  }
0x3: {  	_ = 	snop  }
0x4: {  	_ = 	snop  }
0x5: {  	_ = 	snop  }
0x6: {  	_ = 	snop  }
0x7: {  	_ = 	snop  }
__scs_overlays_trampoline_lowered:
0x8: {  	[smem:$0x3F9B] =	sst s0  }
0x9: {  	[smem:$0x3F9C] =	sst s1  }
0xa: {  	[smem:$0x3F9D] =	sst s2  }
0xb: {  	[smem:$0x3F9E] =	sst s3  }
0xc: {  	[smem:$0x3F9F] =	sst s4  }
0xd: {  	[smem:$0x3FA0] =	sst s5  }
0xe: {  	[smem:$0x3FA1] =	sst s6  }
0xf: {  	[smem:$0x3FA2] =	sst s7  }
0x10: {  	[smem:$0x3FA3] =	sst s8  }
0x11: {  	[smem:$0x3FA4] =	sst s9;
	s0 =	simm.s32 @!p0 $0x0  }
0x12: {  	s1 =	sld [smem:$0x3F8A];
	s0 =	simm.s32 @p0 $0x1  }
0x13: {  	[smem:$0x3FA5] =	sst s0;
	s0 =	simm.s32 @!p1 $0x0  }
0x14: {  	s2 =	sld [smem:$0x3F89];
	s0 =	simm.s32 @p1 $0x1  }
0x15: {  	[smem:$0x3FA6] =	sst s0;
	s0 =	simm.s32 @!p2 $0x0  }
0x16: {  	s3 =	sld [smem:$0x3FDB];
	s0 =	simm.s32 @p2 $0x1  }
0x17: {  	s4 =	simm.s32 $0x1BF5;
	[smem:$0x3FA8] =	sst s0  }
0x18: {  	s0 =	sld [smem:$0x3F8B];
	_ =	swait.ge [sflag:s4], $0x0  }
0x19: {  	s7 =	sld [smem:$0x3F8C]  }
0x1a: {  	s8 =	sadd.s32 $0xFFFFE003, lr  }
0x1b: {  	s9 =	sadd.s32 $0xFFFFFEF7, lr;
	s5 =	simm.s32 $0xFFFFFFFF;
	p2 =	slt.u32 s8, $0xFFFFF086  }
0x1c: {  	p1 =	slt.u32 s9, $0xF7A;
	s5 =	simm.s32 @!p2 $0x0  }
0x1d: {  	s5 =	simm.s32 @p1 $0x1;
	p0 =	seq.s32 s7, s2  }
0x1e: {  	s7 =	smul.u32 @!p0 $0xF7A, s2;
	p2 =	seq.s32 @!p0 s5, $0x0  }
0x1f: {  	s9 =	smul.u32 $0xF7A, s1;
	s8 =	simm.s32 @!p0 $0x1BF5;
	p2 =	por !p2, p0  }
0x20: {  	[sflag:s8] =	ssyncset.s32 @!p0 $0xFFFFF086;
	s6 =	sadd.s32 @!p0 s3, s7;
	s7 =	simm.s32 @!p0 $0x108  }
0x21: {  	s3 =	sadd.s32 s3, s9;
	s6 =	sadd.s32 @!p0 $0x88, s6;
	s7 =	simm.s32 @p2 $0x1082  }
0x22: {  	[simem:s7], [sflag:s8] =	dma.local @!p0 [hbm:s6], $0xF7A  }
0x23: {  	s9 =	sor.u32 $0xD0000000, s2;
	s6 =	simm.s32 $0x108;
	_ =	swait.ge @!p0 [sflag:s8], $0x0  }
0x24: {  	s3 =	sadd.s32 $0x88, s3;
	s6 =	simm.s32 @!p1 $0x1082;
	[sflag:s4] =	ssyncset.s32 $0xFFFFF086  }
0x25: {  	[simem:s6], [sflag:s4] =	dma.local [hbm:s3], $0xF7A  }
0x26: {  	[smem:$0x3F8C] =	sst s1;
	(tag) =	ssettag s2;
	_ =	strace s9  }
0x27: {  	s1 =	sld [smem:$0x3F9C]  }
0x28: {  	s2 =	sld [smem:$0x3F9D]  }
0x29: {  	s4 =	sld [smem:$0x3F9F]  }
0x2a: {  	p0 =	seq.s32 s5, $0x0;
	s5 =	sld [smem:$0x3FA0]  }
0x2b: {  	s6 =	sld [smem:$0x3FA1]  }
0x2c: {  	s7 =	sld [smem:$0x3FA2]  }
0x2d: {  	s3 =	simm.s32 $0x108;
	s8 =	sld [smem:$0x3FA3]  }
0x2e: {  	s3 =	simm.s32 @!p0 $0x1082;
	s9 =	sld [smem:$0x3FA4]  }
0x2f: {  	lr =	sadd.s32 s0, s3;
	s0 =	sld [smem:$0x3F9B]  }
0x30: {  	s3 =	sld [smem:$0x3F9E]  }
0x31: {  	[smem:$0x3FA7] =	sst s10  }
0x32: {  	s10 =	sld [smem:$0x3FA5];
	_ =	sdelay $0x3  }
0x33: {  	p0 =	seq.s32 s10, $0x1;
	s10 =	sld [smem:$0x3FA7];
	_ =	sdelay $0x3  }
0x34: {  	[smem:$0x3FA7] =	sst s10  }
0x35: {  	s10 =	sld [smem:$0x3FA6];
	_ =	sdelay $0x3  }
0x36: {  	p1 =	seq.s32 s10, $0x1;
	s10 =	sld [smem:$0x3FA7];
	_ =	sdelay $0x3  }
0x37: {  	[smem:$0x3FA7] =	sst s10  }
0x38: {  	s10 =	sld [smem:$0x3FA8]  }
0x39: {  	_ = 	snop;
	(pc) =	sbr.ind lr, $3  }
0x3a: {  	_ = 	snop  }
0x3b: {  	_ = 	snop  }
0x3c: {  	p2 =	seq.s32 s10, $0x1;
	s10 =	sld [smem:$0x3FA7]  }
0x3d: {  	_ =	shalt  }
0x3e: {  	_ =	shalt  }
0x3f: {  	_ =	shalt  }
0x40: {  	_ =	shalt  }
0x41: {  	_ =	shalt  }
0x42: {  	_ =	shalt  }
0x43: {  	_ =	shalt  }
0x44: {  	_ =	shalt  }
0x45: {  	_ =	shalt  }
0x46: {  	_ =	shalt  }
0x47: {  	_ =	shalt  }
0x48: {  	_ =	shalt  }
0x49: {  	_ =	shalt  }
0x4a: {  	_ =	shalt  }
0x4b: {  	_ =	shalt  }
0x4c: {  	_ =	shalt  }
0x4d: {  	_ =	shalt  }
0x4e: {  	_ =	shalt  }
0x4f: {  	_ =	shalt  }
0x50: {  	_ =	shalt  }
0x51: {  	_ =	shalt  }
0x52: {  	_ =	shalt  }
0x53: {  	_ =	shalt  }
0x54: {  	_ =	shalt  }
0x55: {  	_ =	shalt  }
0x56: {  	_ =	shalt  }
0x57: {  	_ =	shalt  }
0x58: {  	_ =	shalt  }
0x59: {  	_ =	shalt  }
0x5a: {  	_ =	shalt  }
0x5b: {  	_ =	shalt  }
0x5c: {  	_ =	shalt  }
0x5d: {  	_ =	shalt  }
0x5e: {  	_ =	shalt  }
0x5f: {  	_ =	shalt  }
0x60: {  	_ =	shalt  }
0x61: {  	_ =	shalt  }
0x62: {  	_ =	shalt  }
0x63: {  	_ =	shalt  }
0x64: {  	_ =	shalt  }
0x65: {  	_ =	shalt  }
0x66: {  	_ =	shalt  }
0x67: {  	_ =	shalt  }
0x68: {  	_ =	shalt  }
0x69: {  	_ =	shalt  }
0x6a: {  	_ =	shalt  }
0x6b: {  	_ =	shalt  }
0x6c: {  	_ =	shalt  }
0x6d: {  	_ =	shalt  }
0x6e: {  	_ =	shalt  }
0x6f: {  	_ =	shalt  }
0x70: {  	_ =	shalt  }
0x71: {  	_ =	shalt  }
0x72: {  	_ =	shalt  }
0x73: {  	_ =	shalt  }
0x74: {  	_ =	shalt  }
0x75: {  	_ =	shalt  }
0x76: {  	_ =	shalt  }
0x77: {  	_ =	shalt  }
0x78: {  	_ =	shalt  }
0x79: {  	_ =	shalt  }
0x7a: {  	_ =	shalt  }
0x7b: {  	_ =	shalt  }
0x7c: {  	_ =	shalt  }
0x7d: {  	_ =	shalt  }
0x7e: {  	_ =	shalt  }
0x7f: {  	_ =	shalt  }
0x80: {  	_ =	shalt  }
0x81: {  	_ =	shalt  }
0x82: {  	_ =	shalt  }
0x83: {  	_ =	shalt  }
0x84: {  	_ =	shalt  }
0x85: {  	_ =	shalt  }
0x86: {  	_ =	shalt  }
0x87: {  	_ =	shalt  }
.Lfunc_end0:
.L_simem_size_0:
called_computation.2_lowered:
.L_overlay_start_0:
0x88: {  	s2 =	sld [smem:$0x3FD9]  }
0x89: {  	s3 =	sld [smem:$0x3FFE];
	_ =	sdelay $0x1  }
0x8a: {  	s1 =	srdreg.scid  }
0x8b: {  	s0 =	sand.u32 $0x1, s1  }
0x8c: {  	s16 =	sshll.u32 s0, $0xA;
	s2 =	sadd.s32 s3, s2  }
0x8d: {  	s2 =	sadd.s32 s2, s16  }
0x8e: {  	[smem:$0x3FB3] =	sst s2  }
0x8f: {  	_ = 	snop  }
0x90: {  	(tm) =	ssettm $0x1  }
0x91: {  	s17 =	sld [smem:$0x3FFB];
	_ =	sdelay $0x3  }
0x92: {  	_ =	strace s17  }
0x93: {  	s2 =	sld [smem:$0x3FFC];
	_ =	sdelay $0x3  }
0x94: {  	_ =	strace s2  }
0x95: {  	s2 =	sld [smem:$0x3FFD];
	_ =	sdelay $0x3  }
0x96: {  	_ =	strace s2  }
0x97: {  	_ =	strace $0x8FFFFFFF  }
0x98: {  	s18 =	sld [smem:$0x3FDB];
	_ =	sdelay $0x1  }
0x99: {  	s19 =	simm.s32 $_scs_section_size  }
0x9a: {  	s4 =	simm.s32 $_size__tile_overlayer_lowered;
	s5 =	simm.s32 $_tile_overlayer_lowered  }
0x9b: {  	s22 =	simm.s32 $0x1BFF;
	s21 =	sshll.u32 s5, $0x1;
	s2 =	sadd.s32 s19, s18  }
0x9c: {  	s6 =	simm.s32 $0x0;
	s20 =	sshll.u32 s4, $0x1;
	s4 =	sadd.s32 s21, s2  }
0x9d: {  	[timem:s6], [sflag:s22] =	dma.local [hbm:s4], s20  }
0x9e: {  	_ =	swait.ge [sflag:s22], s20  }
0x9f: {  	s3 =	ssub.s32 $0x0, s20;
	[sflag:s22] =	ssyncset.done $0x0  }
0xa0: {  	[sflag:s22] =	ssyncadd.s32 s3;
	_ =	sdelay $0x1  }
0xa1: {  	s23 =	simm.s32 $0x1B8B  }
0xa2: {  	_ =	swait.ge [sflag:s23], $0x1  }
0xa3: {  	[sflag:s23] =	ssyncset.done $0x0  }
0xa4: {  	s25 =	simm.s32 $0x1B8E;
	s24 =	sld [smem:$0x3FFE];
	[sflag:s23] =	ssyncadd.s32 $0xFFFFFFFF  }
0xa5: {  	s26 =	simm.s32 $execute0_lowered;
	[smem:$0x3FD2] =	sst s25  }
0xa6: {  	s4 =	sshll.u32 s26, $0x1;
	_ =	strace $0x8000004C;
	[dreg:$0x1] =	wrdreg $0xFFFFFFFF  }
0xa7: {  	s28 =	simm.s32 $_size_execute0_lowered;
	s2 =	sadd.s32 s2, s4;
	[dreg:$0x0] =	wrdreg $0x0  }
0xa8: {  	s4 =	sshll.u32 s28, $0x1;
	[dreg:$0x2] =	wrdreg s2  }
0xa9: {  	[dreg:$0x3] =	wrdreg s4  }
0xaa: {  	[dreg:$0x4] =	wrdreg $0xC0  }
0xab: {  	_ =	task [dreg:s6], $0x5FFFF  }
0xac: {  	[dreg:$0x1] =	wrdreg $0xFFFFFFFF  }
0xad: {  	[dreg:$0x0] =	wrdreg $0x60  }
0xae: {  	[dreg:$0x2] =	wrdreg s24  }
0xaf: {  	[dreg:$0x3] =	wrdreg $0x154000  }
0xb0: {  	[dreg:$0x4] =	wrdreg $0x9  }
0xb1: {  	_ =	task.clear_ibuf [dreg:s6], $0x5FFFF;
	_ =	strace $0x9000004C  }
0xb2: {  	s29 =	simm.s32 $0x9;
	_ =	strace $0x8000004E  }
0xb3: {  	_ =	swait.ge [sflag:s29], $0x1  }
0xb4: {  	[sflag:s29] =	ssyncadd.s32 $0xFFFFFFFF  }
0xb5: {  	_ =	strace $0x9000004E  }
0xb6: {  	_ =	sfence  }
0xb7: {  	s30 =	sld [smem:$0x0];
	_ =	sdelay $0x2  }
0xb8: {  	s31 =	sshll.u32 s1, $0xD;
	s1 =	sshrl.u32 s1, $0x2  }
0xb9: {  	s3 =	sand.u32 $0x4000, s31;
	s1 =	sadd.s32 s1, s30  }
0xba: {  	s0 =	sor.u32 s3, s0;
	s1 =	sshll.u32 s1, $0x11  }
0xbb: {  	s0 =	sor.u32 s1, s0  }
0xbc: {  	s0 =	sadd.s32 $0x8F2B, s0  }
0xbd: {  	[sflag:s0] =	ssyncadd.remote.s32 $0x1  }
0xbe: {  	_ =	sfence.sel $0xFFFF  }
0xbf: {  	[dreg:$0x0] =	wrdreg $0xFFFFFFFF;
	(pc) =	sbr.abs _section_cstart, $3  }
0xc0: {  	[dreg:$0x1] =	wrdreg $0xFFFFFFFF  }
0xc1: {  	_ =	task.clear_ibuf [dreg:s6], $0x2FFFF;
	_ =	strace $0x9FFFFFFF  }
0xc2: {  	(tm) =	ssettm $0x7FFFFFFF  }
0xc3: {  	_ =	shalt  }
tec
execute0_lowered:
.L_overlay_start_1:
0x0: {  	(tag) =	ssettag $0x1  }
0x1: {  	s13 =	rddreg [dreg:$0x0]  }
0x2: {  	s2 =	rddreg [dreg:$0x1]  }
0x3: {  	s0 =	rddreg [dreg:$0x2]  }
0x4: {  	s1 =	stileid.u32;
	s4 =	srdreg.scid;
	s3 =	simm.s32 $0x0  }
0x5: {  	s14 =	smul.u32 $0x4E20, s1;
	s15 =	sand.u32 $0x1, s4;
	s28 =	sshll.u32 s1, $0x1  }
0x6: {  	[smem:$0x7FF] =	sst s3;
	s5 =	sshll.u32 s1, $0x6;
	s9 =	sor.u32 s15, s28  }
0x7: {  	_ =	strace $0x8000004D;
	s5 =	sor.u32 $0x1C01, s5;
	s29 =	sshrl.u32 s14, $0x3  }
0x8: {  	s8 =	smul.u32 $0x280, s9;
	s6 =	sadd.s32 s14, s2;
	s4 =	sadd.s32 s29, s13  }
0x9: {  	s7 =	sshrl.u32 s6, $0x3;
	s6 =	simm.s32 $0x1;
	s4 =	sadd.s32 $0x181800, s4  }
0xa: {  	[spmem:s7], [sflag:s5] =	dma.local [hbm:s4], $0x9C4  }
0xb: {  	_ =	swait.ge [sflag:s6], $0x9C4  }
0xc: {  	s8 =	sadd.s32 s8, s13;
	[sflag:s6] =	ssyncset.done $0x0  }
0xd: {  	s8 =	sadd.s32 $0x18B600, s8;
	[sflag:s6] =	ssyncadd.s32 $0xFFFFF63C  }
0xe: {  	[tilespmem:s3], [sflag:$0x1] =	stream.linear.gather [hbm4b:s8+s3], $0x1400, $0x38;
	[tilespmem:$0x1A220] =	vst v63  }
0xf: {  	s9 =	smul.u32 $0x5000, s9;
	_ =	swait.ge [sflag:s6], $0x1400  }
0x10: {  	[sflag:s6] =	ssyncset.done $0x0  }
0x11: {  	s12 =	sadd.s32 s9, s13;
	[sflag:s6] =	ssyncadd.s32 $0xFFFFEC00  }
0x12: {  	s10 =	simm.s32 $0x1400;
	s9 =	sadd.s32 $0xE1800, s12;
	[bflag:$0x0] =	sbarrier.arrive $0xFFFF  }
0x13: {  	[tilespmem:s10], [sflag:$0x1] =	stream.linear.gather [hbm4b:s9+s3], $0x14000, $0x38;
	[tilespmem:$0x1A220] =	vst v63  }
0x14: {  	_ =	swait.ge [sflag:s6], $0x14000  }
0x15: {  	[sflag:s6] =	ssyncset.done $0x0  }
0x16: {  	s11 =	simm.s32 $0xA00;
	[sflag:s6] =	ssyncadd.s32 $0xFFFEC000  }
0x17: {  	[spmem:s2] =	stream.indirect.scatter.add.f32 [tilespmem:s10], [sflag:$0x1], $0x20, s3, s11, $0xb8;
	[tilespmem:$0x1A220] =	vst v63  }
0x18: {  	_ =	swait.ge [sflag:s6], $0x14000  }
0x19: {  	[sflag:s6] =	ssyncset.done $0x0  }
0x1a: {  	s16 =	smul.u32 $0x4E200, s15;
	s12 =	sadd.s32 $0xE4000, s12;
	[sflag:s6] =	ssyncadd.s32 $0xFFFEC000  }
0x1b: {  	[tilespmem:s10], [sflag:$0x1] =	stream.linear.gather [hbm4b:s12+s3], $0x14000, $0x38;
	[tilespmem:$0x1A220] =	vst v63  }
0x1c: {  	s15 =	ssub.s32 $0x2, s15;
	_ =	swait.ge [sflag:s6], $0x14000  }
0x1d: {  	s30 =	sshrl.u32 s15, $0x1;
	s14 =	sadd.s32 s14, s16;
	[sflag:s6] =	ssyncset.done $0x0  }
0x1e: {  	s31 =	ssub.s32 s15, s30;
	s14 =	sshrl.u32 s14, $0x3;
	[sflag:s6] =	ssyncadd.s32 $0xFFFEC000  }
0x1f: {  	[spmem:s2] =	stream.indirect.scatter.add.f32 [tilespmem:s10], [sflag:$0x1], $0x20, s11, s11, $0xb8;
	[tilespmem:$0x1A220] =	vst v63  }
0x20: {  	s13 =	sadd.s32 s14, s13;
	s14 =	smax.u32 s31, $0x1;
	_ =	swait.ge [sflag:s6], $0x14000  }
0x21: {  	p0 =	sne.s32 s14, $0x1;
	[sflag:s6] =	ssyncset.done $0x0  }
.Ltmp0:
0x22: {  	[sflag:s6] =	ssyncadd.s32 $0xFFFEC000;
	(pc) =	sbr.rel @!p0 .LBB2_2-.Ltmp0, $4  }
0x23: {  	s13 =	sadd.s32 $0x3F200, s13;
	[bflag:$0x0] =	sbarrier.arrive $0xFFFF  }
0x24: {  	[hbm:s13], [sflag:s5] =	dma.local [spmem:s7], $0x9C4  }
0x25: {  	_ =	swait.ge [sflag:s6], $0x9C4  }
0x26: {  	s14 =	sadd.s32 $0xFFFFFFFF, s14;
	[sflag:s6] =	ssyncset.done $0x0  }
.LBB2_1:
0x27: {  	p0 =	sne.s32 s14, $0x1;
	s14 =	sadd.s32 $0xFFFFFFFF, s14;
	[sflag:s6] =	ssyncadd.s32 $0xFFFFF63C  }
0x28: {  	[spmem:s7], [sflag:s5] =	dma.local [hbm:s4], $0x9C4  }
0x29: {  	_ =	swait.ge [sflag:s6], $0x9C4  }
0x2a: {  	[sflag:s6] =	ssyncset.done $0x0  }
0x2b: {  	[sflag:s6] =	ssyncadd.s32 $0xFFFFF63C  }
0x2c: {  	[tilespmem:s3], [sflag:$0x1] =	stream.linear.gather [hbm4b:s8+s3], $0x1400, $0x38;
	[tilespmem:$0x1A220] =	vst v63  }
0x2d: {  	_ =	swait.ge [sflag:s6], $0x1400  }
0x2e: {  	[sflag:s6] =	ssyncset.done $0x0  }
0x2f: {  	[sflag:s6] =	ssyncadd.s32 $0xFFFFEC00  }
0x30: {  	[bflag:$0x0] =	sbarrier.arrive $0xFFFF  }
0x31: {  	[tilespmem:s10], [sflag:$0x1] =	stream.linear.gather [hbm4b:s9+s3], $0x14000, $0x38;
	[tilespmem:$0x1A220] =	vst v63  }
0x32: {  	_ =	swait.ge [sflag:s6], $0x14000  }
0x33: {  	[sflag:s6] =	ssyncset.done $0x0  }
0x34: {  	[sflag:s6] =	ssyncadd.s32 $0xFFFEC000  }
0x35: {  	[spmem:s2] =	stream.indirect.scatter.add.f32 [tilespmem:s10], [sflag:$0x1], $0x20, s3, s11, $0xb8;
	[tilespmem:$0x1A220] =	vst v63  }
0x36: {  	_ =	swait.ge [sflag:s6], $0x14000  }
0x37: {  	[sflag:s6] =	ssyncset.done $0x0  }
0x38: {  	[sflag:s6] =	ssyncadd.s32 $0xFFFEC000  }
0x39: {  	[tilespmem:s10], [sflag:$0x1] =	stream.linear.gather [hbm4b:s12+s3], $0x14000, $0x38;
	[tilespmem:$0x1A220] =	vst v63  }
0x3a: {  	_ =	swait.ge [sflag:s6], $0x14000  }
0x3b: {  	[sflag:s6] =	ssyncset.done $0x0  }
0x3c: {  	[sflag:s6] =	ssyncadd.s32 $0xFFFEC000  }
0x3d: {  	[spmem:s2] =	stream.indirect.scatter.add.f32 [tilespmem:s10], [sflag:$0x1], $0x20, s11, s11, $0xb8;
	[tilespmem:$0x1A220] =	vst v63  }
0x3e: {  	_ =	swait.ge [sflag:s6], $0x14000  }
0x3f: {  	[sflag:s6] =	ssyncset.done $0x0  }
.Ltmp1:
0x40: {  	[sflag:s6] =	ssyncadd.s32 $0xFFFEC000;
	(pc) =	sbr.rel @p0 .LBB2_1-.Ltmp1, $4  }
0x41: {  	[bflag:$0x0] =	sbarrier.arrive $0xFFFF  }
0x42: {  	[hbm:s13], [sflag:s5] =	dma.local [spmem:s7], $0x9C4  }
0x43: {  	_ =	swait.ge [sflag:s6], $0x9C4  }
0x44: {  	[sflag:s6] =	ssyncset.done $0x0  }
.LBB2_2:
0x45: {  	[sflag:s6] =	ssyncadd.s32 $0xFFFFF63C  }
0x46: {  	_ =	sfence.sel $0x180000  }
0x47: {  	[bflag:$0x0] =	sbarrier.arrive $0xFFFF  }
0x48: {  	p0 =	sne.s32 s1, $0x0;
	_ =	strace $0x9000004D  }
0x49: {  	s0 =	sadd.s32 @!p0 $0x100000, s0;
	[bflag:$0x2] =	sbarrier.arrive $0xFFFF  }
0x4a: {  	[sflag:s0] =	ssyncadd.tile.s32 @!p0 $0x1;
	_ =	shalt  }
.Lfunc_end2:
_tile_overlayer_lowered:
.L_overlay_start_2:
0x4b: {  	(tag) =	ssettag $0x2  }
0x4c: {  	s0 =	rddreg [dreg:$0x0];
	s2 =	stileid.u32  }
0x4d: {  	s1 =	rddreg [dreg:$0x1];
	p0 =	sne.s32 s2, $0x0  }
0x4e: {  	s3 =	rddreg [dreg:$0x2];
	[bflag:$0x3] =	sbarrier.arrive $0xFFFF;
	s2 =	simm.s32 @!p0 $0x1C01  }
0x4f: {  	[timem:s3], [sflag:s2] =	dma.local @!p0 [hbm:s0], s1  }
0x50: {  	s0 =	simm.s32 @!p0 $0x1  }
0x51: {  	_ =	swait.ge @!p0 [sflag:s0], s1  }
0x52: {  	s1 =	ssub.s32 @!p0 $0x0, s1;
	[sflag:s0] =	ssyncset.done @!p0 $0x0  }
0x53: {  	[sflag:s0] =	ssyncadd.s32 @!p0 s1  }
0x54: {  	[bflag:$0x3] =	sbarrier.arrive $0xFFFF  }
0x55: {  	_ =	shalt  }

// kernel: kernel.31.cloned.1.call-start
scs
__scs_entry_jumppad:
0x0: {  	(pc) =	sbr.rel $0x88, $3  }
0x1: {  	(tag) =	ssettag $0x0;
	lr =	simm.s32 $0x1  }
0x2: {  	[smem:$0x3F8C] =	sst lr;
	_ =	strace $0xD0000000  }
0x3: {  	_ = 	snop  }
0x4: {  	_ = 	snop  }
0x5: {  	_ = 	snop  }
0x6: {  	_ = 	snop  }
0x7: {  	_ = 	snop  }
__scs_overlays_trampoline_lowered:
0x8: {  	[smem:$0x3F9B] =	sst s0  }
0x9: {  	[smem:$0x3F9C] =	sst s1  }
0xa: {  	[smem:$0x3F9D] =	sst s2  }
0xb: {  	[smem:$0x3F9E] =	sst s3  }
0xc: {  	[smem:$0x3F9F] =	sst s4  }
0xd: {  	[smem:$0x3FA0] =	sst s5  }
0xe: {  	[smem:$0x3FA1] =	sst s6  }
0xf: {  	[smem:$0x3FA2] =	sst s7  }
0x10: {  	[smem:$0x3FA3] =	sst s8  }
0x11: {  	[smem:$0x3FA4] =	sst s9;
	s0 =	simm.s32 @!p0 $0x0  }
0x12: {  	s1 =	sld [smem:$0x3F8A];
	s0 =	simm.s32 @p0 $0x1  }
0x13: {  	[smem:$0x3FA5] =	sst s0;
	s0 =	simm.s32 @!p1 $0x0  }
0x14: {  	s2 =	sld [smem:$0x3F89];
	s0 =	simm.s32 @p1 $0x1  }
0x15: {  	[smem:$0x3FA6] =	sst s0;
	s0 =	simm.s32 @!p2 $0x0  }
0x16: {  	s3 =	sld [smem:$0x3FDB];
	s0 =	simm.s32 @p2 $0x1  }
0x17: {  	s4 =	simm.s32 $0x1BF5;
	[smem:$0x3FA8] =	sst s0  }
0x18: {  	s0 =	sld [smem:$0x3F8B];
	_ =	swait.ge [sflag:s4], $0x0  }
0x19: {  	s7 =	sld [smem:$0x3F8C]  }
0x1a: {  	s8 =	sadd.s32 $0xFFFFE003, lr  }
0x1b: {  	s9 =	sadd.s32 $0xFFFFFEF7, lr;
	s5 =	simm.s32 $0xFFFFFFFF;
	p2 =	slt.u32 s8, $0xFFFFF086  }
0x1c: {  	p1 =	slt.u32 s9, $0xF7A;
	s5 =	simm.s32 @!p2 $0x0  }
0x1d: {  	s5 =	simm.s32 @p1 $0x1;
	p0 =	seq.s32 s7, s2  }
0x1e: {  	s7 =	smul.u32 @!p0 $0xF7A, s2;
	p2 =	seq.s32 @!p0 s5, $0x0  }
0x1f: {  	s9 =	smul.u32 $0xF7A, s1;
	s8 =	simm.s32 @!p0 $0x1BF5;
	p2 =	por !p2, p0  }
0x20: {  	[sflag:s8] =	ssyncset.s32 @!p0 $0xFFFFF086;
	s6 =	sadd.s32 @!p0 s3, s7;
	s7 =	simm.s32 @!p0 $0x108  }
0x21: {  	s3 =	sadd.s32 s3, s9;
	s6 =	sadd.s32 @!p0 $0x88, s6;
	s7 =	simm.s32 @p2 $0x1082  }
0x22: {  	[simem:s7], [sflag:s8] =	dma.local @!p0 [hbm:s6], $0xF7A  }
0x23: {  	s9 =	sor.u32 $0xD0000000, s2;
	s6 =	simm.s32 $0x108;
	_ =	swait.ge @!p0 [sflag:s8], $0x0  }
0x24: {  	s3 =	sadd.s32 $0x88, s3;
	s6 =	simm.s32 @!p1 $0x1082;
	[sflag:s4] =	ssyncset.s32 $0xFFFFF086  }
0x25: {  	[simem:s6], [sflag:s4] =	dma.local [hbm:s3], $0xF7A  }
0x26: {  	[smem:$0x3F8C] =	sst s1;
	(tag) =	ssettag s2;
	_ =	strace s9  }
0x27: {  	s1 =	sld [smem:$0x3F9C]  }
0x28: {  	s2 =	sld [smem:$0x3F9D]  }
0x29: {  	s4 =	sld [smem:$0x3F9F]  }
0x2a: {  	p0 =	seq.s32 s5, $0x0;
	s5 =	sld [smem:$0x3FA0]  }
0x2b: {  	s6 =	sld [smem:$0x3FA1]  }
0x2c: {  	s7 =	sld [smem:$0x3FA2]  }
0x2d: {  	s3 =	simm.s32 $0x108;
	s8 =	sld [smem:$0x3FA3]  }
0x2e: {  	s3 =	simm.s32 @!p0 $0x1082;
	s9 =	sld [smem:$0x3FA4]  }
0x2f: {  	lr =	sadd.s32 s0, s3;
	s0 =	sld [smem:$0x3F9B]  }
0x30: {  	s3 =	sld [smem:$0x3F9E]  }
0x31: {  	[smem:$0x3FA7] =	sst s10  }
0x32: {  	s10 =	sld [smem:$0x3FA5];
	_ =	sdelay $0x3  }
0x33: {  	p0 =	seq.s32 s10, $0x1;
	s10 =	sld [smem:$0x3FA7];
	_ =	sdelay $0x3  }
0x34: {  	[smem:$0x3FA7] =	sst s10  }
0x35: {  	s10 =	sld [smem:$0x3FA6];
	_ =	sdelay $0x3  }
0x36: {  	p1 =	seq.s32 s10, $0x1;
	s10 =	sld [smem:$0x3FA7];
	_ =	sdelay $0x3  }
0x37: {  	[smem:$0x3FA7] =	sst s10  }
0x38: {  	s10 =	sld [smem:$0x3FA8]  }
0x39: {  	_ = 	snop;
	(pc) =	sbr.ind lr, $3  }
0x3a: {  	_ = 	snop  }
0x3b: {  	_ = 	snop  }
0x3c: {  	p2 =	seq.s32 s10, $0x1;
	s10 =	sld [smem:$0x3FA7]  }
0x3d: {  	_ =	shalt  }
0x3e: {  	_ =	shalt  }
0x3f: {  	_ =	shalt  }
0x40: {  	_ =	shalt  }
0x41: {  	_ =	shalt  }
0x42: {  	_ =	shalt  }
0x43: {  	_ =	shalt  }
0x44: {  	_ =	shalt  }
0x45: {  	_ =	shalt  }
0x46: {  	_ =	shalt  }
0x47: {  	_ =	shalt  }
0x48: {  	_ =	shalt  }
0x49: {  	_ =	shalt  }
0x4a: {  	_ =	shalt  }
0x4b: {  	_ =	shalt  }
0x4c: {  	_ =	shalt  }
0x4d: {  	_ =	shalt  }
0x4e: {  	_ =	shalt  }
0x4f: {  	_ =	shalt  }
0x50: {  	_ =	shalt  }
0x51: {  	_ =	shalt  }
0x52: {  	_ =	shalt  }
0x53: {  	_ =	shalt  }
0x54: {  	_ =	shalt  }
0x55: {  	_ =	shalt  }
0x56: {  	_ =	shalt  }
0x57: {  	_ =	shalt  }
0x58: {  	_ =	shalt  }
0x59: {  	_ =	shalt  }
0x5a: {  	_ =	shalt  }
0x5b: {  	_ =	shalt  }
0x5c: {  	_ =	shalt  }
0x5d: {  	_ =	shalt  }
0x5e: {  	_ =	shalt  }
0x5f: {  	_ =	shalt  }
0x60: {  	_ =	shalt  }
0x61: {  	_ =	shalt  }
0x62: {  	_ =	shalt  }
0x63: {  	_ =	shalt  }
0x64: {  	_ =	shalt  }
0x65: {  	_ =	shalt  }
0x66: {  	_ =	shalt  }
0x67: {  	_ =	shalt  }
0x68: {  	_ =	shalt  }
0x69: {  	_ =	shalt  }
0x6a: {  	_ =	shalt  }
0x6b: {  	_ =	shalt  }
0x6c: {  	_ =	shalt  }
0x6d: {  	_ =	shalt  }
0x6e: {  	_ =	shalt  }
0x6f: {  	_ =	shalt  }
0x70: {  	_ =	shalt  }
0x71: {  	_ =	shalt  }
0x72: {  	_ =	shalt  }
0x73: {  	_ =	shalt  }
0x74: {  	_ =	shalt  }
0x75: {  	_ =	shalt  }
0x76: {  	_ =	shalt  }
0x77: {  	_ =	shalt  }
0x78: {  	_ =	shalt  }
0x79: {  	_ =	shalt  }
0x7a: {  	_ =	shalt  }
0x7b: {  	_ =	shalt  }
0x7c: {  	_ =	shalt  }
0x7d: {  	_ =	shalt  }
0x7e: {  	_ =	shalt  }
0x7f: {  	_ =	shalt  }
0x80: {  	_ =	shalt  }
0x81: {  	_ =	shalt  }
0x82: {  	_ =	shalt  }
0x83: {  	_ =	shalt  }
0x84: {  	_ =	shalt  }
0x85: {  	_ =	shalt  }
0x86: {  	_ =	shalt  }
0x87: {  	_ =	shalt  }
.Lfunc_end0:
.L_simem_size_0:
called_computation.3_lowered:
.L_overlay_start_0:
0x88: {  	s2 =	sld [smem:$0x3FD9]  }
0x89: {  	s3 =	sld [smem:$0x3FFE];
	_ =	sdelay $0x1  }
0x8a: {  	s1 =	srdreg.scid  }
0x8b: {  	s0 =	sand.u32 $0x1, s1  }
0x8c: {  	s16 =	sshll.u32 s0, $0xA;
	s2 =	sadd.s32 s3, s2  }
0x8d: {  	s2 =	sadd.s32 s2, s16  }
0x8e: {  	[smem:$0x3FB3] =	sst s2  }
0x8f: {  	_ = 	snop  }
0x90: {  	(tm) =	ssettm $0x1  }
0x91: {  	s17 =	sld [smem:$0x3FFB];
	_ =	sdelay $0x3  }
0x92: {  	_ =	strace s17  }
0x93: {  	s2 =	sld [smem:$0x3FFC];
	_ =	sdelay $0x3  }
0x94: {  	_ =	strace s2  }
0x95: {  	s2 =	sld [smem:$0x3FFD];
	_ =	sdelay $0x3  }
0x96: {  	_ =	strace s2  }
0x97: {  	_ =	strace $0x8FFFFFFF  }
0x98: {  	s18 =	sld [smem:$0x3FDB];
	_ =	sdelay $0x1  }
0x99: {  	s19 =	simm.s32 $_scs_section_size  }
0x9a: {  	s4 =	simm.s32 $_size__tile_overlayer_lowered;
	s5 =	simm.s32 $_tile_overlayer_lowered  }
0x9b: {  	s22 =	simm.s32 $0x1BFF;
	s21 =	sshll.u32 s5, $0x1;
	s2 =	sadd.s32 s19, s18  }
0x9c: {  	s6 =	simm.s32 $0x0;
	s20 =	sshll.u32 s4, $0x1;
	s4 =	sadd.s32 s21, s2  }
0x9d: {  	[timem:s6], [sflag:s22] =	dma.local [hbm:s4], s20  }
0x9e: {  	_ =	swait.ge [sflag:s22], s20  }
0x9f: {  	s3 =	ssub.s32 $0x0, s20;
	[sflag:s22] =	ssyncset.done $0x0  }
0xa0: {  	[sflag:s22] =	ssyncadd.s32 s3;
	_ =	sdelay $0x1  }
0xa1: {  	s23 =	simm.s32 $0x1B8B  }
0xa2: {  	_ =	swait.ge [sflag:s23], $0x1  }
0xa3: {  	[sflag:s23] =	ssyncset.done $0x0  }
0xa4: {  	s25 =	simm.s32 $0x1B8E;
	s24 =	sld [smem:$0x3FFE];
	[sflag:s23] =	ssyncadd.s32 $0xFFFFFFFF  }
0xa5: {  	s26 =	simm.s32 $execute0_lowered;
	[smem:$0x3FD2] =	sst s25  }
0xa6: {  	s4 =	sshll.u32 s26, $0x1;
	_ =	strace $0x8000004F;
	[dreg:$0x1] =	wrdreg $0xFFFFFFFF  }
0xa7: {  	s28 =	simm.s32 $_size_execute0_lowered;
	s2 =	sadd.s32 s2, s4;
	[dreg:$0x0] =	wrdreg $0x0  }
0xa8: {  	s4 =	sshll.u32 s28, $0x1;
	[dreg:$0x2] =	wrdreg s2  }
0xa9: {  	[dreg:$0x3] =	wrdreg s4  }
0xaa: {  	[dreg:$0x4] =	wrdreg $0xC0  }
0xab: {  	_ =	task [dreg:s6], $0x5FFFF  }
0xac: {  	[dreg:$0x1] =	wrdreg $0xFFFFFFFF  }
0xad: {  	[dreg:$0x0] =	wrdreg $0x60  }
0xae: {  	[dreg:$0x2] =	wrdreg s24  }
0xaf: {  	[dreg:$0x3] =	wrdreg $0x9  }
0xb0: {  	_ =	task.clear_ibuf [dreg:s6], $0x4FFFF;
	_ =	strace $0x9000004F  }
0xb1: {  	s29 =	simm.s32 $0x9;
	_ =	strace $0x80000051  }
0xb2: {  	_ =	swait.ge [sflag:s29], $0x1  }
0xb3: {  	[sflag:s29] =	ssyncadd.s32 $0xFFFFFFFF  }
0xb4: {  	_ =	strace $0x90000051  }
0xb5: {  	_ =	sfence  }
0xb6: {  	s30 =	sld [smem:$0x0];
	_ =	sdelay $0x2  }
0xb7: {  	s31 =	sshll.u32 s1, $0xD;
	s1 =	sshrl.u32 s1, $0x2  }
0xb8: {  	s3 =	sand.u32 $0x4000, s31;
	s1 =	sadd.s32 s1, s30  }
0xb9: {  	s0 =	sor.u32 s3, s0;
	s1 =	sshll.u32 s1, $0x11  }
0xba: {  	s0 =	sor.u32 s1, s0  }
0xbb: {  	s0 =	sadd.s32 $0x8F2B, s0  }
0xbc: {  	[sflag:s0] =	ssyncadd.remote.s32 $0x1  }
0xbd: {  	_ =	sfence.sel $0xFFFF  }
0xbe: {  	[dreg:$0x0] =	wrdreg $0xFFFFFFFF;
	(pc) =	sbr.abs _section_cstart, $3  }
0xbf: {  	[dreg:$0x1] =	wrdreg $0xFFFFFFFF  }
0xc0: {  	_ =	task.clear_ibuf [dreg:s6], $0x2FFFF;
	_ =	strace $0x9FFFFFFF  }
0xc1: {  	(tm) =	ssettm $0x7FFFFFFF  }
tec
execute0_lowered:
.L_overlay_start_1:
0x0: {  	(tag) =	ssettag $0x1  }
0x1: {  	s1 =	srdreg.scid;
	s0 =	stileid.u32  }
0x2: {  	s10 =	sand.u32 $0x1, s1;
	s31 =	sshll.u32 s0, $0x1  }
0x3: {  	s6 =	sor.u32 s10, s31  }
0x4: {  	s9 =	rddreg [dreg:$0x0];
	s3 =	smul.u32 $0x280, s6  }
0x5: {  	s2 =	simm.s32 $0x0;
	s1 =	rddreg [dreg:$0x1]  }
0x6: {  	[smem:$0x7FF] =	sst s2;
	s3 =	sadd.s32 s3, s9  }
0x7: {  	_ =	strace $0x80000050;
	s4 =	sadd.s32 $0x67200, s3;
	s3 =	simm.s32 $0x2  }
0x8: {  	[tilespmem:s2], [sflag:$0x2] =	stream.linear.gather [hbm4b:s4+s2], $0x1400, $0x38;
	[tilespmem:$0x15400] =	vst v63  }
0x9: {  	s7 =	simm.s32 $0x1400;
	_ =	swait.ge [sflag:s3], $0x1400  }
0xa: {  	s8 =	simm.s32 $0x1;
	s5 =	sadd.s32 $0x108A00, s9;
	[sflag:s3] =	ssyncset.done $0x0  }
0xb: {  	s11 =	smul.u32 $0x5000, s6;
	s6 =	simm.s32 $0xA00;
	[sflag:s3] =	ssyncadd.s32 $0xFFFFEC00  }
0xc: {  	[tilespmem:s7], [sflag:$0x1] =	stream.indirect.gather [hbm4b:s5+s6], $0x20, s2, s6, $0xb8;
	[tilespmem:$0x15400] =	vst v63  }
0xd: {  	_ =	swait.ge [sflag:s8], $0x14000  }
0xe: {  	s11 =	sadd.s32 s11, s9;
	[sflag:s8] =	ssyncset.done $0x0  }
0xf: {  	s10 =	ssub.s32 $0x2, s10;
	s9 =	sadd.s32 $0x192000, s11;
	[sflag:s8] =	ssyncadd.s32 $0xFFFEC000  }
0x10: {  	[hbm4b:s9+s2] =	stream.linear.scatter [tilespmem:s7], [sflag:$0x2], $0x14000, $0x38;
	[tilespmem:$0x15400] =	vst v63  }
0x11: {  	s12 =	sshrl.u32 s10, $0x1;
	_ =	swait.ge [sflag:s3], $0x14000  }
0x12: {  	s10 =	ssub.s32 s10, s12;
	[sflag:s3] =	ssyncset.done $0x0  }
0x13: {  	s12 =	smax.u32 s10, $0x1;
	[sflag:s3] =	ssyncadd.s32 $0xFFFEC000  }
0x14: {  	[tilespmem:s7], [sflag:$0x1] =	stream.indirect.gather [hbm4b:s5+s6], $0x20, s6, s6, $0xb8;
	[tilespmem:$0x15400] =	vst v63  }
0x15: {  	p0 =	sne.s32 s12, $0x1;
	_ =	swait.ge [sflag:s8], $0x14000  }
.Ltmp0:
0x16: {  	[sflag:s8] =	ssyncset.done $0x0;
	(pc) =	sbr.rel @!p0 .LBB2_2-.Ltmp0, $4  }
0x17: {  	s10 =	sadd.s32 $0x194800, s11;
	[sflag:s8] =	ssyncadd.s32 $0xFFFEC000  }
0x18: {  	[hbm4b:s10+s2] =	stream.linear.scatter [tilespmem:s7], [sflag:$0x2], $0x14000, $0x38;
	[tilespmem:$0x15400] =	vst v63  }
0x19: {  	_ =	swait.ge [sflag:s3], $0x14000  }
0x1a: {  	s11 =	sadd.s32 $0xFFFFFFFF, s12;
	[sflag:s3] =	ssyncset.done $0x0  }
.LBB2_1:
0x1b: {  	p0 =	sne.s32 s11, $0x1;
	s11 =	sadd.s32 $0xFFFFFFFF, s11;
	[sflag:s3] =	ssyncadd.s32 $0xFFFEC000  }
0x1c: {  	[tilespmem:s2], [sflag:$0x2] =	stream.linear.gather [hbm4b:s4+s2], $0x1400, $0x38;
	[tilespmem:$0x15400] =	vst v63  }
0x1d: {  	_ =	swait.ge [sflag:s3], $0x1400  }
0x1e: {  	[sflag:s3] =	ssyncset.done $0x0  }
0x1f: {  	[sflag:s3] =	ssyncadd.s32 $0xFFFFEC00  }
0x20: {  	[tilespmem:s7], [sflag:$0x1] =	stream.indirect.gather [hbm4b:s5+s6], $0x20, s2, s6, $0xb8;
	[tilespmem:$0x15400] =	vst v63  }
0x21: {  	_ =	swait.ge [sflag:s8], $0x14000  }
0x22: {  	[sflag:s8] =	ssyncset.done $0x0  }
0x23: {  	[sflag:s8] =	ssyncadd.s32 $0xFFFEC000  }
0x24: {  	[hbm4b:s9+s2] =	stream.linear.scatter [tilespmem:s7], [sflag:$0x2], $0x14000, $0x38;
	[tilespmem:$0x15400] =	vst v63  }
0x25: {  	_ =	swait.ge [sflag:s3], $0x14000  }
0x26: {  	[sflag:s3] =	ssyncset.done $0x0  }
0x27: {  	[sflag:s3] =	ssyncadd.s32 $0xFFFEC000  }
0x28: {  	[tilespmem:s7], [sflag:$0x1] =	stream.indirect.gather [hbm4b:s5+s6], $0x20, s6, s6, $0xb8;
	[tilespmem:$0x15400] =	vst v63  }
0x29: {  	_ =	swait.ge [sflag:s8], $0x14000  }
.Ltmp1:
0x2a: {  	[sflag:s8] =	ssyncset.done $0x0;
	(pc) =	sbr.rel @p0 .LBB2_1-.Ltmp1, $4  }
0x2b: {  	[sflag:s8] =	ssyncadd.s32 $0xFFFEC000  }
0x2c: {  	[hbm4b:s10+s2] =	stream.linear.scatter [tilespmem:s7], [sflag:$0x2], $0x14000, $0x38;
	[tilespmem:$0x15400] =	vst v63  }
0x2d: {  	_ =	swait.ge [sflag:s3], $0x14000  }
0x2e: {  	[sflag:s3] =	ssyncset.done $0x0  }
.LBB2_2:
0x2f: {  	[sflag:s3] =	ssyncadd.s32 $0xFFFEC000  }
0x30: {  	_ =	sfence.sel $0x180000  }
0x31: {  	[bflag:$0x0] =	sbarrier.arrive $0xFFFF  }
0x32: {  	p0 =	sne.s32 s0, $0x0;
	_ =	strace $0x90000050  }
0x33: {  	s0 =	sadd.s32 @!p0 $0x100000, s1;
	[bflag:$0x2] =	sbarrier.arrive $0xFFFF  }
0x34: {  	[sflag:s0] =	ssyncadd.tile.s32 @!p0 $0x1;
	_ =	shalt  }
.Lfunc_end2:
_tile_overlayer_lowered:
.L_overlay_start_2:
0x35: {  	(tag) =	ssettag $0x2  }
0x36: {  	s0 =	rddreg [dreg:$0x0];
	s2 =	stileid.u32  }
0x37: {  	s1 =	rddreg [dreg:$0x1];
	p0 =	sne.s32 s2, $0x0  }
0x38: {  	s3 =	rddreg [dreg:$0x2];
	[bflag:$0x3] =	sbarrier.arrive $0xFFFF;
	s2 =	simm.s32 @!p0 $0x1C02  }
0x39: {  	[timem:s3], [sflag:s2] =	dma.local @!p0 [hbm:s0], s1  }
0x3a: {  	s0 =	simm.s32 @!p0 $0x2  }
0x3b: {  	_ =	swait.ge @!p0 [sflag:s0], s1  }
0x3c: {  	s1 =	ssub.s32 @!p0 $0x0, s1;
	[sflag:s0] =	ssyncset.done @!p0 $0x0  }
0x3d: {  	[sflag:s0] =	ssyncadd.s32 @!p0 s1  }
0x3e: {  	[bflag:$0x3] =	sbarrier.arrive $0xFFFF  }
0x3f: {  	_ =	shalt  }

// kernel: kernel.34.cloned.1.call-start
scs
__scs_entry_jumppad:
0x0: {  	(pc) =	sbr.rel $0x88, $3  }
0x1: {  	(tag) =	ssettag $0x0;
	lr =	simm.s32 $0x1  }
0x2: {  	[smem:$0x3F8C] =	sst lr;
	_ =	strace $0xD0000000  }
0x3: {  	_ = 	snop  }
0x4: {  	_ = 	snop  }
0x5: {  	_ = 	snop  }
0x6: {  	_ = 	snop  }
0x7: {  	_ = 	snop  }
__scs_overlays_trampoline_lowered:
0x8: {  	[smem:$0x3F9B] =	sst s0  }
0x9: {  	[smem:$0x3F9C] =	sst s1  }
0xa: {  	[smem:$0x3F9D] =	sst s2  }
0xb: {  	[smem:$0x3F9E] =	sst s3  }
0xc: {  	[smem:$0x3F9F] =	sst s4  }
0xd: {  	[smem:$0x3FA0] =	sst s5  }
0xe: {  	[smem:$0x3FA1] =	sst s6  }
0xf: {  	[smem:$0x3FA2] =	sst s7  }
0x10: {  	[smem:$0x3FA3] =	sst s8  }
0x11: {  	[smem:$0x3FA4] =	sst s9;
	s0 =	simm.s32 @!p0 $0x0  }
0x12: {  	s1 =	sld [smem:$0x3F8A];
	s0 =	simm.s32 @p0 $0x1  }
0x13: {  	[smem:$0x3FA5] =	sst s0;
	s0 =	simm.s32 @!p1 $0x0  }
0x14: {  	s2 =	sld [smem:$0x3F89];
	s0 =	simm.s32 @p1 $0x1  }
0x15: {  	[smem:$0x3FA6] =	sst s0;
	s0 =	simm.s32 @!p2 $0x0  }
0x16: {  	s3 =	sld [smem:$0x3FDB];
	s0 =	simm.s32 @p2 $0x1  }
0x17: {  	s4 =	simm.s32 $0x1BF5;
	[smem:$0x3FA8] =	sst s0  }
0x18: {  	s0 =	sld [smem:$0x3F8B];
	_ =	swait.ge [sflag:s4], $0x0  }
0x19: {  	s7 =	sld [smem:$0x3F8C]  }
0x1a: {  	s8 =	sadd.s32 $0xFFFFE003, lr  }
0x1b: {  	s9 =	sadd.s32 $0xFFFFFEF7, lr;
	s5 =	simm.s32 $0xFFFFFFFF;
	p2 =	slt.u32 s8, $0xFFFFF086  }
0x1c: {  	p1 =	slt.u32 s9, $0xF7A;
	s5 =	simm.s32 @!p2 $0x0  }
0x1d: {  	s5 =	simm.s32 @p1 $0x1;
	p0 =	seq.s32 s7, s2  }
0x1e: {  	s7 =	smul.u32 @!p0 $0xF7A, s2;
	p2 =	seq.s32 @!p0 s5, $0x0  }
0x1f: {  	s9 =	smul.u32 $0xF7A, s1;
	s8 =	simm.s32 @!p0 $0x1BF5;
	p2 =	por !p2, p0  }
0x20: {  	[sflag:s8] =	ssyncset.s32 @!p0 $0xFFFFF086;
	s6 =	sadd.s32 @!p0 s3, s7;
	s7 =	simm.s32 @!p0 $0x108  }
0x21: {  	s3 =	sadd.s32 s3, s9;
	s6 =	sadd.s32 @!p0 $0x88, s6;
	s7 =	simm.s32 @p2 $0x1082  }
0x22: {  	[simem:s7], [sflag:s8] =	dma.local @!p0 [hbm:s6], $0xF7A  }
0x23: {  	s9 =	sor.u32 $0xD0000000, s2;
	s6 =	simm.s32 $0x108;
	_ =	swait.ge @!p0 [sflag:s8], $0x0  }
0x24: {  	s3 =	sadd.s32 $0x88, s3;
	s6 =	simm.s32 @!p1 $0x1082;
	[sflag:s4] =	ssyncset.s32 $0xFFFFF086  }
0x25: {  	[simem:s6], [sflag:s4] =	dma.local [hbm:s3], $0xF7A  }
0x26: {  	[smem:$0x3F8C] =	sst s1;
	(tag) =	ssettag s2;
	_ =	strace s9  }
0x27: {  	s1 =	sld [smem:$0x3F9C]  }
0x28: {  	s2 =	sld [smem:$0x3F9D]  }
0x29: {  	s4 =	sld [smem:$0x3F9F]  }
0x2a: {  	p0 =	seq.s32 s5, $0x0;
	s5 =	sld [smem:$0x3FA0]  }
0x2b: {  	s6 =	sld [smem:$0x3FA1]  }
0x2c: {  	s7 =	sld [smem:$0x3FA2]  }
0x2d: {  	s3 =	simm.s32 $0x108;
	s8 =	sld [smem:$0x3FA3]  }
0x2e: {  	s3 =	simm.s32 @!p0 $0x1082;
	s9 =	sld [smem:$0x3FA4]  }
0x2f: {  	lr =	sadd.s32 s0, s3;
	s0 =	sld [smem:$0x3F9B]  }
0x30: {  	s3 =	sld [smem:$0x3F9E]  }
0x31: {  	[smem:$0x3FA7] =	sst s10  }
0x32: {  	s10 =	sld [smem:$0x3FA5];
	_ =	sdelay $0x3  }
0x33: {  	p0 =	seq.s32 s10, $0x1;
	s10 =	sld [smem:$0x3FA7];
	_ =	sdelay $0x3  }
0x34: {  	[smem:$0x3FA7] =	sst s10  }
0x35: {  	s10 =	sld [smem:$0x3FA6];
	_ =	sdelay $0x3  }
0x36: {  	p1 =	seq.s32 s10, $0x1;
	s10 =	sld [smem:$0x3FA7];
	_ =	sdelay $0x3  }
0x37: {  	[smem:$0x3FA7] =	sst s10  }
0x38: {  	s10 =	sld [smem:$0x3FA8]  }
0x39: {  	_ = 	snop;
	(pc) =	sbr.ind lr, $3  }
0x3a: {  	_ = 	snop  }
0x3b: {  	_ = 	snop  }
0x3c: {  	p2 =	seq.s32 s10, $0x1;
	s10 =	sld [smem:$0x3FA7]  }
0x3d: {  	_ =	shalt  }
0x3e: {  	_ =	shalt  }
0x3f: {  	_ =	shalt  }
0x40: {  	_ =	shalt  }
0x41: {  	_ =	shalt  }
0x42: {  	_ =	shalt  }
0x43: {  	_ =	shalt  }
0x44: {  	_ =	shalt  }
0x45: {  	_ =	shalt  }
0x46: {  	_ =	shalt  }
0x47: {  	_ =	shalt  }
0x48: {  	_ =	shalt  }
0x49: {  	_ =	shalt  }
0x4a: {  	_ =	shalt  }
0x4b: {  	_ =	shalt  }
0x4c: {  	_ =	shalt  }
0x4d: {  	_ =	shalt  }
0x4e: {  	_ =	shalt  }
0x4f: {  	_ =	shalt  }
0x50: {  	_ =	shalt  }
0x51: {  	_ =	shalt  }
0x52: {  	_ =	shalt  }
0x53: {  	_ =	shalt  }
0x54: {  	_ =	shalt  }
0x55: {  	_ =	shalt  }
0x56: {  	_ =	shalt  }
0x57: {  	_ =	shalt  }
0x58: {  	_ =	shalt  }
0x59: {  	_ =	shalt  }
0x5a: {  	_ =	shalt  }
0x5b: {  	_ =	shalt  }
0x5c: {  	_ =	shalt  }
0x5d: {  	_ =	shalt  }
0x5e: {  	_ =	shalt  }
0x5f: {  	_ =	shalt  }
0x60: {  	_ =	shalt  }
0x61: {  	_ =	shalt  }
0x62: {  	_ =	shalt  }
0x63: {  	_ =	shalt  }
0x64: {  	_ =	shalt  }
0x65: {  	_ =	shalt  }
0x66: {  	_ =	shalt  }
0x67: {  	_ =	shalt  }
0x68: {  	_ =	shalt  }
0x69: {  	_ =	shalt  }
0x6a: {  	_ =	shalt  }
0x6b: {  	_ =	shalt  }
0x6c: {  	_ =	shalt  }
0x6d: {  	_ =	shalt  }
0x6e: {  	_ =	shalt  }
0x6f: {  	_ =	shalt  }
0x70: {  	_ =	shalt  }
0x71: {  	_ =	shalt  }
0x72: {  	_ =	shalt  }
0x73: {  	_ =	shalt  }
0x74: {  	_ =	shalt  }
0x75: {  	_ =	shalt  }
0x76: {  	_ =	shalt  }
0x77: {  	_ =	shalt  }
0x78: {  	_ =	shalt  }
0x79: {  	_ =	shalt  }
0x7a: {  	_ =	shalt  }
0x7b: {  	_ =	shalt  }
0x7c: {  	_ =	shalt  }
0x7d: {  	_ =	shalt  }
0x7e: {  	_ =	shalt  }
0x7f: {  	_ =	shalt  }
0x80: {  	_ =	shalt  }
0x81: {  	_ =	shalt  }
0x82: {  	_ =	shalt  }
0x83: {  	_ =	shalt  }
0x84: {  	_ =	shalt  }
0x85: {  	_ =	shalt  }
0x86: {  	_ =	shalt  }
0x87: {  	_ =	shalt  }
.Lfunc_end0:
.L_simem_size_0:
called_computation.4_lowered:
.L_overlay_start_0:
0x88: {  	s2 =	sld [smem:$0x3FD9]  }
0x89: {  	s3 =	sld [smem:$0x3FFE];
	_ =	sdelay $0x1  }
0x8a: {  	s1 =	srdreg.scid  }
0x8b: {  	s0 =	sand.u32 $0x1, s1  }
0x8c: {  	s16 =	sshll.u32 s0, $0xA;
	s2 =	sadd.s32 s3, s2  }
0x8d: {  	s2 =	sadd.s32 s2, s16  }
0x8e: {  	[smem:$0x3FB3] =	sst s2  }
0x8f: {  	_ = 	snop  }
0x90: {  	(tm) =	ssettm $0x1  }
0x91: {  	s17 =	sld [smem:$0x3FFB];
	_ =	sdelay $0x3  }
0x92: {  	_ =	strace s17  }
0x93: {  	s2 =	sld [smem:$0x3FFC];
	_ =	sdelay $0x3  }
0x94: {  	_ =	strace s2  }
0x95: {  	s2 =	sld [smem:$0x3FFD];
	_ =	sdelay $0x3  }
0x96: {  	_ =	strace s2  }
0x97: {  	_ =	strace $0x8FFFFFFF  }
0x98: {  	s18 =	sld [smem:$0x3FDB];
	_ =	sdelay $0x1  }
0x99: {  	s19 =	simm.s32 $_scs_section_size  }
0x9a: {  	s4 =	simm.s32 $_size__tile_overlayer_lowered;
	s5 =	simm.s32 $_tile_overlayer_lowered  }
0x9b: {  	s22 =	simm.s32 $0x1BFF;
	s21 =	sshll.u32 s5, $0x1;
	s2 =	sadd.s32 s19, s18  }
0x9c: {  	s6 =	simm.s32 $0x0;
	s20 =	sshll.u32 s4, $0x1;
	s4 =	sadd.s32 s21, s2  }
0x9d: {  	[timem:s6], [sflag:s22] =	dma.local [hbm:s4], s20  }
0x9e: {  	_ =	swait.ge [sflag:s22], s20  }
0x9f: {  	s3 =	ssub.s32 $0x0, s20;
	[sflag:s22] =	ssyncset.done $0x0  }
0xa0: {  	[sflag:s22] =	ssyncadd.s32 s3;
	_ =	sdelay $0x1  }
0xa1: {  	s23 =	simm.s32 $0x1B8B  }
0xa2: {  	_ =	swait.ge [sflag:s23], $0x1  }
0xa3: {  	[sflag:s23] =	ssyncset.done $0x0  }
0xa4: {  	s25 =	simm.s32 $0x1B8E;
	s24 =	sld [smem:$0x3FFE];
	[sflag:s23] =	ssyncadd.s32 $0xFFFFFFFF  }
0xa5: {  	s26 =	simm.s32 $execute0_lowered;
	[smem:$0x3FD2] =	sst s25  }
0xa6: {  	s4 =	sshll.u32 s26, $0x1;
	_ =	strace $0x80000052;
	[dreg:$0x1] =	wrdreg $0xFFFFFFFF  }
0xa7: {  	s28 =	simm.s32 $_size_execute0_lowered;
	s2 =	sadd.s32 s2, s4;
	[dreg:$0x0] =	wrdreg $0x0  }
0xa8: {  	s4 =	sshll.u32 s28, $0x1;
	[dreg:$0x2] =	wrdreg s2  }
0xa9: {  	[dreg:$0x3] =	wrdreg s4  }
0xaa: {  	[dreg:$0x4] =	wrdreg $0xC0  }
0xab: {  	_ =	task [dreg:s6], $0x5FFFF  }
0xac: {  	[dreg:$0x1] =	wrdreg $0xFFFFFFFF  }
0xad: {  	[dreg:$0x0] =	wrdreg $0x60  }
0xae: {  	[dreg:$0x2] =	wrdreg s24  }
0xaf: {  	[dreg:$0x3] =	wrdreg $0x154000  }
0xb0: {  	[dreg:$0x4] =	wrdreg $0x9  }
0xb1: {  	_ =	task.clear_ibuf [dreg:s6], $0x5FFFF;
	_ =	strace $0x90000052  }
0xb2: {  	s29 =	simm.s32 $0x9;
	_ =	strace $0x80000054  }
0xb3: {  	_ =	swait.ge [sflag:s29], $0x1  }
0xb4: {  	[sflag:s29] =	ssyncadd.s32 $0xFFFFFFFF  }
0xb5: {  	_ =	strace $0x90000054  }
0xb6: {  	_ =	sfence  }
0xb7: {  	s30 =	sld [smem:$0x0];
	_ =	sdelay $0x2  }
0xb8: {  	s31 =	sshll.u32 s1, $0xD;
	s1 =	sshrl.u32 s1, $0x2  }
0xb9: {  	s3 =	sand.u32 $0x4000, s31;
	s1 =	sadd.s32 s1, s30  }
0xba: {  	s0 =	sor.u32 s3, s0;
	s1 =	sshll.u32 s1, $0x11  }
0xbb: {  	s0 =	sor.u32 s1, s0  }
0xbc: {  	s0 =	sadd.s32 $0x8F2B, s0  }
0xbd: {  	[sflag:s0] =	ssyncadd.remote.s32 $0x1  }
0xbe: {  	_ =	sfence.sel $0xFFFF  }
0xbf: {  	[dreg:$0x0] =	wrdreg $0xFFFFFFFF;
	(pc) =	sbr.abs _section_cstart, $3  }
0xc0: {  	[dreg:$0x1] =	wrdreg $0xFFFFFFFF  }
0xc1: {  	_ =	task.clear_ibuf [dreg:s6], $0x2FFFF;
	_ =	strace $0x9FFFFFFF  }
0xc2: {  	(tm) =	ssettm $0x7FFFFFFF  }
0xc3: {  	_ =	shalt  }
tec
execute0_lowered:
.L_overlay_start_1:
0x0: {  	(tag) =	ssettag $0x1  }
0x1: {  	s13 =	rddreg [dreg:$0x0]  }
0x2: {  	s2 =	rddreg [dreg:$0x1]  }
0x3: {  	s0 =	rddreg [dreg:$0x2]  }
0x4: {  	s1 =	stileid.u32;
	s4 =	srdreg.scid;
	s3 =	simm.s32 $0x0  }
0x5: {  	s14 =	smul.u32 $0x4E20, s1;
	s15 =	sand.u32 $0x1, s4;
	s28 =	sshll.u32 s1, $0x1  }
0x6: {  	[smem:$0x7FF] =	sst s3;
	s5 =	sshll.u32 s1, $0x6;
	s9 =	sor.u32 s15, s28  }
0x7: {  	_ =	strace $0x80000053;
	s5 =	sor.u32 $0x1C01, s5;
	s29 =	sshrl.u32 s14, $0x3  }
0x8: {  	s8 =	smul.u32 $0x280, s9;
	s6 =	sadd.s32 s14, s2;
	s4 =	sadd.s32 s29, s13  }
0x9: {  	s7 =	sshrl.u32 s6, $0x3;
	s6 =	simm.s32 $0x1;
	s4 =	sadd.s32 $0x181800, s4  }
0xa: {  	[spmem:s7], [sflag:s5] =	dma.local [hbm:s4], $0x9C4  }
0xb: {  	_ =	swait.ge [sflag:s6], $0x9C4  }
0xc: {  	s8 =	sadd.s32 s8, s13;
	[sflag:s6] =	ssyncset.done $0x0  }
0xd: {  	s8 =	sadd.s32 $0x18B600, s8;
	[sflag:s6] =	ssyncadd.s32 $0xFFFFF63C  }
0xe: {  	[tilespmem:s3], [sflag:$0x1] =	stream.linear.gather [hbm4b:s8+s3], $0x1400, $0x38;
	[tilespmem:$0x1A220] =	vst v63  }
0xf: {  	s9 =	smul.u32 $0x5000, s9;
	_ =	swait.ge [sflag:s6], $0x1400  }
0x10: {  	[sflag:s6] =	ssyncset.done $0x0  }
0x11: {  	s12 =	sadd.s32 s9, s13;
	[sflag:s6] =	ssyncadd.s32 $0xFFFFEC00  }
0x12: {  	s10 =	simm.s32 $0x1400;
	s9 =	sadd.s32 $0x192000, s12;
	[bflag:$0x0] =	sbarrier.arrive $0xFFFF  }
0x13: {  	[tilespmem:s10], [sflag:$0x1] =	stream.linear.gather [hbm4b:s9+s3], $0x14000, $0x38;
	[tilespmem:$0x1A220] =	vst v63  }
0x14: {  	_ =	swait.ge [sflag:s6], $0x14000  }
0x15: {  	[sflag:s6] =	ssyncset.done $0x0  }
0x16: {  	s11 =	simm.s32 $0xA00;
	[sflag:s6] =	ssyncadd.s32 $0xFFFEC000  }
0x17: {  	[spmem:s2] =	stream.indirect.scatter.add.f32 [tilespmem:s10], [sflag:$0x1], $0x20, s3, s11, $0xb8;
	[tilespmem:$0x1A220] =	vst v63  }
0x18: {  	_ =	swait.ge [sflag:s6], $0x14000  }
0x19: {  	[sflag:s6] =	ssyncset.done $0x0  }
0x1a: {  	s16 =	smul.u32 $0x4E200, s15;
	s12 =	sadd.s32 $0x194800, s12;
	[sflag:s6] =	ssyncadd.s32 $0xFFFEC000  }
0x1b: {  	[tilespmem:s10], [sflag:$0x1] =	stream.linear.gather [hbm4b:s12+s3], $0x14000, $0x38;
	[tilespmem:$0x1A220] =	vst v63  }
0x1c: {  	s15 =	ssub.s32 $0x2, s15;
	_ =	swait.ge [sflag:s6], $0x14000  }
0x1d: {  	s30 =	sshrl.u32 s15, $0x1;
	s14 =	sadd.s32 s14, s16;
	[sflag:s6] =	ssyncset.done $0x0  }
0x1e: {  	s31 =	ssub.s32 s15, s30;
	s14 =	sshrl.u32 s14, $0x3;
	[sflag:s6] =	ssyncadd.s32 $0xFFFEC000  }
0x1f: {  	[spmem:s2] =	stream.indirect.scatter.add.f32 [tilespmem:s10], [sflag:$0x1], $0x20, s11, s11, $0xb8;
	[tilespmem:$0x1A220] =	vst v63  }
0x20: {  	s13 =	sadd.s32 s14, s13;
	s14 =	smax.u32 s31, $0x1;
	_ =	swait.ge [sflag:s6], $0x14000  }
0x21: {  	p0 =	sne.s32 s14, $0x1;
	[sflag:s6] =	ssyncset.done $0x0  }
.Ltmp0:
0x22: {  	[sflag:s6] =	ssyncadd.s32 $0xFFFEC000;
	(pc) =	sbr.rel @!p0 .LBB2_2-.Ltmp0, $4  }
0x23: {  	s13 =	sadd.s32 $0x108A00, s13;
	[bflag:$0x0] =	sbarrier.arrive $0xFFFF  }
0x24: {  	[hbm:s13], [sflag:s5] =	dma.local [spmem:s7], $0x9C4  }
0x25: {  	_ =	swait.ge [sflag:s6], $0x9C4  }
0x26: {  	s14 =	sadd.s32 $0xFFFFFFFF, s14;
	[sflag:s6] =	ssyncset.done $0x0  }
.LBB2_1:
0x27: {  	p0 =	sne.s32 s14, $0x1;
	s14 =	sadd.s32 $0xFFFFFFFF, s14;
	[sflag:s6] =	ssyncadd.s32 $0xFFFFF63C  }
0x28: {  	[spmem:s7], [sflag:s5] =	dma.local [hbm:s4], $0x9C4  }
0x29: {  	_ =	swait.ge [sflag:s6], $0x9C4  }
0x2a: {  	[sflag:s6] =	ssyncset.done $0x0  }
0x2b: {  	[sflag:s6] =	ssyncadd.s32 $0xFFFFF63C  }
0x2c: {  	[tilespmem:s3], [sflag:$0x1] =	stream.linear.gather [hbm4b:s8+s3], $0x1400, $0x38;
	[tilespmem:$0x1A220] =	vst v63  }
0x2d: {  	_ =	swait.ge [sflag:s6], $0x1400  }
0x2e: {  	[sflag:s6] =	ssyncset.done $0x0  }
0x2f: {  	[sflag:s6] =	ssyncadd.s32 $0xFFFFEC00  }
0x30: {  	[bflag:$0x0] =	sbarrier.arrive $0xFFFF  }
0x31: {  	[tilespmem:s10], [sflag:$0x1] =	stream.linear.gather [hbm4b:s9+s3], $0x14000, $0x38;
	[tilespmem:$0x1A220] =	vst v63  }
0x32: {  	_ =	swait.ge [sflag:s6], $0x14000  }
0x33: {  	[sflag:s6] =	ssyncset.done $0x0  }
0x34: {  	[sflag:s6] =	ssyncadd.s32 $0xFFFEC000  }
0x35: {  	[spmem:s2] =	stream.indirect.scatter.add.f32 [tilespmem:s10], [sflag:$0x1], $0x20, s3, s11, $0xb8;
	[tilespmem:$0x1A220] =	vst v63  }
0x36: {  	_ =	swait.ge [sflag:s6], $0x14000  }
0x37: {  	[sflag:s6] =	ssyncset.done $0x0  }
0x38: {  	[sflag:s6] =	ssyncadd.s32 $0xFFFEC000  }
0x39: {  	[tilespmem:s10], [sflag:$0x1] =	stream.linear.gather [hbm4b:s12+s3], $0x14000, $0x38;
	[tilespmem:$0x1A220] =	vst v63  }
0x3a: {  	_ =	swait.ge [sflag:s6], $0x14000  }
0x3b: {  	[sflag:s6] =	ssyncset.done $0x0  }
0x3c: {  	[sflag:s6] =	ssyncadd.s32 $0xFFFEC000  }
0x3d: {  	[spmem:s2] =	stream.indirect.scatter.add.f32 [tilespmem:s10], [sflag:$0x1], $0x20, s11, s11, $0xb8;
	[tilespmem:$0x1A220] =	vst v63  }
0x3e: {  	_ =	swait.ge [sflag:s6], $0x14000  }
0x3f: {  	[sflag:s6] =	ssyncset.done $0x0  }
.Ltmp1:
0x40: {  	[sflag:s6] =	ssyncadd.s32 $0xFFFEC000;
	(pc) =	sbr.rel @p0 .LBB2_1-.Ltmp1, $4  }
0x41: {  	[bflag:$0x0] =	sbarrier.arrive $0xFFFF  }
0x42: {  	[hbm:s13], [sflag:s5] =	dma.local [spmem:s7], $0x9C4  }
0x43: {  	_ =	swait.ge [sflag:s6], $0x9C4  }
0x44: {  	[sflag:s6] =	ssyncset.done $0x0  }
.LBB2_2:
0x45: {  	[sflag:s6] =	ssyncadd.s32 $0xFFFFF63C  }
0x46: {  	_ =	sfence.sel $0x180000  }
0x47: {  	[bflag:$0x0] =	sbarrier.arrive $0xFFFF  }
0x48: {  	p0 =	sne.s32 s1, $0x0;
	_ =	strace $0x90000053  }
0x49: {  	s0 =	sadd.s32 @!p0 $0x100000, s0;
	[bflag:$0x2] =	sbarrier.arrive $0xFFFF  }
0x4a: {  	[sflag:s0] =	ssyncadd.tile.s32 @!p0 $0x1;
	_ =	shalt  }
.Lfunc_end2:
_tile_overlayer_lowered:
.L_overlay_start_2:
0x4b: {  	(tag) =	ssettag $0x2  }
0x4c: {  	s0 =	rddreg [dreg:$0x0];
	s2 =	stileid.u32  }
0x4d: {  	s1 =	rddreg [dreg:$0x1];
	p0 =	sne.s32 s2, $0x0  }
0x4e: {  	s3 =	rddreg [dreg:$0x2];
	[bflag:$0x3] =	sbarrier.arrive $0xFFFF;
	s2 =	simm.s32 @!p0 $0x1C01  }
0x4f: {  	[timem:s3], [sflag:s2] =	dma.local @!p0 [hbm:s0], s1  }
0x50: {  	s0 =	simm.s32 @!p0 $0x1  }
0x51: {  	_ =	swait.ge @!p0 [sflag:s0], s1  }
0x52: {  	s1 =	ssub.s32 @!p0 $0x0, s1;
	[sflag:s0] =	ssyncset.done @!p0 $0x0  }
0x53: {  	[sflag:s0] =	ssyncadd.s32 @!p0 s1  }
0x54: {  	[bflag:$0x3] =	sbarrier.arrive $0xFFFF  }
0x55: {  	_ =	shalt  }

// kernel: kernel.37.cloned.1.call-start
scs
__scs_entry_jumppad:
0x0: {  	(pc) =	sbr.rel $0x88, $3  }
0x1: {  	(tag) =	ssettag $0x0;
	lr =	simm.s32 $0x1  }
0x2: {  	[smem:$0x3F8C] =	sst lr;
	_ =	strace $0xD0000000  }
0x3: {  	_ = 	snop  }
0x4: {  	_ = 	snop  }
0x5: {  	_ = 	snop  }
0x6: {  	_ = 	snop  }
0x7: {  	_ = 	snop  }
__scs_overlays_trampoline_lowered:
0x8: {  	[smem:$0x3F9B] =	sst s0  }
0x9: {  	[smem:$0x3F9C] =	sst s1  }
0xa: {  	[smem:$0x3F9D] =	sst s2  }
0xb: {  	[smem:$0x3F9E] =	sst s3  }
0xc: {  	[smem:$0x3F9F] =	sst s4  }
0xd: {  	[smem:$0x3FA0] =	sst s5  }
0xe: {  	[smem:$0x3FA1] =	sst s6  }
0xf: {  	[smem:$0x3FA2] =	sst s7  }
0x10: {  	[smem:$0x3FA3] =	sst s8  }
0x11: {  	[smem:$0x3FA4] =	sst s9;
	s0 =	simm.s32 @!p0 $0x0  }
0x12: {  	s1 =	sld [smem:$0x3F8A];
	s0 =	simm.s32 @p0 $0x1  }
0x13: {  	[smem:$0x3FA5] =	sst s0;
	s0 =	simm.s32 @!p1 $0x0  }
0x14: {  	s2 =	sld [smem:$0x3F89];
	s0 =	simm.s32 @p1 $0x1  }
0x15: {  	[smem:$0x3FA6] =	sst s0;
	s0 =	simm.s32 @!p2 $0x0  }
0x16: {  	s3 =	sld [smem:$0x3FDB];
	s0 =	simm.s32 @p2 $0x1  }
0x17: {  	s4 =	simm.s32 $0x1BF5;
	[smem:$0x3FA8] =	sst s0  }
0x18: {  	s0 =	sld [smem:$0x3F8B];
	_ =	swait.ge [sflag:s4], $0x0  }
0x19: {  	s7 =	sld [smem:$0x3F8C]  }
0x1a: {  	s8 =	sadd.s32 $0xFFFFE003, lr  }
0x1b: {  	s9 =	sadd.s32 $0xFFFFFEF7, lr;
	s5 =	simm.s32 $0xFFFFFFFF;
	p2 =	slt.u32 s8, $0xFFFFF086  }
0x1c: {  	p1 =	slt.u32 s9, $0xF7A;
	s5 =	simm.s32 @!p2 $0x0  }
0x1d: {  	s5 =	simm.s32 @p1 $0x1;
	p0 =	seq.s32 s7, s2  }
0x1e: {  	s7 =	smul.u32 @!p0 $0xF7A, s2;
	p2 =	seq.s32 @!p0 s5, $0x0  }
0x1f: {  	s9 =	smul.u32 $0xF7A, s1;
	s8 =	simm.s32 @!p0 $0x1BF5;
	p2 =	por !p2, p0  }
0x20: {  	[sflag:s8] =	ssyncset.s32 @!p0 $0xFFFFF086;
	s6 =	sadd.s32 @!p0 s3, s7;
	s7 =	simm.s32 @!p0 $0x108  }
0x21: {  	s3 =	sadd.s32 s3, s9;
	s6 =	sadd.s32 @!p0 $0x88, s6;
	s7 =	simm.s32 @p2 $0x1082  }
0x22: {  	[simem:s7], [sflag:s8] =	dma.local @!p0 [hbm:s6], $0xF7A  }
0x23: {  	s9 =	sor.u32 $0xD0000000, s2;
	s6 =	simm.s32 $0x108;
	_ =	swait.ge @!p0 [sflag:s8], $0x0  }
0x24: {  	s3 =	sadd.s32 $0x88, s3;
	s6 =	simm.s32 @!p1 $0x1082;
	[sflag:s4] =	ssyncset.s32 $0xFFFFF086  }
0x25: {  	[simem:s6], [sflag:s4] =	dma.local [hbm:s3], $0xF7A  }
0x26: {  	[smem:$0x3F8C] =	sst s1;
	(tag) =	ssettag s2;
	_ =	strace s9  }
0x27: {  	s1 =	sld [smem:$0x3F9C]  }
0x28: {  	s2 =	sld [smem:$0x3F9D]  }
0x29: {  	s4 =	sld [smem:$0x3F9F]  }
0x2a: {  	p0 =	seq.s32 s5, $0x0;
	s5 =	sld [smem:$0x3FA0]  }
0x2b: {  	s6 =	sld [smem:$0x3FA1]  }
0x2c: {  	s7 =	sld [smem:$0x3FA2]  }
0x2d: {  	s3 =	simm.s32 $0x108;
	s8 =	sld [smem:$0x3FA3]  }
0x2e: {  	s3 =	simm.s32 @!p0 $0x1082;
	s9 =	sld [smem:$0x3FA4]  }
0x2f: {  	lr =	sadd.s32 s0, s3;
	s0 =	sld [smem:$0x3F9B]  }
0x30: {  	s3 =	sld [smem:$0x3F9E]  }
0x31: {  	[smem:$0x3FA7] =	sst s10  }
0x32: {  	s10 =	sld [smem:$0x3FA5];
	_ =	sdelay $0x3  }
0x33: {  	p0 =	seq.s32 s10, $0x1;
	s10 =	sld [smem:$0x3FA7];
	_ =	sdelay $0x3  }
0x34: {  	[smem:$0x3FA7] =	sst s10  }
0x35: {  	s10 =	sld [smem:$0x3FA6];
	_ =	sdelay $0x3  }
0x36: {  	p1 =	seq.s32 s10, $0x1;
	s10 =	sld [smem:$0x3FA7];
	_ =	sdelay $0x3  }
0x37: {  	[smem:$0x3FA7] =	sst s10  }
0x38: {  	s10 =	sld [smem:$0x3FA8]  }
0x39: {  	_ = 	snop;
	(pc) =	sbr.ind lr, $3  }
0x3a: {  	_ = 	snop  }
0x3b: {  	_ = 	snop  }
0x3c: {  	p2 =	seq.s32 s10, $0x1;
	s10 =	sld [smem:$0x3FA7]  }
0x3d: {  	_ =	shalt  }
0x3e: {  	_ =	shalt  }
0x3f: {  	_ =	shalt  }
0x40: {  	_ =	shalt  }
0x41: {  	_ =	shalt  }
0x42: {  	_ =	shalt  }
0x43: {  	_ =	shalt  }
0x44: {  	_ =	shalt  }
0x45: {  	_ =	shalt  }
0x46: {  	_ =	shalt  }
0x47: {  	_ =	shalt  }
0x48: {  	_ =	shalt  }
0x49: {  	_ =	shalt  }
0x4a: {  	_ =	shalt  }
0x4b: {  	_ =	shalt  }
0x4c: {  	_ =	shalt  }
0x4d: {  	_ =	shalt  }
0x4e: {  	_ =	shalt  }
0x4f: {  	_ =	shalt  }
0x50: {  	_ =	shalt  }
0x51: {  	_ =	shalt  }
0x52: {  	_ =	shalt  }
0x53: {  	_ =	shalt  }
0x54: {  	_ =	shalt  }
0x55: {  	_ =	shalt  }
0x56: {  	_ =	shalt  }
0x57: {  	_ =	shalt  }
0x58: {  	_ =	shalt  }
0x59: {  	_ =	shalt  }
0x5a: {  	_ =	shalt  }
0x5b: {  	_ =	shalt  }
0x5c: {  	_ =	shalt  }
0x5d: {  	_ =	shalt  }
0x5e: {  	_ =	shalt  }
0x5f: {  	_ =	shalt  }
0x60: {  	_ =	shalt  }
0x61: {  	_ =	shalt  }
0x62: {  	_ =	shalt  }
0x63: {  	_ =	shalt  }
0x64: {  	_ =	shalt  }
0x65: {  	_ =	shalt  }
0x66: {  	_ =	shalt  }
0x67: {  	_ =	shalt  }
0x68: {  	_ =	shalt  }
0x69: {  	_ =	shalt  }
0x6a: {  	_ =	shalt  }
0x6b: {  	_ =	shalt  }
0x6c: {  	_ =	shalt  }
0x6d: {  	_ =	shalt  }
0x6e: {  	_ =	shalt  }
0x6f: {  	_ =	shalt  }
0x70: {  	_ =	shalt  }
0x71: {  	_ =	shalt  }
0x72: {  	_ =	shalt  }
0x73: {  	_ =	shalt  }
0x74: {  	_ =	shalt  }
0x75: {  	_ =	shalt  }
0x76: {  	_ =	shalt  }
0x77: {  	_ =	shalt  }
0x78: {  	_ =	shalt  }
0x79: {  	_ =	shalt  }
0x7a: {  	_ =	shalt  }
0x7b: {  	_ =	shalt  }
0x7c: {  	_ =	shalt  }
0x7d: {  	_ =	shalt  }
0x7e: {  	_ =	shalt  }
0x7f: {  	_ =	shalt  }
0x80: {  	_ =	shalt  }
0x81: {  	_ =	shalt  }
0x82: {  	_ =	shalt  }
0x83: {  	_ =	shalt  }
0x84: {  	_ =	shalt  }
0x85: {  	_ =	shalt  }
0x86: {  	_ =	shalt  }
0x87: {  	_ =	shalt  }
.Lfunc_end0:
.L_simem_size_0:
called_computation.5_lowered:
.L_overlay_start_0:
0x88: {  	s2 =	sld [smem:$0x3FD9]  }
0x89: {  	s3 =	sld [smem:$0x3FFE];
	_ =	sdelay $0x1  }
0x8a: {  	s1 =	srdreg.scid  }
0x8b: {  	s0 =	sand.u32 $0x1, s1  }
0x8c: {  	s16 =	sshll.u32 s0, $0xA;
	s2 =	sadd.s32 s3, s2  }
0x8d: {  	s2 =	sadd.s32 s2, s16  }
0x8e: {  	[smem:$0x3FB3] =	sst s2  }
0x8f: {  	_ = 	snop  }
0x90: {  	(tm) =	ssettm $0x1  }
0x91: {  	s17 =	sld [smem:$0x3FFB];
	_ =	sdelay $0x3  }
0x92: {  	_ =	strace s17  }
0x93: {  	s2 =	sld [smem:$0x3FFC];
	_ =	sdelay $0x3  }
0x94: {  	_ =	strace s2  }
0x95: {  	s2 =	sld [smem:$0x3FFD];
	_ =	sdelay $0x3  }
0x96: {  	_ =	strace s2  }
0x97: {  	_ =	strace $0x8FFFFFFF  }
0x98: {  	s18 =	sld [smem:$0x3FDB];
	_ =	sdelay $0x1  }
0x99: {  	s19 =	simm.s32 $_scs_section_size  }
0x9a: {  	s4 =	simm.s32 $_size__tile_overlayer_lowered;
	s5 =	simm.s32 $_tile_overlayer_lowered  }
0x9b: {  	s22 =	simm.s32 $0x1BFF;
	s21 =	sshll.u32 s5, $0x1;
	s2 =	sadd.s32 s19, s18  }
0x9c: {  	s6 =	simm.s32 $0x0;
	s20 =	sshll.u32 s4, $0x1;
	s4 =	sadd.s32 s21, s2  }
0x9d: {  	[timem:s6], [sflag:s22] =	dma.local [hbm:s4], s20  }
0x9e: {  	_ =	swait.ge [sflag:s22], s20  }
0x9f: {  	s3 =	ssub.s32 $0x0, s20;
	[sflag:s22] =	ssyncset.done $0x0  }
0xa0: {  	[sflag:s22] =	ssyncadd.s32 s3;
	_ =	sdelay $0x1  }
0xa1: {  	s23 =	simm.s32 $0x1B8B  }
0xa2: {  	_ =	swait.ge [sflag:s23], $0x1  }
0xa3: {  	[sflag:s23] =	ssyncset.done $0x0  }
0xa4: {  	s25 =	simm.s32 $0x1B8E;
	s24 =	sld [smem:$0x3FFE];
	[sflag:s23] =	ssyncadd.s32 $0xFFFFFFFF  }
0xa5: {  	s26 =	simm.s32 $execute0_lowered;
	[smem:$0x3FD2] =	sst s25  }
0xa6: {  	s4 =	sshll.u32 s26, $0x1;
	_ =	strace $0x80000055;
	[dreg:$0x1] =	wrdreg $0xFFFFFFFF  }
0xa7: {  	s28 =	simm.s32 $_size_execute0_lowered;
	s2 =	sadd.s32 s2, s4;
	[dreg:$0x0] =	wrdreg $0x0  }
0xa8: {  	s4 =	sshll.u32 s28, $0x1;
	[dreg:$0x2] =	wrdreg s2  }
0xa9: {  	[dreg:$0x3] =	wrdreg s4  }
0xaa: {  	[dreg:$0x4] =	wrdreg $0xC0  }
0xab: {  	_ =	task [dreg:s6], $0x5FFFF  }
0xac: {  	[dreg:$0x1] =	wrdreg $0xFFFFFFFF  }
0xad: {  	[dreg:$0x0] =	wrdreg $0x60  }
0xae: {  	[dreg:$0x2] =	wrdreg s24  }
0xaf: {  	[dreg:$0x3] =	wrdreg $0x9  }
0xb0: {  	_ =	task.clear_ibuf [dreg:s6], $0x4FFFF;
	_ =	strace $0x90000055  }
0xb1: {  	s29 =	simm.s32 $0x9;
	_ =	strace $0x80000057  }
0xb2: {  	_ =	swait.ge [sflag:s29], $0x1  }
0xb3: {  	[sflag:s29] =	ssyncadd.s32 $0xFFFFFFFF  }
0xb4: {  	_ =	strace $0x90000057  }
0xb5: {  	_ =	sfence  }
0xb6: {  	s30 =	sld [smem:$0x0];
	_ =	sdelay $0x2  }
0xb7: {  	s31 =	sshll.u32 s1, $0xD;
	s1 =	sshrl.u32 s1, $0x2  }
0xb8: {  	s3 =	sand.u32 $0x4000, s31;
	s1 =	sadd.s32 s1, s30  }
0xb9: {  	s0 =	sor.u32 s3, s0;
	s1 =	sshll.u32 s1, $0x11  }
0xba: {  	s0 =	sor.u32 s1, s0  }
0xbb: {  	s0 =	sadd.s32 $0x8F2B, s0  }
0xbc: {  	[sflag:s0] =	ssyncadd.remote.s32 $0x1  }
0xbd: {  	_ =	sfence.sel $0xFFFF  }
0xbe: {  	[dreg:$0x0] =	wrdreg $0xFFFFFFFF;
	(pc) =	sbr.abs _section_cstart, $3  }
0xbf: {  	[dreg:$0x1] =	wrdreg $0xFFFFFFFF  }
0xc0: {  	_ =	task.clear_ibuf [dreg:s6], $0x2FFFF;
	_ =	strace $0x9FFFFFFF  }
0xc1: {  	(tm) =	ssettm $0x7FFFFFFF  }
tec
execute0_lowered:
.L_overlay_start_1:
0x0: {  	(tag) =	ssettag $0x1  }
0x1: {  	s1 =	srdreg.scid;
	s0 =	stileid.u32  }
0x2: {  	s10 =	sand.u32 $0x1, s1;
	s31 =	sshll.u32 s0, $0x1  }
0x3: {  	s6 =	sor.u32 s10, s31  }
0x4: {  	s9 =	rddreg [dreg:$0x0];
	s3 =	smul.u32 $0x280, s6  }
0x5: {  	s2 =	simm.s32 $0x0;
	s1 =	rddreg [dreg:$0x1]  }
0x6: {  	[smem:$0x7FF] =	sst s2;
	s3 =	sadd.s32 s3, s9  }
0x7: {  	_ =	strace $0x80000056;
	s4 =	sadd.s32 $0x18B600, s3;
	s3 =	simm.s32 $0x2  }
0x8: {  	[tilespmem:s2], [sflag:$0x2] =	stream.linear.gather [hbm4b:s4+s2], $0x1400, $0x38;
	[tilespmem:$0x15400] =	vst v63  }
0x9: {  	s7 =	simm.s32 $0x1400;
	_ =	swait.ge [sflag:s3], $0x1400  }
0xa: {  	s8 =	simm.s32 $0x1;
	s5 =	sadd.s32 $0xE1800, s9;
	[sflag:s3] =	ssyncset.done $0x0  }
0xb: {  	s11 =	smul.u32 $0x5000, s6;
	s6 =	simm.s32 $0xA00;
	[sflag:s3] =	ssyncadd.s32 $0xFFFFEC00  }
0xc: {  	[tilespmem:s7], [sflag:$0x1] =	stream.indirect.gather [hbm4b:s5+s6], $0x20, s2, s6, $0xb8;
	[tilespmem:$0x15400] =	vst v63  }
0xd: {  	_ =	swait.ge [sflag:s8], $0x14000  }
0xe: {  	s11 =	sadd.s32 s11, s9;
	[sflag:s8] =	ssyncset.done $0x0  }
0xf: {  	s10 =	ssub.s32 $0x2, s10;
	s9 =	sadd.s32 $0x192000, s11;
	[sflag:s8] =	ssyncadd.s32 $0xFFFEC000  }
0x10: {  	[hbm4b:s9+s2] =	stream.linear.scatter [tilespmem:s7], [sflag:$0x2], $0x14000, $0x38;
	[tilespmem:$0x15400] =	vst v63  }
0x11: {  	s12 =	sshrl.u32 s10, $0x1;
	_ =	swait.ge [sflag:s3], $0x14000  }
0x12: {  	s10 =	ssub.s32 s10, s12;
	[sflag:s3] =	ssyncset.done $0x0  }
0x13: {  	s12 =	smax.u32 s10, $0x1;
	[sflag:s3] =	ssyncadd.s32 $0xFFFEC000  }
0x14: {  	[tilespmem:s7], [sflag:$0x1] =	stream.indirect.gather [hbm4b:s5+s6], $0x20, s6, s6, $0xb8;
	[tilespmem:$0x15400] =	vst v63  }
0x15: {  	p0 =	sne.s32 s12, $0x1;
	_ =	swait.ge [sflag:s8], $0x14000  }
.Ltmp0:
0x16: {  	[sflag:s8] =	ssyncset.done $0x0;
	(pc) =	sbr.rel @!p0 .LBB2_2-.Ltmp0, $4  }
0x17: {  	s10 =	sadd.s32 $0x194800, s11;
	[sflag:s8] =	ssyncadd.s32 $0xFFFEC000  }
0x18: {  	[hbm4b:s10+s2] =	stream.linear.scatter [tilespmem:s7], [sflag:$0x2], $0x14000, $0x38;
	[tilespmem:$0x15400] =	vst v63  }
0x19: {  	_ =	swait.ge [sflag:s3], $0x14000  }
0x1a: {  	s11 =	sadd.s32 $0xFFFFFFFF, s12;
	[sflag:s3] =	ssyncset.done $0x0  }
.LBB2_1:
0x1b: {  	p0 =	sne.s32 s11, $0x1;
	s11 =	sadd.s32 $0xFFFFFFFF, s11;
	[sflag:s3] =	ssyncadd.s32 $0xFFFEC000  }
0x1c: {  	[tilespmem:s2], [sflag:$0x2] =	stream.linear.gather [hbm4b:s4+s2], $0x1400, $0x38;
	[tilespmem:$0x15400] =	vst v63  }
0x1d: {  	_ =	swait.ge [sflag:s3], $0x1400  }
0x1e: {  	[sflag:s3] =	ssyncset.done $0x0  }
0x1f: {  	[sflag:s3] =	ssyncadd.s32 $0xFFFFEC00  }
0x20: {  	[tilespmem:s7], [sflag:$0x1] =	stream.indirect.gather [hbm4b:s5+s6], $0x20, s2, s6, $0xb8;
	[tilespmem:$0x15400] =	vst v63  }
0x21: {  	_ =	swait.ge [sflag:s8], $0x14000  }
0x22: {  	[sflag:s8] =	ssyncset.done $0x0  }
0x23: {  	[sflag:s8] =	ssyncadd.s32 $0xFFFEC000  }
0x24: {  	[hbm4b:s9+s2] =	stream.linear.scatter [tilespmem:s7], [sflag:$0x2], $0x14000, $0x38;
	[tilespmem:$0x15400] =	vst v63  }
0x25: {  	_ =	swait.ge [sflag:s3], $0x14000  }
0x26: {  	[sflag:s3] =	ssyncset.done $0x0  }
0x27: {  	[sflag:s3] =	ssyncadd.s32 $0xFFFEC000  }
0x28: {  	[tilespmem:s7], [sflag:$0x1] =	stream.indirect.gather [hbm4b:s5+s6], $0x20, s6, s6, $0xb8;
	[tilespmem:$0x15400] =	vst v63  }
0x29: {  	_ =	swait.ge [sflag:s8], $0x14000  }
.Ltmp1:
0x2a: {  	[sflag:s8] =	ssyncset.done $0x0;
	(pc) =	sbr.rel @p0 .LBB2_1-.Ltmp1, $4  }
0x2b: {  	[sflag:s8] =	ssyncadd.s32 $0xFFFEC000  }
0x2c: {  	[hbm4b:s10+s2] =	stream.linear.scatter [tilespmem:s7], [sflag:$0x2], $0x14000, $0x38;
	[tilespmem:$0x15400] =	vst v63  }
0x2d: {  	_ =	swait.ge [sflag:s3], $0x14000  }
0x2e: {  	[sflag:s3] =	ssyncset.done $0x0  }
.LBB2_2:
0x2f: {  	[sflag:s3] =	ssyncadd.s32 $0xFFFEC000  }
0x30: {  	_ =	sfence.sel $0x180000  }
0x31: {  	[bflag:$0x0] =	sbarrier.arrive $0xFFFF  }
0x32: {  	p0 =	sne.s32 s0, $0x0;
	_ =	strace $0x90000056  }
0x33: {  	s0 =	sadd.s32 @!p0 $0x100000, s1;
	[bflag:$0x2] =	sbarrier.arrive $0xFFFF  }
0x34: {  	[sflag:s0] =	ssyncadd.tile.s32 @!p0 $0x1;
	_ =	shalt  }
.Lfunc_end2:
_tile_overlayer_lowered:
.L_overlay_start_2:
0x35: {  	(tag) =	ssettag $0x2  }
0x36: {  	s0 =	rddreg [dreg:$0x0];
	s2 =	stileid.u32  }
0x37: {  	s1 =	rddreg [dreg:$0x1];
	p0 =	sne.s32 s2, $0x0  }
0x38: {  	s3 =	rddreg [dreg:$0x2];
	[bflag:$0x3] =	sbarrier.arrive $0xFFFF;
	s2 =	simm.s32 @!p0 $0x1C02  }
0x39: {  	[timem:s3], [sflag:s2] =	dma.local @!p0 [hbm:s0], s1  }
0x3a: {  	s0 =	simm.s32 @!p0 $0x2  }
0x3b: {  	_ =	swait.ge @!p0 [sflag:s0], s1  }
0x3c: {  	s1 =	ssub.s32 @!p0 $0x0, s1;
	[sflag:s0] =	ssyncset.done @!p0 $0x0  }
0x3d: {  	[sflag:s0] =	ssyncadd.s32 @!p0 s1  }
0x3e: {  	[bflag:$0x3] =	sbarrier.arrive $0xFFFF  }
0x3f: {  	_ =	shalt  }

// kernel: kernel.40.cloned.1.call-start
scs
__scs_entry_jumppad:
0x0: {  	(pc) =	sbr.rel $0x88, $3  }
0x1: {  	(tag) =	ssettag $0x0;
	lr =	simm.s32 $0x1  }
0x2: {  	[smem:$0x3F8C] =	sst lr;
	_ =	strace $0xD0000000  }
0x3: {  	_ = 	snop  }
0x4: {  	_ = 	snop  }
0x5: {  	_ = 	snop  }
0x6: {  	_ = 	snop  }
0x7: {  	_ = 	snop  }
__scs_overlays_trampoline_lowered:
0x8: {  	[smem:$0x3F9B] =	sst s0  }
0x9: {  	[smem:$0x3F9C] =	sst s1  }
0xa: {  	[smem:$0x3F9D] =	sst s2  }
0xb: {  	[smem:$0x3F9E] =	sst s3  }
0xc: {  	[smem:$0x3F9F] =	sst s4  }
0xd: {  	[smem:$0x3FA0] =	sst s5  }
0xe: {  	[smem:$0x3FA1] =	sst s6  }
0xf: {  	[smem:$0x3FA2] =	sst s7  }
0x10: {  	[smem:$0x3FA3] =	sst s8  }
0x11: {  	[smem:$0x3FA4] =	sst s9;
	s0 =	simm.s32 @!p0 $0x0  }
0x12: {  	s1 =	sld [smem:$0x3F8A];
	s0 =	simm.s32 @p0 $0x1  }
0x13: {  	[smem:$0x3FA5] =	sst s0;
	s0 =	simm.s32 @!p1 $0x0  }
0x14: {  	s2 =	sld [smem:$0x3F89];
	s0 =	simm.s32 @p1 $0x1  }
0x15: {  	[smem:$0x3FA6] =	sst s0;
	s0 =	simm.s32 @!p2 $0x0  }
0x16: {  	s3 =	sld [smem:$0x3FDB];
	s0 =	simm.s32 @p2 $0x1  }
0x17: {  	s4 =	simm.s32 $0x1BF5;
	[smem:$0x3FA8] =	sst s0  }
0x18: {  	s0 =	sld [smem:$0x3F8B];
	_ =	swait.ge [sflag:s4], $0x0  }
0x19: {  	s7 =	sld [smem:$0x3F8C]  }
0x1a: {  	s8 =	sadd.s32 $0xFFFFE003, lr  }
0x1b: {  	s9 =	sadd.s32 $0xFFFFFEF7, lr;
	s5 =	simm.s32 $0xFFFFFFFF;
	p2 =	slt.u32 s8, $0xFFFFF086  }
0x1c: {  	p1 =	slt.u32 s9, $0xF7A;
	s5 =	simm.s32 @!p2 $0x0  }
0x1d: {  	s5 =	simm.s32 @p1 $0x1;
	p0 =	seq.s32 s7, s2  }
0x1e: {  	s7 =	smul.u32 @!p0 $0xF7A, s2;
	p2 =	seq.s32 @!p0 s5, $0x0  }
0x1f: {  	s9 =	smul.u32 $0xF7A, s1;
	s8 =	simm.s32 @!p0 $0x1BF5;
	p2 =	por !p2, p0  }
0x20: {  	[sflag:s8] =	ssyncset.s32 @!p0 $0xFFFFF086;
	s6 =	sadd.s32 @!p0 s3, s7;
	s7 =	simm.s32 @!p0 $0x108  }
0x21: {  	s3 =	sadd.s32 s3, s9;
	s6 =	sadd.s32 @!p0 $0x88, s6;
	s7 =	simm.s32 @p2 $0x1082  }
0x22: {  	[simem:s7], [sflag:s8] =	dma.local @!p0 [hbm:s6], $0xF7A  }
0x23: {  	s9 =	sor.u32 $0xD0000000, s2;
	s6 =	simm.s32 $0x108;
	_ =	swait.ge @!p0 [sflag:s8], $0x0  }
0x24: {  	s3 =	sadd.s32 $0x88, s3;
	s6 =	simm.s32 @!p1 $0x1082;
	[sflag:s4] =	ssyncset.s32 $0xFFFFF086  }
0x25: {  	[simem:s6], [sflag:s4] =	dma.local [hbm:s3], $0xF7A  }
0x26: {  	[smem:$0x3F8C] =	sst s1;
	(tag) =	ssettag s2;
	_ =	strace s9  }
0x27: {  	s1 =	sld [smem:$0x3F9C]  }
0x28: {  	s2 =	sld [smem:$0x3F9D]  }
0x29: {  	s4 =	sld [smem:$0x3F9F]  }
0x2a: {  	p0 =	seq.s32 s5, $0x0;
	s5 =	sld [smem:$0x3FA0]  }
0x2b: {  	s6 =	sld [smem:$0x3FA1]  }
0x2c: {  	s7 =	sld [smem:$0x3FA2]  }
0x2d: {  	s3 =	simm.s32 $0x108;
	s8 =	sld [smem:$0x3FA3]  }
0x2e: {  	s3 =	simm.s32 @!p0 $0x1082;
	s9 =	sld [smem:$0x3FA4]  }
0x2f: {  	lr =	sadd.s32 s0, s3;
	s0 =	sld [smem:$0x3F9B]  }
0x30: {  	s3 =	sld [smem:$0x3F9E]  }
0x31: {  	[smem:$0x3FA7] =	sst s10  }
0x32: {  	s10 =	sld [smem:$0x3FA5];
	_ =	sdelay $0x3  }
0x33: {  	p0 =	seq.s32 s10, $0x1;
	s10 =	sld [smem:$0x3FA7];
	_ =	sdelay $0x3  }
0x34: {  	[smem:$0x3FA7] =	sst s10  }
0x35: {  	s10 =	sld [smem:$0x3FA6];
	_ =	sdelay $0x3  }
0x36: {  	p1 =	seq.s32 s10, $0x1;
	s10 =	sld [smem:$0x3FA7];
	_ =	sdelay $0x3  }
0x37: {  	[smem:$0x3FA7] =	sst s10  }
0x38: {  	s10 =	sld [smem:$0x3FA8]  }
0x39: {  	_ = 	snop;
	(pc) =	sbr.ind lr, $3  }
0x3a: {  	_ = 	snop  }
0x3b: {  	_ = 	snop  }
0x3c: {  	p2 =	seq.s32 s10, $0x1;
	s10 =	sld [smem:$0x3FA7]  }
0x3d: {  	_ =	shalt  }
0x3e: {  	_ =	shalt  }
0x3f: {  	_ =	shalt  }
0x40: {  	_ =	shalt  }
0x41: {  	_ =	shalt  }
0x42: {  	_ =	shalt  }
0x43: {  	_ =	shalt  }
0x44: {  	_ =	shalt  }
0x45: {  	_ =	shalt  }
0x46: {  	_ =	shalt  }
0x47: {  	_ =	shalt  }
0x48: {  	_ =	shalt  }
0x49: {  	_ =	shalt  }
0x4a: {  	_ =	shalt  }
0x4b: {  	_ =	shalt  }
0x4c: {  	_ =	shalt  }
0x4d: {  	_ =	shalt  }
0x4e: {  	_ =	shalt  }
0x4f: {  	_ =	shalt  }
0x50: {  	_ =	shalt  }
0x51: {  	_ =	shalt  }
0x52: {  	_ =	shalt  }
0x53: {  	_ =	shalt  }
0x54: {  	_ =	shalt  }
0x55: {  	_ =	shalt  }
0x56: {  	_ =	shalt  }
0x57: {  	_ =	shalt  }
0x58: {  	_ =	shalt  }
0x59: {  	_ =	shalt  }
0x5a: {  	_ =	shalt  }
0x5b: {  	_ =	shalt  }
0x5c: {  	_ =	shalt  }
0x5d: {  	_ =	shalt  }
0x5e: {  	_ =	shalt  }
0x5f: {  	_ =	shalt  }
0x60: {  	_ =	shalt  }
0x61: {  	_ =	shalt  }
0x62: {  	_ =	shalt  }
0x63: {  	_ =	shalt  }
0x64: {  	_ =	shalt  }
0x65: {  	_ =	shalt  }
0x66: {  	_ =	shalt  }
0x67: {  	_ =	shalt  }
0x68: {  	_ =	shalt  }
0x69: {  	_ =	shalt  }
0x6a: {  	_ =	shalt  }
0x6b: {  	_ =	shalt  }
0x6c: {  	_ =	shalt  }
0x6d: {  	_ =	shalt  }
0x6e: {  	_ =	shalt  }
0x6f: {  	_ =	shalt  }
0x70: {  	_ =	shalt  }
0x71: {  	_ =	shalt  }
0x72: {  	_ =	shalt  }
0x73: {  	_ =	shalt  }
0x74: {  	_ =	shalt  }
0x75: {  	_ =	shalt  }
0x76: {  	_ =	shalt  }
0x77: {  	_ =	shalt  }
0x78: {  	_ =	shalt  }
0x79: {  	_ =	shalt  }
0x7a: {  	_ =	shalt  }
0x7b: {  	_ =	shalt  }
0x7c: {  	_ =	shalt  }
0x7d: {  	_ =	shalt  }
0x7e: {  	_ =	shalt  }
0x7f: {  	_ =	shalt  }
0x80: {  	_ =	shalt  }
0x81: {  	_ =	shalt  }
0x82: {  	_ =	shalt  }
0x83: {  	_ =	shalt  }
0x84: {  	_ =	shalt  }
0x85: {  	_ =	shalt  }
0x86: {  	_ =	shalt  }
0x87: {  	_ =	shalt  }
.Lfunc_end0:
.L_simem_size_0:
called_computation.6_lowered:
.L_overlay_start_0:
0x88: {  	s2 =	sld [smem:$0x3FD9]  }
0x89: {  	s3 =	sld [smem:$0x3FFE];
	_ =	sdelay $0x1  }
0x8a: {  	s1 =	srdreg.scid  }
0x8b: {  	s0 =	sand.u32 $0x1, s1  }
0x8c: {  	s16 =	sshll.u32 s0, $0xA;
	s2 =	sadd.s32 s3, s2  }
0x8d: {  	s2 =	sadd.s32 s2, s16  }
0x8e: {  	[smem:$0x3FB3] =	sst s2  }
0x8f: {  	_ = 	snop  }
0x90: {  	(tm) =	ssettm $0x1  }
0x91: {  	s17 =	sld [smem:$0x3FFB];
	_ =	sdelay $0x3  }
0x92: {  	_ =	strace s17  }
0x93: {  	s2 =	sld [smem:$0x3FFC];
	_ =	sdelay $0x3  }
0x94: {  	_ =	strace s2  }
0x95: {  	s2 =	sld [smem:$0x3FFD];
	_ =	sdelay $0x3  }
0x96: {  	_ =	strace s2  }
0x97: {  	_ =	strace $0x8FFFFFFF  }
0x98: {  	s18 =	sld [smem:$0x3FDB];
	_ =	sdelay $0x1  }
0x99: {  	s19 =	simm.s32 $_scs_section_size  }
0x9a: {  	s4 =	simm.s32 $_size__tile_overlayer_lowered;
	s5 =	simm.s32 $_tile_overlayer_lowered  }
0x9b: {  	s22 =	simm.s32 $0x1BFF;
	s21 =	sshll.u32 s5, $0x1;
	s2 =	sadd.s32 s19, s18  }
0x9c: {  	s6 =	simm.s32 $0x0;
	s20 =	sshll.u32 s4, $0x1;
	s4 =	sadd.s32 s21, s2  }
0x9d: {  	[timem:s6], [sflag:s22] =	dma.local [hbm:s4], s20  }
0x9e: {  	_ =	swait.ge [sflag:s22], s20  }
0x9f: {  	s3 =	ssub.s32 $0x0, s20;
	[sflag:s22] =	ssyncset.done $0x0  }
0xa0: {  	[sflag:s22] =	ssyncadd.s32 s3;
	_ =	sdelay $0x1  }
0xa1: {  	s23 =	simm.s32 $0x1B8B  }
0xa2: {  	_ =	swait.ge [sflag:s23], $0x1  }
0xa3: {  	[sflag:s23] =	ssyncset.done $0x0  }
0xa4: {  	s25 =	simm.s32 $0x1B8E;
	s24 =	sld [smem:$0x3FFE];
	[sflag:s23] =	ssyncadd.s32 $0xFFFFFFFF  }
0xa5: {  	s26 =	simm.s32 $execute0_lowered;
	[smem:$0x3FD2] =	sst s25  }
0xa6: {  	s4 =	sshll.u32 s26, $0x1;
	_ =	strace $0x80000058;
	[dreg:$0x1] =	wrdreg $0xFFFFFFFF  }
0xa7: {  	s28 =	simm.s32 $_size_execute0_lowered;
	s2 =	sadd.s32 s2, s4;
	[dreg:$0x0] =	wrdreg $0x0  }
0xa8: {  	s4 =	sshll.u32 s28, $0x1;
	[dreg:$0x2] =	wrdreg s2  }
0xa9: {  	[dreg:$0x3] =	wrdreg s4  }
0xaa: {  	[dreg:$0x4] =	wrdreg $0xC0  }
0xab: {  	_ =	task [dreg:s6], $0x5FFFF  }
0xac: {  	[dreg:$0x1] =	wrdreg $0xFFFFFFFF  }
0xad: {  	[dreg:$0x0] =	wrdreg $0x60  }
0xae: {  	[dreg:$0x2] =	wrdreg s24  }
0xaf: {  	[dreg:$0x3] =	wrdreg $0x154000  }
0xb0: {  	[dreg:$0x4] =	wrdreg $0x9  }
0xb1: {  	_ =	task.clear_ibuf [dreg:s6], $0x5FFFF;
	_ =	strace $0x90000058  }
0xb2: {  	s29 =	simm.s32 $0x9;
	_ =	strace $0x8000005A  }
0xb3: {  	_ =	swait.ge [sflag:s29], $0x1  }
0xb4: {  	[sflag:s29] =	ssyncadd.s32 $0xFFFFFFFF  }
0xb5: {  	_ =	strace $0x9000005A  }
0xb6: {  	_ =	sfence  }
0xb7: {  	s30 =	sld [smem:$0x0];
	_ =	sdelay $0x2  }
0xb8: {  	s31 =	sshll.u32 s1, $0xD;
	s1 =	sshrl.u32 s1, $0x2  }
0xb9: {  	s3 =	sand.u32 $0x4000, s31;
	s1 =	sadd.s32 s1, s30  }
0xba: {  	s0 =	sor.u32 s3, s0;
	s1 =	sshll.u32 s1, $0x11  }
0xbb: {  	s0 =	sor.u32 s1, s0  }
0xbc: {  	s0 =	sadd.s32 $0x8F2B, s0  }
0xbd: {  	[sflag:s0] =	ssyncadd.remote.s32 $0x1  }
0xbe: {  	_ =	sfence.sel $0xFFFF  }
0xbf: {  	[dreg:$0x0] =	wrdreg $0xFFFFFFFF;
	(pc) =	sbr.abs _section_cstart, $3  }
0xc0: {  	[dreg:$0x1] =	wrdreg $0xFFFFFFFF  }
0xc1: {  	_ =	task.clear_ibuf [dreg:s6], $0x2FFFF;
	_ =	strace $0x9FFFFFFF  }
0xc2: {  	(tm) =	ssettm $0x7FFFFFFF  }
0xc3: {  	_ =	shalt  }
tec
execute0_lowered:
.L_overlay_start_1:
0x0: {  	(tag) =	ssettag $0x1  }
0x1: {  	s13 =	rddreg [dreg:$0x0]  }
0x2: {  	s2 =	rddreg [dreg:$0x1]  }
0x3: {  	s0 =	rddreg [dreg:$0x2]  }
0x4: {  	s1 =	stileid.u32;
	s4 =	srdreg.scid;
	s3 =	simm.s32 $0x0  }
0x5: {  	s14 =	smul.u32 $0x4E20, s1;
	s15 =	sand.u32 $0x1, s4;
	s28 =	sshll.u32 s1, $0x1  }
0x6: {  	[smem:$0x7FF] =	sst s3;
	s5 =	sshll.u32 s1, $0x6;
	s9 =	sor.u32 s15, s28  }
0x7: {  	_ =	strace $0x80000059;
	s5 =	sor.u32 $0x1C01, s5;
	s29 =	sshrl.u32 s14, $0x3  }
0x8: {  	s8 =	smul.u32 $0x280, s9;
	s6 =	sadd.s32 s14, s2;
	s4 =	sadd.s32 s29, s13  }
0x9: {  	s7 =	sshrl.u32 s6, $0x3;
	s6 =	simm.s32 $0x1;
	s4 =	sadd.s32 $0x181800, s4  }
0xa: {  	[spmem:s7], [sflag:s5] =	dma.local [hbm:s4], $0x9C4  }
0xb: {  	_ =	swait.ge [sflag:s6], $0x9C4  }
0xc: {  	s8 =	sadd.s32 s8, s13;
	[sflag:s6] =	ssyncset.done $0x0  }
0xd: {  	s8 =	sadd.s32 $0x67200, s8;
	[sflag:s6] =	ssyncadd.s32 $0xFFFFF63C  }
0xe: {  	[tilespmem:s3], [sflag:$0x1] =	stream.linear.gather [hbm4b:s8+s3], $0x1400, $0x38;
	[tilespmem:$0x1A220] =	vst v63  }
0xf: {  	s9 =	smul.u32 $0x5000, s9;
	_ =	swait.ge [sflag:s6], $0x1400  }
0x10: {  	[sflag:s6] =	ssyncset.done $0x0  }
0x11: {  	s12 =	sadd.s32 s9, s13;
	[sflag:s6] =	ssyncadd.s32 $0xFFFFEC00  }
0x12: {  	s10 =	simm.s32 $0x1400;
	s9 =	sadd.s32 $0xE1800, s12;
	[bflag:$0x0] =	sbarrier.arrive $0xFFFF  }
0x13: {  	[tilespmem:s10], [sflag:$0x1] =	stream.linear.gather [hbm4b:s9+s3], $0x14000, $0x38;
	[tilespmem:$0x1A220] =	vst v63  }
0x14: {  	_ =	swait.ge [sflag:s6], $0x14000  }
0x15: {  	[sflag:s6] =	ssyncset.done $0x0  }
0x16: {  	s11 =	simm.s32 $0xA00;
	[sflag:s6] =	ssyncadd.s32 $0xFFFEC000  }
0x17: {  	[spmem:s2] =	stream.indirect.scatter.add.f32 [tilespmem:s10], [sflag:$0x1], $0x20, s3, s11, $0xb8;
	[tilespmem:$0x1A220] =	vst v63  }
0x18: {  	_ =	swait.ge [sflag:s6], $0x14000  }
0x19: {  	[sflag:s6] =	ssyncset.done $0x0  }
0x1a: {  	s16 =	smul.u32 $0x4E200, s15;
	s12 =	sadd.s32 $0xE4000, s12;
	[sflag:s6] =	ssyncadd.s32 $0xFFFEC000  }
0x1b: {  	[tilespmem:s10], [sflag:$0x1] =	stream.linear.gather [hbm4b:s12+s3], $0x14000, $0x38;
	[tilespmem:$0x1A220] =	vst v63  }
0x1c: {  	s15 =	ssub.s32 $0x2, s15;
	_ =	swait.ge [sflag:s6], $0x14000  }
0x1d: {  	s30 =	sshrl.u32 s15, $0x1;
	s14 =	sadd.s32 s14, s16;
	[sflag:s6] =	ssyncset.done $0x0  }
0x1e: {  	s31 =	ssub.s32 s15, s30;
	s14 =	sshrl.u32 s14, $0x3;
	[sflag:s6] =	ssyncadd.s32 $0xFFFEC000  }
0x1f: {  	[spmem:s2] =	stream.indirect.scatter.add.f32 [tilespmem:s10], [sflag:$0x1], $0x20, s11, s11, $0xb8;
	[tilespmem:$0x1A220] =	vst v63  }
0x20: {  	s13 =	sadd.s32 s14, s13;
	s14 =	smax.u32 s31, $0x1;
	_ =	swait.ge [sflag:s6], $0x14000  }
0x21: {  	p0 =	sne.s32 s14, $0x1;
	[sflag:s6] =	ssyncset.done $0x0  }
.Ltmp0:
0x22: {  	[sflag:s6] =	ssyncadd.s32 $0xFFFEC000;
	(pc) =	sbr.rel @!p0 .LBB2_2-.Ltmp0, $4  }
0x23: {  	s13 =	sadd.s32 $0x192000, s13;
	[bflag:$0x0] =	sbarrier.arrive $0xFFFF  }
0x24: {  	[hbm:s13], [sflag:s5] =	dma.local [spmem:s7], $0x9C4  }
0x25: {  	_ =	swait.ge [sflag:s6], $0x9C4  }
0x26: {  	s14 =	sadd.s32 $0xFFFFFFFF, s14;
	[sflag:s6] =	ssyncset.done $0x0  }
.LBB2_1:
0x27: {  	p0 =	sne.s32 s14, $0x1;
	s14 =	sadd.s32 $0xFFFFFFFF, s14;
	[sflag:s6] =	ssyncadd.s32 $0xFFFFF63C  }
0x28: {  	[spmem:s7], [sflag:s5] =	dma.local [hbm:s4], $0x9C4  }
0x29: {  	_ =	swait.ge [sflag:s6], $0x9C4  }
0x2a: {  	[sflag:s6] =	ssyncset.done $0x0  }
0x2b: {  	[sflag:s6] =	ssyncadd.s32 $0xFFFFF63C  }
0x2c: {  	[tilespmem:s3], [sflag:$0x1] =	stream.linear.gather [hbm4b:s8+s3], $0x1400, $0x38;
	[tilespmem:$0x1A220] =	vst v63  }
0x2d: {  	_ =	swait.ge [sflag:s6], $0x1400  }
0x2e: {  	[sflag:s6] =	ssyncset.done $0x0  }
0x2f: {  	[sflag:s6] =	ssyncadd.s32 $0xFFFFEC00  }
0x30: {  	[bflag:$0x0] =	sbarrier.arrive $0xFFFF  }
0x31: {  	[tilespmem:s10], [sflag:$0x1] =	stream.linear.gather [hbm4b:s9+s3], $0x14000, $0x38;
	[tilespmem:$0x1A220] =	vst v63  }
0x32: {  	_ =	swait.ge [sflag:s6], $0x14000  }
0x33: {  	[sflag:s6] =	ssyncset.done $0x0  }
0x34: {  	[sflag:s6] =	ssyncadd.s32 $0xFFFEC000  }
0x35: {  	[spmem:s2] =	stream.indirect.scatter.add.f32 [tilespmem:s10], [sflag:$0x1], $0x20, s3, s11, $0xb8;
	[tilespmem:$0x1A220] =	vst v63  }
0x36: {  	_ =	swait.ge [sflag:s6], $0x14000  }
0x37: {  	[sflag:s6] =	ssyncset.done $0x0  }
0x38: {  	[sflag:s6] =	ssyncadd.s32 $0xFFFEC000  }
0x39: {  	[tilespmem:s10], [sflag:$0x1] =	stream.linear.gather [hbm4b:s12+s3], $0x14000, $0x38;
	[tilespmem:$0x1A220] =	vst v63  }
0x3a: {  	_ =	swait.ge [sflag:s6], $0x14000  }
0x3b: {  	[sflag:s6] =	ssyncset.done $0x0  }
0x3c: {  	[sflag:s6] =	ssyncadd.s32 $0xFFFEC000  }
0x3d: {  	[spmem:s2] =	stream.indirect.scatter.add.f32 [tilespmem:s10], [sflag:$0x1], $0x20, s11, s11, $0xb8;
	[tilespmem:$0x1A220] =	vst v63  }
0x3e: {  	_ =	swait.ge [sflag:s6], $0x14000  }
0x3f: {  	[sflag:s6] =	ssyncset.done $0x0  }
.Ltmp1:
0x40: {  	[sflag:s6] =	ssyncadd.s32 $0xFFFEC000;
	(pc) =	sbr.rel @p0 .LBB2_1-.Ltmp1, $4  }
0x41: {  	[bflag:$0x0] =	sbarrier.arrive $0xFFFF  }
0x42: {  	[hbm:s13], [sflag:s5] =	dma.local [spmem:s7], $0x9C4  }
0x43: {  	_ =	swait.ge [sflag:s6], $0x9C4  }
0x44: {  	[sflag:s6] =	ssyncset.done $0x0  }
.LBB2_2:
0x45: {  	[sflag:s6] =	ssyncadd.s32 $0xFFFFF63C  }
0x46: {  	_ =	sfence.sel $0x180000  }
0x47: {  	[bflag:$0x0] =	sbarrier.arrive $0xFFFF  }
0x48: {  	p0 =	sne.s32 s1, $0x0;
	_ =	strace $0x90000059  }
0x49: {  	s0 =	sadd.s32 @!p0 $0x100000, s0;
	[bflag:$0x2] =	sbarrier.arrive $0xFFFF  }
0x4a: {  	[sflag:s0] =	ssyncadd.tile.s32 @!p0 $0x1;
	_ =	shalt  }
.Lfunc_end2:
_tile_overlayer_lowered:
.L_overlay_start_2:
0x4b: {  	(tag) =	ssettag $0x2  }
0x4c: {  	s0 =	rddreg [dreg:$0x0];
	s2 =	stileid.u32  }
0x4d: {  	s1 =	rddreg [dreg:$0x1];
	p0 =	sne.s32 s2, $0x0  }
0x4e: {  	s3 =	rddreg [dreg:$0x2];
	[bflag:$0x3] =	sbarrier.arrive $0xFFFF;
	s2 =	simm.s32 @!p0 $0x1C01  }
0x4f: {  	[timem:s3], [sflag:s2] =	dma.local @!p0 [hbm:s0], s1  }
0x50: {  	s0 =	simm.s32 @!p0 $0x1  }
0x51: {  	_ =	swait.ge @!p0 [sflag:s0], s1  }
0x52: {  	s1 =	ssub.s32 @!p0 $0x0, s1;
	[sflag:s0] =	ssyncset.done @!p0 $0x0  }
0x53: {  	[sflag:s0] =	ssyncadd.s32 @!p0 s1  }
0x54: {  	[bflag:$0x3] =	sbarrier.arrive $0xFFFF  }
0x55: {  	_ =	shalt  }

// kernel: kernel.43.cloned.1.call-start
scs
__scs_entry_jumppad:
0x0: {  	(pc) =	sbr.rel $0x88, $3  }
0x1: {  	(tag) =	ssettag $0x0;
	lr =	simm.s32 $0x1  }
0x2: {  	[smem:$0x3F8C] =	sst lr;
	_ =	strace $0xD0000000  }
0x3: {  	_ = 	snop  }
0x4: {  	_ = 	snop  }
0x5: {  	_ = 	snop  }
0x6: {  	_ = 	snop  }
0x7: {  	_ = 	snop  }
__scs_overlays_trampoline_lowered:
0x8: {  	[smem:$0x3F9B] =	sst s0  }
0x9: {  	[smem:$0x3F9C] =	sst s1  }
0xa: {  	[smem:$0x3F9D] =	sst s2  }
0xb: {  	[smem:$0x3F9E] =	sst s3  }
0xc: {  	[smem:$0x3F9F] =	sst s4  }
0xd: {  	[smem:$0x3FA0] =	sst s5  }
0xe: {  	[smem:$0x3FA1] =	sst s6  }
0xf: {  	[smem:$0x3FA2] =	sst s7  }
0x10: {  	[smem:$0x3FA3] =	sst s8  }
0x11: {  	[smem:$0x3FA4] =	sst s9;
	s0 =	simm.s32 @!p0 $0x0  }
0x12: {  	s1 =	sld [smem:$0x3F8A];
	s0 =	simm.s32 @p0 $0x1  }
0x13: {  	[smem:$0x3FA5] =	sst s0;
	s0 =	simm.s32 @!p1 $0x0  }
0x14: {  	s2 =	sld [smem:$0x3F89];
	s0 =	simm.s32 @p1 $0x1  }
0x15: {  	[smem:$0x3FA6] =	sst s0;
	s0 =	simm.s32 @!p2 $0x0  }
0x16: {  	s3 =	sld [smem:$0x3FDB];
	s0 =	simm.s32 @p2 $0x1  }
0x17: {  	s4 =	simm.s32 $0x1BF5;
	[smem:$0x3FA8] =	sst s0  }
0x18: {  	s0 =	sld [smem:$0x3F8B];
	_ =	swait.ge [sflag:s4], $0x0  }
0x19: {  	s7 =	sld [smem:$0x3F8C]  }
0x1a: {  	s8 =	sadd.s32 $0xFFFFE003, lr  }
0x1b: {  	s9 =	sadd.s32 $0xFFFFFEF7, lr;
	s5 =	simm.s32 $0xFFFFFFFF;
	p2 =	slt.u32 s8, $0xFFFFF086  }
0x1c: {  	p1 =	slt.u32 s9, $0xF7A;
	s5 =	simm.s32 @!p2 $0x0  }
0x1d: {  	s5 =	simm.s32 @p1 $0x1;
	p0 =	seq.s32 s7, s2  }
0x1e: {  	s7 =	smul.u32 @!p0 $0xF7A, s2;
	p2 =	seq.s32 @!p0 s5, $0x0  }
0x1f: {  	s9 =	smul.u32 $0xF7A, s1;
	s8 =	simm.s32 @!p0 $0x1BF5;
	p2 =	por !p2, p0  }
0x20: {  	[sflag:s8] =	ssyncset.s32 @!p0 $0xFFFFF086;
	s6 =	sadd.s32 @!p0 s3, s7;
	s7 =	simm.s32 @!p0 $0x108  }
0x21: {  	s3 =	sadd.s32 s3, s9;
	s6 =	sadd.s32 @!p0 $0x88, s6;
	s7 =	simm.s32 @p2 $0x1082  }
0x22: {  	[simem:s7], [sflag:s8] =	dma.local @!p0 [hbm:s6], $0xF7A  }
0x23: {  	s9 =	sor.u32 $0xD0000000, s2;
	s6 =	simm.s32 $0x108;
	_ =	swait.ge @!p0 [sflag:s8], $0x0  }
0x24: {  	s3 =	sadd.s32 $0x88, s3;
	s6 =	simm.s32 @!p1 $0x1082;
	[sflag:s4] =	ssyncset.s32 $0xFFFFF086  }
0x25: {  	[simem:s6], [sflag:s4] =	dma.local [hbm:s3], $0xF7A  }
0x26: {  	[smem:$0x3F8C] =	sst s1;
	(tag) =	ssettag s2;
	_ =	strace s9  }
0x27: {  	s1 =	sld [smem:$0x3F9C]  }
0x28: {  	s2 =	sld [smem:$0x3F9D]  }
0x29: {  	s4 =	sld [smem:$0x3F9F]  }
0x2a: {  	p0 =	seq.s32 s5, $0x0;
	s5 =	sld [smem:$0x3FA0]  }
0x2b: {  	s6 =	sld [smem:$0x3FA1]  }
0x2c: {  	s7 =	sld [smem:$0x3FA2]  }
0x2d: {  	s3 =	simm.s32 $0x108;
	s8 =	sld [smem:$0x3FA3]  }
0x2e: {  	s3 =	simm.s32 @!p0 $0x1082;
	s9 =	sld [smem:$0x3FA4]  }
0x2f: {  	lr =	sadd.s32 s0, s3;
	s0 =	sld [smem:$0x3F9B]  }
0x30: {  	s3 =	sld [smem:$0x3F9E]  }
0x31: {  	[smem:$0x3FA7] =	sst s10  }
0x32: {  	s10 =	sld [smem:$0x3FA5];
	_ =	sdelay $0x3  }
0x33: {  	p0 =	seq.s32 s10, $0x1;
	s10 =	sld [smem:$0x3FA7];
	_ =	sdelay $0x3  }
0x34: {  	[smem:$0x3FA7] =	sst s10  }
0x35: {  	s10 =	sld [smem:$0x3FA6];
	_ =	sdelay $0x3  }
0x36: {  	p1 =	seq.s32 s10, $0x1;
	s10 =	sld [smem:$0x3FA7];
	_ =	sdelay $0x3  }
0x37: {  	[smem:$0x3FA7] =	sst s10  }
0x38: {  	s10 =	sld [smem:$0x3FA8]  }
0x39: {  	_ = 	snop;
	(pc) =	sbr.ind lr, $3  }
0x3a: {  	_ = 	snop  }
0x3b: {  	_ = 	snop  }
0x3c: {  	p2 =	seq.s32 s10, $0x1;
	s10 =	sld [smem:$0x3FA7]  }
0x3d: {  	_ =	shalt  }
0x3e: {  	_ =	shalt  }
0x3f: {  	_ =	shalt  }
0x40: {  	_ =	shalt  }
0x41: {  	_ =	shalt  }
0x42: {  	_ =	shalt  }
0x43: {  	_ =	shalt  }
0x44: {  	_ =	shalt  }
0x45: {  	_ =	shalt  }
0x46: {  	_ =	shalt  }
0x47: {  	_ =	shalt  }
0x48: {  	_ =	shalt  }
0x49: {  	_ =	shalt  }
0x4a: {  	_ =	shalt  }
0x4b: {  	_ =	shalt  }
0x4c: {  	_ =	shalt  }
0x4d: {  	_ =	shalt  }
0x4e: {  	_ =	shalt  }
0x4f: {  	_ =	shalt  }
0x50: {  	_ =	shalt  }
0x51: {  	_ =	shalt  }
0x52: {  	_ =	shalt  }
0x53: {  	_ =	shalt  }
0x54: {  	_ =	shalt  }
0x55: {  	_ =	shalt  }
0x56: {  	_ =	shalt  }
0x57: {  	_ =	shalt  }
0x58: {  	_ =	shalt  }
0x59: {  	_ =	shalt  }
0x5a: {  	_ =	shalt  }
0x5b: {  	_ =	shalt  }
0x5c: {  	_ =	shalt  }
0x5d: {  	_ =	shalt  }
0x5e: {  	_ =	shalt  }
0x5f: {  	_ =	shalt  }
0x60: {  	_ =	shalt  }
0x61: {  	_ =	shalt  }
0x62: {  	_ =	shalt  }
0x63: {  	_ =	shalt  }
0x64: {  	_ =	shalt  }
0x65: {  	_ =	shalt  }
0x66: {  	_ =	shalt  }
0x67: {  	_ =	shalt  }
0x68: {  	_ =	shalt  }
0x69: {  	_ =	shalt  }
0x6a: {  	_ =	shalt  }
0x6b: {  	_ =	shalt  }
0x6c: {  	_ =	shalt  }
0x6d: {  	_ =	shalt  }
0x6e: {  	_ =	shalt  }
0x6f: {  	_ =	shalt  }
0x70: {  	_ =	shalt  }
0x71: {  	_ =	shalt  }
0x72: {  	_ =	shalt  }
0x73: {  	_ =	shalt  }
0x74: {  	_ =	shalt  }
0x75: {  	_ =	shalt  }
0x76: {  	_ =	shalt  }
0x77: {  	_ =	shalt  }
0x78: {  	_ =	shalt  }
0x79: {  	_ =	shalt  }
0x7a: {  	_ =	shalt  }
0x7b: {  	_ =	shalt  }
0x7c: {  	_ =	shalt  }
0x7d: {  	_ =	shalt  }
0x7e: {  	_ =	shalt  }
0x7f: {  	_ =	shalt  }
0x80: {  	_ =	shalt  }
0x81: {  	_ =	shalt  }
0x82: {  	_ =	shalt  }
0x83: {  	_ =	shalt  }
0x84: {  	_ =	shalt  }
0x85: {  	_ =	shalt  }
0x86: {  	_ =	shalt  }
0x87: {  	_ =	shalt  }
.Lfunc_end0:
.L_simem_size_0:
called_computation.7_lowered:
.L_overlay_start_0:
0x88: {  	s2 =	sld [smem:$0x3FD9]  }
0x89: {  	s3 =	sld [smem:$0x3FFE];
	_ =	sdelay $0x1  }
0x8a: {  	s1 =	srdreg.scid  }
0x8b: {  	s0 =	sand.u32 $0x1, s1  }
0x8c: {  	s16 =	sshll.u32 s0, $0xA;
	s2 =	sadd.s32 s3, s2  }
0x8d: {  	s2 =	sadd.s32 s2, s16  }
0x8e: {  	[smem:$0x3FB3] =	sst s2  }
0x8f: {  	_ = 	snop  }
0x90: {  	(tm) =	ssettm $0x1  }
0x91: {  	s17 =	sld [smem:$0x3FFB];
	_ =	sdelay $0x3  }
0x92: {  	_ =	strace s17  }
0x93: {  	s2 =	sld [smem:$0x3FFC];
	_ =	sdelay $0x3  }
0x94: {  	_ =	strace s2  }
0x95: {  	s2 =	sld [smem:$0x3FFD];
	_ =	sdelay $0x3  }
0x96: {  	_ =	strace s2  }
0x97: {  	_ =	strace $0x8FFFFFFF  }
0x98: {  	s18 =	sld [smem:$0x3FDB];
	_ =	sdelay $0x1  }
0x99: {  	s19 =	simm.s32 $_scs_section_size  }
0x9a: {  	s4 =	simm.s32 $_size__tile_overlayer_lowered;
	s5 =	simm.s32 $_tile_overlayer_lowered  }
0x9b: {  	s22 =	simm.s32 $0x1BFF;
	s21 =	sshll.u32 s5, $0x1;
	s2 =	sadd.s32 s19, s18  }
0x9c: {  	s6 =	simm.s32 $0x0;
	s20 =	sshll.u32 s4, $0x1;
	s4 =	sadd.s32 s21, s2  }
0x9d: {  	[timem:s6], [sflag:s22] =	dma.local [hbm:s4], s20  }
0x9e: {  	_ =	swait.ge [sflag:s22], s20  }
0x9f: {  	s3 =	ssub.s32 $0x0, s20;
	[sflag:s22] =	ssyncset.done $0x0  }
0xa0: {  	[sflag:s22] =	ssyncadd.s32 s3;
	_ =	sdelay $0x1  }
0xa1: {  	s23 =	simm.s32 $0x1B8B  }
0xa2: {  	_ =	swait.ge [sflag:s23], $0x1  }
0xa3: {  	[sflag:s23] =	ssyncset.done $0x0  }
0xa4: {  	s25 =	simm.s32 $0x1B8E;
	s24 =	sld [smem:$0x3FFE];
	[sflag:s23] =	ssyncadd.s32 $0xFFFFFFFF  }
0xa5: {  	s26 =	simm.s32 $execute0_lowered;
	[smem:$0x3FD2] =	sst s25  }
0xa6: {  	s4 =	sshll.u32 s26, $0x1;
	_ =	strace $0x8000005B;
	[dreg:$0x1] =	wrdreg $0xFFFFFFFF  }
0xa7: {  	s28 =	simm.s32 $_size_execute0_lowered;
	s2 =	sadd.s32 s2, s4;
	[dreg:$0x0] =	wrdreg $0x0  }
0xa8: {  	s4 =	sshll.u32 s28, $0x1;
	[dreg:$0x2] =	wrdreg s2  }
0xa9: {  	[dreg:$0x3] =	wrdreg s4  }
0xaa: {  	[dreg:$0x4] =	wrdreg $0xC0  }
0xab: {  	_ =	task [dreg:s6], $0x5FFFF  }
0xac: {  	[dreg:$0x1] =	wrdreg $0xFFFFFFFF  }
0xad: {  	[dreg:$0x0] =	wrdreg $0x60  }
0xae: {  	[dreg:$0x2] =	wrdreg s24  }
0xaf: {  	[dreg:$0x3] =	wrdreg $0x9  }
0xb0: {  	_ =	task.clear_ibuf [dreg:s6], $0x4FFFF;
	_ =	strace $0x9000005B  }
0xb1: {  	s29 =	simm.s32 $0x9;
	_ =	strace $0x8000005D  }
0xb2: {  	_ =	swait.ge [sflag:s29], $0x1  }
0xb3: {  	[sflag:s29] =	ssyncadd.s32 $0xFFFFFFFF  }
0xb4: {  	_ =	strace $0x9000005D  }
0xb5: {  	_ =	sfence  }
0xb6: {  	s30 =	sld [smem:$0x0];
	_ =	sdelay $0x2  }
0xb7: {  	s31 =	sshll.u32 s1, $0xD;
	s1 =	sshrl.u32 s1, $0x2  }
0xb8: {  	s3 =	sand.u32 $0x4000, s31;
	s1 =	sadd.s32 s1, s30  }
0xb9: {  	s0 =	sor.u32 s3, s0;
	s1 =	sshll.u32 s1, $0x11  }
0xba: {  	s0 =	sor.u32 s1, s0  }
0xbb: {  	s0 =	sadd.s32 $0x8F2B, s0  }
0xbc: {  	[sflag:s0] =	ssyncadd.remote.s32 $0x1  }
0xbd: {  	_ =	sfence.sel $0xFFFF  }
0xbe: {  	[dreg:$0x0] =	wrdreg $0xFFFFFFFF;
	(pc) =	sbr.abs _section_cstart, $3  }
0xbf: {  	[dreg:$0x1] =	wrdreg $0xFFFFFFFF  }
0xc0: {  	_ =	task.clear_ibuf [dreg:s6], $0x2FFFF;
	_ =	strace $0x9FFFFFFF  }
0xc1: {  	(tm) =	ssettm $0x7FFFFFFF  }
tec
execute0_lowered:
.L_overlay_start_1:
0x0: {  	(tag) =	ssettag $0x1  }
0x1: {  	s1 =	srdreg.scid;
	s0 =	stileid.u32  }
0x2: {  	s10 =	sand.u32 $0x1, s1;
	s31 =	sshll.u32 s0, $0x1  }
0x3: {  	s6 =	sor.u32 s10, s31  }
0x4: {  	s9 =	rddreg [dreg:$0x0];
	s3 =	smul.u32 $0x280, s6  }
0x5: {  	s2 =	simm.s32 $0x0;
	s1 =	rddreg [dreg:$0x1]  }
0x6: {  	[smem:$0x7FF] =	sst s2;
	s3 =	sadd.s32 s3, s9  }
0x7: {  	_ =	strace $0x8000005C;
	s4 =	sadd.s32 $0x18B600, s3;
	s3 =	simm.s32 $0x2  }
0x8: {  	[tilespmem:s2], [sflag:$0x2] =	stream.linear.gather [hbm4b:s4+s2], $0x1400, $0x38;
	[tilespmem:$0x15400] =	vst v63  }
0x9: {  	s7 =	simm.s32 $0x1400;
	_ =	swait.ge [sflag:s3], $0x1400  }
0xa: {  	s8 =	simm.s32 $0x1;
	s5 =	sadd.s32 $0x93400, s9;
	[sflag:s3] =	ssyncset.done $0x0  }
0xb: {  	s11 =	smul.u32 $0x5000, s6;
	s6 =	simm.s32 $0xA00;
	[sflag:s3] =	ssyncadd.s32 $0xFFFFEC00  }
0xc: {  	[tilespmem:s7], [sflag:$0x1] =	stream.indirect.gather [hbm4b:s5+s6], $0x20, s2, s6, $0xb8;
	[tilespmem:$0x15400] =	vst v63  }
0xd: {  	_ =	swait.ge [sflag:s8], $0x14000  }
0xe: {  	s11 =	sadd.s32 s11, s9;
	[sflag:s8] =	ssyncset.done $0x0  }
0xf: {  	s10 =	ssub.s32 $0x2, s10;
	s9 =	sadd.s32 $0xE1800, s11;
	[sflag:s8] =	ssyncadd.s32 $0xFFFEC000  }
0x10: {  	[hbm4b:s9+s2] =	stream.linear.scatter [tilespmem:s7], [sflag:$0x2], $0x14000, $0x38;
	[tilespmem:$0x15400] =	vst v63  }
0x11: {  	s12 =	sshrl.u32 s10, $0x1;
	_ =	swait.ge [sflag:s3], $0x14000  }
0x12: {  	s10 =	ssub.s32 s10, s12;
	[sflag:s3] =	ssyncset.done $0x0  }
0x13: {  	s12 =	smax.u32 s10, $0x1;
	[sflag:s3] =	ssyncadd.s32 $0xFFFEC000  }
0x14: {  	[tilespmem:s7], [sflag:$0x1] =	stream.indirect.gather [hbm4b:s5+s6], $0x20, s6, s6, $0xb8;
	[tilespmem:$0x15400] =	vst v63  }
0x15: {  	p0 =	sne.s32 s12, $0x1;
	_ =	swait.ge [sflag:s8], $0x14000  }
.Ltmp0:
0x16: {  	[sflag:s8] =	ssyncset.done $0x0;
	(pc) =	sbr.rel @!p0 .LBB2_2-.Ltmp0, $4  }
0x17: {  	s10 =	sadd.s32 $0xE4000, s11;
	[sflag:s8] =	ssyncadd.s32 $0xFFFEC000  }
0x18: {  	[hbm4b:s10+s2] =	stream.linear.scatter [tilespmem:s7], [sflag:$0x2], $0x14000, $0x38;
	[tilespmem:$0x15400] =	vst v63  }
0x19: {  	_ =	swait.ge [sflag:s3], $0x14000  }
0x1a: {  	s11 =	sadd.s32 $0xFFFFFFFF, s12;
	[sflag:s3] =	ssyncset.done $0x0  }
.LBB2_1:
0x1b: {  	p0 =	sne.s32 s11, $0x1;
	s11 =	sadd.s32 $0xFFFFFFFF, s11;
	[sflag:s3] =	ssyncadd.s32 $0xFFFEC000  }
0x1c: {  	[tilespmem:s2], [sflag:$0x2] =	stream.linear.gather [hbm4b:s4+s2], $0x1400, $0x38;
	[tilespmem:$0x15400] =	vst v63  }
0x1d: {  	_ =	swait.ge [sflag:s3], $0x1400  }
0x1e: {  	[sflag:s3] =	ssyncset.done $0x0  }
0x1f: {  	[sflag:s3] =	ssyncadd.s32 $0xFFFFEC00  }
0x20: {  	[tilespmem:s7], [sflag:$0x1] =	stream.indirect.gather [hbm4b:s5+s6], $0x20, s2, s6, $0xb8;
	[tilespmem:$0x15400] =	vst v63  }
0x21: {  	_ =	swait.ge [sflag:s8], $0x14000  }
0x22: {  	[sflag:s8] =	ssyncset.done $0x0  }
0x23: {  	[sflag:s8] =	ssyncadd.s32 $0xFFFEC000  }
0x24: {  	[hbm4b:s9+s2] =	stream.linear.scatter [tilespmem:s7], [sflag:$0x2], $0x14000, $0x38;
	[tilespmem:$0x15400] =	vst v63  }
0x25: {  	_ =	swait.ge [sflag:s3], $0x14000  }
0x26: {  	[sflag:s3] =	ssyncset.done $0x0  }
0x27: {  	[sflag:s3] =	ssyncadd.s32 $0xFFFEC000  }
0x28: {  	[tilespmem:s7], [sflag:$0x1] =	stream.indirect.gather [hbm4b:s5+s6], $0x20, s6, s6, $0xb8;
	[tilespmem:$0x15400] =	vst v63  }
0x29: {  	_ =	swait.ge [sflag:s8], $0x14000  }
.Ltmp1:
0x2a: {  	[sflag:s8] =	ssyncset.done $0x0;
	(pc) =	sbr.rel @p0 .LBB2_1-.Ltmp1, $4  }
0x2b: {  	[sflag:s8] =	ssyncadd.s32 $0xFFFEC000  }
0x2c: {  	[hbm4b:s10+s2] =	stream.linear.scatter [tilespmem:s7], [sflag:$0x2], $0x14000, $0x38;
	[tilespmem:$0x15400] =	vst v63  }
0x2d: {  	_ =	swait.ge [sflag:s3], $0x14000  }
0x2e: {  	[sflag:s3] =	ssyncset.done $0x0  }
.LBB2_2:
0x2f: {  	[sflag:s3] =	ssyncadd.s32 $0xFFFEC000  }
0x30: {  	_ =	sfence.sel $0x180000  }
0x31: {  	[bflag:$0x0] =	sbarrier.arrive $0xFFFF  }
0x32: {  	p0 =	sne.s32 s0, $0x0;
	_ =	strace $0x9000005C  }
0x33: {  	s0 =	sadd.s32 @!p0 $0x100000, s1;
	[bflag:$0x2] =	sbarrier.arrive $0xFFFF  }
0x34: {  	[sflag:s0] =	ssyncadd.tile.s32 @!p0 $0x1;
	_ =	shalt  }
.Lfunc_end2:
_tile_overlayer_lowered:
.L_overlay_start_2:
0x35: {  	(tag) =	ssettag $0x2  }
0x36: {  	s0 =	rddreg [dreg:$0x0];
	s2 =	stileid.u32  }
0x37: {  	s1 =	rddreg [dreg:$0x1];
	p0 =	sne.s32 s2, $0x0  }
0x38: {  	s3 =	rddreg [dreg:$0x2];
	[bflag:$0x3] =	sbarrier.arrive $0xFFFF;
	s2 =	simm.s32 @!p0 $0x1C02  }
0x39: {  	[timem:s3], [sflag:s2] =	dma.local @!p0 [hbm:s0], s1  }
0x3a: {  	s0 =	simm.s32 @!p0 $0x2  }
0x3b: {  	_ =	swait.ge @!p0 [sflag:s0], s1  }
0x3c: {  	s1 =	ssub.s32 @!p0 $0x0, s1;
	[sflag:s0] =	ssyncset.done @!p0 $0x0  }
0x3d: {  	[sflag:s0] =	ssyncadd.s32 @!p0 s1  }
0x3e: {  	[bflag:$0x3] =	sbarrier.arrive $0xFFFF  }
0x3f: {  	_ =	shalt  }

// kernel: kernel.46.cloned.1.call-start
scs
__scs_entry_jumppad:
0x0: {  	(pc) =	sbr.rel $0x88, $3  }
0x1: {  	(tag) =	ssettag $0x0;
	lr =	simm.s32 $0x1  }
0x2: {  	[smem:$0x3F8C] =	sst lr;
	_ =	strace $0xD0000000  }
0x3: {  	_ = 	snop  }
0x4: {  	_ = 	snop  }
0x5: {  	_ = 	snop  }
0x6: {  	_ = 	snop  }
0x7: {  	_ = 	snop  }
__scs_overlays_trampoline_lowered:
0x8: {  	[smem:$0x3F9B] =	sst s0  }
0x9: {  	[smem:$0x3F9C] =	sst s1  }
0xa: {  	[smem:$0x3F9D] =	sst s2  }
0xb: {  	[smem:$0x3F9E] =	sst s3  }
0xc: {  	[smem:$0x3F9F] =	sst s4  }
0xd: {  	[smem:$0x3FA0] =	sst s5  }
0xe: {  	[smem:$0x3FA1] =	sst s6  }
0xf: {  	[smem:$0x3FA2] =	sst s7  }
0x10: {  	[smem:$0x3FA3] =	sst s8  }
0x11: {  	[smem:$0x3FA4] =	sst s9;
	s0 =	simm.s32 @!p0 $0x0  }
0x12: {  	s1 =	sld [smem:$0x3F8A];
	s0 =	simm.s32 @p0 $0x1  }
0x13: {  	[smem:$0x3FA5] =	sst s0;
	s0 =	simm.s32 @!p1 $0x0  }
0x14: {  	s2 =	sld [smem:$0x3F89];
	s0 =	simm.s32 @p1 $0x1  }
0x15: {  	[smem:$0x3FA6] =	sst s0;
	s0 =	simm.s32 @!p2 $0x0  }
0x16: {  	s3 =	sld [smem:$0x3FDB];
	s0 =	simm.s32 @p2 $0x1  }
0x17: {  	s4 =	simm.s32 $0x1BF5;
	[smem:$0x3FA8] =	sst s0  }
0x18: {  	s0 =	sld [smem:$0x3F8B];
	_ =	swait.ge [sflag:s4], $0x0  }
0x19: {  	s7 =	sld [smem:$0x3F8C]  }
0x1a: {  	s8 =	sadd.s32 $0xFFFFE003, lr  }
0x1b: {  	s9 =	sadd.s32 $0xFFFFFEF7, lr;
	s5 =	simm.s32 $0xFFFFFFFF;
	p2 =	slt.u32 s8, $0xFFFFF086  }
0x1c: {  	p1 =	slt.u32 s9, $0xF7A;
	s5 =	simm.s32 @!p2 $0x0  }
0x1d: {  	s5 =	simm.s32 @p1 $0x1;
	p0 =	seq.s32 s7, s2  }
0x1e: {  	s7 =	smul.u32 @!p0 $0xF7A, s2;
	p2 =	seq.s32 @!p0 s5, $0x0  }
0x1f: {  	s9 =	smul.u32 $0xF7A, s1;
	s8 =	simm.s32 @!p0 $0x1BF5;
	p2 =	por !p2, p0  }
0x20: {  	[sflag:s8] =	ssyncset.s32 @!p0 $0xFFFFF086;
	s6 =	sadd.s32 @!p0 s3, s7;
	s7 =	simm.s32 @!p0 $0x108  }
0x21: {  	s3 =	sadd.s32 s3, s9;
	s6 =	sadd.s32 @!p0 $0x88, s6;
	s7 =	simm.s32 @p2 $0x1082  }
0x22: {  	[simem:s7], [sflag:s8] =	dma.local @!p0 [hbm:s6], $0xF7A  }
0x23: {  	s9 =	sor.u32 $0xD0000000, s2;
	s6 =	simm.s32 $0x108;
	_ =	swait.ge @!p0 [sflag:s8], $0x0  }
0x24: {  	s3 =	sadd.s32 $0x88, s3;
	s6 =	simm.s32 @!p1 $0x1082;
	[sflag:s4] =	ssyncset.s32 $0xFFFFF086  }
0x25: {  	[simem:s6], [sflag:s4] =	dma.local [hbm:s3], $0xF7A  }
0x26: {  	[smem:$0x3F8C] =	sst s1;
	(tag) =	ssettag s2;
	_ =	strace s9  }
0x27: {  	s1 =	sld [smem:$0x3F9C]  }
0x28: {  	s2 =	sld [smem:$0x3F9D]  }
0x29: {  	s4 =	sld [smem:$0x3F9F]  }
0x2a: {  	p0 =	seq.s32 s5, $0x0;
	s5 =	sld [smem:$0x3FA0]  }
0x2b: {  	s6 =	sld [smem:$0x3FA1]  }
0x2c: {  	s7 =	sld [smem:$0x3FA2]  }
0x2d: {  	s3 =	simm.s32 $0x108;
	s8 =	sld [smem:$0x3FA3]  }
0x2e: {  	s3 =	simm.s32 @!p0 $0x1082;
	s9 =	sld [smem:$0x3FA4]  }
0x2f: {  	lr =	sadd.s32 s0, s3;
	s0 =	sld [smem:$0x3F9B]  }
0x30: {  	s3 =	sld [smem:$0x3F9E]  }
0x31: {  	[smem:$0x3FA7] =	sst s10  }
0x32: {  	s10 =	sld [smem:$0x3FA5];
	_ =	sdelay $0x3  }
0x33: {  	p0 =	seq.s32 s10, $0x1;
	s10 =	sld [smem:$0x3FA7];
	_ =	sdelay $0x3  }
0x34: {  	[smem:$0x3FA7] =	sst s10  }
0x35: {  	s10 =	sld [smem:$0x3FA6];
	_ =	sdelay $0x3  }
0x36: {  	p1 =	seq.s32 s10, $0x1;
	s10 =	sld [smem:$0x3FA7];
	_ =	sdelay $0x3  }
0x37: {  	[smem:$0x3FA7] =	sst s10  }
0x38: {  	s10 =	sld [smem:$0x3FA8]  }
0x39: {  	_ = 	snop;
	(pc) =	sbr.ind lr, $3  }
0x3a: {  	_ = 	snop  }
0x3b: {  	_ = 	snop  }
0x3c: {  	p2 =	seq.s32 s10, $0x1;
	s10 =	sld [smem:$0x3FA7]  }
0x3d: {  	_ =	shalt  }
0x3e: {  	_ =	shalt  }
0x3f: {  	_ =	shalt  }
0x40: {  	_ =	shalt  }
0x41: {  	_ =	shalt  }
0x42: {  	_ =	shalt  }
0x43: {  	_ =	shalt  }
0x44: {  	_ =	shalt  }
0x45: {  	_ =	shalt  }
0x46: {  	_ =	shalt  }
0x47: {  	_ =	shalt  }
0x48: {  	_ =	shalt  }
0x49: {  	_ =	shalt  }
0x4a: {  	_ =	shalt  }
0x4b: {  	_ =	shalt  }
0x4c: {  	_ =	shalt  }
0x4d: {  	_ =	shalt  }
0x4e: {  	_ =	shalt  }
0x4f: {  	_ =	shalt  }
0x50: {  	_ =	shalt  }
0x51: {  	_ =	shalt  }
0x52: {  	_ =	shalt  }
0x53: {  	_ =	shalt  }
0x54: {  	_ =	shalt  }
0x55: {  	_ =	shalt  }
0x56: {  	_ =	shalt  }
0x57: {  	_ =	shalt  }
0x58: {  	_ =	shalt  }
0x59: {  	_ =	shalt  }
0x5a: {  	_ =	shalt  }
0x5b: {  	_ =	shalt  }
0x5c: {  	_ =	shalt  }
0x5d: {  	_ =	shalt  }
0x5e: {  	_ =	shalt  }
0x5f: {  	_ =	shalt  }
0x60: {  	_ =	shalt  }
0x61: {  	_ =	shalt  }
0x62: {  	_ =	shalt  }
0x63: {  	_ =	shalt  }
0x64: {  	_ =	shalt  }
0x65: {  	_ =	shalt  }
0x66: {  	_ =	shalt  }
0x67: {  	_ =	shalt  }
0x68: {  	_ =	shalt  }
0x69: {  	_ =	shalt  }
0x6a: {  	_ =	shalt  }
0x6b: {  	_ =	shalt  }
0x6c: {  	_ =	shalt  }
0x6d: {  	_ =	shalt  }
0x6e: {  	_ =	shalt  }
0x6f: {  	_ =	shalt  }
0x70: {  	_ =	shalt  }
0x71: {  	_ =	shalt  }
0x72: {  	_ =	shalt  }
0x73: {  	_ =	shalt  }
0x74: {  	_ =	shalt  }
0x75: {  	_ =	shalt  }
0x76: {  	_ =	shalt  }
0x77: {  	_ =	shalt  }
0x78: {  	_ =	shalt  }
0x79: {  	_ =	shalt  }
0x7a: {  	_ =	shalt  }
0x7b: {  	_ =	shalt  }
0x7c: {  	_ =	shalt  }
0x7d: {  	_ =	shalt  }
0x7e: {  	_ =	shalt  }
0x7f: {  	_ =	shalt  }
0x80: {  	_ =	shalt  }
0x81: {  	_ =	shalt  }
0x82: {  	_ =	shalt  }
0x83: {  	_ =	shalt  }
0x84: {  	_ =	shalt  }
0x85: {  	_ =	shalt  }
0x86: {  	_ =	shalt  }
0x87: {  	_ =	shalt  }
.Lfunc_end0:
.L_simem_size_0:
called_computation.8_lowered:
.L_overlay_start_0:
0x88: {  	s2 =	sld [smem:$0x3FD9]  }
0x89: {  	s3 =	sld [smem:$0x3FFE];
	_ =	sdelay $0x1  }
0x8a: {  	s1 =	srdreg.scid  }
0x8b: {  	s0 =	sand.u32 $0x1, s1  }
0x8c: {  	s16 =	sshll.u32 s0, $0xA;
	s2 =	sadd.s32 s3, s2  }
0x8d: {  	s2 =	sadd.s32 s2, s16  }
0x8e: {  	[smem:$0x3FB3] =	sst s2  }
0x8f: {  	_ = 	snop  }
0x90: {  	(tm) =	ssettm $0x1  }
0x91: {  	s17 =	sld [smem:$0x3FFB];
	_ =	sdelay $0x3  }
0x92: {  	_ =	strace s17  }
0x93: {  	s2 =	sld [smem:$0x3FFC];
	_ =	sdelay $0x3  }
0x94: {  	_ =	strace s2  }
0x95: {  	s2 =	sld [smem:$0x3FFD];
	_ =	sdelay $0x3  }
0x96: {  	_ =	strace s2  }
0x97: {  	_ =	strace $0x8FFFFFFF  }
0x98: {  	s18 =	sld [smem:$0x3FDB];
	_ =	sdelay $0x1  }
0x99: {  	s19 =	simm.s32 $_scs_section_size  }
0x9a: {  	s4 =	simm.s32 $_size__tile_overlayer_lowered;
	s5 =	simm.s32 $_tile_overlayer_lowered  }
0x9b: {  	s22 =	simm.s32 $0x1BFF;
	s21 =	sshll.u32 s5, $0x1;
	s2 =	sadd.s32 s19, s18  }
0x9c: {  	s6 =	simm.s32 $0x0;
	s20 =	sshll.u32 s4, $0x1;
	s4 =	sadd.s32 s21, s2  }
0x9d: {  	[timem:s6], [sflag:s22] =	dma.local [hbm:s4], s20  }
0x9e: {  	_ =	swait.ge [sflag:s22], s20  }
0x9f: {  	s3 =	ssub.s32 $0x0, s20;
	[sflag:s22] =	ssyncset.done $0x0  }
0xa0: {  	[sflag:s22] =	ssyncadd.s32 s3;
	_ =	sdelay $0x1  }
0xa1: {  	s23 =	simm.s32 $0x1B8B  }
0xa2: {  	_ =	swait.ge [sflag:s23], $0x1  }
0xa3: {  	[sflag:s23] =	ssyncset.done $0x0  }
0xa4: {  	s25 =	simm.s32 $0x1B8E;
	s24 =	sld [smem:$0x3FFE];
	[sflag:s23] =	ssyncadd.s32 $0xFFFFFFFF  }
0xa5: {  	s26 =	simm.s32 $execute0_lowered;
	[smem:$0x3FD2] =	sst s25  }
0xa6: {  	s4 =	sshll.u32 s26, $0x1;
	_ =	strace $0x8000005E;
	[dreg:$0x1] =	wrdreg $0xFFFFFFFF  }
0xa7: {  	s28 =	simm.s32 $_size_execute0_lowered;
	s2 =	sadd.s32 s2, s4;
	[dreg:$0x0] =	wrdreg $0x0  }
0xa8: {  	s4 =	sshll.u32 s28, $0x1;
	[dreg:$0x2] =	wrdreg s2  }
0xa9: {  	[dreg:$0x3] =	wrdreg s4  }
0xaa: {  	[dreg:$0x4] =	wrdreg $0xC0  }
0xab: {  	_ =	task [dreg:s6], $0x5FFFF  }
0xac: {  	[dreg:$0x1] =	wrdreg $0xFFFFFFFF  }
0xad: {  	[dreg:$0x0] =	wrdreg $0x60  }
0xae: {  	[dreg:$0x2] =	wrdreg s24  }
0xaf: {  	[dreg:$0x3] =	wrdreg $0x168000  }
0xb0: {  	[dreg:$0x4] =	wrdreg $0x9  }
0xb1: {  	_ =	task.clear_ibuf [dreg:s6], $0x5FFFF;
	_ =	strace $0x9000005E  }
0xb2: {  	s29 =	simm.s32 $0x9;
	_ =	strace $0x80000060  }
0xb3: {  	_ =	swait.ge [sflag:s29], $0x1  }
0xb4: {  	[sflag:s29] =	ssyncadd.s32 $0xFFFFFFFF  }
0xb5: {  	_ =	strace $0x90000060  }
0xb6: {  	_ =	sfence  }
0xb7: {  	s30 =	sld [smem:$0x0];
	_ =	sdelay $0x2  }
0xb8: {  	s31 =	sshll.u32 s1, $0xD;
	s1 =	sshrl.u32 s1, $0x2  }
0xb9: {  	s3 =	sand.u32 $0x4000, s31;
	s1 =	sadd.s32 s1, s30  }
0xba: {  	s0 =	sor.u32 s3, s0;
	s1 =	sshll.u32 s1, $0x11  }
0xbb: {  	s0 =	sor.u32 s1, s0  }
0xbc: {  	s0 =	sadd.s32 $0x8F2B, s0  }
0xbd: {  	[sflag:s0] =	ssyncadd.remote.s32 $0x1  }
0xbe: {  	_ =	sfence.sel $0xFFFF  }
0xbf: {  	[dreg:$0x0] =	wrdreg $0xFFFFFFFF;
	(pc) =	sbr.abs _section_cstart, $3  }
0xc0: {  	[dreg:$0x1] =	wrdreg $0xFFFFFFFF  }
0xc1: {  	_ =	task.clear_ibuf [dreg:s6], $0x2FFFF;
	_ =	strace $0x9FFFFFFF  }
0xc2: {  	(tm) =	ssettm $0x7FFFFFFF  }
0xc3: {  	_ =	shalt  }
tec
execute0_lowered:
.L_overlay_start_1:
0x0: {  	(tag) =	ssettag $0x1  }
0x1: {  	s13 =	rddreg [dreg:$0x0]  }
0x2: {  	s2 =	rddreg [dreg:$0x1]  }
0x3: {  	s0 =	rddreg [dreg:$0x2]  }
0x4: {  	s1 =	stileid.u32;
	s4 =	srdreg.scid;
	s3 =	simm.s32 $0x0  }
0x5: {  	s14 =	smul.u32 $0x2710, s1;
	s15 =	sand.u32 $0x1, s4;
	s28 =	sshll.u32 s1, $0x1  }
0x6: {  	[smem:$0x7FF] =	sst s3;
	s5 =	sshll.u32 s1, $0x6;
	s9 =	sor.u32 s15, s28  }
0x7: {  	_ =	strace $0x8000005F;
	s5 =	sor.u32 $0x1C01, s5;
	s29 =	sshrl.u32 s14, $0x3  }
0x8: {  	s8 =	smul.u32 $0x500, s9;
	s6 =	sadd.s32 s14, s2;
	s4 =	sadd.s32 s29, s13  }
0x9: {  	s7 =	sshrl.u32 s6, $0x3;
	s6 =	simm.s32 $0x1;
	s4 =	sadd.s32 $0x93400, s4  }
0xa: {  	[spmem:s7], [sflag:s5] =	dma.local [hbm:s4], $0x4E2  }
0xb: {  	_ =	swait.ge [sflag:s6], $0x4E2  }
0xc: {  	s8 =	sadd.s32 s8, s13;
	[sflag:s6] =	ssyncset.done $0x0  }
0xd: {  	s8 =	sadd.s32 $0xD200, s8;
	[sflag:s6] =	ssyncadd.s32 $0xFFFFFB1E  }
0xe: {  	[tilespmem:s3], [sflag:$0x1] =	stream.linear.gather [hbm4b:s8+s3], $0x2800, $0x38;
	[tilespmem:$0x18F10] =	vst v63  }
0xf: {  	s9 =	smul.u32 $0x5000, s9;
	_ =	swait.ge [sflag:s6], $0x2800  }
0x10: {  	[sflag:s6] =	ssyncset.done $0x0  }
0x11: {  	s12 =	sadd.s32 s9, s13;
	[sflag:s6] =	ssyncadd.s32 $0xFFFFD800  }
0x12: {  	s10 =	simm.s32 $0x2800;
	s9 =	sadd.s32 $0xE1800, s12;
	[bflag:$0x0] =	sbarrier.arrive $0xFFFF  }
0x13: {  	[tilespmem:s10], [sflag:$0x1] =	stream.linear.gather [hbm4b:s9+s3], $0x14000, $0x38;
	[tilespmem:$0x18F10] =	vst v63  }
0x14: {  	_ =	swait.ge [sflag:s6], $0x14000  }
0x15: {  	[sflag:s6] =	ssyncset.done $0x0  }
0x16: {  	s11 =	simm.s32 $0x1400;
	[sflag:s6] =	ssyncadd.s32 $0xFFFEC000  }
0x17: {  	[spmem:s2] =	stream.indirect.scatter.add.f32 [tilespmem:s10], [sflag:$0x1], $0x10, s3, s11, $0xb8;
	[tilespmem:$0x18F10] =	vst v63  }
0x18: {  	_ =	swait.ge [sflag:s6], $0x14000  }
0x19: {  	[sflag:s6] =	ssyncset.done $0x0  }
0x1a: {  	s16 =	smul.u32 $0x27100, s15;
	s12 =	sadd.s32 $0xE4000, s12;
	[sflag:s6] =	ssyncadd.s32 $0xFFFEC000  }
0x1b: {  	[tilespmem:s10], [sflag:$0x1] =	stream.linear.gather [hbm4b:s12+s3], $0x14000, $0x38;
	[tilespmem:$0x18F10] =	vst v63  }
0x1c: {  	s15 =	ssub.s32 $0x2, s15;
	_ =	swait.ge [sflag:s6], $0x14000  }
0x1d: {  	s30 =	sshrl.u32 s15, $0x1;
	s14 =	sadd.s32 s14, s16;
	[sflag:s6] =	ssyncset.done $0x0  }
0x1e: {  	s31 =	ssub.s32 s15, s30;
	s14 =	sshrl.u32 s14, $0x3;
	[sflag:s6] =	ssyncadd.s32 $0xFFFEC000  }
0x1f: {  	[spmem:s2] =	stream.indirect.scatter.add.f32 [tilespmem:s10], [sflag:$0x1], $0x10, s11, s11, $0xb8;
	[tilespmem:$0x18F10] =	vst v63  }
0x20: {  	s13 =	sadd.s32 s14, s13;
	s14 =	smax.u32 s31, $0x1;
	_ =	swait.ge [sflag:s6], $0x14000  }
0x21: {  	p0 =	sne.s32 s14, $0x1;
	[sflag:s6] =	ssyncset.done $0x0  }
.Ltmp0:
0x22: {  	[sflag:s6] =	ssyncadd.s32 $0xFFFEC000;
	(pc) =	sbr.rel @!p0 .LBB2_2-.Ltmp0, $4  }
0x23: {  	s13 =	sadd.s32 $0x98400, s13;
	[bflag:$0x0] =	sbarrier.arrive $0xFFFF  }
0x24: {  	[hbm:s13], [sflag:s5] =	dma.local [spmem:s7], $0x4E2  }
0x25: {  	_ =	swait.ge [sflag:s6], $0x4E2  }
0x26: {  	s14 =	sadd.s32 $0xFFFFFFFF, s14;
	[sflag:s6] =	ssyncset.done $0x0  }
.LBB2_1:
0x27: {  	p0 =	sne.s32 s14, $0x1;
	s14 =	sadd.s32 $0xFFFFFFFF, s14;
	[sflag:s6] =	ssyncadd.s32 $0xFFFFFB1E  }
0x28: {  	[spmem:s7], [sflag:s5] =	dma.local [hbm:s4], $0x4E2  }
0x29: {  	_ =	swait.ge [sflag:s6], $0x4E2  }
0x2a: {  	[sflag:s6] =	ssyncset.done $0x0  }
0x2b: {  	[sflag:s6] =	ssyncadd.s32 $0xFFFFFB1E  }
0x2c: {  	[tilespmem:s3], [sflag:$0x1] =	stream.linear.gather [hbm4b:s8+s3], $0x2800, $0x38;
	[tilespmem:$0x18F10] =	vst v63  }
0x2d: {  	_ =	swait.ge [sflag:s6], $0x2800  }
0x2e: {  	[sflag:s6] =	ssyncset.done $0x0  }
0x2f: {  	[sflag:s6] =	ssyncadd.s32 $0xFFFFD800  }
0x30: {  	[bflag:$0x0] =	sbarrier.arrive $0xFFFF  }
0x31: {  	[tilespmem:s10], [sflag:$0x1] =	stream.linear.gather [hbm4b:s9+s3], $0x14000, $0x38;
	[tilespmem:$0x18F10] =	vst v63  }
0x32: {  	_ =	swait.ge [sflag:s6], $0x14000  }
0x33: {  	[sflag:s6] =	ssyncset.done $0x0  }
0x34: {  	[sflag:s6] =	ssyncadd.s32 $0xFFFEC000  }
0x35: {  	[spmem:s2] =	stream.indirect.scatter.add.f32 [tilespmem:s10], [sflag:$0x1], $0x10, s3, s11, $0xb8;
	[tilespmem:$0x18F10] =	vst v63  }
0x36: {  	_ =	swait.ge [sflag:s6], $0x14000  }
0x37: {  	[sflag:s6] =	ssyncset.done $0x0  }
0x38: {  	[sflag:s6] =	ssyncadd.s32 $0xFFFEC000  }
0x39: {  	[tilespmem:s10], [sflag:$0x1] =	stream.linear.gather [hbm4b:s12+s3], $0x14000, $0x38;
	[tilespmem:$0x18F10] =	vst v63  }
0x3a: {  	_ =	swait.ge [sflag:s6], $0x14000  }
0x3b: {  	[sflag:s6] =	ssyncset.done $0x0  }
0x3c: {  	[sflag:s6] =	ssyncadd.s32 $0xFFFEC000  }
0x3d: {  	[spmem:s2] =	stream.indirect.scatter.add.f32 [tilespmem:s10], [sflag:$0x1], $0x10, s11, s11, $0xb8;
	[tilespmem:$0x18F10] =	vst v63  }
0x3e: {  	_ =	swait.ge [sflag:s6], $0x14000  }
0x3f: {  	[sflag:s6] =	ssyncset.done $0x0  }
.Ltmp1:
0x40: {  	[sflag:s6] =	ssyncadd.s32 $0xFFFEC000;
	(pc) =	sbr.rel @p0 .LBB2_1-.Ltmp1, $4  }
0x41: {  	[bflag:$0x0] =	sbarrier.arrive $0xFFFF  }
0x42: {  	[hbm:s13], [sflag:s5] =	dma.local [spmem:s7], $0x4E2  }
0x43: {  	_ =	swait.ge [sflag:s6], $0x4E2  }
0x44: {  	[sflag:s6] =	ssyncset.done $0x0  }
.LBB2_2:
0x45: {  	[sflag:s6] =	ssyncadd.s32 $0xFFFFFB1E  }
0x46: {  	_ =	sfence.sel $0x180000  }
0x47: {  	[bflag:$0x0] =	sbarrier.arrive $0xFFFF  }
0x48: {  	p0 =	sne.s32 s1, $0x0;
	_ =	strace $0x9000005F  }
0x49: {  	s0 =	sadd.s32 @!p0 $0x100000, s0;
	[bflag:$0x2] =	sbarrier.arrive $0xFFFF  }
0x4a: {  	[sflag:s0] =	ssyncadd.tile.s32 @!p0 $0x1;
	_ =	shalt  }
.Lfunc_end2:
_tile_overlayer_lowered:
.L_overlay_start_2:
0x4b: {  	(tag) =	ssettag $0x2  }
0x4c: {  	s0 =	rddreg [dreg:$0x0];
	s2 =	stileid.u32  }
0x4d: {  	s1 =	rddreg [dreg:$0x1];
	p0 =	sne.s32 s2, $0x0  }
0x4e: {  	s3 =	rddreg [dreg:$0x2];
	[bflag:$0x3] =	sbarrier.arrive $0xFFFF;
	s2 =	simm.s32 @!p0 $0x1C01  }
0x4f: {  	[timem:s3], [sflag:s2] =	dma.local @!p0 [hbm:s0], s1  }
0x50: {  	s0 =	simm.s32 @!p0 $0x1  }
0x51: {  	_ =	swait.ge @!p0 [sflag:s0], s1  }
0x52: {  	s1 =	ssub.s32 @!p0 $0x0, s1;
	[sflag:s0] =	ssyncset.done @!p0 $0x0  }
0x53: {  	[sflag:s0] =	ssyncadd.s32 @!p0 s1  }
0x54: {  	[bflag:$0x3] =	sbarrier.arrive $0xFFFF  }
0x55: {  	_ =	shalt  }

</sc_bundles>
